<compile_context>
chip_gen: v7x
topology: tpu7x:2x2x1
jax: 0.10.2.dev20260603
libtpu: 0.0.44.dev20260713+nightly
codegen_flags: <defaults>
</compile_context>

<pallas_src>
import functools

import jax
import jax.numpy as jnp
import numpy as np
from jax import lax
from jax.experimental import pallas as pl
from jax.experimental.pallas import tpu as pltpu
from jax.experimental.pallas import tpu_sc as plsc

N = 10000
E = 320000
WIDTH = 128
C1 = 256
CA = 256
L = 4
BOND = 64
NUM_HEAD = 8
EPS = 1e-5

CH = 128
NW = 32
EB = 3200
NP = 10240
ROWS_PT = NP // 16
NHALF = 4
EH = E // NHALF

_mesh = plsc.VectorSubcoreMesh(core_axis_name="c", subcore_axis_name="s")


def _make_gather(ne):
    nch = ne // CH
    trips = -(-nch // NW)

    @functools.partial(
        pl.kernel,
        out_type=(jax.ShapeDtypeStruct((ne, WIDTH), jnp.float32),
                  jax.ShapeDtypeStruct((ne, WIDTH), jnp.float32)),
        mesh=_mesh,
        scratch_types=[
            pltpu.VMEM((CH,), jnp.int32),
            pltpu.VMEM((CH,), jnp.int32),
            pltpu.VMEM((CH, WIDTH), jnp.float32),
            pltpu.VMEM((CH, WIDTH), jnp.float32),
            pltpu.SemaphoreType.DMA,
            pltpu.SemaphoreType.DMA,
        ],
    )
    def gather(src_hbm, dst_hbm, x_hbm, xs_out, xd_out,
               idx_s, idx_d, rows_s, rows_d, sem_s, sem_d):
        i32 = jnp.int32
        cid = lax.axis_index("c")
        sid = lax.axis_index("s")
        wid = sid * i32(2) + cid

        def body(k, carry):
            c = wid + k * i32(NW)

            @pl.when(c < i32(nch))
            def _go():
                base = c * i32(CH)
                pltpu.sync_copy(src_hbm.at[pl.ds(base, CH)], idx_s)
                pltpu.sync_copy(dst_hbm.at[pl.ds(base, CH)], idx_d)
                ca = pltpu.async_copy(x_hbm.at[idx_s], rows_s, sem_s)
                cb = pltpu.async_copy(x_hbm.at[idx_d], rows_d, sem_d)
                ca.wait()
                cb.wait()
                pltpu.sync_copy(rows_s, xs_out.at[pl.ds(base, CH)])
                pltpu.sync_copy(rows_d, xd_out.at[pl.ds(base, CH)])

            return carry

        lax.fori_loop(jnp.int32(0), jnp.int32(trips), body, None)

    return gather


def _make_scatter(ne):
    nch = ne // CH
    trips = -(-nch // NW)

    @functools.partial(
        pl.kernel,
        out_type=jax.ShapeDtypeStruct((2 * NP, WIDTH), jnp.float32),
        mesh=_mesh,
        scratch_types=[
            pltpu.VMEM_SHARED((NP, WIDTH), jnp.float32),
            pltpu.VMEM((CH,), jnp.int32),
            pltpu.VMEM((CH, WIDTH), jnp.float32),
        ],
    )
    def scatter(dst_hbm, msgp_hbm, zero_hbm, out_hbm, agg_sh, idx, upd):
        i32 = jnp.int32
        cid = lax.axis_index("c")
        sid = lax.axis_index("s")
        wid = sid * i32(2) + cid
        rbase = sid * i32(ROWS_PT)

        pltpu.sync_copy(zero_hbm.at[pl.ds(rbase, ROWS_PT)],
                        agg_sh.at[pl.ds(rbase, ROWS_PT)])
        plsc.subcore_barrier()

        def body(k, carry):
            c = wid + k * i32(NW)

            @pl.when(c < i32(nch))
            def _go():
                base = c * i32(CH)
                pltpu.sync_copy(dst_hbm.at[pl.ds(base, CH)], idx)
                pltpu.sync_copy(msgp_hbm.at[pl.ds(base, CH)], upd)
                pltpu.sync_copy(upd, agg_sh.at[idx], add=True)

            return carry

        lax.fori_loop(jnp.int32(0), jnp.int32(trips), body, None)
        plsc.subcore_barrier()
        pltpu.sync_copy(agg_sh.at[pl.ds(rbase, ROWS_PT)],
                        out_hbm.at[pl.ds(cid * i32(NP) + rbase, ROWS_PT)])

    return scatter


_sc_gather_half = _make_gather(EH)
_sc_scatter_half = _make_scatter(EH)


def _edge_block(xs_ref, xd_ref, ea_ref, w0t, w1t, bsum, gt, emb, bg,
                bv, wpt, out_ref):
    f32 = jnp.float32
    bf16 = jnp.bfloat16
    xx = (jnp.dot(xs_ref[...].astype(bf16), w0t[...],
                  preferred_element_type=f32)
          + jnp.dot(xd_ref[...].astype(bf16), w1t[...],
                    preferred_element_type=f32)
          + bsum[...])
    gtm = gt[...]
    dn = (((1,), (1,)), ((), ()))
    s1 = lax.dot_general(xx, gtm, dn, preferred_element_type=f32)
    s2 = lax.dot_general(xx * xx, gtm, dn, preferred_element_type=f32)
    mu = s1 * (1.0 / 32.0)
    var = s2 * (1.0 / 32.0) - mu * mu
    rstd = lax.rsqrt(var + EPS)
    xxn = (xx - jnp.dot(mu, gtm, preferred_element_type=f32)) \
        * jnp.dot(rstd, gtm, preferred_element_type=f32)
    ea = ea_ref[...]
    io = lax.broadcasted_iota(jnp.int32, (BOND, EB), 0)
    cnts = jnp.zeros((BOND, EB), f32)
    tot = jnp.zeros((1, EB), f32)
    for l in range(L):
        al = ea[l:l + 1, :]
        cnts = cnts + (al == io).astype(f32)
        tot = tot + (al != 0).astype(f32)
    cnts = (cnts * (1.0 / jnp.maximum(tot, 1.0))).astype(bf16)
    dn0 = (((0,), (0,)), ((), ()))
    bag = lax.dot_general(cnts, emb[...], dn0,
                          preferred_element_type=f32)
    pre_gate = (xxn + bag).astype(bf16)
    gate = jnp.maximum(jnp.dot(pre_gate, bg[...], preferred_element_type=f32),
                       0.0)
    val = jnp.dot(xxn.astype(bf16), bv[...], preferred_element_type=f32)
    out_ref[...] = jnp.dot((gate * val).astype(bf16), wpt[...],
                           preferred_element_type=f32)


def _finish_block(*refs):
    aggs = refs[:-4]
    deg_ref, bp, dp, out_ref = refs[-4:]
    scale = jnp.exp(dp[...] * jnp.log(deg_ref[...]))
    agg = aggs[0][...]
    for a in aggs[1:]:
        agg = agg + a[...]
    out_ref[...] = scale * (agg + bp[...])


_Z = np.int32(0)


def _full(shape):
    return pl.BlockSpec(shape, lambda i: (_Z,) * len(shape))


def kernel(x, deg, edge_idx, edge_attr, W_pre0, b_pre0, W_pre1, b_pre1,
           emb_table, W_gate, W_value, W_post, b_post, degree_param):
    f32 = jnp.float32
    x = x.astype(f32)
    eidx = edge_idx.astype(jnp.int32)
    src = eidx[0]
    dst = eidx[1]
    ea = edge_attr.T.astype(jnp.int32)

    bf16 = jnp.bfloat16
    w0t = W_pre0.T.astype(bf16)
    w1t = W_pre1.T.astype(bf16)
    bsum = (b_pre0 + b_pre1).reshape(1, C1).astype(f32)
    gt = (jnp.arange(C1) // (C1 // NUM_HEAD)
          == jnp.arange(NUM_HEAD)[:, None]).astype(f32)
    pg = C1 // NUM_HEAD
    bg = jnp.zeros((C1, CA), f32)
    bv = jnp.zeros((C1, CA), f32)
    for g in range(NUM_HEAD):
        sl = slice(g * pg, (g + 1) * pg)
        bg = bg.at[sl, sl].set(W_gate[g].T.astype(f32))
        bv = bv.at[sl, sl].set(W_value[g].T.astype(f32))
    bg = bg.astype(bf16)
    bv = bv.astype(bf16)
    wpt = W_post.T.astype(bf16)

    edge_call = pl.pallas_call(
        _edge_block,
        grid=(EH // EB,),
        in_specs=[
            pl.BlockSpec((EB, WIDTH), lambda i: (i, _Z)),
            pl.BlockSpec((EB, WIDTH), lambda i: (i, _Z)),
            pl.BlockSpec((L, EB), lambda i: (_Z, i)),
            _full((WIDTH, C1)),
            _full((WIDTH, C1)),
            _full((1, C1)),
            _full((NUM_HEAD, C1)),
            _full((BOND, C1)),
            _full((C1, CA)),
            _full((C1, CA)),
            _full((CA, WIDTH)),
        ],
        out_specs=pl.BlockSpec((EB, WIDTH), lambda i: (i, _Z)),
        out_shape=jax.ShapeDtypeStruct((EH, WIDTH), f32),
    )
    emb_b = emb_table.astype(bf16)
    zero = jnp.zeros((NP, WIDTH), f32)
    aggs = []
    for h in range(NHALF):
        sl = slice(h * EH, (h + 1) * EH)
        xs, xd = _sc_gather_half(src[sl], dst[sl], x)
        msgp = edge_call(xs, xd, ea[:, sl], w0t, w1t, bsum, gt, emb_b,
                         bg, bv, wpt)
        aggs.append(_sc_scatter_half(dst[sl], msgp, zero))

    parts = []
    for a in aggs:
        parts.append(a[:N])
        parts.append(a[NP:NP + N])
    nb = 2000
    out = pl.pallas_call(
        _finish_block,
        grid=(N // nb,),
        in_specs=[pl.BlockSpec((nb, WIDTH), lambda i: (i, _Z))
                  for _ in parts] + [
            pl.BlockSpec((nb, 1), lambda i: (i, _Z)),
            _full((1, WIDTH)),
            _full((1, WIDTH)),
        ],
        out_specs=pl.BlockSpec((nb, WIDTH), lambda i: (i, _Z)),
        out_shape=jax.ShapeDtypeStruct((N, WIDTH), f32),
    )(*parts,
      deg.reshape(N, 1).astype(f32),
      b_post.reshape(1, WIDTH).astype(f32),
      degree_param.reshape(1, WIDTH).astype(f32))
    return out.astype(jnp.float64)

# --- scband reference (transcript-rebuilt; emitter-appended) ---
"""Pipeline reference for scband-conv-block-60009283059902 (READ-ONLY COPY).

The authoritative reference and input builder live on the scoring server;
editing this copy changes nothing except your own understanding.
"""

import jax
jax.config.update('jax_enable_x64', True)
import jax.numpy as jnp
import numpy as np

WIDTH = 128
NUM_HEAD = 8
WN = 2
WA = 2
BOND = 64
C1 = WIDTH * WN      # 256
CA = WIDTH * WA      # 256
N = 10000
E = 320000
L = 4
EPS = 1e-5


def setup_inputs(seed: int = 0) -> dict:
    key = jax.random.key(seed)
    ks = jax.random.split(key, 16)
    x = jax.random.normal(ks[0], (N, WIDTH), dtype=jnp.float32)
    deg = jax.random.uniform(ks[1], (N,), dtype=jnp.float32)
    edge_idx = jax.random.randint(ks[2], (2, E), 0, N, dtype=jnp.int64)
    edge_attr = jax.random.randint(ks[3], (E, L), 0, BOND, dtype=jnp.int64)
    # learned parameters
    W_pre0 = jax.random.normal(ks[4], (C1, WIDTH), dtype=jnp.float32) * (1.0 / np.sqrt(WIDTH))
    b_pre0 = jnp.zeros((C1,), dtype=jnp.float32)
    W_pre1 = jax.random.normal(ks[5], (C1, WIDTH), dtype=jnp.float32) * (1.0 / np.sqrt(WIDTH))
    b_pre1 = jnp.zeros((C1,), dtype=jnp.float32)
    emb_table = jax.random.normal(ks[6], (BOND, C1), dtype=jnp.float32)
    emb_table = emb_table.at[0].set(0.0)  # padding_idx=0 row is zero
    W_gate = jax.random.normal(ks[7], (NUM_HEAD, CA // NUM_HEAD, C1 // NUM_HEAD), dtype=jnp.float32) * (1.0 / np.sqrt(C1 // NUM_HEAD))
    W_value = jax.random.normal(ks[8], (NUM_HEAD, CA // NUM_HEAD, C1 // NUM_HEAD), dtype=jnp.float32) * (1.0 / np.sqrt(C1 // NUM_HEAD))
    W_post = jax.random.normal(ks[9], (WIDTH, CA), dtype=jnp.float32) * (1.0 / np.sqrt(CA))
    b_post = jnp.zeros((WIDTH,), dtype=jnp.float32)
    degree_param = jnp.full((WIDTH,), -0.01, dtype=jnp.float32)
    return {
        'x': x, 'deg': deg, 'edge_idx': edge_idx, 'edge_attr': edge_attr,
        'W_pre0': W_pre0, 'b_pre0': b_pre0, 'W_pre1': W_pre1, 'b_pre1': b_pre1,
        'emb_table': emb_table, 'W_gate': W_gate, 'W_value': W_value,
        'W_post': W_post, 'b_post': b_post, 'degree_param': degree_param,
    }


def _group_norm(h):
    # GroupNorm(NUM_HEAD, C1, affine=False), spatial size 1
    hr = h.reshape(h.shape[0], NUM_HEAD, C1 // NUM_HEAD)
    mu = hr.mean(axis=-1, keepdims=True)
    var = hr.var(axis=-1, keepdims=True)
    return ((hr - mu) * jax.lax.rsqrt(var + EPS)).reshape(h.shape[0], C1)


def _grouped_linear(h, W):
    # 1x1 grouped conv, no bias: h [E, C1], W [g, out_pg, in_pg]
    hr = h.reshape(h.shape[0], NUM_HEAD, C1 // NUM_HEAD)
    return jnp.einsum('egi,goi->ego', hr, W).reshape(h.shape[0], CA)


def reference(x, deg, edge_idx, edge_attr, W_pre0, b_pre0, W_pre1, b_pre1,
              emb_table, W_gate, W_value, W_post, b_post, degree_param):
    # pre0 / pre1 : 1x1 convs == linear
    h0 = x @ W_pre0.T + b_pre0              # [N, C1]
    h1 = x @ W_pre1.T + b_pre1              # [N, C1]
    xx = h0[edge_idx[0]] + h1[edge_idx[1]]  # gather -> [E, C1]
    xx = _group_norm(xx)
    # EmbeddingBag(mode='mean', padding_idx=0): padding entries excluded from mean
    emb = emb_table[edge_attr]              # [E, L, C1]
    mask = (edge_attr != 0).astype(jnp.float32)[..., None]  # [E, L, 1]
    summed = (emb * mask).sum(axis=1)       # [E, C1]
    cnt = mask.sum(axis=1)                  # [E, 1]
    bag = summed / jnp.maximum(cnt, 1.0)
    pre_gate = xx + bag
    # gate (ReLU, dropout=identity in eval) and value, both grouped 1x1 convs
    gate = jax.nn.relu(_grouped_linear(pre_gate, W_gate))
    val = _grouped_linear(xx, W_value)
    msg = gate * val                        # [E, CA]
    # scatter-add into destination nodes
    agg = jax.ops.segment_sum(msg, edge_idx[1], num_segments=N)  # [N, CA]
    out = agg @ W_post.T + b_post           # [N, WIDTH]
    out = jnp.power(deg[:, None], degree_param) * out
    return out

if __name__ == "__main__":
    import jax
    _d = setup_inputs()
    print(jax.jit(kernel)(*tuple(_d.values())))

</pallas_src>

<mosaic_0001>
#map = affine_map<(d0, d1) -> (0)>
#map1 = affine_map<(d0, d1) -> (0, 0)>
module attributes {stable_mosaic.version = 14 : i64} {
  func.func @gather(%arg0: i32, %arg1: i32, %arg2: memref<80000xi32, #tpu.memory_space<hbm>>, %arg3: memref<80000xi32, #tpu.memory_space<hbm>>, %arg4: memref<10000x128xf32, #tpu.memory_space<hbm>>, %arg5: memref<80000x128xf32, #tpu.memory_space<hbm>>, %arg6: memref<80000x128xf32, #tpu.memory_space<hbm>>, %arg7: memref<128xi32, #tpu.memory_space<vmem>>, %arg8: memref<128xi32, #tpu.memory_space<vmem>>, %arg9: memref<128x128xf32, #tpu.memory_space<vmem>>, %arg10: memref<128x128xf32, #tpu.memory_space<vmem>>, %arg11: memref<!tpu.dma_semaphore, #tpu.memory_space<semaphore_mem>>, %arg12: memref<!tpu.dma_semaphore, #tpu.memory_space<semaphore_mem>>) attributes {dimension_semantics = [#tpu.dimension_semantics<core_parallel>, #tpu.dimension_semantics<subcore_parallel>], iteration_bounds = array<i64: 2, 16>, scalar_prefetch = 0 : i64, scratch_operands = 6 : i64, tpu.core_type = #tpu.core_type<sc_vector_subcore>, window_params = [{transform_indices = #map}, {transform_indices = #map}, {transform_indices = #map1}, {transform_indices = #map1}, {transform_indices = #map1}]} {
    %mul3A = arith.constant 2 : i32
    %mul3A_0 = arith.muli %arg1, %mul3A : i32
    %add3A = arith.addi %mul3A_0, %arg0 : i32
    %while3A = arith.constant 0 : i32
    %while3A_1 = arith.constant 20 : i32
    %while3A_2 = arith.subi %while3A_1, %while3A : i32
    %while3A_3 = arith.addi %while3A, %while3A_2 : i32
    %while3A_4 = arith.constant 1 : i32
    %while3A_5 = arith.divsi %while3A_2, %while3A_4 : i32
    %while3A_6 = arith.muli %while3A_5, %while3A_4 : i32
    %while3A_7 = arith.addi %while3A, %while3A_6 : i32
    %while3A_8 = arith.constant 1 : i32
    scf.for %while3A_10 = %while3A to %while3A_7 step %while3A_8  : i32 {
      %mul3A_11 = arith.constant 32 : i32
      %mul3A_12 = arith.muli %while3A_10, %mul3A_11 : i32
      %add3A_13 = arith.addi %add3A, %mul3A_12 : i32
      %lt3A = arith.constant 625 : i32
      %lt3A_14 = arith.cmpi slt, %add3A_13, %lt3A : i32
      %convert_element_type3A = arith.extui %lt3A_14 : i1 to i32
      %cond3A = arith.constant 0 : i32
      %cond3A_15 = arith.cmpi ne, %convert_element_type3A, %cond3A : i32
      scf.if %cond3A_15 {
        %mul3A_16 = arith.constant 128 : i32
        %mul3A_17 = arith.muli %add3A_13, %mul3A_16 : i32
        "tpu.region"() ({
          %run_scoped3A = tpu.sem_alloc : memref<!tpu.dma_semaphore, #tpu.memory_space<semaphore_mem>>
          %dma_start3A_28 = tpu.memref_slice %arg2[%mul3A_17] : memref<80000xi32, #tpu.memory_space<hbm>> -> memref<128xi32, #tpu.memory_space<hbm>>
          %dma_start3A_29 = tpu.memref_slice %arg2[%mul3A_17] : memref<80000xi32, #tpu.memory_space<hbm>> -> memref<128xi32, #tpu.memory_space<hbm>>
          tpu.enqueue_dma source(%dma_start3A_29 : memref<128xi32, #tpu.memory_space<hbm>>) target(%arg7 : memref<128xi32, #tpu.memory_space<vmem>>) target_semaphore(%run_scoped3A : memref<!tpu.dma_semaphore, #tpu.memory_space<semaphore_mem>>)
          %dma_wait3A_30 = tpu.memref_slice %arg2[%mul3A_17] : memref<80000xi32, #tpu.memory_space<hbm>> -> memref<128xi32, #tpu.memory_space<hbm>>
          %dma_wait3A_31 = tpu.memref_slice %arg2[%mul3A_17] : memref<80000xi32, #tpu.memory_space<hbm>> -> memref<128xi32, #tpu.memory_space<hbm>>
          tpu.wait_dma2 semaphore(%run_scoped3A : memref<!tpu.dma_semaphore, #tpu.memory_space<semaphore_mem>>) src(%dma_wait3A_31 : memref<128xi32, #tpu.memory_space<hbm>>) dst(%arg7 : memref<128xi32, #tpu.memory_space<vmem>>)
          tpu.yield
        }) : () -> ()
        "tpu.region"() ({
          %run_scoped3A = tpu.sem_alloc : memref<!tpu.dma_semaphore, #tpu.memory_space<semaphore_mem>>
          %dma_start3A_28 = tpu.memref_slice %arg3[%mul3A_17] : memref<80000xi32, #tpu.memory_space<hbm>> -> memref<128xi32, #tpu.memory_space<hbm>>
          %dma_start3A_29 = tpu.memref_slice %arg3[%mul3A_17] : memref<80000xi32, #tpu.memory_space<hbm>> -> memref<128xi32, #tpu.memory_space<hbm>>
          tpu.enqueue_dma source(%dma_start3A_29 : memref<128xi32, #tpu.memory_space<hbm>>) target(%arg8 : memref<128xi32, #tpu.memory_space<vmem>>) target_semaphore(%run_scoped3A : memref<!tpu.dma_semaphore, #tpu.memory_space<semaphore_mem>>)
          %dma_wait3A_30 = tpu.memref_slice %arg3[%mul3A_17] : memref<80000xi32, #tpu.memory_space<hbm>> -> memref<128xi32, #tpu.memory_space<hbm>>
          %dma_wait3A_31 = tpu.memref_slice %arg3[%mul3A_17] : memref<80000xi32, #tpu.memory_space<hbm>> -> memref<128xi32, #tpu.memory_space<hbm>>
          tpu.wait_dma2 semaphore(%run_scoped3A : memref<!tpu.dma_semaphore, #tpu.memory_space<semaphore_mem>>) src(%dma_wait3A_31 : memref<128xi32, #tpu.memory_space<hbm>>) dst(%arg8 : memref<128xi32, #tpu.memory_space<vmem>>)
          tpu.yield
        }) : () -> ()
        %dma_start3A = arith.constant 0 : i32
        %dma_start3A_18 = arith.constant 0 : i32
        %dma_start3A_19 = tpu.memref_slice %arg4[%dma_start3A, %dma_start3A_18] : memref<10000x128xf32, #tpu.memory_space<hbm>> -> memref<10000x128xf32, #tpu.memory_space<hbm>>
        tpu.enqueue_indirect_dma source(%dma_start3A_19 : memref<10000x128xf32, #tpu.memory_space<hbm>>) target(%arg9 : memref<128x128xf32, #tpu.memory_space<vmem>>) offsets(%arg7 : memref<128xi32, #tpu.memory_space<vmem>>) semaphore(%arg11 : memref<!tpu.dma_semaphore, #tpu.memory_space<semaphore_mem>>)
        %dma_start3A_20 = arith.constant 0 : i32
        %dma_start3A_21 = arith.constant 0 : i32
        %dma_start3A_22 = tpu.memref_slice %arg4[%dma_start3A_20, %dma_start3A_21] : memref<10000x128xf32, #tpu.memory_space<hbm>> -> memref<10000x128xf32, #tpu.memory_space<hbm>>
        tpu.enqueue_indirect_dma source(%dma_start3A_22 : memref<10000x128xf32, #tpu.memory_space<hbm>>) target(%arg10 : memref<128x128xf32, #tpu.memory_space<vmem>>) offsets(%arg8 : memref<128xi32, #tpu.memory_space<vmem>>) semaphore(%arg12 : memref<!tpu.dma_semaphore, #tpu.memory_space<semaphore_mem>>)
        %dma_wait3A = arith.constant 0 : i32
        %dma_wait3A_23 = arith.constant 0 : i32
        %dma_wait3A_24 = tpu.memref_slice %arg4[%dma_wait3A, %dma_wait3A_23] : memref<10000x128xf32, #tpu.memory_space<hbm>> -> memref<10000x128xf32, #tpu.memory_space<hbm>>
        tpu.wait_indirect_dma semaphore(%arg11 : memref<!tpu.dma_semaphore, #tpu.memory_space<semaphore_mem>>) src(%dma_wait3A_24 : memref<10000x128xf32, #tpu.memory_space<hbm>>) dst(%arg9 : memref<128x128xf32, #tpu.memory_space<vmem>>)
        %dma_wait3A_25 = arith.constant 0 : i32
        %dma_wait3A_26 = arith.constant 0 : i32
        %dma_wait3A_27 = tpu.memref_slice %arg4[%dma_wait3A_25, %dma_wait3A_26] : memref<10000x128xf32, #tpu.memory_space<hbm>> -> memref<10000x128xf32, #tpu.memory_space<hbm>>
        tpu.wait_indirect_dma semaphore(%arg12 : memref<!tpu.dma_semaphore, #tpu.memory_space<semaphore_mem>>) src(%dma_wait3A_27 : memref<10000x128xf32, #tpu.memory_space<hbm>>) dst(%arg10 : memref<128x128xf32, #tpu.memory_space<vmem>>)
        "tpu.region"() ({
          %run_scoped3A = tpu.sem_alloc : memref<!tpu.dma_semaphore, #tpu.memory_space<semaphore_mem>>
          %dma_start3A_28 = arith.constant 0 : i32
          %dma_start3A_29 = tpu.memref_slice %arg5[%mul3A_17, %dma_start3A_28] : memref<80000x128xf32, #tpu.memory_space<hbm>> -> memref<128x128xf32, #tpu.memory_space<hbm>>
          %dma_start3A_30 = arith.constant 0 : i32
          %dma_start3A_31 = tpu.memref_slice %arg5[%mul3A_17, %dma_start3A_30] : memref<80000x128xf32, #tpu.memory_space<hbm>> -> memref<128x128xf32, #tpu.memory_space<hbm>>
          tpu.enqueue_dma source(%arg9 : memref<128x128xf32, #tpu.memory_space<vmem>>) target(%dma_start3A_31 : memref<128x128xf32, #tpu.memory_space<hbm>>) target_semaphore(%run_scoped3A : memref<!tpu.dma_semaphore, #tpu.memory_space<semaphore_mem>>)
          %dma_wait3A_32 = arith.constant 0 : i32
          %dma_wait3A_33 = tpu.memref_slice %arg5[%mul3A_17, %dma_wait3A_32] : memref<80000x128xf32, #tpu.memory_space<hbm>> -> memref<128x128xf32, #tpu.memory_space<hbm>>
          %dma_wait3A_34 = arith.constant 0 : i32
          %dma_wait3A_35 = tpu.memref_slice %arg5[%mul3A_17, %dma_wait3A_34] : memref<80000x128xf32, #tpu.memory_space<hbm>> -> memref<128x128xf32, #tpu.memory_space<hbm>>
          tpu.wait_dma2 semaphore(%run_scoped3A : memref<!tpu.dma_semaphore, #tpu.memory_space<semaphore_mem>>) src(%arg9 : memref<128x128xf32, #tpu.memory_space<vmem>>) dst(%dma_wait3A_35 : memref<128x128xf32, #tpu.memory_space<hbm>>)
          tpu.yield
        }) : () -> ()
        "tpu.region"() ({
          %run_scoped3A = tpu.sem_alloc : memref<!tpu.dma_semaphore, #tpu.memory_space<semaphore_mem>>
          %dma_start3A_28 = arith.constant 0 : i32
          %dma_start3A_29 = tpu.memref_slice %arg6[%mul3A_17, %dma_start3A_28] : memref<80000x128xf32, #tpu.memory_space<hbm>> -> memref<128x128xf32, #tpu.memory_space<hbm>>
          %dma_start3A_30 = arith.constant 0 : i32
          %dma_start3A_31 = tpu.memref_slice %arg6[%mul3A_17, %dma_start3A_30] : memref<80000x128xf32, #tpu.memory_space<hbm>> -> memref<128x128xf32, #tpu.memory_space<hbm>>
          tpu.enqueue_dma source(%arg10 : memref<128x128xf32, #tpu.memory_space<vmem>>) target(%dma_start3A_31 : memref<128x128xf32, #tpu.memory_space<hbm>>) target_semaphore(%run_scoped3A : memref<!tpu.dma_semaphore, #tpu.memory_space<semaphore_mem>>)
          %dma_wait3A_32 = arith.constant 0 : i32
          %dma_wait3A_33 = tpu.memref_slice %arg6[%mul3A_17, %dma_wait3A_32] : memref<80000x128xf32, #tpu.memory_space<hbm>> -> memref<128x128xf32, #tpu.memory_space<hbm>>
          %dma_wait3A_34 = arith.constant 0 : i32
          %dma_wait3A_35 = tpu.memref_slice %arg6[%mul3A_17, %dma_wait3A_34] : memref<80000x128xf32, #tpu.memory_space<hbm>> -> memref<128x128xf32, #tpu.memory_space<hbm>>
          tpu.wait_dma2 semaphore(%run_scoped3A : memref<!tpu.dma_semaphore, #tpu.memory_space<semaphore_mem>>) src(%arg10 : memref<128x128xf32, #tpu.memory_space<vmem>>) dst(%dma_wait3A_35 : memref<128x128xf32, #tpu.memory_space<hbm>>)
          tpu.yield
        }) : () -> ()
      } else {
      }
    }
    %while3A_9 = arith.constant 1 : i32
    scf.for %while3A_10 = %while3A_7 to %while3A_3 step %while3A_9  : i32 {
      %mul3A_11 = arith.constant 32 : i32
      %mul3A_12 = arith.muli %while3A_10, %mul3A_11 : i32
      %add3A_13 = arith.addi %add3A, %mul3A_12 : i32
      %lt3A = arith.constant 625 : i32
      %lt3A_14 = arith.cmpi slt, %add3A_13, %lt3A : i32
      %convert_element_type3A = arith.extui %lt3A_14 : i1 to i32
      %cond3A = arith.constant 0 : i32
      %cond3A_15 = arith.cmpi ne, %convert_element_type3A, %cond3A : i32
      scf.if %cond3A_15 {
        %mul3A_16 = arith.constant 128 : i32
        %mul3A_17 = arith.muli %add3A_13, %mul3A_16 : i32
        "tpu.region"() ({
          %run_scoped3A = tpu.sem_alloc : memref<!tpu.dma_semaphore, #tpu.memory_space<semaphore_mem>>
          %dma_start3A_28 = tpu.memref_slice %arg2[%mul3A_17] : memref<80000xi32, #tpu.memory_space<hbm>> -> memref<128xi32, #tpu.memory_space<hbm>>
          %dma_start3A_29 = tpu.memref_slice %arg2[%mul3A_17] : memref<80000xi32, #tpu.memory_space<hbm>> -> memref<128xi32, #tpu.memory_space<hbm>>
          tpu.enqueue_dma source(%dma_start3A_29 : memref<128xi32, #tpu.memory_space<hbm>>) target(%arg7 : memref<128xi32, #tpu.memory_space<vmem>>) target_semaphore(%run_scoped3A : memref<!tpu.dma_semaphore, #tpu.memory_space<semaphore_mem>>)
          %dma_wait3A_30 = tpu.memref_slice %arg2[%mul3A_17] : memref<80000xi32, #tpu.memory_space<hbm>> -> memref<128xi32, #tpu.memory_space<hbm>>
          %dma_wait3A_31 = tpu.memref_slice %arg2[%mul3A_17] : memref<80000xi32, #tpu.memory_space<hbm>> -> memref<128xi32, #tpu.memory_space<hbm>>
          tpu.wait_dma2 semaphore(%run_scoped3A : memref<!tpu.dma_semaphore, #tpu.memory_space<semaphore_mem>>) src(%dma_wait3A_31 : memref<128xi32, #tpu.memory_space<hbm>>) dst(%arg7 : memref<128xi32, #tpu.memory_space<vmem>>)
          tpu.yield
        }) : () -> ()
        "tpu.region"() ({
          %run_scoped3A = tpu.sem_alloc : memref<!tpu.dma_semaphore, #tpu.memory_space<semaphore_mem>>
          %dma_start3A_28 = tpu.memref_slice %arg3[%mul3A_17] : memref<80000xi32, #tpu.memory_space<hbm>> -> memref<128xi32, #tpu.memory_space<hbm>>
          %dma_start3A_29 = tpu.memref_slice %arg3[%mul3A_17] : memref<80000xi32, #tpu.memory_space<hbm>> -> memref<128xi32, #tpu.memory_space<hbm>>
          tpu.enqueue_dma source(%dma_start3A_29 : memref<128xi32, #tpu.memory_space<hbm>>) target(%arg8 : memref<128xi32, #tpu.memory_space<vmem>>) target_semaphore(%run_scoped3A : memref<!tpu.dma_semaphore, #tpu.memory_space<semaphore_mem>>)
          %dma_wait3A_30 = tpu.memref_slice %arg3[%mul3A_17] : memref<80000xi32, #tpu.memory_space<hbm>> -> memref<128xi32, #tpu.memory_space<hbm>>
          %dma_wait3A_31 = tpu.memref_slice %arg3[%mul3A_17] : memref<80000xi32, #tpu.memory_space<hbm>> -> memref<128xi32, #tpu.memory_space<hbm>>
          tpu.wait_dma2 semaphore(%run_scoped3A : memref<!tpu.dma_semaphore, #tpu.memory_space<semaphore_mem>>) src(%dma_wait3A_31 : memref<128xi32, #tpu.memory_space<hbm>>) dst(%arg8 : memref<128xi32, #tpu.memory_space<vmem>>)
          tpu.yield
        }) : () -> ()
        %dma_start3A = arith.constant 0 : i32
        %dma_start3A_18 = arith.constant 0 : i32
        %dma_start3A_19 = tpu.memref_slice %arg4[%dma_start3A, %dma_start3A_18] : memref<10000x128xf32, #tpu.memory_space<hbm>> -> memref<10000x128xf32, #tpu.memory_space<hbm>>
        tpu.enqueue_indirect_dma source(%dma_start3A_19 : memref<10000x128xf32, #tpu.memory_space<hbm>>) target(%arg9 : memref<128x128xf32, #tpu.memory_space<vmem>>) offsets(%arg7 : memref<128xi32, #tpu.memory_space<vmem>>) semaphore(%arg11 : memref<!tpu.dma_semaphore, #tpu.memory_space<semaphore_mem>>)
        %dma_start3A_20 = arith.constant 0 : i32
        %dma_start3A_21 = arith.constant 0 : i32
        %dma_start3A_22 = tpu.memref_slice %arg4[%dma_start3A_20, %dma_start3A_21] : memref<10000x128xf32, #tpu.memory_space<hbm>> -> memref<10000x128xf32, #tpu.memory_space<hbm>>
        tpu.enqueue_indirect_dma source(%dma_start3A_22 : memref<10000x128xf32, #tpu.memory_space<hbm>>) target(%arg10 : memref<128x128xf32, #tpu.memory_space<vmem>>) offsets(%arg8 : memref<128xi32, #tpu.memory_space<vmem>>) semaphore(%arg12 : memref<!tpu.dma_semaphore, #tpu.memory_space<semaphore_mem>>)
        %dma_wait3A = arith.constant 0 : i32
        %dma_wait3A_23 = arith.constant 0 : i32
        %dma_wait3A_24 = tpu.memref_slice %arg4[%dma_wait3A, %dma_wait3A_23] : memref<10000x128xf32, #tpu.memory_space<hbm>> -> memref<10000x128xf32, #tpu.memory_space<hbm>>
        tpu.wait_indirect_dma semaphore(%arg11 : memref<!tpu.dma_semaphore, #tpu.memory_space<semaphore_mem>>) src(%dma_wait3A_24 : memref<10000x128xf32, #tpu.memory_space<hbm>>) dst(%arg9 : memref<128x128xf32, #tpu.memory_space<vmem>>)
        %dma_wait3A_25 = arith.constant 0 : i32
        %dma_wait3A_26 = arith.constant 0 : i32
        %dma_wait3A_27 = tpu.memref_slice %arg4[%dma_wait3A_25, %dma_wait3A_26] : memref<10000x128xf32, #tpu.memory_space<hbm>> -> memref<10000x128xf32, #tpu.memory_space<hbm>>
        tpu.wait_indirect_dma semaphore(%arg12 : memref<!tpu.dma_semaphore, #tpu.memory_space<semaphore_mem>>) src(%dma_wait3A_27 : memref<10000x128xf32, #tpu.memory_space<hbm>>) dst(%arg10 : memref<128x128xf32, #tpu.memory_space<vmem>>)
        "tpu.region"() ({
          %run_scoped3A = tpu.sem_alloc : memref<!tpu.dma_semaphore, #tpu.memory_space<semaphore_mem>>
          %dma_start3A_28 = arith.constant 0 : i32
          %dma_start3A_29 = tpu.memref_slice %arg5[%mul3A_17, %dma_start3A_28] : memref<80000x128xf32, #tpu.memory_space<hbm>> -> memref<128x128xf32, #tpu.memory_space<hbm>>
          %dma_start3A_30 = arith.constant 0 : i32
          %dma_start3A_31 = tpu.memref_slice %arg5[%mul3A_17, %dma_start3A_30] : memref<80000x128xf32, #tpu.memory_space<hbm>> -> memref<128x128xf32, #tpu.memory_space<hbm>>
          tpu.enqueue_dma source(%arg9 : memref<128x128xf32, #tpu.memory_space<vmem>>) target(%dma_start3A_31 : memref<128x128xf32, #tpu.memory_space<hbm>>) target_semaphore(%run_scoped3A : memref<!tpu.dma_semaphore, #tpu.memory_space<semaphore_mem>>)
          %dma_wait3A_32 = arith.constant 0 : i32
          %dma_wait3A_33 = tpu.memref_slice %arg5[%mul3A_17, %dma_wait3A_32] : memref<80000x128xf32, #tpu.memory_space<hbm>> -> memref<128x128xf32, #tpu.memory_space<hbm>>
          %dma_wait3A_34 = arith.constant 0 : i32
          %dma_wait3A_35 = tpu.memref_slice %arg5[%mul3A_17, %dma_wait3A_34] : memref<80000x128xf32, #tpu.memory_space<hbm>> -> memref<128x128xf32, #tpu.memory_space<hbm>>
          tpu.wait_dma2 semaphore(%run_scoped3A : memref<!tpu.dma_semaphore, #tpu.memory_space<semaphore_mem>>) src(%arg9 : memref<128x128xf32, #tpu.memory_space<vmem>>) dst(%dma_wait3A_35 : memref<128x128xf32, #tpu.memory_space<hbm>>)
          tpu.yield
        }) : () -> ()
        "tpu.region"() ({
          %run_scoped3A = tpu.sem_alloc : memref<!tpu.dma_semaphore, #tpu.memory_space<semaphore_mem>>
          %dma_start3A_28 = arith.constant 0 : i32
          %dma_start3A_29 = tpu.memref_slice %arg6[%mul3A_17, %dma_start3A_28] : memref<80000x128xf32, #tpu.memory_space<hbm>> -> memref<128x128xf32, #tpu.memory_space<hbm>>
          %dma_start3A_30 = arith.constant 0 : i32
          %dma_start3A_31 = tpu.memref_slice %arg6[%mul3A_17, %dma_start3A_30] : memref<80000x128xf32, #tpu.memory_space<hbm>> -> memref<128x128xf32, #tpu.memory_space<hbm>>
          tpu.enqueue_dma source(%arg10 : memref<128x128xf32, #tpu.memory_space<vmem>>) target(%dma_start3A_31 : memref<128x128xf32, #tpu.memory_space<hbm>>) target_semaphore(%run_scoped3A : memref<!tpu.dma_semaphore, #tpu.memory_space<semaphore_mem>>)
          %dma_wait3A_32 = arith.constant 0 : i32
          %dma_wait3A_33 = tpu.memref_slice %arg6[%mul3A_17, %dma_wait3A_32] : memref<80000x128xf32, #tpu.memory_space<hbm>> -> memref<128x128xf32, #tpu.memory_space<hbm>>
          %dma_wait3A_34 = arith.constant 0 : i32
          %dma_wait3A_35 = tpu.memref_slice %arg6[%mul3A_17, %dma_wait3A_34] : memref<80000x128xf32, #tpu.memory_space<hbm>> -> memref<128x128xf32, #tpu.memory_space<hbm>>
          tpu.wait_dma2 semaphore(%run_scoped3A : memref<!tpu.dma_semaphore, #tpu.memory_space<semaphore_mem>>) src(%arg10 : memref<128x128xf32, #tpu.memory_space<vmem>>) dst(%dma_wait3A_35 : memref<128x128xf32, #tpu.memory_space<hbm>>)
          tpu.yield
        }) : () -> ()
      } else {
      }
    }
    return
  }
}

#map = affine_map<(d0, d1) -> (0)>
#map1 = affine_map<(d0, d1) -> (0, 0)>
module attributes {stable_mosaic.version = 14 : i64} {
  func.func @gather(%arg0: i32, %arg1: i32, %arg2: memref<80000xi32, #tpu.memory_space<hbm>>, %arg3: memref<80000xi32, #tpu.memory_space<hbm>>, %arg4: memref<10000x128xf32, #tpu.memory_space<hbm>>, %arg5: memref<80000x128xf32, #tpu.memory_space<hbm>>, %arg6: memref<80000x128xf32, #tpu.memory_space<hbm>>, %arg7: memref<128xi32, #tpu.memory_space<vmem>>, %arg8: memref<128xi32, #tpu.memory_space<vmem>>, %arg9: memref<128x128xf32, #tpu.memory_space<vmem>>, %arg10: memref<128x128xf32, #tpu.memory_space<vmem>>, %arg11: memref<!tpu.dma_semaphore, #tpu.memory_space<semaphore_mem>>, %arg12: memref<!tpu.dma_semaphore, #tpu.memory_space<semaphore_mem>>) attributes {dimension_semantics = [#tpu.dimension_semantics<core_parallel>, #tpu.dimension_semantics<subcore_parallel>], iteration_bounds = array<i64: 2, 16>, scalar_prefetch = 0 : i64, scratch_operands = 6 : i64, tpu.core_type = #tpu.core_type<sc_vector_subcore>, window_params = [{transform_indices = #map}, {transform_indices = #map}, {transform_indices = #map1}, {transform_indices = #map1}, {transform_indices = #map1}]} {
    %mul3A = arith.constant 2 : i32
    %mul3A_0 = arith.muli %arg1, %mul3A : i32
    %add3A = arith.addi %mul3A_0, %arg0 : i32
    %while3A = arith.constant 0 : i32
    %while3A_1 = arith.constant 20 : i32
    %while3A_2 = arith.subi %while3A_1, %while3A : i32
    %while3A_3 = arith.addi %while3A, %while3A_2 : i32
    %while3A_4 = arith.constant 1 : i32
    %while3A_5 = arith.divsi %while3A_2, %while3A_4 : i32
    %while3A_6 = arith.muli %while3A_5, %while3A_4 : i32
    %while3A_7 = arith.addi %while3A, %while3A_6 : i32
    %while3A_8 = arith.constant 1 : i32
    scf.for %while3A_10 = %while3A to %while3A_7 step %while3A_8  : i32 {
      %mul3A_11 = arith.constant 32 : i32
      %mul3A_12 = arith.muli %while3A_10, %mul3A_11 : i32
      %add3A_13 = arith.addi %add3A, %mul3A_12 : i32
      %lt3A = arith.constant 625 : i32
      %lt3A_14 = arith.cmpi slt, %add3A_13, %lt3A : i32
      %convert_element_type3A = arith.extui %lt3A_14 : i1 to i32
      %cond3A = arith.constant 0 : i32
      %cond3A_15 = arith.cmpi ne, %convert_element_type3A, %cond3A : i32
      scf.if %cond3A_15 {
        %mul3A_16 = arith.constant 128 : i32
        %mul3A_17 = arith.muli %add3A_13, %mul3A_16 : i32
        "tpu.region"() ({
          %run_scoped3A = tpu.sem_alloc : memref<!tpu.dma_semaphore, #tpu.memory_space<semaphore_mem>>
          %dma_start3A_28 = tpu.memref_slice %arg2[%mul3A_17] : memref<80000xi32, #tpu.memory_space<hbm>> -> memref<128xi32, #tpu.memory_space<hbm>>
          %dma_start3A_29 = tpu.memref_slice %arg2[%mul3A_17] : memref<80000xi32, #tpu.memory_space<hbm>> -> memref<128xi32, #tpu.memory_space<hbm>>
          tpu.enqueue_dma source(%dma_start3A_29 : memref<128xi32, #tpu.memory_space<hbm>>) target(%arg7 : memref<128xi32, #tpu.memory_space<vmem>>) target_semaphore(%run_scoped3A : memref<!tpu.dma_semaphore, #tpu.memory_space<semaphore_mem>>)
          %dma_wait3A_30 = tpu.memref_slice %arg2[%mul3A_17] : memref<80000xi32, #tpu.memory_space<hbm>> -> memref<128xi32, #tpu.memory_space<hbm>>
          %dma_wait3A_31 = tpu.memref_slice %arg2[%mul3A_17] : memref<80000xi32, #tpu.memory_space<hbm>> -> memref<128xi32, #tpu.memory_space<hbm>>
          tpu.wait_dma2 semaphore(%run_scoped3A : memref<!tpu.dma_semaphore, #tpu.memory_space<semaphore_mem>>) src(%dma_wait3A_31 : memref<128xi32, #tpu.memory_space<hbm>>) dst(%arg7 : memref<128xi32, #tpu.memory_space<vmem>>)
          tpu.yield
        }) : () -> ()
        "tpu.region"() ({
          %run_scoped3A = tpu.sem_alloc : memref<!tpu.dma_semaphore, #tpu.memory_space<semaphore_mem>>
          %dma_start3A_28 = tpu.memref_slice %arg3[%mul3A_17] : memref<80000xi32, #tpu.memory_space<hbm>> -> memref<128xi32, #tpu.memory_space<hbm>>
          %dma_start3A_29 = tpu.memref_slice %arg3[%mul3A_17] : memref<80000xi32, #tpu.memory_space<hbm>> -> memref<128xi32, #tpu.memory_space<hbm>>
          tpu.enqueue_dma source(%dma_start3A_29 : memref<128xi32, #tpu.memory_space<hbm>>) target(%arg8 : memref<128xi32, #tpu.memory_space<vmem>>) target_semaphore(%run_scoped3A : memref<!tpu.dma_semaphore, #tpu.memory_space<semaphore_mem>>)
          %dma_wait3A_30 = tpu.memref_slice %arg3[%mul3A_17] : memref<80000xi32, #tpu.memory_space<hbm>> -> memref<128xi32, #tpu.memory_space<hbm>>
          %dma_wait3A_31 = tpu.memref_slice %arg3[%mul3A_17] : memref<80000xi32, #tpu.memory_space<hbm>> -> memref<128xi32, #tpu.memory_space<hbm>>
          tpu.wait_dma2 semaphore(%run_scoped3A : memref<!tpu.dma_semaphore, #tpu.memory_space<semaphore_mem>>) src(%dma_wait3A_31 : memref<128xi32, #tpu.memory_space<hbm>>) dst(%arg8 : memref<128xi32, #tpu.memory_space<vmem>>)
          tpu.yield
        }) : () -> ()
        %dma_start3A = arith.constant 0 : i32
        %dma_start3A_18 = arith.constant 0 : i32
        %dma_start3A_19 = tpu.memref_slice %arg4[%dma_start3A, %dma_start3A_18] : memref<10000x128xf32, #tpu.memory_space<hbm>> -> memref<10000x128xf32, #tpu.memory_space<hbm>>
        tpu.enqueue_indirect_dma source(%dma_start3A_19 : memref<10000x128xf32, #tpu.memory_space<hbm>>) target(%arg9 : memref<128x128xf32, #tpu.memory_space<vmem>>) offsets(%arg7 : memref<128xi32, #tpu.memory_space<vmem>>) semaphore(%arg11 : memref<!tpu.dma_semaphore, #tpu.memory_space<semaphore_mem>>)
        %dma_start3A_20 = arith.constant 0 : i32
        %dma_start3A_21 = arith.constant 0 : i32
        %dma_start3A_22 = tpu.memref_slice %arg4[%dma_start3A_20, %dma_start3A_21] : memref<10000x128xf32, #tpu.memory_space<hbm>> -> memref<10000x128xf32, #tpu.memory_space<hbm>>
        tpu.enqueue_indirect_dma source(%dma_start3A_22 : memref<10000x128xf32, #tpu.memory_space<hbm>>) target(%arg10 : memref<128x128xf32, #tpu.memory_space<vmem>>) offsets(%arg8 : memref<128xi32, #tpu.memory_space<vmem>>) semaphore(%arg12 : memref<!tpu.dma_semaphore, #tpu.memory_space<semaphore_mem>>)
        %dma_wait3A = arith.constant 0 : i32
        %dma_wait3A_23 = arith.constant 0 : i32
        %dma_wait3A_24 = tpu.memref_slice %arg4[%dma_wait3A, %dma_wait3A_23] : memref<10000x128xf32, #tpu.memory_space<hbm>> -> memref<10000x128xf32, #tpu.memory_space<hbm>>
        tpu.wait_indirect_dma semaphore(%arg11 : memref<!tpu.dma_semaphore, #tpu.memory_space<semaphore_mem>>) src(%dma_wait3A_24 : memref<10000x128xf32, #tpu.memory_space<hbm>>) dst(%arg9 : memref<128x128xf32, #tpu.memory_space<vmem>>)
        %dma_wait3A_25 = arith.constant 0 : i32
        %dma_wait3A_26 = arith.constant 0 : i32
        %dma_wait3A_27 = tpu.memref_slice %arg4[%dma_wait3A_25, %dma_wait3A_26] : memref<10000x128xf32, #tpu.memory_space<hbm>> -> memref<10000x128xf32, #tpu.memory_space<hbm>>
        tpu.wait_indirect_dma semaphore(%arg12 : memref<!tpu.dma_semaphore, #tpu.memory_space<semaphore_mem>>) src(%dma_wait3A_27 : memref<10000x128xf32, #tpu.memory_space<hbm>>) dst(%arg10 : memref<128x128xf32, #tpu.memory_space<vmem>>)
        "tpu.region"() ({
          %run_scoped3A = tpu.sem_alloc : memref<!tpu.dma_semaphore, #tpu.memory_space<semaphore_mem>>
          %dma_start3A_28 = arith.constant 0 : i32
          %dma_start3A_29 = tpu.memref_slice %arg5[%mul3A_17, %dma_start3A_28] : memref<80000x128xf32, #tpu.memory_space<hbm>> -> memref<128x128xf32, #tpu.memory_space<hbm>>
          %dma_start3A_30 = arith.constant 0 : i32
          %dma_start3A_31 = tpu.memref_slice %arg5[%mul3A_17, %dma_start3A_30] : memref<80000x128xf32, #tpu.memory_space<hbm>> -> memref<128x128xf32, #tpu.memory_space<hbm>>
          tpu.enqueue_dma source(%arg9 : memref<128x128xf32, #tpu.memory_space<vmem>>) target(%dma_start3A_31 : memref<128x128xf32, #tpu.memory_space<hbm>>) target_semaphore(%run_scoped3A : memref<!tpu.dma_semaphore, #tpu.memory_space<semaphore_mem>>)
          %dma_wait3A_32 = arith.constant 0 : i32
          %dma_wait3A_33 = tpu.memref_slice %arg5[%mul3A_17, %dma_wait3A_32] : memref<80000x128xf32, #tpu.memory_space<hbm>> -> memref<128x128xf32, #tpu.memory_space<hbm>>
          %dma_wait3A_34 = arith.constant 0 : i32
          %dma_wait3A_35 = tpu.memref_slice %arg5[%mul3A_17, %dma_wait3A_34] : memref<80000x128xf32, #tpu.memory_space<hbm>> -> memref<128x128xf32, #tpu.memory_space<hbm>>
          tpu.wait_dma2 semaphore(%run_scoped3A : memref<!tpu.dma_semaphore, #tpu.memory_space<semaphore_mem>>) src(%arg9 : memref<128x128xf32, #tpu.memory_space<vmem>>) dst(%dma_wait3A_35 : memref<128x128xf32, #tpu.memory_space<hbm>>)
          tpu.yield
        }) : () -> ()
        "tpu.region"() ({
          %run_scoped3A = tpu.sem_alloc : memref<!tpu.dma_semaphore, #tpu.memory_space<semaphore_mem>>
          %dma_start3A_28 = arith.constant 0 : i32
          %dma_start3A_29 = tpu.memref_slice %arg6[%mul3A_17, %dma_start3A_28] : memref<80000x128xf32, #tpu.memory_space<hbm>> -> memref<128x128xf32, #tpu.memory_space<hbm>>
          %dma_start3A_30 = arith.constant 0 : i32
          %dma_start3A_31 = tpu.memref_slice %arg6[%mul3A_17, %dma_start3A_30] : memref<80000x128xf32, #tpu.memory_space<hbm>> -> memref<128x128xf32, #tpu.memory_space<hbm>>
          tpu.enqueue_dma source(%arg10 : memref<128x128xf32, #tpu.memory_space<vmem>>) target(%dma_start3A_31 : memref<128x128xf32, #tpu.memory_space<hbm>>) target_semaphore(%run_scoped3A : memref<!tpu.dma_semaphore, #tpu.memory_space<semaphore_mem>>)
          %dma_wait3A_32 = arith.constant 0 : i32
          %dma_wait3A_33 = tpu.memref_slice %arg6[%mul3A_17, %dma_wait3A_32] : memref<80000x128xf32, #tpu.memory_space<hbm>> -> memref<128x128xf32, #tpu.memory_space<hbm>>
          %dma_wait3A_34 = arith.constant 0 : i32
          %dma_wait3A_35 = tpu.memref_slice %arg6[%mul3A_17, %dma_wait3A_34] : memref<80000x128xf32, #tpu.memory_space<hbm>> -> memref<128x128xf32, #tpu.memory_space<hbm>>
          tpu.wait_dma2 semaphore(%run_scoped3A : memref<!tpu.dma_semaphore, #tpu.memory_space<semaphore_mem>>) src(%arg10 : memref<128x128xf32, #tpu.memory_space<vmem>>) dst(%dma_wait3A_35 : memref<128x128xf32, #tpu.memory_space<hbm>>)
          tpu.yield
        }) : () -> ()
      } else {
      }
    }
    %while3A_9 = arith.constant 1 : i32
    scf.for %while3A_10 = %while3A_7 to %while3A_3 step %while3A_9  : i32 {
      %mul3A_11 = arith.constant 32 : i32
      %mul3A_12 = arith.muli %while3A_10, %mul3A_11 : i32
      %add3A_13 = arith.addi %add3A, %mul3A_12 : i32
      %lt3A = arith.constant 625 : i32
      %lt3A_14 = arith.cmpi slt, %add3A_13, %lt3A : i32
      %convert_element_type3A = arith.extui %lt3A_14 : i1 to i32
      %cond3A = arith.constant 0 : i32
      %cond3A_15 = arith.cmpi ne, %convert_element_type3A, %cond3A : i32
      scf.if %cond3A_15 {
        %mul3A_16 = arith.constant 128 : i32
        %mul3A_17 = arith.muli %add3A_13, %mul3A_16 : i32
        "tpu.region"() ({
          %run_scoped3A = tpu.sem_alloc : memref<!tpu.dma_semaphore, #tpu.memory_space<semaphore_mem>>
          %dma_start3A_28 = tpu.memref_slice %arg2[%mul3A_17] : memref<80000xi32, #tpu.memory_space<hbm>> -> memref<128xi32, #tpu.memory_space<hbm>>
          %dma_start3A_29 = tpu.memref_slice %arg2[%mul3A_17] : memref<80000xi32, #tpu.memory_space<hbm>> -> memref<128xi32, #tpu.memory_space<hbm>>
          tpu.enqueue_dma source(%dma_start3A_29 : memref<128xi32, #tpu.memory_space<hbm>>) target(%arg7 : memref<128xi32, #tpu.memory_space<vmem>>) target_semaphore(%run_scoped3A : memref<!tpu.dma_semaphore, #tpu.memory_space<semaphore_mem>>)
          %dma_wait3A_30 = tpu.memref_slice %arg2[%mul3A_17] : memref<80000xi32, #tpu.memory_space<hbm>> -> memref<128xi32, #tpu.memory_space<hbm>>
          %dma_wait3A_31 = tpu.memref_slice %arg2[%mul3A_17] : memref<80000xi32, #tpu.memory_space<hbm>> -> memref<128xi32, #tpu.memory_space<hbm>>
          tpu.wait_dma2 semaphore(%run_scoped3A : memref<!tpu.dma_semaphore, #tpu.memory_space<semaphore_mem>>) src(%dma_wait3A_31 : memref<128xi32, #tpu.memory_space<hbm>>) dst(%arg7 : memref<128xi32, #tpu.memory_space<vmem>>)
          tpu.yield
        }) : () -> ()
        "tpu.region"() ({
          %run_scoped3A = tpu.sem_alloc : memref<!tpu.dma_semaphore, #tpu.memory_space<semaphore_mem>>
          %dma_start3A_28 = tpu.memref_slice %arg3[%mul3A_17] : memref<80000xi32, #tpu.memory_space<hbm>> -> memref<128xi32, #tpu.memory_space<hbm>>
          %dma_start3A_29 = tpu.memref_slice %arg3[%mul3A_17] : memref<80000xi32, #tpu.memory_space<hbm>> -> memref<128xi32, #tpu.memory_space<hbm>>
          tpu.enqueue_dma source(%dma_start3A_29 : memref<128xi32, #tpu.memory_space<hbm>>) target(%arg8 : memref<128xi32, #tpu.memory_space<vmem>>) target_semaphore(%run_scoped3A : memref<!tpu.dma_semaphore, #tpu.memory_space<semaphore_mem>>)
          %dma_wait3A_30 = tpu.memref_slice %arg3[%mul3A_17] : memref<80000xi32, #tpu.memory_space<hbm>> -> memref<128xi32, #tpu.memory_space<hbm>>
          %dma_wait3A_31 = tpu.memref_slice %arg3[%mul3A_17] : memref<80000xi32, #tpu.memory_space<hbm>> -> memref<128xi32, #tpu.memory_space<hbm>>
          tpu.wait_dma2 semaphore(%run_scoped3A : memref<!tpu.dma_semaphore, #tpu.memory_space<semaphore_mem>>) src(%dma_wait3A_31 : memref<128xi32, #tpu.memory_space<hbm>>) dst(%arg8 : memref<128xi32, #tpu.memory_space<vmem>>)
          tpu.yield
        }) : () -> ()
        %dma_start3A = arith.constant 0 : i32
        %dma_start3A_18 = arith.constant 0 : i32
        %dma_start3A_19 = tpu.memref_slice %arg4[%dma_start3A, %dma_start3A_18] : memref<10000x128xf32, #tpu.memory_space<hbm>> -> memref<10000x128xf32, #tpu.memory_space<hbm>>
        tpu.enqueue_indirect_dma source(%dma_start3A_19 : memref<10000x128xf32, #tpu.memory_space<hbm>>) target(%arg9 : memref<128x128xf32, #tpu.memory_space<vmem>>) offsets(%arg7 : memref<128xi32, #tpu.memory_space<vmem>>) semaphore(%arg11 : memref<!tpu.dma_semaphore, #tpu.memory_space<semaphore_mem>>)
        %dma_start3A_20 = arith.constant 0 : i32
        %dma_start3A_21 = arith.constant 0 : i32
        %dma_start3A_22 = tpu.memref_slice %arg4[%dma_start3A_20, %dma_start3A_21] : memref<10000x128xf32, #tpu.memory_space<hbm>> -> memref<10000x128xf32, #tpu.memory_space<hbm>>
        tpu.enqueue_indirect_dma source(%dma_start3A_22 : memref<10000x128xf32, #tpu.memory_space<hbm>>) target(%arg10 : memref<128x128xf32, #tpu.memory_space<vmem>>) offsets(%arg8 : memref<128xi32, #tpu.memory_space<vmem>>) semaphore(%arg12 : memref<!tpu.dma_semaphore, #tpu.memory_space<semaphore_mem>>)
        %dma_wait3A = arith.constant 0 : i32
        %dma_wait3A_23 = arith.constant 0 : i32
        %dma_wait3A_24 = tpu.memref_slice %arg4[%dma_wait3A, %dma_wait3A_23] : memref<10000x128xf32, #tpu.memory_space<hbm>> -> memref<10000x128xf32, #tpu.memory_space<hbm>>
        tpu.wait_indirect_dma semaphore(%arg11 : memref<!tpu.dma_semaphore, #tpu.memory_space<semaphore_mem>>) src(%dma_wait3A_24 : memref<10000x128xf32, #tpu.memory_space<hbm>>) dst(%arg9 : memref<128x128xf32, #tpu.memory_space<vmem>>)
        %dma_wait3A_25 = arith.constant 0 : i32
        %dma_wait3A_26 = arith.constant 0 : i32
        %dma_wait3A_27 = tpu.memref_slice %arg4[%dma_wait3A_25, %dma_wait3A_26] : memref<10000x128xf32, #tpu.memory_space<hbm>> -> memref<10000x128xf32, #tpu.memory_space<hbm>>
        tpu.wait_indirect_dma semaphore(%arg12 : memref<!tpu.dma_semaphore, #tpu.memory_space<semaphore_mem>>) src(%dma_wait3A_27 : memref<10000x128xf32, #tpu.memory_space<hbm>>) dst(%arg10 : memref<128x128xf32, #tpu.memory_space<vmem>>)
        "tpu.region"() ({
          %run_scoped3A = tpu.sem_alloc : memref<!tpu.dma_semaphore, #tpu.memory_space<semaphore_mem>>
          %dma_start3A_28 = arith.constant 0 : i32
          %dma_start3A_29 = tpu.memref_slice %arg5[%mul3A_17, %dma_start3A_28] : memref<80000x128xf32, #tpu.memory_space<hbm>> -> memref<128x128xf32, #tpu.memory_space<hbm>>
          %dma_start3A_30 = arith.constant 0 : i32
          %dma_start3A_31 = tpu.memref_slice %arg5[%mul3A_17, %dma_start3A_30] : memref<80000x128xf32, #tpu.memory_space<hbm>> -> memref<128x128xf32, #tpu.memory_space<hbm>>
          tpu.enqueue_dma source(%arg9 : memref<128x128xf32, #tpu.memory_space<vmem>>) target(%dma_start3A_31 : memref<128x128xf32, #tpu.memory_space<hbm>>) target_semaphore(%run_scoped3A : memref<!tpu.dma_semaphore, #tpu.memory_space<semaphore_mem>>)
          %dma_wait3A_32 = arith.constant 0 : i32
          %dma_wait3A_33 = tpu.memref_slice %arg5[%mul3A_17, %dma_wait3A_32] : memref<80000x128xf32, #tpu.memory_space<hbm>> -> memref<128x128xf32, #tpu.memory_space<hbm>>
          %dma_wait3A_34 = arith.constant 0 : i32
          %dma_wait3A_35 = tpu.memref_slice %arg5[%mul3A_17, %dma_wait3A_34] : memref<80000x128xf32, #tpu.memory_space<hbm>> -> memref<128x128xf32, #tpu.memory_space<hbm>>
          tpu.wait_dma2 semaphore(%run_scoped3A : memref<!tpu.dma_semaphore, #tpu.memory_space<semaphore_mem>>) src(%arg9 : memref<128x128xf32, #tpu.memory_space<vmem>>) dst(%dma_wait3A_35 : memref<128x128xf32, #tpu.memory_space<hbm>>)
          tpu.yield
        }) : () -> ()
        "tpu.region"() ({
          %run_scoped3A = tpu.sem_alloc : memref<!tpu.dma_semaphore, #tpu.memory_space<semaphore_mem>>
          %dma_start3A_28 = arith.constant 0 : i32
          %dma_start3A_29 = tpu.memref_slice %arg6[%mul3A_17, %dma_start3A_28] : memref<80000x128xf32, #tpu.memory_space<hbm>> -> memref<128x128xf32, #tpu.memory_space<hbm>>
          %dma_start3A_30 = arith.constant 0 : i32
          %dma_start3A_31 = tpu.memref_slice %arg6[%mul3A_17, %dma_start3A_30] : memref<80000x128xf32, #tpu.memory_space<hbm>> -> memref<128x128xf32, #tpu.memory_space<hbm>>
          tpu.enqueue_dma source(%arg10 : memref<128x128xf32, #tpu.memory_space<vmem>>) target(%dma_start3A_31 : memref<128x128xf32, #tpu.memory_space<hbm>>) target_semaphore(%run_scoped3A : memref<!tpu.dma_semaphore, #tpu.memory_space<semaphore_mem>>)
          %dma_wait3A_32 = arith.constant 0 : i32
          %dma_wait3A_33 = tpu.memref_slice %arg6[%mul3A_17, %dma_wait3A_32] : memref<80000x128xf32, #tpu.memory_space<hbm>> -> memref<128x128xf32, #tpu.memory_space<hbm>>
          %dma_wait3A_34 = arith.constant 0 : i32
          %dma_wait3A_35 = tpu.memref_slice %arg6[%mul3A_17, %dma_wait3A_34] : memref<80000x128xf32, #tpu.memory_space<hbm>> -> memref<128x128xf32, #tpu.memory_space<hbm>>
          tpu.wait_dma2 semaphore(%run_scoped3A : memref<!tpu.dma_semaphore, #tpu.memory_space<semaphore_mem>>) src(%arg10 : memref<128x128xf32, #tpu.memory_space<vmem>>) dst(%dma_wait3A_35 : memref<128x128xf32, #tpu.memory_space<hbm>>)
          tpu.yield
        }) : () -> ()
      } else {
      }
    }
    return
  }
}

#map = affine_map<(d0, d1) -> (0)>
#map1 = affine_map<(d0, d1) -> (0, 0)>
module attributes {stable_mosaic.version = 14 : i64} {
  func.func @gather(%arg0: i32, %arg1: i32, %arg2: memref<80000xi32, #tpu.memory_space<hbm>>, %arg3: memref<80000xi32, #tpu.memory_space<hbm>>, %arg4: memref<10000x128xf32, #tpu.memory_space<hbm>>, %arg5: memref<80000x128xf32, #tpu.memory_space<hbm>>, %arg6: memref<80000x128xf32, #tpu.memory_space<hbm>>, %arg7: memref<128xi32, #tpu.memory_space<vmem>>, %arg8: memref<128xi32, #tpu.memory_space<vmem>>, %arg9: memref<128x128xf32, #tpu.memory_space<vmem>>, %arg10: memref<128x128xf32, #tpu.memory_space<vmem>>, %arg11: memref<!tpu.dma_semaphore, #tpu.memory_space<semaphore_mem>>, %arg12: memref<!tpu.dma_semaphore, #tpu.memory_space<semaphore_mem>>) attributes {dimension_semantics = [#tpu.dimension_semantics<core_parallel>, #tpu.dimension_semantics<subcore_parallel>], iteration_bounds = array<i64: 2, 16>, scalar_prefetch = 0 : i64, scratch_operands = 6 : i64, tpu.core_type = #tpu.core_type<sc_vector_subcore>, window_params = [{transform_indices = #map}, {transform_indices = #map}, {transform_indices = #map1}, {transform_indices = #map1}, {transform_indices = #map1}]} {
    %mul3A = arith.constant 2 : i32
    %mul3A_0 = arith.muli %arg1, %mul3A : i32
    %add3A = arith.addi %mul3A_0, %arg0 : i32
    %while3A = arith.constant 0 : i32
    %while3A_1 = arith.constant 20 : i32
    %while3A_2 = arith.subi %while3A_1, %while3A : i32
    %while3A_3 = arith.addi %while3A, %while3A_2 : i32
    %while3A_4 = arith.constant 1 : i32
    %while3A_5 = arith.divsi %while3A_2, %while3A_4 : i32
    %while3A_6 = arith.muli %while3A_5, %while3A_4 : i32
    %while3A_7 = arith.addi %while3A, %while3A_6 : i32
    %while3A_8 = arith.constant 1 : i32
    scf.for %while3A_10 = %while3A to %while3A_7 step %while3A_8  : i32 {
      %mul3A_11 = arith.constant 32 : i32
      %mul3A_12 = arith.muli %while3A_10, %mul3A_11 : i32
      %add3A_13 = arith.addi %add3A, %mul3A_12 : i32
      %lt3A = arith.constant 625 : i32
      %lt3A_14 = arith.cmpi slt, %add3A_13, %lt3A : i32
      %convert_element_type3A = arith.extui %lt3A_14 : i1 to i32
      %cond3A = arith.constant 0 : i32
      %cond3A_15 = arith.cmpi ne, %convert_element_type3A, %cond3A : i32
      scf.if %cond3A_15 {
        %mul3A_16 = arith.constant 128 : i32
        %mul3A_17 = arith.muli %add3A_13, %mul3A_16 : i32
        "tpu.region"() ({
          %run_scoped3A = tpu.sem_alloc : memref<!tpu.dma_semaphore, #tpu.memory_space<semaphore_mem>>
          %dma_start3A_28 = tpu.memref_slice %arg2[%mul3A_17] : memref<80000xi32, #tpu.memory_space<hbm>> -> memref<128xi32, #tpu.memory_space<hbm>>
          %dma_start3A_29 = tpu.memref_slice %arg2[%mul3A_17] : memref<80000xi32, #tpu.memory_space<hbm>> -> memref<128xi32, #tpu.memory_space<hbm>>
          tpu.enqueue_dma source(%dma_start3A_29 : memref<128xi32, #tpu.memory_space<hbm>>) target(%arg7 : memref<128xi32, #tpu.memory_space<vmem>>) target_semaphore(%run_scoped3A : memref<!tpu.dma_semaphore, #tpu.memory_space<semaphore_mem>>)
          %dma_wait3A_30 = tpu.memref_slice %arg2[%mul3A_17] : memref<80000xi32, #tpu.memory_space<hbm>> -> memref<128xi32, #tpu.memory_space<hbm>>
          %dma_wait3A_31 = tpu.memref_slice %arg2[%mul3A_17] : memref<80000xi32, #tpu.memory_space<hbm>> -> memref<128xi32, #tpu.memory_space<hbm>>
          tpu.wait_dma2 semaphore(%run_scoped3A : memref<!tpu.dma_semaphore, #tpu.memory_space<semaphore_mem>>) src(%dma_wait3A_31 : memref<128xi32, #tpu.memory_space<hbm>>) dst(%arg7 : memref<128xi32, #tpu.memory_space<vmem>>)
          tpu.yield
        }) : () -> ()
        "tpu.region"() ({
          %run_scoped3A = tpu.sem_alloc : memref<!tpu.dma_semaphore, #tpu.memory_space<semaphore_mem>>
          %dma_start3A_28 = tpu.memref_slice %arg3[%mul3A_17] : memref<80000xi32, #tpu.memory_space<hbm>> -> memref<128xi32, #tpu.memory_space<hbm>>
          %dma_start3A_29 = tpu.memref_slice %arg3[%mul3A_17] : memref<80000xi32, #tpu.memory_space<hbm>> -> memref<128xi32, #tpu.memory_space<hbm>>
          tpu.enqueue_dma source(%dma_start3A_29 : memref<128xi32, #tpu.memory_space<hbm>>) target(%arg8 : memref<128xi32, #tpu.memory_space<vmem>>) target_semaphore(%run_scoped3A : memref<!tpu.dma_semaphore, #tpu.memory_space<semaphore_mem>>)
          %dma_wait3A_30 = tpu.memref_slice %arg3[%mul3A_17] : memref<80000xi32, #tpu.memory_space<hbm>> -> memref<128xi32, #tpu.memory_space<hbm>>
          %dma_wait3A_31 = tpu.memref_slice %arg3[%mul3A_17] : memref<80000xi32, #tpu.memory_space<hbm>> -> memref<128xi32, #tpu.memory_space<hbm>>
          tpu.wait_dma2 semaphore(%run_scoped3A : memref<!tpu.dma_semaphore, #tpu.memory_space<semaphore_mem>>) src(%dma_wait3A_31 : memref<128xi32, #tpu.memory_space<hbm>>) dst(%arg8 : memref<128xi32, #tpu.memory_space<vmem>>)
          tpu.yield
        }) : () -> ()
        %dma_start3A = arith.constant 0 : i32
        %dma_start3A_18 = arith.constant 0 : i32
        %dma_start3A_19 = tpu.memref_slice %arg4[%dma_start3A, %dma_start3A_18] : memref<10000x128xf32, #tpu.memory_space<hbm>> -> memref<10000x128xf32, #tpu.memory_space<hbm>>
        tpu.enqueue_indirect_dma source(%dma_start3A_19 : memref<10000x128xf32, #tpu.memory_space<hbm>>) target(%arg9 : memref<128x128xf32, #tpu.memory_space<vmem>>) offsets(%arg7 : memref<128xi32, #tpu.memory_space<vmem>>) semaphore(%arg11 : memref<!tpu.dma_semaphore, #tpu.memory_space<semaphore_mem>>)
        %dma_start3A_20 = arith.constant 0 : i32
        %dma_start3A_21 = arith.constant 0 : i32
        %dma_start3A_22 = tpu.memref_slice %arg4[%dma_start3A_20, %dma_start3A_21] : memref<10000x128xf32, #tpu.memory_space<hbm>> -> memref<10000x128xf32, #tpu.memory_space<hbm>>
        tpu.enqueue_indirect_dma source(%dma_start3A_22 : memref<10000x128xf32, #tpu.memory_space<hbm>>) target(%arg10 : memref<128x128xf32, #tpu.memory_space<vmem>>) offsets(%arg8 : memref<128xi32, #tpu.memory_space<vmem>>) semaphore(%arg12 : memref<!tpu.dma_semaphore, #tpu.memory_space<semaphore_mem>>)
        %dma_wait3A = arith.constant 0 : i32
        %dma_wait3A_23 = arith.constant 0 : i32
        %dma_wait3A_24 = tpu.memref_slice %arg4[%dma_wait3A, %dma_wait3A_23] : memref<10000x128xf32, #tpu.memory_space<hbm>> -> memref<10000x128xf32, #tpu.memory_space<hbm>>
        tpu.wait_indirect_dma semaphore(%arg11 : memref<!tpu.dma_semaphore, #tpu.memory_space<semaphore_mem>>) src(%dma_wait3A_24 : memref<10000x128xf32, #tpu.memory_space<hbm>>) dst(%arg9 : memref<128x128xf32, #tpu.memory_space<vmem>>)
        %dma_wait3A_25 = arith.constant 0 : i32
        %dma_wait3A_26 = arith.constant 0 : i32
        %dma_wait3A_27 = tpu.memref_slice %arg4[%dma_wait3A_25, %dma_wait3A_26] : memref<10000x128xf32, #tpu.memory_space<hbm>> -> memref<10000x128xf32, #tpu.memory_space<hbm>>
        tpu.wait_indirect_dma semaphore(%arg12 : memref<!tpu.dma_semaphore, #tpu.memory_space<semaphore_mem>>) src(%dma_wait3A_27 : memref<10000x128xf32, #tpu.memory_space<hbm>>) dst(%arg10 : memref<128x128xf32, #tpu.memory_space<vmem>>)
        "tpu.region"() ({
          %run_scoped3A = tpu.sem_alloc : memref<!tpu.dma_semaphore, #tpu.memory_space<semaphore_mem>>
          %dma_start3A_28 = arith.constant 0 : i32
          %dma_start3A_29 = tpu.memref_slice %arg5[%mul3A_17, %dma_start3A_28] : memref<80000x128xf32, #tpu.memory_space<hbm>> -> memref<128x128xf32, #tpu.memory_space<hbm>>
          %dma_start3A_30 = arith.constant 0 : i32
          %dma_start3A_31 = tpu.memref_slice %arg5[%mul3A_17, %dma_start3A_30] : memref<80000x128xf32, #tpu.memory_space<hbm>> -> memref<128x128xf32, #tpu.memory_space<hbm>>
          tpu.enqueue_dma source(%arg9 : memref<128x128xf32, #tpu.memory_space<vmem>>) target(%dma_start3A_31 : memref<128x128xf32, #tpu.memory_space<hbm>>) target_semaphore(%run_scoped3A : memref<!tpu.dma_semaphore, #tpu.memory_space<semaphore_mem>>)
          %dma_wait3A_32 = arith.constant 0 : i32
          %dma_wait3A_33 = tpu.memref_slice %arg5[%mul3A_17, %dma_wait3A_32] : memref<80000x128xf32, #tpu.memory_space<hbm>> -> memref<128x128xf32, #tpu.memory_space<hbm>>
          %dma_wait3A_34 = arith.constant 0 : i32
          %dma_wait3A_35 = tpu.memref_slice %arg5[%mul3A_17, %dma_wait3A_34] : memref<80000x128xf32, #tpu.memory_space<hbm>> -> memref<128x128xf32, #tpu.memory_space<hbm>>
          tpu.wait_dma2 semaphore(%run_scoped3A : memref<!tpu.dma_semaphore, #tpu.memory_space<semaphore_mem>>) src(%arg9 : memref<128x128xf32, #tpu.memory_space<vmem>>) dst(%dma_wait3A_35 : memref<128x128xf32, #tpu.memory_space<hbm>>)
          tpu.yield
        }) : () -> ()
        "tpu.region"() ({
          %run_scoped3A = tpu.sem_alloc : memref<!tpu.dma_semaphore, #tpu.memory_space<semaphore_mem>>
          %dma_start3A_28 = arith.constant 0 : i32
          %dma_start3A_29 = tpu.memref_slice %arg6[%mul3A_17, %dma_start3A_28] : memref<80000x128xf32, #tpu.memory_space<hbm>> -> memref<128x128xf32, #tpu.memory_space<hbm>>
          %dma_start3A_30 = arith.constant 0 : i32
          %dma_start3A_31 = tpu.memref_slice %arg6[%mul3A_17, %dma_start3A_30] : memref<80000x128xf32, #tpu.memory_space<hbm>> -> memref<128x128xf32, #tpu.memory_space<hbm>>
          tpu.enqueue_dma source(%arg10 : memref<128x128xf32, #tpu.memory_space<vmem>>) target(%dma_start3A_31 : memref<128x128xf32, #tpu.memory_space<hbm>>) target_semaphore(%run_scoped3A : memref<!tpu.dma_semaphore, #tpu.memory_space<semaphore_mem>>)
          %dma_wait3A_32 = arith.constant 0 : i32
          %dma_wait3A_33 = tpu.memref_slice %arg6[%mul3A_17, %dma_wait3A_32] : memref<80000x128xf32, #tpu.memory_space<hbm>> -> memref<128x128xf32, #tpu.memory_space<hbm>>
          %dma_wait3A_34 = arith.constant 0 : i32
          %dma_wait3A_35 = tpu.memref_slice %arg6[%mul3A_17, %dma_wait3A_34] : memref<80000x128xf32, #tpu.memory_space<hbm>> -> memref<128x128xf32, #tpu.memory_space<hbm>>
          tpu.wait_dma2 semaphore(%run_scoped3A : memref<!tpu.dma_semaphore, #tpu.memory_space<semaphore_mem>>) src(%arg10 : memref<128x128xf32, #tpu.memory_space<vmem>>) dst(%dma_wait3A_35 : memref<128x128xf32, #tpu.memory_space<hbm>>)
          tpu.yield
        }) : () -> ()
      } else {
      }
    }
    %while3A_9 = arith.constant 1 : i32
    scf.for %while3A_10 = %while3A_7 to %while3A_3 step %while3A_9  : i32 {
      %mul3A_11 = arith.constant 32 : i32
      %mul3A_12 = arith.muli %while3A_10, %mul3A_11 : i32
      %add3A_13 = arith.addi %add3A, %mul3A_12 : i32
      %lt3A = arith.constant 625 : i32
      %lt3A_14 = arith.cmpi slt, %add3A_13, %lt3A : i32
      %convert_element_type3A = arith.extui %lt3A_14 : i1 to i32
      %cond3A = arith.constant 0 : i32
      %cond3A_15 = arith.cmpi ne, %convert_element_type3A, %cond3A : i32
      scf.if %cond3A_15 {
        %mul3A_16 = arith.constant 128 : i32
        %mul3A_17 = arith.muli %add3A_13, %mul3A_16 : i32
        "tpu.region"() ({
          %run_scoped3A = tpu.sem_alloc : memref<!tpu.dma_semaphore, #tpu.memory_space<semaphore_mem>>
          %dma_start3A_28 = tpu.memref_slice %arg2[%mul3A_17] : memref<80000xi32, #tpu.memory_space<hbm>> -> memref<128xi32, #tpu.memory_space<hbm>>
          %dma_start3A_29 = tpu.memref_slice %arg2[%mul3A_17] : memref<80000xi32, #tpu.memory_space<hbm>> -> memref<128xi32, #tpu.memory_space<hbm>>
          tpu.enqueue_dma source(%dma_start3A_29 : memref<128xi32, #tpu.memory_space<hbm>>) target(%arg7 : memref<128xi32, #tpu.memory_space<vmem>>) target_semaphore(%run_scoped3A : memref<!tpu.dma_semaphore, #tpu.memory_space<semaphore_mem>>)
          %dma_wait3A_30 = tpu.memref_slice %arg2[%mul3A_17] : memref<80000xi32, #tpu.memory_space<hbm>> -> memref<128xi32, #tpu.memory_space<hbm>>
          %dma_wait3A_31 = tpu.memref_slice %arg2[%mul3A_17] : memref<80000xi32, #tpu.memory_space<hbm>> -> memref<128xi32, #tpu.memory_space<hbm>>
          tpu.wait_dma2 semaphore(%run_scoped3A : memref<!tpu.dma_semaphore, #tpu.memory_space<semaphore_mem>>) src(%dma_wait3A_31 : memref<128xi32, #tpu.memory_space<hbm>>) dst(%arg7 : memref<128xi32, #tpu.memory_space<vmem>>)
          tpu.yield
        }) : () -> ()
        "tpu.region"() ({
          %run_scoped3A = tpu.sem_alloc : memref<!tpu.dma_semaphore, #tpu.memory_space<semaphore_mem>>
          %dma_start3A_28 = tpu.memref_slice %arg3[%mul3A_17] : memref<80000xi32, #tpu.memory_space<hbm>> -> memref<128xi32, #tpu.memory_space<hbm>>
          %dma_start3A_29 = tpu.memref_slice %arg3[%mul3A_17] : memref<80000xi32, #tpu.memory_space<hbm>> -> memref<128xi32, #tpu.memory_space<hbm>>
          tpu.enqueue_dma source(%dma_start3A_29 : memref<128xi32, #tpu.memory_space<hbm>>) target(%arg8 : memref<128xi32, #tpu.memory_space<vmem>>) target_semaphore(%run_scoped3A : memref<!tpu.dma_semaphore, #tpu.memory_space<semaphore_mem>>)
          %dma_wait3A_30 = tpu.memref_slice %arg3[%mul3A_17] : memref<80000xi32, #tpu.memory_space<hbm>> -> memref<128xi32, #tpu.memory_space<hbm>>
          %dma_wait3A_31 = tpu.memref_slice %arg3[%mul3A_17] : memref<80000xi32, #tpu.memory_space<hbm>> -> memref<128xi32, #tpu.memory_space<hbm>>
          tpu.wait_dma2 semaphore(%run_scoped3A : memref<!tpu.dma_semaphore, #tpu.memory_space<semaphore_mem>>) src(%dma_wait3A_31 : memref<128xi32, #tpu.memory_space<hbm>>) dst(%arg8 : memref<128xi32, #tpu.memory_space<vmem>>)
          tpu.yield
        }) : () -> ()
        %dma_start3A = arith.constant 0 : i32
        %dma_start3A_18 = arith.constant 0 : i32
        %dma_start3A_19 = tpu.memref_slice %arg4[%dma_start3A, %dma_start3A_18] : memref<10000x128xf32, #tpu.memory_space<hbm>> -> memref<10000x128xf32, #tpu.memory_space<hbm>>
        tpu.enqueue_indirect_dma source(%dma_start3A_19 : memref<10000x128xf32, #tpu.memory_space<hbm>>) target(%arg9 : memref<128x128xf32, #tpu.memory_space<vmem>>) offsets(%arg7 : memref<128xi32, #tpu.memory_space<vmem>>) semaphore(%arg11 : memref<!tpu.dma_semaphore, #tpu.memory_space<semaphore_mem>>)
        %dma_start3A_20 = arith.constant 0 : i32
        %dma_start3A_21 = arith.constant 0 : i32
        %dma_start3A_22 = tpu.memref_slice %arg4[%dma_start3A_20, %dma_start3A_21] : memref<10000x128xf32, #tpu.memory_space<hbm>> -> memref<10000x128xf32, #tpu.memory_space<hbm>>
        tpu.enqueue_indirect_dma source(%dma_start3A_22 : memref<10000x128xf32, #tpu.memory_space<hbm>>) target(%arg10 : memref<128x128xf32, #tpu.memory_space<vmem>>) offsets(%arg8 : memref<128xi32, #tpu.memory_space<vmem>>) semaphore(%arg12 : memref<!tpu.dma_semaphore, #tpu.memory_space<semaphore_mem>>)
        %dma_wait3A = arith.constant 0 : i32
        %dma_wait3A_23 = arith.constant 0 : i32
        %dma_wait3A_24 = tpu.memref_slice %arg4[%dma_wait3A, %dma_wait3A_23] : memref<10000x128xf32, #tpu.memory_space<hbm>> -> memref<10000x128xf32, #tpu.memory_space<hbm>>
        tpu.wait_indirect_dma semaphore(%arg11 : memref<!tpu.dma_semaphore, #tpu.memory_space<semaphore_mem>>) src(%dma_wait3A_24 : memref<10000x128xf32, #tpu.memory_space<hbm>>) dst(%arg9 : memref<128x128xf32, #tpu.memory_space<vmem>>)
        %dma_wait3A_25 = arith.constant 0 : i32
        %dma_wait3A_26 = arith.constant 0 : i32
        %dma_wait3A_27 = tpu.memref_slice %arg4[%dma_wait3A_25, %dma_wait3A_26] : memref<10000x128xf32, #tpu.memory_space<hbm>> -> memref<10000x128xf32, #tpu.memory_space<hbm>>
        tpu.wait_indirect_dma semaphore(%arg12 : memref<!tpu.dma_semaphore, #tpu.memory_space<semaphore_mem>>) src(%dma_wait3A_27 : memref<10000x128xf32, #tpu.memory_space<hbm>>) dst(%arg10 : memref<128x128xf32, #tpu.memory_space<vmem>>)
        "tpu.region"() ({
          %run_scoped3A = tpu.sem_alloc : memref<!tpu.dma_semaphore, #tpu.memory_space<semaphore_mem>>
          %dma_start3A_28 = arith.constant 0 : i32
          %dma_start3A_29 = tpu.memref_slice %arg5[%mul3A_17, %dma_start3A_28] : memref<80000x128xf32, #tpu.memory_space<hbm>> -> memref<128x128xf32, #tpu.memory_space<hbm>>
          %dma_start3A_30 = arith.constant 0 : i32
          %dma_start3A_31 = tpu.memref_slice %arg5[%mul3A_17, %dma_start3A_30] : memref<80000x128xf32, #tpu.memory_space<hbm>> -> memref<128x128xf32, #tpu.memory_space<hbm>>
          tpu.enqueue_dma source(%arg9 : memref<128x128xf32, #tpu.memory_space<vmem>>) target(%dma_start3A_31 : memref<128x128xf32, #tpu.memory_space<hbm>>) target_semaphore(%run_scoped3A : memref<!tpu.dma_semaphore, #tpu.memory_space<semaphore_mem>>)
          %dma_wait3A_32 = arith.constant 0 : i32
          %dma_wait3A_33 = tpu.memref_slice %arg5[%mul3A_17, %dma_wait3A_32] : memref<80000x128xf32, #tpu.memory_space<hbm>> -> memref<128x128xf32, #tpu.memory_space<hbm>>
          %dma_wait3A_34 = arith.constant 0 : i32
          %dma_wait3A_35 = tpu.memref_slice %arg5[%mul3A_17, %dma_wait3A_34] : memref<80000x128xf32, #tpu.memory_space<hbm>> -> memref<128x128xf32, #tpu.memory_space<hbm>>
          tpu.wait_dma2 semaphore(%run_scoped3A : memref<!tpu.dma_semaphore, #tpu.memory_space<semaphore_mem>>) src(%arg9 : memref<128x128xf32, #tpu.memory_space<vmem>>) dst(%dma_wait3A_35 : memref<128x128xf32, #tpu.memory_space<hbm>>)
          tpu.yield
        }) : () -> ()
        "tpu.region"() ({
          %run_scoped3A = tpu.sem_alloc : memref<!tpu.dma_semaphore, #tpu.memory_space<semaphore_mem>>
          %dma_start3A_28 = arith.constant 0 : i32
          %dma_start3A_29 = tpu.memref_slice %arg6[%mul3A_17, %dma_start3A_28] : memref<80000x128xf32, #tpu.memory_space<hbm>> -> memref<128x128xf32, #tpu.memory_space<hbm>>
          %dma_start3A_30 = arith.constant 0 : i32
          %dma_start3A_31 = tpu.memref_slice %arg6[%mul3A_17, %dma_start3A_30] : memref<80000x128xf32, #tpu.memory_space<hbm>> -> memref<128x128xf32, #tpu.memory_space<hbm>>
          tpu.enqueue_dma source(%arg10 : memref<128x128xf32, #tpu.memory_space<vmem>>) target(%dma_start3A_31 : memref<128x128xf32, #tpu.memory_space<hbm>>) target_semaphore(%run_scoped3A : memref<!tpu.dma_semaphore, #tpu.memory_space<semaphore_mem>>)
          %dma_wait3A_32 = arith.constant 0 : i32
          %dma_wait3A_33 = tpu.memref_slice %arg6[%mul3A_17, %dma_wait3A_32] : memref<80000x128xf32, #tpu.memory_space<hbm>> -> memref<128x128xf32, #tpu.memory_space<hbm>>
          %dma_wait3A_34 = arith.constant 0 : i32
          %dma_wait3A_35 = tpu.memref_slice %arg6[%mul3A_17, %dma_wait3A_34] : memref<80000x128xf32, #tpu.memory_space<hbm>> -> memref<128x128xf32, #tpu.memory_space<hbm>>
          tpu.wait_dma2 semaphore(%run_scoped3A : memref<!tpu.dma_semaphore, #tpu.memory_space<semaphore_mem>>) src(%arg10 : memref<128x128xf32, #tpu.memory_space<vmem>>) dst(%dma_wait3A_35 : memref<128x128xf32, #tpu.memory_space<hbm>>)
          tpu.yield
        }) : () -> ()
      } else {
      }
    }
    return
  }
}

#map = affine_map<(d0, d1) -> (0)>
#map1 = affine_map<(d0, d1) -> (0, 0)>
module attributes {stable_mosaic.version = 14 : i64} {
  func.func @gather(%arg0: i32, %arg1: i32, %arg2: memref<80000xi32, #tpu.memory_space<hbm>>, %arg3: memref<80000xi32, #tpu.memory_space<hbm>>, %arg4: memref<10000x128xf32, #tpu.memory_space<hbm>>, %arg5: memref<80000x128xf32, #tpu.memory_space<hbm>>, %arg6: memref<80000x128xf32, #tpu.memory_space<hbm>>, %arg7: memref<128xi32, #tpu.memory_space<vmem>>, %arg8: memref<128xi32, #tpu.memory_space<vmem>>, %arg9: memref<128x128xf32, #tpu.memory_space<vmem>>, %arg10: memref<128x128xf32, #tpu.memory_space<vmem>>, %arg11: memref<!tpu.dma_semaphore, #tpu.memory_space<semaphore_mem>>, %arg12: memref<!tpu.dma_semaphore, #tpu.memory_space<semaphore_mem>>) attributes {dimension_semantics = [#tpu.dimension_semantics<core_parallel>, #tpu.dimension_semantics<subcore_parallel>], iteration_bounds = array<i64: 2, 16>, scalar_prefetch = 0 : i64, scratch_operands = 6 : i64, tpu.core_type = #tpu.core_type<sc_vector_subcore>, window_params = [{transform_indices = #map}, {transform_indices = #map}, {transform_indices = #map1}, {transform_indices = #map1}, {transform_indices = #map1}]} {
    %mul3A = arith.constant 2 : i32
    %mul3A_0 = arith.muli %arg1, %mul3A : i32
    %add3A = arith.addi %mul3A_0, %arg0 : i32
    %while3A = arith.constant 0 : i32
    %while3A_1 = arith.constant 20 : i32
    %while3A_2 = arith.subi %while3A_1, %while3A : i32
    %while3A_3 = arith.addi %while3A, %while3A_2 : i32
    %while3A_4 = arith.constant 1 : i32
    %while3A_5 = arith.divsi %while3A_2, %while3A_4 : i32
    %while3A_6 = arith.muli %while3A_5, %while3A_4 : i32
    %while3A_7 = arith.addi %while3A, %while3A_6 : i32
    %while3A_8 = arith.constant 1 : i32
    scf.for %while3A_10 = %while3A to %while3A_7 step %while3A_8  : i32 {
      %mul3A_11 = arith.constant 32 : i32
      %mul3A_12 = arith.muli %while3A_10, %mul3A_11 : i32
      %add3A_13 = arith.addi %add3A, %mul3A_12 : i32
      %lt3A = arith.constant 625 : i32
      %lt3A_14 = arith.cmpi slt, %add3A_13, %lt3A : i32
      %convert_element_type3A = arith.extui %lt3A_14 : i1 to i32
      %cond3A = arith.constant 0 : i32
      %cond3A_15 = arith.cmpi ne, %convert_element_type3A, %cond3A : i32
      scf.if %cond3A_15 {
        %mul3A_16 = arith.constant 128 : i32
        %mul3A_17 = arith.muli %add3A_13, %mul3A_16 : i32
        "tpu.region"() ({
          %run_scoped3A = tpu.sem_alloc : memref<!tpu.dma_semaphore, #tpu.memory_space<semaphore_mem>>
          %dma_start3A_28 = tpu.memref_slice %arg2[%mul3A_17] : memref<80000xi32, #tpu.memory_space<hbm>> -> memref<128xi32, #tpu.memory_space<hbm>>
          %dma_start3A_29 = tpu.memref_slice %arg2[%mul3A_17] : memref<80000xi32, #tpu.memory_space<hbm>> -> memref<128xi32, #tpu.memory_space<hbm>>
          tpu.enqueue_dma source(%dma_start3A_29 : memref<128xi32, #tpu.memory_space<hbm>>) target(%arg7 : memref<128xi32, #tpu.memory_space<vmem>>) target_semaphore(%run_scoped3A : memref<!tpu.dma_semaphore, #tpu.memory_space<semaphore_mem>>)
          %dma_wait3A_30 = tpu.memref_slice %arg2[%mul3A_17] : memref<80000xi32, #tpu.memory_space<hbm>> -> memref<128xi32, #tpu.memory_space<hbm>>
          %dma_wait3A_31 = tpu.memref_slice %arg2[%mul3A_17] : memref<80000xi32, #tpu.memory_space<hbm>> -> memref<128xi32, #tpu.memory_space<hbm>>
          tpu.wait_dma2 semaphore(%run_scoped3A : memref<!tpu.dma_semaphore, #tpu.memory_space<semaphore_mem>>) src(%dma_wait3A_31 : memref<128xi32, #tpu.memory_space<hbm>>) dst(%arg7 : memref<128xi32, #tpu.memory_space<vmem>>)
          tpu.yield
        }) : () -> ()
        "tpu.region"() ({
          %run_scoped3A = tpu.sem_alloc : memref<!tpu.dma_semaphore, #tpu.memory_space<semaphore_mem>>
          %dma_start3A_28 = tpu.memref_slice %arg3[%mul3A_17] : memref<80000xi32, #tpu.memory_space<hbm>> -> memref<128xi32, #tpu.memory_space<hbm>>
          %dma_start3A_29 = tpu.memref_slice %arg3[%mul3A_17] : memref<80000xi32, #tpu.memory_space<hbm>> -> memref<128xi32, #tpu.memory_space<hbm>>
          tpu.enqueue_dma source(%dma_start3A_29 : memref<128xi32, #tpu.memory_space<hbm>>) target(%arg8 : memref<128xi32, #tpu.memory_space<vmem>>) target_semaphore(%run_scoped3A : memref<!tpu.dma_semaphore, #tpu.memory_space<semaphore_mem>>)
          %dma_wait3A_30 = tpu.memref_slice %arg3[%mul3A_17] : memref<80000xi32, #tpu.memory_space<hbm>> -> memref<128xi32, #tpu.memory_space<hbm>>
          %dma_wait3A_31 = tpu.memref_slice %arg3[%mul3A_17] : memref<80000xi32, #tpu.memory_space<hbm>> -> memref<128xi32, #tpu.memory_space<hbm>>
          tpu.wait_dma2 semaphore(%run_scoped3A : memref<!tpu.dma_semaphore, #tpu.memory_space<semaphore_mem>>) src(%dma_wait3A_31 : memref<128xi32, #tpu.memory_space<hbm>>) dst(%arg8 : memref<128xi32, #tpu.memory_space<vmem>>)
          tpu.yield
        }) : () -> ()
        %dma_start3A = arith.constant 0 : i32
        %dma_start3A_18 = arith.constant 0 : i32
        %dma_start3A_19 = tpu.memref_slice %arg4[%dma_start3A, %dma_start3A_18] : memref<10000x128xf32, #tpu.memory_space<hbm>> -> memref<10000x128xf32, #tpu.memory_space<hbm>>
        tpu.enqueue_indirect_dma source(%dma_start3A_19 : memref<10000x128xf32, #tpu.memory_space<hbm>>) target(%arg9 : memref<128x128xf32, #tpu.memory_space<vmem>>) offsets(%arg7 : memref<128xi32, #tpu.memory_space<vmem>>) semaphore(%arg11 : memref<!tpu.dma_semaphore, #tpu.memory_space<semaphore_mem>>)
        %dma_start3A_20 = arith.constant 0 : i32
        %dma_start3A_21 = arith.constant 0 : i32
        %dma_start3A_22 = tpu.memref_slice %arg4[%dma_start3A_20, %dma_start3A_21] : memref<10000x128xf32, #tpu.memory_space<hbm>> -> memref<10000x128xf32, #tpu.memory_space<hbm>>
        tpu.enqueue_indirect_dma source(%dma_start3A_22 : memref<10000x128xf32, #tpu.memory_space<hbm>>) target(%arg10 : memref<128x128xf32, #tpu.memory_space<vmem>>) offsets(%arg8 : memref<128xi32, #tpu.memory_space<vmem>>) semaphore(%arg12 : memref<!tpu.dma_semaphore, #tpu.memory_space<semaphore_mem>>)
        %dma_wait3A = arith.constant 0 : i32
        %dma_wait3A_23 = arith.constant 0 : i32
        %dma_wait3A_24 = tpu.memref_slice %arg4[%dma_wait3A, %dma_wait3A_23] : memref<10000x128xf32, #tpu.memory_space<hbm>> -> memref<10000x128xf32, #tpu.memory_space<hbm>>
        tpu.wait_indirect_dma semaphore(%arg11 : memref<!tpu.dma_semaphore, #tpu.memory_space<semaphore_mem>>) src(%dma_wait3A_24 : memref<10000x128xf32, #tpu.memory_space<hbm>>) dst(%arg9 : memref<128x128xf32, #tpu.memory_space<vmem>>)
        %dma_wait3A_25 = arith.constant 0 : i32
        %dma_wait3A_26 = arith.constant 0 : i32
        %dma_wait3A_27 = tpu.memref_slice %arg4[%dma_wait3A_25, %dma_wait3A_26] : memref<10000x128xf32, #tpu.memory_space<hbm>> -> memref<10000x128xf32, #tpu.memory_space<hbm>>
        tpu.wait_indirect_dma semaphore(%arg12 : memref<!tpu.dma_semaphore, #tpu.memory_space<semaphore_mem>>) src(%dma_wait3A_27 : memref<10000x128xf32, #tpu.memory_space<hbm>>) dst(%arg10 : memref<128x128xf32, #tpu.memory_space<vmem>>)
        "tpu.region"() ({
          %run_scoped3A = tpu.sem_alloc : memref<!tpu.dma_semaphore, #tpu.memory_space<semaphore_mem>>
          %dma_start3A_28 = arith.constant 0 : i32
          %dma_start3A_29 = tpu.memref_slice %arg5[%mul3A_17, %dma_start3A_28] : memref<80000x128xf32, #tpu.memory_space<hbm>> -> memref<128x128xf32, #tpu.memory_space<hbm>>
          %dma_start3A_30 = arith.constant 0 : i32
          %dma_start3A_31 = tpu.memref_slice %arg5[%mul3A_17, %dma_start3A_30] : memref<80000x128xf32, #tpu.memory_space<hbm>> -> memref<128x128xf32, #tpu.memory_space<hbm>>
          tpu.enqueue_dma source(%arg9 : memref<128x128xf32, #tpu.memory_space<vmem>>) target(%dma_start3A_31 : memref<128x128xf32, #tpu.memory_space<hbm>>) target_semaphore(%run_scoped3A : memref<!tpu.dma_semaphore, #tpu.memory_space<semaphore_mem>>)
          %dma_wait3A_32 = arith.constant 0 : i32
          %dma_wait3A_33 = tpu.memref_slice %arg5[%mul3A_17, %dma_wait3A_32] : memref<80000x128xf32, #tpu.memory_space<hbm>> -> memref<128x128xf32, #tpu.memory_space<hbm>>
          %dma_wait3A_34 = arith.constant 0 : i32
          %dma_wait3A_35 = tpu.memref_slice %arg5[%mul3A_17, %dma_wait3A_34] : memref<80000x128xf32, #tpu.memory_space<hbm>> -> memref<128x128xf32, #tpu.memory_space<hbm>>
          tpu.wait_dma2 semaphore(%run_scoped3A : memref<!tpu.dma_semaphore, #tpu.memory_space<semaphore_mem>>) src(%arg9 : memref<128x128xf32, #tpu.memory_space<vmem>>) dst(%dma_wait3A_35 : memref<128x128xf32, #tpu.memory_space<hbm>>)
          tpu.yield
        }) : () -> ()
        "tpu.region"() ({
          %run_scoped3A = tpu.sem_alloc : memref<!tpu.dma_semaphore, #tpu.memory_space<semaphore_mem>>
          %dma_start3A_28 = arith.constant 0 : i32
          %dma_start3A_29 = tpu.memref_slice %arg6[%mul3A_17, %dma_start3A_28] : memref<80000x128xf32, #tpu.memory_space<hbm>> -> memref<128x128xf32, #tpu.memory_space<hbm>>
          %dma_start3A_30 = arith.constant 0 : i32
          %dma_start3A_31 = tpu.memref_slice %arg6[%mul3A_17, %dma_start3A_30] : memref<80000x128xf32, #tpu.memory_space<hbm>> -> memref<128x128xf32, #tpu.memory_space<hbm>>
          tpu.enqueue_dma source(%arg10 : memref<128x128xf32, #tpu.memory_space<vmem>>) target(%dma_start3A_31 : memref<128x128xf32, #tpu.memory_space<hbm>>) target_semaphore(%run_scoped3A : memref<!tpu.dma_semaphore, #tpu.memory_space<semaphore_mem>>)
          %dma_wait3A_32 = arith.constant 0 : i32
          %dma_wait3A_33 = tpu.memref_slice %arg6[%mul3A_17, %dma_wait3A_32] : memref<80000x128xf32, #tpu.memory_space<hbm>> -> memref<128x128xf32, #tpu.memory_space<hbm>>
          %dma_wait3A_34 = arith.constant 0 : i32
          %dma_wait3A_35 = tpu.memref_slice %arg6[%mul3A_17, %dma_wait3A_34] : memref<80000x128xf32, #tpu.memory_space<hbm>> -> memref<128x128xf32, #tpu.memory_space<hbm>>
          tpu.wait_dma2 semaphore(%run_scoped3A : memref<!tpu.dma_semaphore, #tpu.memory_space<semaphore_mem>>) src(%arg10 : memref<128x128xf32, #tpu.memory_space<vmem>>) dst(%dma_wait3A_35 : memref<128x128xf32, #tpu.memory_space<hbm>>)
          tpu.yield
        }) : () -> ()
      } else {
      }
    }
    %while3A_9 = arith.constant 1 : i32
    scf.for %while3A_10 = %while3A_7 to %while3A_3 step %while3A_9  : i32 {
      %mul3A_11 = arith.constant 32 : i32
      %mul3A_12 = arith.muli %while3A_10, %mul3A_11 : i32
      %add3A_13 = arith.addi %add3A, %mul3A_12 : i32
      %lt3A = arith.constant 625 : i32
      %lt3A_14 = arith.cmpi slt, %add3A_13, %lt3A : i32
      %convert_element_type3A = arith.extui %lt3A_14 : i1 to i32
      %cond3A = arith.constant 0 : i32
      %cond3A_15 = arith.cmpi ne, %convert_element_type3A, %cond3A : i32
      scf.if %cond3A_15 {
        %mul3A_16 = arith.constant 128 : i32
        %mul3A_17 = arith.muli %add3A_13, %mul3A_16 : i32
        "tpu.region"() ({
          %run_scoped3A = tpu.sem_alloc : memref<!tpu.dma_semaphore, #tpu.memory_space<semaphore_mem>>
          %dma_start3A_28 = tpu.memref_slice %arg2[%mul3A_17] : memref<80000xi32, #tpu.memory_space<hbm>> -> memref<128xi32, #tpu.memory_space<hbm>>
          %dma_start3A_29 = tpu.memref_slice %arg2[%mul3A_17] : memref<80000xi32, #tpu.memory_space<hbm>> -> memref<128xi32, #tpu.memory_space<hbm>>
          tpu.enqueue_dma source(%dma_start3A_29 : memref<128xi32, #tpu.memory_space<hbm>>) target(%arg7 : memref<128xi32, #tpu.memory_space<vmem>>) target_semaphore(%run_scoped3A : memref<!tpu.dma_semaphore, #tpu.memory_space<semaphore_mem>>)
          %dma_wait3A_30 = tpu.memref_slice %arg2[%mul3A_17] : memref<80000xi32, #tpu.memory_space<hbm>> -> memref<128xi32, #tpu.memory_space<hbm>>
          %dma_wait3A_31 = tpu.memref_slice %arg2[%mul3A_17] : memref<80000xi32, #tpu.memory_space<hbm>> -> memref<128xi32, #tpu.memory_space<hbm>>
          tpu.wait_dma2 semaphore(%run_scoped3A : memref<!tpu.dma_semaphore, #tpu.memory_space<semaphore_mem>>) src(%dma_wait3A_31 : memref<128xi32, #tpu.memory_space<hbm>>) dst(%arg7 : memref<128xi32, #tpu.memory_space<vmem>>)
          tpu.yield
        }) : () -> ()
        "tpu.region"() ({
          %run_scoped3A = tpu.sem_alloc : memref<!tpu.dma_semaphore, #tpu.memory_space<semaphore_mem>>
          %dma_start3A_28 = tpu.memref_slice %arg3[%mul3A_17] : memref<80000xi32, #tpu.memory_space<hbm>> -> memref<128xi32, #tpu.memory_space<hbm>>
          %dma_start3A_29 = tpu.memref_slice %arg3[%mul3A_17] : memref<80000xi32, #tpu.memory_space<hbm>> -> memref<128xi32, #tpu.memory_space<hbm>>
          tpu.enqueue_dma source(%dma_start3A_29 : memref<128xi32, #tpu.memory_space<hbm>>) target(%arg8 : memref<128xi32, #tpu.memory_space<vmem>>) target_semaphore(%run_scoped3A : memref<!tpu.dma_semaphore, #tpu.memory_space<semaphore_mem>>)
          %dma_wait3A_30 = tpu.memref_slice %arg3[%mul3A_17] : memref<80000xi32, #tpu.memory_space<hbm>> -> memref<128xi32, #tpu.memory_space<hbm>>
          %dma_wait3A_31 = tpu.memref_slice %arg3[%mul3A_17] : memref<80000xi32, #tpu.memory_space<hbm>> -> memref<128xi32, #tpu.memory_space<hbm>>
          tpu.wait_dma2 semaphore(%run_scoped3A : memref<!tpu.dma_semaphore, #tpu.memory_space<semaphore_mem>>) src(%dma_wait3A_31 : memref<128xi32, #tpu.memory_space<hbm>>) dst(%arg8 : memref<128xi32, #tpu.memory_space<vmem>>)
          tpu.yield
        }) : () -> ()
        %dma_start3A = arith.constant 0 : i32
        %dma_start3A_18 = arith.constant 0 : i32
        %dma_start3A_19 = tpu.memref_slice %arg4[%dma_start3A, %dma_start3A_18] : memref<10000x128xf32, #tpu.memory_space<hbm>> -> memref<10000x128xf32, #tpu.memory_space<hbm>>
        tpu.enqueue_indirect_dma source(%dma_start3A_19 : memref<10000x128xf32, #tpu.memory_space<hbm>>) target(%arg9 : memref<128x128xf32, #tpu.memory_space<vmem>>) offsets(%arg7 : memref<128xi32, #tpu.memory_space<vmem>>) semaphore(%arg11 : memref<!tpu.dma_semaphore, #tpu.memory_space<semaphore_mem>>)
        %dma_start3A_20 = arith.constant 0 : i32
        %dma_start3A_21 = arith.constant 0 : i32
        %dma_start3A_22 = tpu.memref_slice %arg4[%dma_start3A_20, %dma_start3A_21] : memref<10000x128xf32, #tpu.memory_space<hbm>> -> memref<10000x128xf32, #tpu.memory_space<hbm>>
        tpu.enqueue_indirect_dma source(%dma_start3A_22 : memref<10000x128xf32, #tpu.memory_space<hbm>>) target(%arg10 : memref<128x128xf32, #tpu.memory_space<vmem>>) offsets(%arg8 : memref<128xi32, #tpu.memory_space<vmem>>) semaphore(%arg12 : memref<!tpu.dma_semaphore, #tpu.memory_space<semaphore_mem>>)
        %dma_wait3A = arith.constant 0 : i32
        %dma_wait3A_23 = arith.constant 0 : i32
        %dma_wait3A_24 = tpu.memref_slice %arg4[%dma_wait3A, %dma_wait3A_23] : memref<10000x128xf32, #tpu.memory_space<hbm>> -> memref<10000x128xf32, #tpu.memory_space<hbm>>
        tpu.wait_indirect_dma semaphore(%arg11 : memref<!tpu.dma_semaphore, #tpu.memory_space<semaphore_mem>>) src(%dma_wait3A_24 : memref<10000x128xf32, #tpu.memory_space<hbm>>) dst(%arg9 : memref<128x128xf32, #tpu.memory_space<vmem>>)
        %dma_wait3A_25 = arith.constant 0 : i32
        %dma_wait3A_26 = arith.constant 0 : i32
        %dma_wait3A_27 = tpu.memref_slice %arg4[%dma_wait3A_25, %dma_wait3A_26] : memref<10000x128xf32, #tpu.memory_space<hbm>> -> memref<10000x128xf32, #tpu.memory_space<hbm>>
        tpu.wait_indirect_dma semaphore(%arg12 : memref<!tpu.dma_semaphore, #tpu.memory_space<semaphore_mem>>) src(%dma_wait3A_27 : memref<10000x128xf32, #tpu.memory_space<hbm>>) dst(%arg10 : memref<128x128xf32, #tpu.memory_space<vmem>>)
        "tpu.region"() ({
          %run_scoped3A = tpu.sem_alloc : memref<!tpu.dma_semaphore, #tpu.memory_space<semaphore_mem>>
          %dma_start3A_28 = arith.constant 0 : i32
          %dma_start3A_29 = tpu.memref_slice %arg5[%mul3A_17, %dma_start3A_28] : memref<80000x128xf32, #tpu.memory_space<hbm>> -> memref<128x128xf32, #tpu.memory_space<hbm>>
          %dma_start3A_30 = arith.constant 0 : i32
          %dma_start3A_31 = tpu.memref_slice %arg5[%mul3A_17, %dma_start3A_30] : memref<80000x128xf32, #tpu.memory_space<hbm>> -> memref<128x128xf32, #tpu.memory_space<hbm>>
          tpu.enqueue_dma source(%arg9 : memref<128x128xf32, #tpu.memory_space<vmem>>) target(%dma_start3A_31 : memref<128x128xf32, #tpu.memory_space<hbm>>) target_semaphore(%run_scoped3A : memref<!tpu.dma_semaphore, #tpu.memory_space<semaphore_mem>>)
          %dma_wait3A_32 = arith.constant 0 : i32
          %dma_wait3A_33 = tpu.memref_slice %arg5[%mul3A_17, %dma_wait3A_32] : memref<80000x128xf32, #tpu.memory_space<hbm>> -> memref<128x128xf32, #tpu.memory_space<hbm>>
          %dma_wait3A_34 = arith.constant 0 : i32
          %dma_wait3A_35 = tpu.memref_slice %arg5[%mul3A_17, %dma_wait3A_34] : memref<80000x128xf32, #tpu.memory_space<hbm>> -> memref<128x128xf32, #tpu.memory_space<hbm>>
          tpu.wait_dma2 semaphore(%run_scoped3A : memref<!tpu.dma_semaphore, #tpu.memory_space<semaphore_mem>>) src(%arg9 : memref<128x128xf32, #tpu.memory_space<vmem>>) dst(%dma_wait3A_35 : memref<128x128xf32, #tpu.memory_space<hbm>>)
          tpu.yield
        }) : () -> ()
        "tpu.region"() ({
          %run_scoped3A = tpu.sem_alloc : memref<!tpu.dma_semaphore, #tpu.memory_space<semaphore_mem>>
          %dma_start3A_28 = arith.constant 0 : i32
          %dma_start3A_29 = tpu.memref_slice %arg6[%mul3A_17, %dma_start3A_28] : memref<80000x128xf32, #tpu.memory_space<hbm>> -> memref<128x128xf32, #tpu.memory_space<hbm>>
          %dma_start3A_30 = arith.constant 0 : i32
          %dma_start3A_31 = tpu.memref_slice %arg6[%mul3A_17, %dma_start3A_30] : memref<80000x128xf32, #tpu.memory_space<hbm>> -> memref<128x128xf32, #tpu.memory_space<hbm>>
          tpu.enqueue_dma source(%arg10 : memref<128x128xf32, #tpu.memory_space<vmem>>) target(%dma_start3A_31 : memref<128x128xf32, #tpu.memory_space<hbm>>) target_semaphore(%run_scoped3A : memref<!tpu.dma_semaphore, #tpu.memory_space<semaphore_mem>>)
          %dma_wait3A_32 = arith.constant 0 : i32
          %dma_wait3A_33 = tpu.memref_slice %arg6[%mul3A_17, %dma_wait3A_32] : memref<80000x128xf32, #tpu.memory_space<hbm>> -> memref<128x128xf32, #tpu.memory_space<hbm>>
          %dma_wait3A_34 = arith.constant 0 : i32
          %dma_wait3A_35 = tpu.memref_slice %arg6[%mul3A_17, %dma_wait3A_34] : memref<80000x128xf32, #tpu.memory_space<hbm>> -> memref<128x128xf32, #tpu.memory_space<hbm>>
          tpu.wait_dma2 semaphore(%run_scoped3A : memref<!tpu.dma_semaphore, #tpu.memory_space<semaphore_mem>>) src(%arg10 : memref<128x128xf32, #tpu.memory_space<vmem>>) dst(%dma_wait3A_35 : memref<128x128xf32, #tpu.memory_space<hbm>>)
          tpu.yield
        }) : () -> ()
      } else {
      }
    }
    return
  }
}

#map = affine_map<(d0, d1) -> (0)>
#map1 = affine_map<(d0, d1) -> (0, 0)>
module attributes {stable_mosaic.version = 14 : i64} {
  func.func @scatter(%arg0: i32, %arg1: i32, %arg2: memref<80000xi32, #tpu.memory_space<hbm>>, %arg3: memref<80000x128xf32, #tpu.memory_space<hbm>>, %arg4: memref<10240x128xf32, #tpu.memory_space<hbm>>, %arg5: memref<20480x128xf32, #tpu.memory_space<hbm>>, %arg6: memref<10240x128xf32, #tpu.memory_space<vmem_shared>>, %arg7: memref<128xi32, #tpu.memory_space<vmem>>, %arg8: memref<128x128xf32, #tpu.memory_space<vmem>>) attributes {dimension_semantics = [#tpu.dimension_semantics<core_parallel>, #tpu.dimension_semantics<subcore_parallel>], iteration_bounds = array<i64: 2, 16>, scalar_prefetch = 0 : i64, scratch_operands = 3 : i64, tpu.core_type = #tpu.core_type<sc_vector_subcore>, window_params = [{transform_indices = #map}, {transform_indices = #map1}, {transform_indices = #map1}, {transform_indices = #map1}]} {
    %mul3A = arith.constant 2 : i32
    %mul3A_0 = arith.muli %arg1, %mul3A : i32
    %add3A = arith.addi %mul3A_0, %arg0 : i32
    %mul3A_1 = arith.constant 640 : i32
    %mul3A_2 = arith.muli %arg1, %mul3A_1 : i32
    "tpu.region"() ({
      %run_scoped3A = tpu.sem_alloc : memref<!tpu.dma_semaphore, #tpu.memory_space<semaphore_mem>>
      %dma_start3A = arith.constant 0 : i32
      %dma_start3A_16 = tpu.memref_slice %arg6[%mul3A_2, %dma_start3A] : memref<10240x128xf32, #tpu.memory_space<vmem_shared>> -> memref<640x128xf32, #tpu.memory_space<vmem_shared>>
      %dma_start3A_17 = arith.constant 0 : i32
      %dma_start3A_18 = tpu.memref_slice %arg4[%mul3A_2, %dma_start3A_17] : memref<10240x128xf32, #tpu.memory_space<hbm>> -> memref<640x128xf32, #tpu.memory_space<hbm>>
      tpu.enqueue_dma source(%dma_start3A_18 : memref<640x128xf32, #tpu.memory_space<hbm>>) target(%dma_start3A_16 : memref<640x128xf32, #tpu.memory_space<vmem_shared>>) target_semaphore(%run_scoped3A : memref<!tpu.dma_semaphore, #tpu.memory_space<semaphore_mem>>)
      %dma_wait3A = arith.constant 0 : i32
      %dma_wait3A_19 = tpu.memref_slice %arg6[%mul3A_2, %dma_wait3A] : memref<10240x128xf32, #tpu.memory_space<vmem_shared>> -> memref<640x128xf32, #tpu.memory_space<vmem_shared>>
      %dma_wait3A_20 = arith.constant 0 : i32
      %dma_wait3A_21 = tpu.memref_slice %arg4[%mul3A_2, %dma_wait3A_20] : memref<10240x128xf32, #tpu.memory_space<hbm>> -> memref<640x128xf32, #tpu.memory_space<hbm>>
      tpu.wait_dma2 semaphore(%run_scoped3A : memref<!tpu.dma_semaphore, #tpu.memory_space<semaphore_mem>>) src(%dma_wait3A_21 : memref<640x128xf32, #tpu.memory_space<hbm>>) dst(%dma_wait3A_19 : memref<640x128xf32, #tpu.memory_space<vmem_shared>>)
      tpu.yield
    }) : () -> ()
    %barrier3A = arith.constant 0 : index
    tpu.barrier barrier_id(%barrier3A)
    %while3A = arith.constant 0 : i32
    %while3A_3 = arith.constant 20 : i32
    %while3A_4 = arith.subi %while3A_3, %while3A : i32
    %while3A_5 = arith.addi %while3A, %while3A_4 : i32
    %while3A_6 = arith.constant 1 : i32
    %while3A_7 = arith.divsi %while3A_4, %while3A_6 : i32
    %while3A_8 = arith.muli %while3A_7, %while3A_6 : i32
    %while3A_9 = arith.addi %while3A, %while3A_8 : i32
    %while3A_10 = arith.constant 1 : i32
    scf.for %while3A_16 = %while3A to %while3A_9 step %while3A_10  : i32 {
      %mul3A_17 = arith.constant 32 : i32
      %mul3A_18 = arith.muli %while3A_16, %mul3A_17 : i32
      %add3A_19 = arith.addi %add3A, %mul3A_18 : i32
      %lt3A = arith.constant 625 : i32
      %lt3A_20 = arith.cmpi slt, %add3A_19, %lt3A : i32
      %convert_element_type3A = arith.extui %lt3A_20 : i1 to i32
      %cond3A = arith.constant 0 : i32
      %cond3A_21 = arith.cmpi ne, %convert_element_type3A, %cond3A : i32
      scf.if %cond3A_21 {
        %mul3A_22 = arith.constant 128 : i32
        %mul3A_23 = arith.muli %add3A_19, %mul3A_22 : i32
        "tpu.region"() ({
          %run_scoped3A = tpu.sem_alloc : memref<!tpu.dma_semaphore, #tpu.memory_space<semaphore_mem>>
          %dma_start3A = tpu.memref_slice %arg2[%mul3A_23] : memref<80000xi32, #tpu.memory_space<hbm>> -> memref<128xi32, #tpu.memory_space<hbm>>
          %dma_start3A_24 = tpu.memref_slice %arg2[%mul3A_23] : memref<80000xi32, #tpu.memory_space<hbm>> -> memref<128xi32, #tpu.memory_space<hbm>>
          tpu.enqueue_dma source(%dma_start3A_24 : memref<128xi32, #tpu.memory_space<hbm>>) target(%arg7 : memref<128xi32, #tpu.memory_space<vmem>>) target_semaphore(%run_scoped3A : memref<!tpu.dma_semaphore, #tpu.memory_space<semaphore_mem>>)
          %dma_wait3A = tpu.memref_slice %arg2[%mul3A_23] : memref<80000xi32, #tpu.memory_space<hbm>> -> memref<128xi32, #tpu.memory_space<hbm>>
          %dma_wait3A_25 = tpu.memref_slice %arg2[%mul3A_23] : memref<80000xi32, #tpu.memory_space<hbm>> -> memref<128xi32, #tpu.memory_space<hbm>>
          tpu.wait_dma2 semaphore(%run_scoped3A : memref<!tpu.dma_semaphore, #tpu.memory_space<semaphore_mem>>) src(%dma_wait3A_25 : memref<128xi32, #tpu.memory_space<hbm>>) dst(%arg7 : memref<128xi32, #tpu.memory_space<vmem>>)
          tpu.yield
        }) : () -> ()
        "tpu.region"() ({
          %run_scoped3A = tpu.sem_alloc : memref<!tpu.dma_semaphore, #tpu.memory_space<semaphore_mem>>
          %dma_start3A = arith.constant 0 : i32
          %dma_start3A_24 = tpu.memref_slice %arg3[%mul3A_23, %dma_start3A] : memref<80000x128xf32, #tpu.memory_space<hbm>> -> memref<128x128xf32, #tpu.memory_space<hbm>>
          %dma_start3A_25 = arith.constant 0 : i32
          %dma_start3A_26 = tpu.memref_slice %arg3[%mul3A_23, %dma_start3A_25] : memref<80000x128xf32, #tpu.memory_space<hbm>> -> memref<128x128xf32, #tpu.memory_space<hbm>>
          tpu.enqueue_dma source(%dma_start3A_26 : memref<128x128xf32, #tpu.memory_space<hbm>>) target(%arg8 : memref<128x128xf32, #tpu.memory_space<vmem>>) target_semaphore(%run_scoped3A : memref<!tpu.dma_semaphore, #tpu.memory_space<semaphore_mem>>)
          %dma_wait3A = arith.constant 0 : i32
          %dma_wait3A_27 = tpu.memref_slice %arg3[%mul3A_23, %dma_wait3A] : memref<80000x128xf32, #tpu.memory_space<hbm>> -> memref<128x128xf32, #tpu.memory_space<hbm>>
          %dma_wait3A_28 = arith.constant 0 : i32
          %dma_wait3A_29 = tpu.memref_slice %arg3[%mul3A_23, %dma_wait3A_28] : memref<80000x128xf32, #tpu.memory_space<hbm>> -> memref<128x128xf32, #tpu.memory_space<hbm>>
          tpu.wait_dma2 semaphore(%run_scoped3A : memref<!tpu.dma_semaphore, #tpu.memory_space<semaphore_mem>>) src(%dma_wait3A_29 : memref<128x128xf32, #tpu.memory_space<hbm>>) dst(%arg8 : memref<128x128xf32, #tpu.memory_space<vmem>>)
          tpu.yield
        }) : () -> ()
        "tpu.region"() ({
          %run_scoped3A = tpu.sem_alloc : memref<!tpu.dma_semaphore, #tpu.memory_space<semaphore_mem>>
          %dma_start3A = arith.constant 0 : i32
          %dma_start3A_24 = arith.constant 0 : i32
          %dma_start3A_25 = tpu.memref_slice %arg6[%dma_start3A, %dma_start3A_24] : memref<10240x128xf32, #tpu.memory_space<vmem_shared>> -> memref<10240x128xf32, #tpu.memory_space<vmem_shared>>
          tpu.enqueue_indirect_dma source(%arg8 : memref<128x128xf32, #tpu.memory_space<vmem>>) target(%dma_start3A_25 : memref<10240x128xf32, #tpu.memory_space<vmem_shared>>) offsets(%arg7 : memref<128xi32, #tpu.memory_space<vmem>>) semaphore(%run_scoped3A : memref<!tpu.dma_semaphore, #tpu.memory_space<semaphore_mem>>) {add = true}
          %dma_wait3A = arith.constant 0 : i32
          %dma_wait3A_26 = arith.constant 0 : i32
          %dma_wait3A_27 = tpu.memref_slice %arg6[%dma_wait3A, %dma_wait3A_26] : memref<10240x128xf32, #tpu.memory_space<vmem_shared>> -> memref<10240x128xf32, #tpu.memory_space<vmem_shared>>
          tpu.wait_indirect_dma semaphore(%run_scoped3A : memref<!tpu.dma_semaphore, #tpu.memory_space<semaphore_mem>>) src(%arg8 : memref<128x128xf32, #tpu.memory_space<vmem>>) dst(%dma_wait3A_27 : memref<10240x128xf32, #tpu.memory_space<vmem_shared>>)
          tpu.yield
        }) : () -> ()
      } else {
      }
    }
    %while3A_11 = arith.constant 1 : i32
    scf.for %while3A_16 = %while3A_9 to %while3A_5 step %while3A_11  : i32 {
      %mul3A_17 = arith.constant 32 : i32
      %mul3A_18 = arith.muli %while3A_16, %mul3A_17 : i32
      %add3A_19 = arith.addi %add3A, %mul3A_18 : i32
      %lt3A = arith.constant 625 : i32
      %lt3A_20 = arith.cmpi slt, %add3A_19, %lt3A : i32
      %convert_element_type3A = arith.extui %lt3A_20 : i1 to i32
      %cond3A = arith.constant 0 : i32
      %cond3A_21 = arith.cmpi ne, %convert_element_type3A, %cond3A : i32
      scf.if %cond3A_21 {
        %mul3A_22 = arith.constant 128 : i32
        %mul3A_23 = arith.muli %add3A_19, %mul3A_22 : i32
        "tpu.region"() ({
          %run_scoped3A = tpu.sem_alloc : memref<!tpu.dma_semaphore, #tpu.memory_space<semaphore_mem>>
          %dma_start3A = tpu.memref_slice %arg2[%mul3A_23] : memref<80000xi32, #tpu.memory_space<hbm>> -> memref<128xi32, #tpu.memory_space<hbm>>
          %dma_start3A_24 = tpu.memref_slice %arg2[%mul3A_23] : memref<80000xi32, #tpu.memory_space<hbm>> -> memref<128xi32, #tpu.memory_space<hbm>>
          tpu.enqueue_dma source(%dma_start3A_24 : memref<128xi32, #tpu.memory_space<hbm>>) target(%arg7 : memref<128xi32, #tpu.memory_space<vmem>>) target_semaphore(%run_scoped3A : memref<!tpu.dma_semaphore, #tpu.memory_space<semaphore_mem>>)
          %dma_wait3A = tpu.memref_slice %arg2[%mul3A_23] : memref<80000xi32, #tpu.memory_space<hbm>> -> memref<128xi32, #tpu.memory_space<hbm>>
          %dma_wait3A_25 = tpu.memref_slice %arg2[%mul3A_23] : memref<80000xi32, #tpu.memory_space<hbm>> -> memref<128xi32, #tpu.memory_space<hbm>>
          tpu.wait_dma2 semaphore(%run_scoped3A : memref<!tpu.dma_semaphore, #tpu.memory_space<semaphore_mem>>) src(%dma_wait3A_25 : memref<128xi32, #tpu.memory_space<hbm>>) dst(%arg7 : memref<128xi32, #tpu.memory_space<vmem>>)
          tpu.yield
        }) : () -> ()
        "tpu.region"() ({
          %run_scoped3A = tpu.sem_alloc : memref<!tpu.dma_semaphore, #tpu.memory_space<semaphore_mem>>
          %dma_start3A = arith.constant 0 : i32
          %dma_start3A_24 = tpu.memref_slice %arg3[%mul3A_23, %dma_start3A] : memref<80000x128xf32, #tpu.memory_space<hbm>> -> memref<128x128xf32, #tpu.memory_space<hbm>>
          %dma_start3A_25 = arith.constant 0 : i32
          %dma_start3A_26 = tpu.memref_slice %arg3[%mul3A_23, %dma_start3A_25] : memref<80000x128xf32, #tpu.memory_space<hbm>> -> memref<128x128xf32, #tpu.memory_space<hbm>>
          tpu.enqueue_dma source(%dma_start3A_26 : memref<128x128xf32, #tpu.memory_space<hbm>>) target(%arg8 : memref<128x128xf32, #tpu.memory_space<vmem>>) target_semaphore(%run_scoped3A : memref<!tpu.dma_semaphore, #tpu.memory_space<semaphore_mem>>)
          %dma_wait3A = arith.constant 0 : i32
          %dma_wait3A_27 = tpu.memref_slice %arg3[%mul3A_23, %dma_wait3A] : memref<80000x128xf32, #tpu.memory_space<hbm>> -> memref<128x128xf32, #tpu.memory_space<hbm>>
          %dma_wait3A_28 = arith.constant 0 : i32
          %dma_wait3A_29 = tpu.memref_slice %arg3[%mul3A_23, %dma_wait3A_28] : memref<80000x128xf32, #tpu.memory_space<hbm>> -> memref<128x128xf32, #tpu.memory_space<hbm>>
          tpu.wait_dma2 semaphore(%run_scoped3A : memref<!tpu.dma_semaphore, #tpu.memory_space<semaphore_mem>>) src(%dma_wait3A_29 : memref<128x128xf32, #tpu.memory_space<hbm>>) dst(%arg8 : memref<128x128xf32, #tpu.memory_space<vmem>>)
          tpu.yield
        }) : () -> ()
        "tpu.region"() ({
          %run_scoped3A = tpu.sem_alloc : memref<!tpu.dma_semaphore, #tpu.memory_space<semaphore_mem>>
          %dma_start3A = arith.constant 0 : i32
          %dma_start3A_24 = arith.constant 0 : i32
          %dma_start3A_25 = tpu.memref_slice %arg6[%dma_start3A, %dma_start3A_24] : memref<10240x128xf32, #tpu.memory_space<vmem_shared>> -> memref<10240x128xf32, #tpu.memory_space<vmem_shared>>
          tpu.enqueue_indirect_dma source(%arg8 : memref<128x128xf32, #tpu.memory_space<vmem>>) target(%dma_start3A_25 : memref<10240x128xf32, #tpu.memory_space<vmem_shared>>) offsets(%arg7 : memref<128xi32, #tpu.memory_space<vmem>>) semaphore(%run_scoped3A : memref<!tpu.dma_semaphore, #tpu.memory_space<semaphore_mem>>) {add = true}
          %dma_wait3A = arith.constant 0 : i32
          %dma_wait3A_26 = arith.constant 0 : i32
          %dma_wait3A_27 = tpu.memref_slice %arg6[%dma_wait3A, %dma_wait3A_26] : memref<10240x128xf32, #tpu.memory_space<vmem_shared>> -> memref<10240x128xf32, #tpu.memory_space<vmem_shared>>
          tpu.wait_indirect_dma semaphore(%run_scoped3A : memref<!tpu.dma_semaphore, #tpu.memory_space<semaphore_mem>>) src(%arg8 : memref<128x128xf32, #tpu.memory_space<vmem>>) dst(%dma_wait3A_27 : memref<10240x128xf32, #tpu.memory_space<vmem_shared>>)
          tpu.yield
        }) : () -> ()
      } else {
      }
    }
    %barrier3A_12 = arith.constant 0 : index
    tpu.barrier barrier_id(%barrier3A_12)
    %mul3A_13 = arith.constant 10240 : i32
    %mul3A_14 = arith.muli %arg0, %mul3A_13 : i32
    %add3A_15 = arith.addi %mul3A_14, %mul3A_2 : i32
    "tpu.region"() ({
      %run_scoped3A = tpu.sem_alloc : memref<!tpu.dma_semaphore, #tpu.memory_space<semaphore_mem>>
      %dma_start3A = arith.constant 0 : i32
      %dma_start3A_16 = tpu.memref_slice %arg5[%add3A_15, %dma_start3A] : memref<20480x128xf32, #tpu.memory_space<hbm>> -> memref<640x128xf32, #tpu.memory_space<hbm>>
      %dma_start3A_17 = arith.constant 0 : i32
      %dma_start3A_18 = tpu.memref_slice %arg6[%mul3A_2, %dma_start3A_17] : memref<10240x128xf32, #tpu.memory_space<vmem_shared>> -> memref<640x128xf32, #tpu.memory_space<vmem_shared>>
      tpu.enqueue_dma source(%dma_start3A_18 : memref<640x128xf32, #tpu.memory_space<vmem_shared>>) target(%dma_start3A_16 : memref<640x128xf32, #tpu.memory_space<hbm>>) target_semaphore(%run_scoped3A : memref<!tpu.dma_semaphore, #tpu.memory_space<semaphore_mem>>)
      %dma_wait3A = arith.constant 0 : i32
      %dma_wait3A_19 = tpu.memref_slice %arg5[%add3A_15, %dma_wait3A] : memref<20480x128xf32, #tpu.memory_space<hbm>> -> memref<640x128xf32, #tpu.memory_space<hbm>>
      %dma_wait3A_20 = arith.constant 0 : i32
      %dma_wait3A_21 = tpu.memref_slice %arg6[%mul3A_2, %dma_wait3A_20] : memref<10240x128xf32, #tpu.memory_space<vmem_shared>> -> memref<640x128xf32, #tpu.memory_space<vmem_shared>>
      tpu.wait_dma2 semaphore(%run_scoped3A : memref<!tpu.dma_semaphore, #tpu.memory_space<semaphore_mem>>) src(%dma_wait3A_21 : memref<640x128xf32, #tpu.memory_space<vmem_shared>>) dst(%dma_wait3A_19 : memref<640x128xf32, #tpu.memory_space<hbm>>)
      tpu.yield
    }) : () -> ()
    return
  }
}

#map = affine_map<(d0, d1) -> (0)>
#map1 = affine_map<(d0, d1) -> (0, 0)>
module attributes {stable_mosaic.version = 14 : i64} {
  func.func @scatter(%arg0: i32, %arg1: i32, %arg2: memref<80000xi32, #tpu.memory_space<hbm>>, %arg3: memref<80000x128xf32, #tpu.memory_space<hbm>>, %arg4: memref<10240x128xf32, #tpu.memory_space<hbm>>, %arg5: memref<20480x128xf32, #tpu.memory_space<hbm>>, %arg6: memref<10240x128xf32, #tpu.memory_space<vmem_shared>>, %arg7: memref<128xi32, #tpu.memory_space<vmem>>, %arg8: memref<128x128xf32, #tpu.memory_space<vmem>>) attributes {dimension_semantics = [#tpu.dimension_semantics<core_parallel>, #tpu.dimension_semantics<subcore_parallel>], iteration_bounds = array<i64: 2, 16>, scalar_prefetch = 0 : i64, scratch_operands = 3 : i64, tpu.core_type = #tpu.core_type<sc_vector_subcore>, window_params = [{transform_indices = #map}, {transform_indices = #map1}, {transform_indices = #map1}, {transform_indices = #map1}]} {
    %mul3A = arith.constant 2 : i32
    %mul3A_0 = arith.muli %arg1, %mul3A : i32
    %add3A = arith.addi %mul3A_0, %arg0 : i32
    %mul3A_1 = arith.constant 640 : i32
    %mul3A_2 = arith.muli %arg1, %mul3A_1 : i32
    "tpu.region"() ({
      %run_scoped3A = tpu.sem_alloc : memref<!tpu.dma_semaphore, #tpu.memory_space<semaphore_mem>>
      %dma_start3A = arith.constant 0 : i32
      %dma_start3A_16 = tpu.memref_slice %arg6[%mul3A_2, %dma_start3A] : memref<10240x128xf32, #tpu.memory_space<vmem_shared>> -> memref<640x128xf32, #tpu.memory_space<vmem_shared>>
      %dma_start3A_17 = arith.constant 0 : i32
      %dma_start3A_18 = tpu.memref_slice %arg4[%mul3A_2, %dma_start3A_17] : memref<10240x128xf32, #tpu.memory_space<hbm>> -> memref<640x128xf32, #tpu.memory_space<hbm>>
      tpu.enqueue_dma source(%dma_start3A_18 : memref<640x128xf32, #tpu.memory_space<hbm>>) target(%dma_start3A_16 : memref<640x128xf32, #tpu.memory_space<vmem_shared>>) target_semaphore(%run_scoped3A : memref<!tpu.dma_semaphore, #tpu.memory_space<semaphore_mem>>)
      %dma_wait3A = arith.constant 0 : i32
      %dma_wait3A_19 = tpu.memref_slice %arg6[%mul3A_2, %dma_wait3A] : memref<10240x128xf32, #tpu.memory_space<vmem_shared>> -> memref<640x128xf32, #tpu.memory_space<vmem_shared>>
      %dma_wait3A_20 = arith.constant 0 : i32
      %dma_wait3A_21 = tpu.memref_slice %arg4[%mul3A_2, %dma_wait3A_20] : memref<10240x128xf32, #tpu.memory_space<hbm>> -> memref<640x128xf32, #tpu.memory_space<hbm>>
      tpu.wait_dma2 semaphore(%run_scoped3A : memref<!tpu.dma_semaphore, #tpu.memory_space<semaphore_mem>>) src(%dma_wait3A_21 : memref<640x128xf32, #tpu.memory_space<hbm>>) dst(%dma_wait3A_19 : memref<640x128xf32, #tpu.memory_space<vmem_shared>>)
      tpu.yield
    }) : () -> ()
    %barrier3A = arith.constant 0 : index
    tpu.barrier barrier_id(%barrier3A)
    %while3A = arith.constant 0 : i32
    %while3A_3 = arith.constant 20 : i32
    %while3A_4 = arith.subi %while3A_3, %while3A : i32
    %while3A_5 = arith.addi %while3A, %while3A_4 : i32
    %while3A_6 = arith.constant 1 : i32
    %while3A_7 = arith.divsi %while3A_4, %while3A_6 : i32
    %while3A_8 = arith.muli %while3A_7, %while3A_6 : i32
    %while3A_9 = arith.addi %while3A, %while3A_8 : i32
    %while3A_10 = arith.constant 1 : i32
    scf.for %while3A_16 = %while3A to %while3A_9 step %while3A_10  : i32 {
      %mul3A_17 = arith.constant 32 : i32
      %mul3A_18 = arith.muli %while3A_16, %mul3A_17 : i32
      %add3A_19 = arith.addi %add3A, %mul3A_18 : i32
      %lt3A = arith.constant 625 : i32
      %lt3A_20 = arith.cmpi slt, %add3A_19, %lt3A : i32
      %convert_element_type3A = arith.extui %lt3A_20 : i1 to i32
      %cond3A = arith.constant 0 : i32
      %cond3A_21 = arith.cmpi ne, %convert_element_type3A, %cond3A : i32
      scf.if %cond3A_21 {
        %mul3A_22 = arith.constant 128 : i32
        %mul3A_23 = arith.muli %add3A_19, %mul3A_22 : i32
        "tpu.region"() ({
          %run_scoped3A = tpu.sem_alloc : memref<!tpu.dma_semaphore, #tpu.memory_space<semaphore_mem>>
          %dma_start3A = tpu.memref_slice %arg2[%mul3A_23] : memref<80000xi32, #tpu.memory_space<hbm>> -> memref<128xi32, #tpu.memory_space<hbm>>
          %dma_start3A_24 = tpu.memref_slice %arg2[%mul3A_23] : memref<80000xi32, #tpu.memory_space<hbm>> -> memref<128xi32, #tpu.memory_space<hbm>>
          tpu.enqueue_dma source(%dma_start3A_24 : memref<128xi32, #tpu.memory_space<hbm>>) target(%arg7 : memref<128xi32, #tpu.memory_space<vmem>>) target_semaphore(%run_scoped3A : memref<!tpu.dma_semaphore, #tpu.memory_space<semaphore_mem>>)
          %dma_wait3A = tpu.memref_slice %arg2[%mul3A_23] : memref<80000xi32, #tpu.memory_space<hbm>> -> memref<128xi32, #tpu.memory_space<hbm>>
          %dma_wait3A_25 = tpu.memref_slice %arg2[%mul3A_23] : memref<80000xi32, #tpu.memory_space<hbm>> -> memref<128xi32, #tpu.memory_space<hbm>>
          tpu.wait_dma2 semaphore(%run_scoped3A : memref<!tpu.dma_semaphore, #tpu.memory_space<semaphore_mem>>) src(%dma_wait3A_25 : memref<128xi32, #tpu.memory_space<hbm>>) dst(%arg7 : memref<128xi32, #tpu.memory_space<vmem>>)
          tpu.yield
        }) : () -> ()
        "tpu.region"() ({
          %run_scoped3A = tpu.sem_alloc : memref<!tpu.dma_semaphore, #tpu.memory_space<semaphore_mem>>
          %dma_start3A = arith.constant 0 : i32
          %dma_start3A_24 = tpu.memref_slice %arg3[%mul3A_23, %dma_start3A] : memref<80000x128xf32, #tpu.memory_space<hbm>> -> memref<128x128xf32, #tpu.memory_space<hbm>>
          %dma_start3A_25 = arith.constant 0 : i32
          %dma_start3A_26 = tpu.memref_slice %arg3[%mul3A_23, %dma_start3A_25] : memref<80000x128xf32, #tpu.memory_space<hbm>> -> memref<128x128xf32, #tpu.memory_space<hbm>>
          tpu.enqueue_dma source(%dma_start3A_26 : memref<128x128xf32, #tpu.memory_space<hbm>>) target(%arg8 : memref<128x128xf32, #tpu.memory_space<vmem>>) target_semaphore(%run_scoped3A : memref<!tpu.dma_semaphore, #tpu.memory_space<semaphore_mem>>)
          %dma_wait3A = arith.constant 0 : i32
          %dma_wait3A_27 = tpu.memref_slice %arg3[%mul3A_23, %dma_wait3A] : memref<80000x128xf32, #tpu.memory_space<hbm>> -> memref<128x128xf32, #tpu.memory_space<hbm>>
          %dma_wait3A_28 = arith.constant 0 : i32
          %dma_wait3A_29 = tpu.memref_slice %arg3[%mul3A_23, %dma_wait3A_28] : memref<80000x128xf32, #tpu.memory_space<hbm>> -> memref<128x128xf32, #tpu.memory_space<hbm>>
          tpu.wait_dma2 semaphore(%run_scoped3A : memref<!tpu.dma_semaphore, #tpu.memory_space<semaphore_mem>>) src(%dma_wait3A_29 : memref<128x128xf32, #tpu.memory_space<hbm>>) dst(%arg8 : memref<128x128xf32, #tpu.memory_space<vmem>>)
          tpu.yield
        }) : () -> ()
        "tpu.region"() ({
          %run_scoped3A = tpu.sem_alloc : memref<!tpu.dma_semaphore, #tpu.memory_space<semaphore_mem>>
          %dma_start3A = arith.constant 0 : i32
          %dma_start3A_24 = arith.constant 0 : i32
          %dma_start3A_25 = tpu.memref_slice %arg6[%dma_start3A, %dma_start3A_24] : memref<10240x128xf32, #tpu.memory_space<vmem_shared>> -> memref<10240x128xf32, #tpu.memory_space<vmem_shared>>
          tpu.enqueue_indirect_dma source(%arg8 : memref<128x128xf32, #tpu.memory_space<vmem>>) target(%dma_start3A_25 : memref<10240x128xf32, #tpu.memory_space<vmem_shared>>) offsets(%arg7 : memref<128xi32, #tpu.memory_space<vmem>>) semaphore(%run_scoped3A : memref<!tpu.dma_semaphore, #tpu.memory_space<semaphore_mem>>) {add = true}
          %dma_wait3A = arith.constant 0 : i32
          %dma_wait3A_26 = arith.constant 0 : i32
          %dma_wait3A_27 = tpu.memref_slice %arg6[%dma_wait3A, %dma_wait3A_26] : memref<10240x128xf32, #tpu.memory_space<vmem_shared>> -> memref<10240x128xf32, #tpu.memory_space<vmem_shared>>
          tpu.wait_indirect_dma semaphore(%run_scoped3A : memref<!tpu.dma_semaphore, #tpu.memory_space<semaphore_mem>>) src(%arg8 : memref<128x128xf32, #tpu.memory_space<vmem>>) dst(%dma_wait3A_27 : memref<10240x128xf32, #tpu.memory_space<vmem_shared>>)
          tpu.yield
        }) : () -> ()
      } else {
      }
    }
    %while3A_11 = arith.constant 1 : i32
    scf.for %while3A_16 = %while3A_9 to %while3A_5 step %while3A_11  : i32 {
      %mul3A_17 = arith.constant 32 : i32
      %mul3A_18 = arith.muli %while3A_16, %mul3A_17 : i32
      %add3A_19 = arith.addi %add3A, %mul3A_18 : i32
      %lt3A = arith.constant 625 : i32
      %lt3A_20 = arith.cmpi slt, %add3A_19, %lt3A : i32
      %convert_element_type3A = arith.extui %lt3A_20 : i1 to i32
      %cond3A = arith.constant 0 : i32
      %cond3A_21 = arith.cmpi ne, %convert_element_type3A, %cond3A : i32
      scf.if %cond3A_21 {
        %mul3A_22 = arith.constant 128 : i32
        %mul3A_23 = arith.muli %add3A_19, %mul3A_22 : i32
        "tpu.region"() ({
          %run_scoped3A = tpu.sem_alloc : memref<!tpu.dma_semaphore, #tpu.memory_space<semaphore_mem>>
          %dma_start3A = tpu.memref_slice %arg2[%mul3A_23] : memref<80000xi32, #tpu.memory_space<hbm>> -> memref<128xi32, #tpu.memory_space<hbm>>
          %dma_start3A_24 = tpu.memref_slice %arg2[%mul3A_23] : memref<80000xi32, #tpu.memory_space<hbm>> -> memref<128xi32, #tpu.memory_space<hbm>>
          tpu.enqueue_dma source(%dma_start3A_24 : memref<128xi32, #tpu.memory_space<hbm>>) target(%arg7 : memref<128xi32, #tpu.memory_space<vmem>>) target_semaphore(%run_scoped3A : memref<!tpu.dma_semaphore, #tpu.memory_space<semaphore_mem>>)
          %dma_wait3A = tpu.memref_slice %arg2[%mul3A_23] : memref<80000xi32, #tpu.memory_space<hbm>> -> memref<128xi32, #tpu.memory_space<hbm>>
          %dma_wait3A_25 = tpu.memref_slice %arg2[%mul3A_23] : memref<80000xi32, #tpu.memory_space<hbm>> -> memref<128xi32, #tpu.memory_space<hbm>>
          tpu.wait_dma2 semaphore(%run_scoped3A : memref<!tpu.dma_semaphore, #tpu.memory_space<semaphore_mem>>) src(%dma_wait3A_25 : memref<128xi32, #tpu.memory_space<hbm>>) dst(%arg7 : memref<128xi32, #tpu.memory_space<vmem>>)
          tpu.yield
        }) : () -> ()
        "tpu.region"() ({
          %run_scoped3A = tpu.sem_alloc : memref<!tpu.dma_semaphore, #tpu.memory_space<semaphore_mem>>
          %dma_start3A = arith.constant 0 : i32
          %dma_start3A_24 = tpu.memref_slice %arg3[%mul3A_23, %dma_start3A] : memref<80000x128xf32, #tpu.memory_space<hbm>> -> memref<128x128xf32, #tpu.memory_space<hbm>>
          %dma_start3A_25 = arith.constant 0 : i32
          %dma_start3A_26 = tpu.memref_slice %arg3[%mul3A_23, %dma_start3A_25] : memref<80000x128xf32, #tpu.memory_space<hbm>> -> memref<128x128xf32, #tpu.memory_space<hbm>>
          tpu.enqueue_dma source(%dma_start3A_26 : memref<128x128xf32, #tpu.memory_space<hbm>>) target(%arg8 : memref<128x128xf32, #tpu.memory_space<vmem>>) target_semaphore(%run_scoped3A : memref<!tpu.dma_semaphore, #tpu.memory_space<semaphore_mem>>)
          %dma_wait3A = arith.constant 0 : i32
          %dma_wait3A_27 = tpu.memref_slice %arg3[%mul3A_23, %dma_wait3A] : memref<80000x128xf32, #tpu.memory_space<hbm>> -> memref<128x128xf32, #tpu.memory_space<hbm>>
          %dma_wait3A_28 = arith.constant 0 : i32
          %dma_wait3A_29 = tpu.memref_slice %arg3[%mul3A_23, %dma_wait3A_28] : memref<80000x128xf32, #tpu.memory_space<hbm>> -> memref<128x128xf32, #tpu.memory_space<hbm>>
          tpu.wait_dma2 semaphore(%run_scoped3A : memref<!tpu.dma_semaphore, #tpu.memory_space<semaphore_mem>>) src(%dma_wait3A_29 : memref<128x128xf32, #tpu.memory_space<hbm>>) dst(%arg8 : memref<128x128xf32, #tpu.memory_space<vmem>>)
          tpu.yield
        }) : () -> ()
        "tpu.region"() ({
          %run_scoped3A = tpu.sem_alloc : memref<!tpu.dma_semaphore, #tpu.memory_space<semaphore_mem>>
          %dma_start3A = arith.constant 0 : i32
          %dma_start3A_24 = arith.constant 0 : i32
          %dma_start3A_25 = tpu.memref_slice %arg6[%dma_start3A, %dma_start3A_24] : memref<10240x128xf32, #tpu.memory_space<vmem_shared>> -> memref<10240x128xf32, #tpu.memory_space<vmem_shared>>
          tpu.enqueue_indirect_dma source(%arg8 : memref<128x128xf32, #tpu.memory_space<vmem>>) target(%dma_start3A_25 : memref<10240x128xf32, #tpu.memory_space<vmem_shared>>) offsets(%arg7 : memref<128xi32, #tpu.memory_space<vmem>>) semaphore(%run_scoped3A : memref<!tpu.dma_semaphore, #tpu.memory_space<semaphore_mem>>) {add = true}
          %dma_wait3A = arith.constant 0 : i32
          %dma_wait3A_26 = arith.constant 0 : i32
          %dma_wait3A_27 = tpu.memref_slice %arg6[%dma_wait3A, %dma_wait3A_26] : memref<10240x128xf32, #tpu.memory_space<vmem_shared>> -> memref<10240x128xf32, #tpu.memory_space<vmem_shared>>
          tpu.wait_indirect_dma semaphore(%run_scoped3A : memref<!tpu.dma_semaphore, #tpu.memory_space<semaphore_mem>>) src(%arg8 : memref<128x128xf32, #tpu.memory_space<vmem>>) dst(%dma_wait3A_27 : memref<10240x128xf32, #tpu.memory_space<vmem_shared>>)
          tpu.yield
        }) : () -> ()
      } else {
      }
    }
    %barrier3A_12 = arith.constant 0 : index
    tpu.barrier barrier_id(%barrier3A_12)
    %mul3A_13 = arith.constant 10240 : i32
    %mul3A_14 = arith.muli %arg0, %mul3A_13 : i32
    %add3A_15 = arith.addi %mul3A_14, %mul3A_2 : i32
    "tpu.region"() ({
      %run_scoped3A = tpu.sem_alloc : memref<!tpu.dma_semaphore, #tpu.memory_space<semaphore_mem>>
      %dma_start3A = arith.constant 0 : i32
      %dma_start3A_16 = tpu.memref_slice %arg5[%add3A_15, %dma_start3A] : memref<20480x128xf32, #tpu.memory_space<hbm>> -> memref<640x128xf32, #tpu.memory_space<hbm>>
      %dma_start3A_17 = arith.constant 0 : i32
      %dma_start3A_18 = tpu.memref_slice %arg6[%mul3A_2, %dma_start3A_17] : memref<10240x128xf32, #tpu.memory_space<vmem_shared>> -> memref<640x128xf32, #tpu.memory_space<vmem_shared>>
      tpu.enqueue_dma source(%dma_start3A_18 : memref<640x128xf32, #tpu.memory_space<vmem_shared>>) target(%dma_start3A_16 : memref<640x128xf32, #tpu.memory_space<hbm>>) target_semaphore(%run_scoped3A : memref<!tpu.dma_semaphore, #tpu.memory_space<semaphore_mem>>)
      %dma_wait3A = arith.constant 0 : i32
      %dma_wait3A_19 = tpu.memref_slice %arg5[%add3A_15, %dma_wait3A] : memref<20480x128xf32, #tpu.memory_space<hbm>> -> memref<640x128xf32, #tpu.memory_space<hbm>>
      %dma_wait3A_20 = arith.constant 0 : i32
      %dma_wait3A_21 = tpu.memref_slice %arg6[%mul3A_2, %dma_wait3A_20] : memref<10240x128xf32, #tpu.memory_space<vmem_shared>> -> memref<640x128xf32, #tpu.memory_space<vmem_shared>>
      tpu.wait_dma2 semaphore(%run_scoped3A : memref<!tpu.dma_semaphore, #tpu.memory_space<semaphore_mem>>) src(%dma_wait3A_21 : memref<640x128xf32, #tpu.memory_space<vmem_shared>>) dst(%dma_wait3A_19 : memref<640x128xf32, #tpu.memory_space<hbm>>)
      tpu.yield
    }) : () -> ()
    return
  }
}

#map = affine_map<(d0, d1) -> (0)>
#map1 = affine_map<(d0, d1) -> (0, 0)>
module attributes {stable_mosaic.version = 14 : i64} {
  func.func @scatter(%arg0: i32, %arg1: i32, %arg2: memref<80000xi32, #tpu.memory_space<hbm>>, %arg3: memref<80000x128xf32, #tpu.memory_space<hbm>>, %arg4: memref<10240x128xf32, #tpu.memory_space<hbm>>, %arg5: memref<20480x128xf32, #tpu.memory_space<hbm>>, %arg6: memref<10240x128xf32, #tpu.memory_space<vmem_shared>>, %arg7: memref<128xi32, #tpu.memory_space<vmem>>, %arg8: memref<128x128xf32, #tpu.memory_space<vmem>>) attributes {dimension_semantics = [#tpu.dimension_semantics<core_parallel>, #tpu.dimension_semantics<subcore_parallel>], iteration_bounds = array<i64: 2, 16>, scalar_prefetch = 0 : i64, scratch_operands = 3 : i64, tpu.core_type = #tpu.core_type<sc_vector_subcore>, window_params = [{transform_indices = #map}, {transform_indices = #map1}, {transform_indices = #map1}, {transform_indices = #map1}]} {
    %mul3A = arith.constant 2 : i32
    %mul3A_0 = arith.muli %arg1, %mul3A : i32
    %add3A = arith.addi %mul3A_0, %arg0 : i32
    %mul3A_1 = arith.constant 640 : i32
    %mul3A_2 = arith.muli %arg1, %mul3A_1 : i32
    "tpu.region"() ({
      %run_scoped3A = tpu.sem_alloc : memref<!tpu.dma_semaphore, #tpu.memory_space<semaphore_mem>>
      %dma_start3A = arith.constant 0 : i32
      %dma_start3A_16 = tpu.memref_slice %arg6[%mul3A_2, %dma_start3A] : memref<10240x128xf32, #tpu.memory_space<vmem_shared>> -> memref<640x128xf32, #tpu.memory_space<vmem_shared>>
      %dma_start3A_17 = arith.constant 0 : i32
      %dma_start3A_18 = tpu.memref_slice %arg4[%mul3A_2, %dma_start3A_17] : memref<10240x128xf32, #tpu.memory_space<hbm>> -> memref<640x128xf32, #tpu.memory_space<hbm>>
      tpu.enqueue_dma source(%dma_start3A_18 : memref<640x128xf32, #tpu.memory_space<hbm>>) target(%dma_start3A_16 : memref<640x128xf32, #tpu.memory_space<vmem_shared>>) target_semaphore(%run_scoped3A : memref<!tpu.dma_semaphore, #tpu.memory_space<semaphore_mem>>)
      %dma_wait3A = arith.constant 0 : i32
      %dma_wait3A_19 = tpu.memref_slice %arg6[%mul3A_2, %dma_wait3A] : memref<10240x128xf32, #tpu.memory_space<vmem_shared>> -> memref<640x128xf32, #tpu.memory_space<vmem_shared>>
      %dma_wait3A_20 = arith.constant 0 : i32
      %dma_wait3A_21 = tpu.memref_slice %arg4[%mul3A_2, %dma_wait3A_20] : memref<10240x128xf32, #tpu.memory_space<hbm>> -> memref<640x128xf32, #tpu.memory_space<hbm>>
      tpu.wait_dma2 semaphore(%run_scoped3A : memref<!tpu.dma_semaphore, #tpu.memory_space<semaphore_mem>>) src(%dma_wait3A_21 : memref<640x128xf32, #tpu.memory_space<hbm>>) dst(%dma_wait3A_19 : memref<640x128xf32, #tpu.memory_space<vmem_shared>>)
      tpu.yield
    }) : () -> ()
    %barrier3A = arith.constant 0 : index
    tpu.barrier barrier_id(%barrier3A)
    %while3A = arith.constant 0 : i32
    %while3A_3 = arith.constant 20 : i32
    %while3A_4 = arith.subi %while3A_3, %while3A : i32
    %while3A_5 = arith.addi %while3A, %while3A_4 : i32
    %while3A_6 = arith.constant 1 : i32
    %while3A_7 = arith.divsi %while3A_4, %while3A_6 : i32
    %while3A_8 = arith.muli %while3A_7, %while3A_6 : i32
    %while3A_9 = arith.addi %while3A, %while3A_8 : i32
    %while3A_10 = arith.constant 1 : i32
    scf.for %while3A_16 = %while3A to %while3A_9 step %while3A_10  : i32 {
      %mul3A_17 = arith.constant 32 : i32
      %mul3A_18 = arith.muli %while3A_16, %mul3A_17 : i32
      %add3A_19 = arith.addi %add3A, %mul3A_18 : i32
      %lt3A = arith.constant 625 : i32
      %lt3A_20 = arith.cmpi slt, %add3A_19, %lt3A : i32
      %convert_element_type3A = arith.extui %lt3A_20 : i1 to i32
      %cond3A = arith.constant 0 : i32
      %cond3A_21 = arith.cmpi ne, %convert_element_type3A, %cond3A : i32
      scf.if %cond3A_21 {
        %mul3A_22 = arith.constant 128 : i32
        %mul3A_23 = arith.muli %add3A_19, %mul3A_22 : i32
        "tpu.region"() ({
          %run_scoped3A = tpu.sem_alloc : memref<!tpu.dma_semaphore, #tpu.memory_space<semaphore_mem>>
          %dma_start3A = tpu.memref_slice %arg2[%mul3A_23] : memref<80000xi32, #tpu.memory_space<hbm>> -> memref<128xi32, #tpu.memory_space<hbm>>
          %dma_start3A_24 = tpu.memref_slice %arg2[%mul3A_23] : memref<80000xi32, #tpu.memory_space<hbm>> -> memref<128xi32, #tpu.memory_space<hbm>>
          tpu.enqueue_dma source(%dma_start3A_24 : memref<128xi32, #tpu.memory_space<hbm>>) target(%arg7 : memref<128xi32, #tpu.memory_space<vmem>>) target_semaphore(%run_scoped3A : memref<!tpu.dma_semaphore, #tpu.memory_space<semaphore_mem>>)
          %dma_wait3A = tpu.memref_slice %arg2[%mul3A_23] : memref<80000xi32, #tpu.memory_space<hbm>> -> memref<128xi32, #tpu.memory_space<hbm>>
          %dma_wait3A_25 = tpu.memref_slice %arg2[%mul3A_23] : memref<80000xi32, #tpu.memory_space<hbm>> -> memref<128xi32, #tpu.memory_space<hbm>>
          tpu.wait_dma2 semaphore(%run_scoped3A : memref<!tpu.dma_semaphore, #tpu.memory_space<semaphore_mem>>) src(%dma_wait3A_25 : memref<128xi32, #tpu.memory_space<hbm>>) dst(%arg7 : memref<128xi32, #tpu.memory_space<vmem>>)
          tpu.yield
        }) : () -> ()
        "tpu.region"() ({
          %run_scoped3A = tpu.sem_alloc : memref<!tpu.dma_semaphore, #tpu.memory_space<semaphore_mem>>
          %dma_start3A = arith.constant 0 : i32
          %dma_start3A_24 = tpu.memref_slice %arg3[%mul3A_23, %dma_start3A] : memref<80000x128xf32, #tpu.memory_space<hbm>> -> memref<128x128xf32, #tpu.memory_space<hbm>>
          %dma_start3A_25 = arith.constant 0 : i32
          %dma_start3A_26 = tpu.memref_slice %arg3[%mul3A_23, %dma_start3A_25] : memref<80000x128xf32, #tpu.memory_space<hbm>> -> memref<128x128xf32, #tpu.memory_space<hbm>>
          tpu.enqueue_dma source(%dma_start3A_26 : memref<128x128xf32, #tpu.memory_space<hbm>>) target(%arg8 : memref<128x128xf32, #tpu.memory_space<vmem>>) target_semaphore(%run_scoped3A : memref<!tpu.dma_semaphore, #tpu.memory_space<semaphore_mem>>)
          %dma_wait3A = arith.constant 0 : i32
          %dma_wait3A_27 = tpu.memref_slice %arg3[%mul3A_23, %dma_wait3A] : memref<80000x128xf32, #tpu.memory_space<hbm>> -> memref<128x128xf32, #tpu.memory_space<hbm>>
          %dma_wait3A_28 = arith.constant 0 : i32
          %dma_wait3A_29 = tpu.memref_slice %arg3[%mul3A_23, %dma_wait3A_28] : memref<80000x128xf32, #tpu.memory_space<hbm>> -> memref<128x128xf32, #tpu.memory_space<hbm>>
          tpu.wait_dma2 semaphore(%run_scoped3A : memref<!tpu.dma_semaphore, #tpu.memory_space<semaphore_mem>>) src(%dma_wait3A_29 : memref<128x128xf32, #tpu.memory_space<hbm>>) dst(%arg8 : memref<128x128xf32, #tpu.memory_space<vmem>>)
          tpu.yield
        }) : () -> ()
        "tpu.region"() ({
          %run_scoped3A = tpu.sem_alloc : memref<!tpu.dma_semaphore, #tpu.memory_space<semaphore_mem>>
          %dma_start3A = arith.constant 0 : i32
          %dma_start3A_24 = arith.constant 0 : i32
          %dma_start3A_25 = tpu.memref_slice %arg6[%dma_start3A, %dma_start3A_24] : memref<10240x128xf32, #tpu.memory_space<vmem_shared>> -> memref<10240x128xf32, #tpu.memory_space<vmem_shared>>
          tpu.enqueue_indirect_dma source(%arg8 : memref<128x128xf32, #tpu.memory_space<vmem>>) target(%dma_start3A_25 : memref<10240x128xf32, #tpu.memory_space<vmem_shared>>) offsets(%arg7 : memref<128xi32, #tpu.memory_space<vmem>>) semaphore(%run_scoped3A : memref<!tpu.dma_semaphore, #tpu.memory_space<semaphore_mem>>) {add = true}
          %dma_wait3A = arith.constant 0 : i32
          %dma_wait3A_26 = arith.constant 0 : i32
          %dma_wait3A_27 = tpu.memref_slice %arg6[%dma_wait3A, %dma_wait3A_26] : memref<10240x128xf32, #tpu.memory_space<vmem_shared>> -> memref<10240x128xf32, #tpu.memory_space<vmem_shared>>
          tpu.wait_indirect_dma semaphore(%run_scoped3A : memref<!tpu.dma_semaphore, #tpu.memory_space<semaphore_mem>>) src(%arg8 : memref<128x128xf32, #tpu.memory_space<vmem>>) dst(%dma_wait3A_27 : memref<10240x128xf32, #tpu.memory_space<vmem_shared>>)
          tpu.yield
        }) : () -> ()
      } else {
      }
    }
    %while3A_11 = arith.constant 1 : i32
    scf.for %while3A_16 = %while3A_9 to %while3A_5 step %while3A_11  : i32 {
      %mul3A_17 = arith.constant 32 : i32
      %mul3A_18 = arith.muli %while3A_16, %mul3A_17 : i32
      %add3A_19 = arith.addi %add3A, %mul3A_18 : i32
      %lt3A = arith.constant 625 : i32
      %lt3A_20 = arith.cmpi slt, %add3A_19, %lt3A : i32
      %convert_element_type3A = arith.extui %lt3A_20 : i1 to i32
      %cond3A = arith.constant 0 : i32
      %cond3A_21 = arith.cmpi ne, %convert_element_type3A, %cond3A : i32
      scf.if %cond3A_21 {
        %mul3A_22 = arith.constant 128 : i32
        %mul3A_23 = arith.muli %add3A_19, %mul3A_22 : i32
        "tpu.region"() ({
          %run_scoped3A = tpu.sem_alloc : memref<!tpu.dma_semaphore, #tpu.memory_space<semaphore_mem>>
          %dma_start3A = tpu.memref_slice %arg2[%mul3A_23] : memref<80000xi32, #tpu.memory_space<hbm>> -> memref<128xi32, #tpu.memory_space<hbm>>
          %dma_start3A_24 = tpu.memref_slice %arg2[%mul3A_23] : memref<80000xi32, #tpu.memory_space<hbm>> -> memref<128xi32, #tpu.memory_space<hbm>>
          tpu.enqueue_dma source(%dma_start3A_24 : memref<128xi32, #tpu.memory_space<hbm>>) target(%arg7 : memref<128xi32, #tpu.memory_space<vmem>>) target_semaphore(%run_scoped3A : memref<!tpu.dma_semaphore, #tpu.memory_space<semaphore_mem>>)
          %dma_wait3A = tpu.memref_slice %arg2[%mul3A_23] : memref<80000xi32, #tpu.memory_space<hbm>> -> memref<128xi32, #tpu.memory_space<hbm>>
          %dma_wait3A_25 = tpu.memref_slice %arg2[%mul3A_23] : memref<80000xi32, #tpu.memory_space<hbm>> -> memref<128xi32, #tpu.memory_space<hbm>>
          tpu.wait_dma2 semaphore(%run_scoped3A : memref<!tpu.dma_semaphore, #tpu.memory_space<semaphore_mem>>) src(%dma_wait3A_25 : memref<128xi32, #tpu.memory_space<hbm>>) dst(%arg7 : memref<128xi32, #tpu.memory_space<vmem>>)
          tpu.yield
        }) : () -> ()
        "tpu.region"() ({
          %run_scoped3A = tpu.sem_alloc : memref<!tpu.dma_semaphore, #tpu.memory_space<semaphore_mem>>
          %dma_start3A = arith.constant 0 : i32
          %dma_start3A_24 = tpu.memref_slice %arg3[%mul3A_23, %dma_start3A] : memref<80000x128xf32, #tpu.memory_space<hbm>> -> memref<128x128xf32, #tpu.memory_space<hbm>>
          %dma_start3A_25 = arith.constant 0 : i32
          %dma_start3A_26 = tpu.memref_slice %arg3[%mul3A_23, %dma_start3A_25] : memref<80000x128xf32, #tpu.memory_space<hbm>> -> memref<128x128xf32, #tpu.memory_space<hbm>>
          tpu.enqueue_dma source(%dma_start3A_26 : memref<128x128xf32, #tpu.memory_space<hbm>>) target(%arg8 : memref<128x128xf32, #tpu.memory_space<vmem>>) target_semaphore(%run_scoped3A : memref<!tpu.dma_semaphore, #tpu.memory_space<semaphore_mem>>)
          %dma_wait3A = arith.constant 0 : i32
          %dma_wait3A_27 = tpu.memref_slice %arg3[%mul3A_23, %dma_wait3A] : memref<80000x128xf32, #tpu.memory_space<hbm>> -> memref<128x128xf32, #tpu.memory_space<hbm>>
          %dma_wait3A_28 = arith.constant 0 : i32
          %dma_wait3A_29 = tpu.memref_slice %arg3[%mul3A_23, %dma_wait3A_28] : memref<80000x128xf32, #tpu.memory_space<hbm>> -> memref<128x128xf32, #tpu.memory_space<hbm>>
          tpu.wait_dma2 semaphore(%run_scoped3A : memref<!tpu.dma_semaphore, #tpu.memory_space<semaphore_mem>>) src(%dma_wait3A_29 : memref<128x128xf32, #tpu.memory_space<hbm>>) dst(%arg8 : memref<128x128xf32, #tpu.memory_space<vmem>>)
          tpu.yield
        }) : () -> ()
        "tpu.region"() ({
          %run_scoped3A = tpu.sem_alloc : memref<!tpu.dma_semaphore, #tpu.memory_space<semaphore_mem>>
          %dma_start3A = arith.constant 0 : i32
          %dma_start3A_24 = arith.constant 0 : i32
          %dma_start3A_25 = tpu.memref_slice %arg6[%dma_start3A, %dma_start3A_24] : memref<10240x128xf32, #tpu.memory_space<vmem_shared>> -> memref<10240x128xf32, #tpu.memory_space<vmem_shared>>
          tpu.enqueue_indirect_dma source(%arg8 : memref<128x128xf32, #tpu.memory_space<vmem>>) target(%dma_start3A_25 : memref<10240x128xf32, #tpu.memory_space<vmem_shared>>) offsets(%arg7 : memref<128xi32, #tpu.memory_space<vmem>>) semaphore(%run_scoped3A : memref<!tpu.dma_semaphore, #tpu.memory_space<semaphore_mem>>) {add = true}
          %dma_wait3A = arith.constant 0 : i32
          %dma_wait3A_26 = arith.constant 0 : i32
          %dma_wait3A_27 = tpu.memref_slice %arg6[%dma_wait3A, %dma_wait3A_26] : memref<10240x128xf32, #tpu.memory_space<vmem_shared>> -> memref<10240x128xf32, #tpu.memory_space<vmem_shared>>
          tpu.wait_indirect_dma semaphore(%run_scoped3A : memref<!tpu.dma_semaphore, #tpu.memory_space<semaphore_mem>>) src(%arg8 : memref<128x128xf32, #tpu.memory_space<vmem>>) dst(%dma_wait3A_27 : memref<10240x128xf32, #tpu.memory_space<vmem_shared>>)
          tpu.yield
        }) : () -> ()
      } else {
      }
    }
    %barrier3A_12 = arith.constant 0 : index
    tpu.barrier barrier_id(%barrier3A_12)
    %mul3A_13 = arith.constant 10240 : i32
    %mul3A_14 = arith.muli %arg0, %mul3A_13 : i32
    %add3A_15 = arith.addi %mul3A_14, %mul3A_2 : i32
    "tpu.region"() ({
      %run_scoped3A = tpu.sem_alloc : memref<!tpu.dma_semaphore, #tpu.memory_space<semaphore_mem>>
      %dma_start3A = arith.constant 0 : i32
      %dma_start3A_16 = tpu.memref_slice %arg5[%add3A_15, %dma_start3A] : memref<20480x128xf32, #tpu.memory_space<hbm>> -> memref<640x128xf32, #tpu.memory_space<hbm>>
      %dma_start3A_17 = arith.constant 0 : i32
      %dma_start3A_18 = tpu.memref_slice %arg6[%mul3A_2, %dma_start3A_17] : memref<10240x128xf32, #tpu.memory_space<vmem_shared>> -> memref<640x128xf32, #tpu.memory_space<vmem_shared>>
      tpu.enqueue_dma source(%dma_start3A_18 : memref<640x128xf32, #tpu.memory_space<vmem_shared>>) target(%dma_start3A_16 : memref<640x128xf32, #tpu.memory_space<hbm>>) target_semaphore(%run_scoped3A : memref<!tpu.dma_semaphore, #tpu.memory_space<semaphore_mem>>)
      %dma_wait3A = arith.constant 0 : i32
      %dma_wait3A_19 = tpu.memref_slice %arg5[%add3A_15, %dma_wait3A] : memref<20480x128xf32, #tpu.memory_space<hbm>> -> memref<640x128xf32, #tpu.memory_space<hbm>>
      %dma_wait3A_20 = arith.constant 0 : i32
      %dma_wait3A_21 = tpu.memref_slice %arg6[%mul3A_2, %dma_wait3A_20] : memref<10240x128xf32, #tpu.memory_space<vmem_shared>> -> memref<640x128xf32, #tpu.memory_space<vmem_shared>>
      tpu.wait_dma2 semaphore(%run_scoped3A : memref<!tpu.dma_semaphore, #tpu.memory_space<semaphore_mem>>) src(%dma_wait3A_21 : memref<640x128xf32, #tpu.memory_space<vmem_shared>>) dst(%dma_wait3A_19 : memref<640x128xf32, #tpu.memory_space<hbm>>)
      tpu.yield
    }) : () -> ()
    return
  }
}

#map = affine_map<(d0, d1) -> (0)>
#map1 = affine_map<(d0, d1) -> (0, 0)>
module attributes {stable_mosaic.version = 14 : i64} {
  func.func @scatter(%arg0: i32, %arg1: i32, %arg2: memref<80000xi32, #tpu.memory_space<hbm>>, %arg3: memref<80000x128xf32, #tpu.memory_space<hbm>>, %arg4: memref<10240x128xf32, #tpu.memory_space<hbm>>, %arg5: memref<20480x128xf32, #tpu.memory_space<hbm>>, %arg6: memref<10240x128xf32, #tpu.memory_space<vmem_shared>>, %arg7: memref<128xi32, #tpu.memory_space<vmem>>, %arg8: memref<128x128xf32, #tpu.memory_space<vmem>>) attributes {dimension_semantics = [#tpu.dimension_semantics<core_parallel>, #tpu.dimension_semantics<subcore_parallel>], iteration_bounds = array<i64: 2, 16>, scalar_prefetch = 0 : i64, scratch_operands = 3 : i64, tpu.core_type = #tpu.core_type<sc_vector_subcore>, window_params = [{transform_indices = #map}, {transform_indices = #map1}, {transform_indices = #map1}, {transform_indices = #map1}]} {
    %mul3A = arith.constant 2 : i32
    %mul3A_0 = arith.muli %arg1, %mul3A : i32
    %add3A = arith.addi %mul3A_0, %arg0 : i32
    %mul3A_1 = arith.constant 640 : i32
    %mul3A_2 = arith.muli %arg1, %mul3A_1 : i32
    "tpu.region"() ({
      %run_scoped3A = tpu.sem_alloc : memref<!tpu.dma_semaphore, #tpu.memory_space<semaphore_mem>>
      %dma_start3A = arith.constant 0 : i32
      %dma_start3A_16 = tpu.memref_slice %arg6[%mul3A_2, %dma_start3A] : memref<10240x128xf32, #tpu.memory_space<vmem_shared>> -> memref<640x128xf32, #tpu.memory_space<vmem_shared>>
      %dma_start3A_17 = arith.constant 0 : i32
      %dma_start3A_18 = tpu.memref_slice %arg4[%mul3A_2, %dma_start3A_17] : memref<10240x128xf32, #tpu.memory_space<hbm>> -> memref<640x128xf32, #tpu.memory_space<hbm>>
      tpu.enqueue_dma source(%dma_start3A_18 : memref<640x128xf32, #tpu.memory_space<hbm>>) target(%dma_start3A_16 : memref<640x128xf32, #tpu.memory_space<vmem_shared>>) target_semaphore(%run_scoped3A : memref<!tpu.dma_semaphore, #tpu.memory_space<semaphore_mem>>)
      %dma_wait3A = arith.constant 0 : i32
      %dma_wait3A_19 = tpu.memref_slice %arg6[%mul3A_2, %dma_wait3A] : memref<10240x128xf32, #tpu.memory_space<vmem_shared>> -> memref<640x128xf32, #tpu.memory_space<vmem_shared>>
      %dma_wait3A_20 = arith.constant 0 : i32
      %dma_wait3A_21 = tpu.memref_slice %arg4[%mul3A_2, %dma_wait3A_20] : memref<10240x128xf32, #tpu.memory_space<hbm>> -> memref<640x128xf32, #tpu.memory_space<hbm>>
      tpu.wait_dma2 semaphore(%run_scoped3A : memref<!tpu.dma_semaphore, #tpu.memory_space<semaphore_mem>>) src(%dma_wait3A_21 : memref<640x128xf32, #tpu.memory_space<hbm>>) dst(%dma_wait3A_19 : memref<640x128xf32, #tpu.memory_space<vmem_shared>>)
      tpu.yield
    }) : () -> ()
    %barrier3A = arith.constant 0 : index
    tpu.barrier barrier_id(%barrier3A)
    %while3A = arith.constant 0 : i32
    %while3A_3 = arith.constant 20 : i32
    %while3A_4 = arith.subi %while3A_3, %while3A : i32
    %while3A_5 = arith.addi %while3A, %while3A_4 : i32
    %while3A_6 = arith.constant 1 : i32
    %while3A_7 = arith.divsi %while3A_4, %while3A_6 : i32
    %while3A_8 = arith.muli %while3A_7, %while3A_6 : i32
    %while3A_9 = arith.addi %while3A, %while3A_8 : i32
    %while3A_10 = arith.constant 1 : i32
    scf.for %while3A_16 = %while3A to %while3A_9 step %while3A_10  : i32 {
      %mul3A_17 = arith.constant 32 : i32
      %mul3A_18 = arith.muli %while3A_16, %mul3A_17 : i32
      %add3A_19 = arith.addi %add3A, %mul3A_18 : i32
      %lt3A = arith.constant 625 : i32
      %lt3A_20 = arith.cmpi slt, %add3A_19, %lt3A : i32
      %convert_element_type3A = arith.extui %lt3A_20 : i1 to i32
      %cond3A = arith.constant 0 : i32
      %cond3A_21 = arith.cmpi ne, %convert_element_type3A, %cond3A : i32
      scf.if %cond3A_21 {
        %mul3A_22 = arith.constant 128 : i32
        %mul3A_23 = arith.muli %add3A_19, %mul3A_22 : i32
        "tpu.region"() ({
          %run_scoped3A = tpu.sem_alloc : memref<!tpu.dma_semaphore, #tpu.memory_space<semaphore_mem>>
          %dma_start3A = tpu.memref_slice %arg2[%mul3A_23] : memref<80000xi32, #tpu.memory_space<hbm>> -> memref<128xi32, #tpu.memory_space<hbm>>
          %dma_start3A_24 = tpu.memref_slice %arg2[%mul3A_23] : memref<80000xi32, #tpu.memory_space<hbm>> -> memref<128xi32, #tpu.memory_space<hbm>>
          tpu.enqueue_dma source(%dma_start3A_24 : memref<128xi32, #tpu.memory_space<hbm>>) target(%arg7 : memref<128xi32, #tpu.memory_space<vmem>>) target_semaphore(%run_scoped3A : memref<!tpu.dma_semaphore, #tpu.memory_space<semaphore_mem>>)
          %dma_wait3A = tpu.memref_slice %arg2[%mul3A_23] : memref<80000xi32, #tpu.memory_space<hbm>> -> memref<128xi32, #tpu.memory_space<hbm>>
          %dma_wait3A_25 = tpu.memref_slice %arg2[%mul3A_23] : memref<80000xi32, #tpu.memory_space<hbm>> -> memref<128xi32, #tpu.memory_space<hbm>>
          tpu.wait_dma2 semaphore(%run_scoped3A : memref<!tpu.dma_semaphore, #tpu.memory_space<semaphore_mem>>) src(%dma_wait3A_25 : memref<128xi32, #tpu.memory_space<hbm>>) dst(%arg7 : memref<128xi32, #tpu.memory_space<vmem>>)
          tpu.yield
        }) : () -> ()
        "tpu.region"() ({
          %run_scoped3A = tpu.sem_alloc : memref<!tpu.dma_semaphore, #tpu.memory_space<semaphore_mem>>
          %dma_start3A = arith.constant 0 : i32
          %dma_start3A_24 = tpu.memref_slice %arg3[%mul3A_23, %dma_start3A] : memref<80000x128xf32, #tpu.memory_space<hbm>> -> memref<128x128xf32, #tpu.memory_space<hbm>>
          %dma_start3A_25 = arith.constant 0 : i32
          %dma_start3A_26 = tpu.memref_slice %arg3[%mul3A_23, %dma_start3A_25] : memref<80000x128xf32, #tpu.memory_space<hbm>> -> memref<128x128xf32, #tpu.memory_space<hbm>>
          tpu.enqueue_dma source(%dma_start3A_26 : memref<128x128xf32, #tpu.memory_space<hbm>>) target(%arg8 : memref<128x128xf32, #tpu.memory_space<vmem>>) target_semaphore(%run_scoped3A : memref<!tpu.dma_semaphore, #tpu.memory_space<semaphore_mem>>)
          %dma_wait3A = arith.constant 0 : i32
          %dma_wait3A_27 = tpu.memref_slice %arg3[%mul3A_23, %dma_wait3A] : memref<80000x128xf32, #tpu.memory_space<hbm>> -> memref<128x128xf32, #tpu.memory_space<hbm>>
          %dma_wait3A_28 = arith.constant 0 : i32
          %dma_wait3A_29 = tpu.memref_slice %arg3[%mul3A_23, %dma_wait3A_28] : memref<80000x128xf32, #tpu.memory_space<hbm>> -> memref<128x128xf32, #tpu.memory_space<hbm>>
          tpu.wait_dma2 semaphore(%run_scoped3A : memref<!tpu.dma_semaphore, #tpu.memory_space<semaphore_mem>>) src(%dma_wait3A_29 : memref<128x128xf32, #tpu.memory_space<hbm>>) dst(%arg8 : memref<128x128xf32, #tpu.memory_space<vmem>>)
          tpu.yield
        }) : () -> ()
        "tpu.region"() ({
          %run_scoped3A = tpu.sem_alloc : memref<!tpu.dma_semaphore, #tpu.memory_space<semaphore_mem>>
          %dma_start3A = arith.constant 0 : i32
          %dma_start3A_24 = arith.constant 0 : i32
          %dma_start3A_25 = tpu.memref_slice %arg6[%dma_start3A, %dma_start3A_24] : memref<10240x128xf32, #tpu.memory_space<vmem_shared>> -> memref<10240x128xf32, #tpu.memory_space<vmem_shared>>
          tpu.enqueue_indirect_dma source(%arg8 : memref<128x128xf32, #tpu.memory_space<vmem>>) target(%dma_start3A_25 : memref<10240x128xf32, #tpu.memory_space<vmem_shared>>) offsets(%arg7 : memref<128xi32, #tpu.memory_space<vmem>>) semaphore(%run_scoped3A : memref<!tpu.dma_semaphore, #tpu.memory_space<semaphore_mem>>) {add = true}
          %dma_wait3A = arith.constant 0 : i32
          %dma_wait3A_26 = arith.constant 0 : i32
          %dma_wait3A_27 = tpu.memref_slice %arg6[%dma_wait3A, %dma_wait3A_26] : memref<10240x128xf32, #tpu.memory_space<vmem_shared>> -> memref<10240x128xf32, #tpu.memory_space<vmem_shared>>
          tpu.wait_indirect_dma semaphore(%run_scoped3A : memref<!tpu.dma_semaphore, #tpu.memory_space<semaphore_mem>>) src(%arg8 : memref<128x128xf32, #tpu.memory_space<vmem>>) dst(%dma_wait3A_27 : memref<10240x128xf32, #tpu.memory_space<vmem_shared>>)
          tpu.yield
        }) : () -> ()
      } else {
      }
    }
    %while3A_11 = arith.constant 1 : i32
    scf.for %while3A_16 = %while3A_9 to %while3A_5 step %while3A_11  : i32 {
      %mul3A_17 = arith.constant 32 : i32
      %mul3A_18 = arith.muli %while3A_16, %mul3A_17 : i32
      %add3A_19 = arith.addi %add3A, %mul3A_18 : i32
      %lt3A = arith.constant 625 : i32
      %lt3A_20 = arith.cmpi slt, %add3A_19, %lt3A : i32
      %convert_element_type3A = arith.extui %lt3A_20 : i1 to i32
      %cond3A = arith.constant 0 : i32
      %cond3A_21 = arith.cmpi ne, %convert_element_type3A, %cond3A : i32
      scf.if %cond3A_21 {
        %mul3A_22 = arith.constant 128 : i32
        %mul3A_23 = arith.muli %add3A_19, %mul3A_22 : i32
        "tpu.region"() ({
          %run_scoped3A = tpu.sem_alloc : memref<!tpu.dma_semaphore, #tpu.memory_space<semaphore_mem>>
          %dma_start3A = tpu.memref_slice %arg2[%mul3A_23] : memref<80000xi32, #tpu.memory_space<hbm>> -> memref<128xi32, #tpu.memory_space<hbm>>
          %dma_start3A_24 = tpu.memref_slice %arg2[%mul3A_23] : memref<80000xi32, #tpu.memory_space<hbm>> -> memref<128xi32, #tpu.memory_space<hbm>>
          tpu.enqueue_dma source(%dma_start3A_24 : memref<128xi32, #tpu.memory_space<hbm>>) target(%arg7 : memref<128xi32, #tpu.memory_space<vmem>>) target_semaphore(%run_scoped3A : memref<!tpu.dma_semaphore, #tpu.memory_space<semaphore_mem>>)
          %dma_wait3A = tpu.memref_slice %arg2[%mul3A_23] : memref<80000xi32, #tpu.memory_space<hbm>> -> memref<128xi32, #tpu.memory_space<hbm>>
          %dma_wait3A_25 = tpu.memref_slice %arg2[%mul3A_23] : memref<80000xi32, #tpu.memory_space<hbm>> -> memref<128xi32, #tpu.memory_space<hbm>>
          tpu.wait_dma2 semaphore(%run_scoped3A : memref<!tpu.dma_semaphore, #tpu.memory_space<semaphore_mem>>) src(%dma_wait3A_25 : memref<128xi32, #tpu.memory_space<hbm>>) dst(%arg7 : memref<128xi32, #tpu.memory_space<vmem>>)
          tpu.yield
        }) : () -> ()
        "tpu.region"() ({
          %run_scoped3A = tpu.sem_alloc : memref<!tpu.dma_semaphore, #tpu.memory_space<semaphore_mem>>
          %dma_start3A = arith.constant 0 : i32
          %dma_start3A_24 = tpu.memref_slice %arg3[%mul3A_23, %dma_start3A] : memref<80000x128xf32, #tpu.memory_space<hbm>> -> memref<128x128xf32, #tpu.memory_space<hbm>>
          %dma_start3A_25 = arith.constant 0 : i32
          %dma_start3A_26 = tpu.memref_slice %arg3[%mul3A_23, %dma_start3A_25] : memref<80000x128xf32, #tpu.memory_space<hbm>> -> memref<128x128xf32, #tpu.memory_space<hbm>>
          tpu.enqueue_dma source(%dma_start3A_26 : memref<128x128xf32, #tpu.memory_space<hbm>>) target(%arg8 : memref<128x128xf32, #tpu.memory_space<vmem>>) target_semaphore(%run_scoped3A : memref<!tpu.dma_semaphore, #tpu.memory_space<semaphore_mem>>)
          %dma_wait3A = arith.constant 0 : i32
          %dma_wait3A_27 = tpu.memref_slice %arg3[%mul3A_23, %dma_wait3A] : memref<80000x128xf32, #tpu.memory_space<hbm>> -> memref<128x128xf32, #tpu.memory_space<hbm>>
          %dma_wait3A_28 = arith.constant 0 : i32
          %dma_wait3A_29 = tpu.memref_slice %arg3[%mul3A_23, %dma_wait3A_28] : memref<80000x128xf32, #tpu.memory_space<hbm>> -> memref<128x128xf32, #tpu.memory_space<hbm>>
          tpu.wait_dma2 semaphore(%run_scoped3A : memref<!tpu.dma_semaphore, #tpu.memory_space<semaphore_mem>>) src(%dma_wait3A_29 : memref<128x128xf32, #tpu.memory_space<hbm>>) dst(%arg8 : memref<128x128xf32, #tpu.memory_space<vmem>>)
          tpu.yield
        }) : () -> ()
        "tpu.region"() ({
          %run_scoped3A = tpu.sem_alloc : memref<!tpu.dma_semaphore, #tpu.memory_space<semaphore_mem>>
          %dma_start3A = arith.constant 0 : i32
          %dma_start3A_24 = arith.constant 0 : i32
          %dma_start3A_25 = tpu.memref_slice %arg6[%dma_start3A, %dma_start3A_24] : memref<10240x128xf32, #tpu.memory_space<vmem_shared>> -> memref<10240x128xf32, #tpu.memory_space<vmem_shared>>
          tpu.enqueue_indirect_dma source(%arg8 : memref<128x128xf32, #tpu.memory_space<vmem>>) target(%dma_start3A_25 : memref<10240x128xf32, #tpu.memory_space<vmem_shared>>) offsets(%arg7 : memref<128xi32, #tpu.memory_space<vmem>>) semaphore(%run_scoped3A : memref<!tpu.dma_semaphore, #tpu.memory_space<semaphore_mem>>) {add = true}
          %dma_wait3A = arith.constant 0 : i32
          %dma_wait3A_26 = arith.constant 0 : i32
          %dma_wait3A_27 = tpu.memref_slice %arg6[%dma_wait3A, %dma_wait3A_26] : memref<10240x128xf32, #tpu.memory_space<vmem_shared>> -> memref<10240x128xf32, #tpu.memory_space<vmem_shared>>
          tpu.wait_indirect_dma semaphore(%run_scoped3A : memref<!tpu.dma_semaphore, #tpu.memory_space<semaphore_mem>>) src(%arg8 : memref<128x128xf32, #tpu.memory_space<vmem>>) dst(%dma_wait3A_27 : memref<10240x128xf32, #tpu.memory_space<vmem_shared>>)
          tpu.yield
        }) : () -> ()
      } else {
      }
    }
    %barrier3A_12 = arith.constant 0 : index
    tpu.barrier barrier_id(%barrier3A_12)
    %mul3A_13 = arith.constant 10240 : i32
    %mul3A_14 = arith.muli %arg0, %mul3A_13 : i32
    %add3A_15 = arith.addi %mul3A_14, %mul3A_2 : i32
    "tpu.region"() ({
      %run_scoped3A = tpu.sem_alloc : memref<!tpu.dma_semaphore, #tpu.memory_space<semaphore_mem>>
      %dma_start3A = arith.constant 0 : i32
      %dma_start3A_16 = tpu.memref_slice %arg5[%add3A_15, %dma_start3A] : memref<20480x128xf32, #tpu.memory_space<hbm>> -> memref<640x128xf32, #tpu.memory_space<hbm>>
      %dma_start3A_17 = arith.constant 0 : i32
      %dma_start3A_18 = tpu.memref_slice %arg6[%mul3A_2, %dma_start3A_17] : memref<10240x128xf32, #tpu.memory_space<vmem_shared>> -> memref<640x128xf32, #tpu.memory_space<vmem_shared>>
      tpu.enqueue_dma source(%dma_start3A_18 : memref<640x128xf32, #tpu.memory_space<vmem_shared>>) target(%dma_start3A_16 : memref<640x128xf32, #tpu.memory_space<hbm>>) target_semaphore(%run_scoped3A : memref<!tpu.dma_semaphore, #tpu.memory_space<semaphore_mem>>)
      %dma_wait3A = arith.constant 0 : i32
      %dma_wait3A_19 = tpu.memref_slice %arg5[%add3A_15, %dma_wait3A] : memref<20480x128xf32, #tpu.memory_space<hbm>> -> memref<640x128xf32, #tpu.memory_space<hbm>>
      %dma_wait3A_20 = arith.constant 0 : i32
      %dma_wait3A_21 = tpu.memref_slice %arg6[%mul3A_2, %dma_wait3A_20] : memref<10240x128xf32, #tpu.memory_space<vmem_shared>> -> memref<640x128xf32, #tpu.memory_space<vmem_shared>>
      tpu.wait_dma2 semaphore(%run_scoped3A : memref<!tpu.dma_semaphore, #tpu.memory_space<semaphore_mem>>) src(%dma_wait3A_21 : memref<640x128xf32, #tpu.memory_space<vmem_shared>>) dst(%dma_wait3A_19 : memref<640x128xf32, #tpu.memory_space<hbm>>)
      tpu.yield
    }) : () -> ()
    return
  }
}

module attributes {stable_mosaic.version = 14 : i64} {
  func.func @_edge_block(%arg0: i32, %arg1: memref<3200x128xf32, #tpu.memory_space<vmem>>, %arg2: memref<3200x128xf32, #tpu.memory_space<vmem>>, %arg3: memref<4x3200xi32, #tpu.memory_space<vmem>>, %arg4: memref<128x256xbf16, #tpu.memory_space<vmem>>, %arg5: memref<128x256xbf16, #tpu.memory_space<vmem>>, %arg6: memref<1x256xf32, #tpu.memory_space<vmem>>, %arg7: memref<8x256xf32, #tpu.memory_space<vmem>>, %arg8: memref<64x256xbf16, #tpu.memory_space<vmem>>, %arg9: memref<256x256xbf16, #tpu.memory_space<vmem>>, %arg10: memref<256x256xbf16, #tpu.memory_space<vmem>>, %arg11: memref<256x128xbf16, #tpu.memory_space<vmem>>, %arg12: memref<3200x128xf32, #tpu.memory_space<vmem>>) attributes {dimension_semantics = [#tpu.dimension_semantics<arbitrary>], iteration_bounds = array<i64: 25>, scalar_prefetch = 0 : i64, scratch_operands = 0 : i64, tpu.core_type = #tpu.core_type<tc>, window_params = [{transform_indices = @transform_0, window_bounds = array<i64: 3200, 128>}, {transform_indices = @transform_1, window_bounds = array<i64: 3200, 128>}, {transform_indices = @transform_2, window_bounds = array<i64: 4, 3200>}, {pipeline_mode = #tpu.pipeline_mode<synchronous>, transform_indices = @transform_3, window_bounds = array<i64: 128, 256>}, {pipeline_mode = #tpu.pipeline_mode<synchronous>, transform_indices = @transform_4, window_bounds = array<i64: 128, 256>}, {pipeline_mode = #tpu.pipeline_mode<synchronous>, transform_indices = @transform_5, window_bounds = array<i64: 1, 256>}, {pipeline_mode = #tpu.pipeline_mode<synchronous>, transform_indices = @transform_6, window_bounds = array<i64: 8, 256>}, {pipeline_mode = #tpu.pipeline_mode<synchronous>, transform_indices = @transform_7, window_bounds = array<i64: 64, 256>}, {pipeline_mode = #tpu.pipeline_mode<synchronous>, transform_indices = @transform_8, window_bounds = array<i64: 256, 256>}, {pipeline_mode = #tpu.pipeline_mode<synchronous>, transform_indices = @transform_9, window_bounds = array<i64: 256, 256>}, {pipeline_mode = #tpu.pipeline_mode<synchronous>, transform_indices = @transform_10, window_bounds = array<i64: 256, 128>}, {transform_indices = @transform_11, window_bounds = array<i64: 3200, 128>}]} {
    %get3A = arith.constant 0 : index
    %get3A_0 = arith.constant 0 : index
    %get3A_1 = vector.load %arg1[%get3A, %get3A_0] : memref<3200x128xf32, #tpu.memory_space<vmem>>, vector<3200x128xf32>
    %convert_element_type3A = arith.truncf %get3A_1 : vector<3200x128xf32> to vector<3200x128xbf16>
    %get3A_2 = arith.constant 0 : index
    %get3A_3 = arith.constant 0 : index
    %get3A_4 = vector.load %arg4[%get3A_2, %get3A_3] : memref<128x256xbf16, #tpu.memory_space<vmem>>, vector<128x256xbf16>
    %dot_general3A = arith.constant dense<0.000000e+00> : vector<3200x256xf32>
    %dot_general3A_5 = tpu.matmul %convert_element_type3A, %get3A_4, %dot_general3A {dimension_numbers = #tpu.dot_dimension_numbers<[1], [0], [0], [1], [0, 0, 1, 1], [], []>, transpose_lhs_hint = false} : vector<3200x128xbf16>, vector<128x256xbf16>, vector<3200x256xf32> -> vector<3200x256xf32>
    %get3A_6 = arith.constant 0 : index
    %get3A_7 = arith.constant 0 : index
    %get3A_8 = vector.load %arg2[%get3A_6, %get3A_7] : memref<3200x128xf32, #tpu.memory_space<vmem>>, vector<3200x128xf32>
    %convert_element_type3A_9 = arith.truncf %get3A_8 : vector<3200x128xf32> to vector<3200x128xbf16>
    %get3A_10 = arith.constant 0 : index
    %get3A_11 = arith.constant 0 : index
    %get3A_12 = vector.load %arg5[%get3A_10, %get3A_11] : memref<128x256xbf16, #tpu.memory_space<vmem>>, vector<128x256xbf16>
    %dot_general3A_13 = arith.constant dense<0.000000e+00> : vector<3200x256xf32>
    %dot_general3A_14 = tpu.matmul %convert_element_type3A_9, %get3A_12, %dot_general3A_13 {dimension_numbers = #tpu.dot_dimension_numbers<[1], [0], [0], [1], [0, 0, 1, 1], [], []>, transpose_lhs_hint = false} : vector<3200x128xbf16>, vector<128x256xbf16>, vector<3200x256xf32> -> vector<3200x256xf32>
    %add3A = arith.addf %dot_general3A_5, %dot_general3A_14 : vector<3200x256xf32>
    %get3A_15 = arith.constant 0 : index
    %get3A_16 = arith.constant 0 : index
    %get3A_17 = vector.load %arg6[%get3A_15, %get3A_16] : memref<1x256xf32, #tpu.memory_space<vmem>>, vector<1x256xf32>
    %add3A_18 = vector.broadcast %get3A_17 : vector<1x256xf32> to vector<3200x256xf32>
    %add3A_19 = arith.addf %add3A, %add3A_18 : vector<3200x256xf32>
    %get3A_20 = arith.constant 0 : index
    %get3A_21 = arith.constant 0 : index
    %get3A_22 = vector.load %arg7[%get3A_20, %get3A_21] : memref<8x256xf32, #tpu.memory_space<vmem>>, vector<8x256xf32>
    %dot_general3A_23 = arith.constant dense<0.000000e+00> : vector<3200x8xf32>
    %dot_general3A_24 = tpu.matmul %add3A_19, %get3A_22, %dot_general3A_23 {dimension_numbers = #tpu.dot_dimension_numbers<[1], [1], [0], [0], [0, 0, 1, 0], [], []>, transpose_lhs_hint = false} : vector<3200x256xf32>, vector<8x256xf32>, vector<3200x8xf32> -> vector<3200x8xf32>
    %mul3A = arith.mulf %add3A_19, %add3A_19 : vector<3200x256xf32>
    %dot_general3A_25 = arith.constant dense<0.000000e+00> : vector<3200x8xf32>
    %dot_general3A_26 = tpu.matmul %mul3A, %get3A_22, %dot_general3A_25 {dimension_numbers = #tpu.dot_dimension_numbers<[1], [1], [0], [0], [0, 0, 1, 0], [], []>, transpose_lhs_hint = false} : vector<3200x256xf32>, vector<8x256xf32>, vector<3200x8xf32> -> vector<3200x8xf32>
    %mul3A_27 = arith.constant 3.125000e-02 : f32
    %mul3A_28 = vector.broadcast %mul3A_27 : f32 to vector<3200x8xf32>
    %mul3A_29 = arith.mulf %dot_general3A_24, %mul3A_28 : vector<3200x8xf32>
    %mul3A_30 = arith.constant 3.125000e-02 : f32
    %mul3A_31 = vector.broadcast %mul3A_30 : f32 to vector<3200x8xf32>
    %mul3A_32 = arith.mulf %dot_general3A_26, %mul3A_31 : vector<3200x8xf32>
    %mul3A_33 = arith.mulf %mul3A_29, %mul3A_29 : vector<3200x8xf32>
    %sub3A = arith.subf %mul3A_32, %mul3A_33 : vector<3200x8xf32>
    %add3A_34 = arith.constant 9.99999974E-6 : f32
    %add3A_35 = vector.broadcast %add3A_34 : f32 to vector<3200x8xf32>
    %add3A_36 = arith.addf %sub3A, %add3A_35 : vector<3200x8xf32>
    %rsqrt3A = math.rsqrt %add3A_36 : vector<3200x8xf32>
    %dot_general3A_37 = arith.constant dense<0.000000e+00> : vector<3200x256xf32>
    %dot_general3A_38 = tpu.matmul %mul3A_29, %get3A_22, %dot_general3A_37 {dimension_numbers = #tpu.dot_dimension_numbers<[1], [0], [0], [1], [0, 0, 1, 1], [], []>, transpose_lhs_hint = false} : vector<3200x8xf32>, vector<8x256xf32>, vector<3200x256xf32> -> vector<3200x256xf32>
    %sub3A_39 = arith.subf %add3A_19, %dot_general3A_38 : vector<3200x256xf32>
    %dot_general3A_40 = arith.constant dense<0.000000e+00> : vector<3200x256xf32>
    %dot_general3A_41 = tpu.matmul %rsqrt3A, %get3A_22, %dot_general3A_40 {dimension_numbers = #tpu.dot_dimension_numbers<[1], [0], [0], [1], [0, 0, 1, 1], [], []>, transpose_lhs_hint = false} : vector<3200x8xf32>, vector<8x256xf32>, vector<3200x256xf32> -> vector<3200x256xf32>
    %mul3A_42 = arith.mulf %sub3A_39, %dot_general3A_41 : vector<3200x256xf32>
    %get3A_43 = arith.constant 0 : index
    %get3A_44 = arith.constant 0 : index
    %get3A_45 = vector.load %arg3[%get3A_43, %get3A_44] : memref<4x3200xi32, #tpu.memory_space<vmem>>, vector<4x3200xi32>
    %iota3A = tpu.iota {dimensions = array<i32: 0>} : vector<64x3200xi32>
    %broadcast_in_dim3A = arith.constant 0.000000e+00 : f32
    %broadcast_in_dim3A_46 = vector.broadcast %broadcast_in_dim3A : f32 to vector<64x3200xf32>
    %broadcast_in_dim3A_47 = arith.constant 0.000000e+00 : f32
    %broadcast_in_dim3A_48 = vector.broadcast %broadcast_in_dim3A_47 : f32 to vector<1x3200xf32>
    %slice3A = vector.extract_strided_slice %get3A_45 {offsets = [0, 0], sizes = [1, 3200], strides = [1, 1]} : vector<4x3200xi32> to vector<1x3200xi32>
    %eq3A = vector.broadcast %slice3A : vector<1x3200xi32> to vector<64x3200xi32>
    %eq3A_49 = arith.cmpi eq, %eq3A, %iota3A : vector<64x3200xi32>
    %convert_element_type3A_50 = arith.extui %eq3A_49 : vector<64x3200xi1> to vector<64x3200xi32>
    %convert_element_type3A_51 = arith.sitofp %convert_element_type3A_50 : vector<64x3200xi32> to vector<64x3200xf32>
    %add3A_52 = arith.addf %broadcast_in_dim3A_46, %convert_element_type3A_51 : vector<64x3200xf32>
    %ne3A = arith.constant 0 : i32
    %ne3A_53 = vector.broadcast %ne3A : i32 to vector<1x3200xi32>
    %ne3A_54 = arith.cmpi ne, %slice3A, %ne3A_53 : vector<1x3200xi32>
    %convert_element_type3A_55 = arith.extui %ne3A_54 : vector<1x3200xi1> to vector<1x3200xi32>
    %convert_element_type3A_56 = arith.sitofp %convert_element_type3A_55 : vector<1x3200xi32> to vector<1x3200xf32>
    %add3A_57 = arith.addf %broadcast_in_dim3A_48, %convert_element_type3A_56 : vector<1x3200xf32>
    %slice3A_58 = vector.extract_strided_slice %get3A_45 {offsets = [1, 0], sizes = [1, 3200], strides = [1, 1]} : vector<4x3200xi32> to vector<1x3200xi32>
    %eq3A_59 = vector.broadcast %slice3A_58 : vector<1x3200xi32> to vector<64x3200xi32>
    %eq3A_60 = arith.cmpi eq, %eq3A_59, %iota3A : vector<64x3200xi32>
    %convert_element_type3A_61 = arith.extui %eq3A_60 : vector<64x3200xi1> to vector<64x3200xi32>
    %convert_element_type3A_62 = arith.sitofp %convert_element_type3A_61 : vector<64x3200xi32> to vector<64x3200xf32>
    %add3A_63 = arith.addf %add3A_52, %convert_element_type3A_62 : vector<64x3200xf32>
    %ne3A_64 = arith.constant 0 : i32
    %ne3A_65 = vector.broadcast %ne3A_64 : i32 to vector<1x3200xi32>
    %ne3A_66 = arith.cmpi ne, %slice3A_58, %ne3A_65 : vector<1x3200xi32>
    %convert_element_type3A_67 = arith.extui %ne3A_66 : vector<1x3200xi1> to vector<1x3200xi32>
    %convert_element_type3A_68 = arith.sitofp %convert_element_type3A_67 : vector<1x3200xi32> to vector<1x3200xf32>
    %add3A_69 = arith.addf %add3A_57, %convert_element_type3A_68 : vector<1x3200xf32>
    %slice3A_70 = vector.extract_strided_slice %get3A_45 {offsets = [2, 0], sizes = [1, 3200], strides = [1, 1]} : vector<4x3200xi32> to vector<1x3200xi32>
    %eq3A_71 = vector.broadcast %slice3A_70 : vector<1x3200xi32> to vector<64x3200xi32>
    %eq3A_72 = arith.cmpi eq, %eq3A_71, %iota3A : vector<64x3200xi32>
    %convert_element_type3A_73 = arith.extui %eq3A_72 : vector<64x3200xi1> to vector<64x3200xi32>
    %convert_element_type3A_74 = arith.sitofp %convert_element_type3A_73 : vector<64x3200xi32> to vector<64x3200xf32>
    %add3A_75 = arith.addf %add3A_63, %convert_element_type3A_74 : vector<64x3200xf32>
    %ne3A_76 = arith.constant 0 : i32
    %ne3A_77 = vector.broadcast %ne3A_76 : i32 to vector<1x3200xi32>
    %ne3A_78 = arith.cmpi ne, %slice3A_70, %ne3A_77 : vector<1x3200xi32>
    %convert_element_type3A_79 = arith.extui %ne3A_78 : vector<1x3200xi1> to vector<1x3200xi32>
    %convert_element_type3A_80 = arith.sitofp %convert_element_type3A_79 : vector<1x3200xi32> to vector<1x3200xf32>
    %add3A_81 = arith.addf %add3A_69, %convert_element_type3A_80 : vector<1x3200xf32>
    %slice3A_82 = vector.extract_strided_slice %get3A_45 {offsets = [3, 0], sizes = [1, 3200], strides = [1, 1]} : vector<4x3200xi32> to vector<1x3200xi32>
    %eq3A_83 = vector.broadcast %slice3A_82 : vector<1x3200xi32> to vector<64x3200xi32>
    %eq3A_84 = arith.cmpi eq, %eq3A_83, %iota3A : vector<64x3200xi32>
    %convert_element_type3A_85 = arith.extui %eq3A_84 : vector<64x3200xi1> to vector<64x3200xi32>
    %convert_element_type3A_86 = arith.sitofp %convert_element_type3A_85 : vector<64x3200xi32> to vector<64x3200xf32>
    %add3A_87 = arith.addf %add3A_75, %convert_element_type3A_86 : vector<64x3200xf32>
    %ne3A_88 = arith.constant 0 : i32
    %ne3A_89 = vector.broadcast %ne3A_88 : i32 to vector<1x3200xi32>
    %ne3A_90 = arith.cmpi ne, %slice3A_82, %ne3A_89 : vector<1x3200xi32>
    %convert_element_type3A_91 = arith.extui %ne3A_90 : vector<1x3200xi1> to vector<1x3200xi32>
    %convert_element_type3A_92 = arith.sitofp %convert_element_type3A_91 : vector<1x3200xi32> to vector<1x3200xf32>
    %add3A_93 = arith.addf %add3A_81, %convert_element_type3A_92 : vector<1x3200xf32>
    %max3A = arith.constant 1.000000e+00 : f32
    %max3A_94 = vector.broadcast %max3A : f32 to vector<1x3200xf32>
    %max3A_95 = arith.maximumf %add3A_93, %max3A_94 : vector<1x3200xf32>
    %div3A = arith.constant 1.000000e+00 : f32
    %div3A_96 = vector.broadcast %div3A : f32 to vector<1x3200xf32>
    %div3A_97 = arith.divf %div3A_96, %max3A_95 : vector<1x3200xf32>
    %mul3A_98 = vector.broadcast %div3A_97 : vector<1x3200xf32> to vector<64x3200xf32>
    %mul3A_99 = arith.mulf %add3A_87, %mul3A_98 : vector<64x3200xf32>
    %convert_element_type3A_100 = arith.truncf %mul3A_99 : vector<64x3200xf32> to vector<64x3200xbf16>
    %get3A_101 = arith.constant 0 : index
    %get3A_102 = arith.constant 0 : index
    %get3A_103 = vector.load %arg8[%get3A_101, %get3A_102] : memref<64x256xbf16, #tpu.memory_space<vmem>>, vector<64x256xbf16>
    %dot_general3A_104 = arith.constant dense<0.000000e+00> : vector<3200x256xf32>
    %dot_general3A_105 = tpu.matmul %convert_element_type3A_100, %get3A_103, %dot_general3A_104 {dimension_numbers = #tpu.dot_dimension_numbers<[0], [0], [1], [1], [0, 1, 1, 1], [], []>, transpose_lhs_hint = false} : vector<64x3200xbf16>, vector<64x256xbf16>, vector<3200x256xf32> -> vector<3200x256xf32>
    %add3A_106 = arith.addf %mul3A_42, %dot_general3A_105 : vector<3200x256xf32>
    %convert_element_type3A_107 = arith.truncf %add3A_106 : vector<3200x256xf32> to vector<3200x256xbf16>
    %get3A_108 = arith.constant 0 : index
    %get3A_109 = arith.constant 0 : index
    %get3A_110 = vector.load %arg9[%get3A_108, %get3A_109] : memref<256x256xbf16, #tpu.memory_space<vmem>>, vector<256x256xbf16>
    %dot_general3A_111 = arith.constant dense<0.000000e+00> : vector<3200x256xf32>
    %dot_general3A_112 = tpu.matmul %convert_element_type3A_107, %get3A_110, %dot_general3A_111 {dimension_numbers = #tpu.dot_dimension_numbers<[1], [0], [0], [1], [0, 0, 1, 1], [], []>, transpose_lhs_hint = false} : vector<3200x256xbf16>, vector<256x256xbf16>, vector<3200x256xf32> -> vector<3200x256xf32>
    %max3A_113 = arith.constant 0.000000e+00 : f32
    %max3A_114 = vector.broadcast %max3A_113 : f32 to vector<3200x256xf32>
    %max3A_115 = arith.maximumf %dot_general3A_112, %max3A_114 : vector<3200x256xf32>
    %convert_element_type3A_116 = arith.truncf %mul3A_42 : vector<3200x256xf32> to vector<3200x256xbf16>
    %get3A_117 = arith.constant 0 : index
    %get3A_118 = arith.constant 0 : index
    %get3A_119 = vector.load %arg10[%get3A_117, %get3A_118] : memref<256x256xbf16, #tpu.memory_space<vmem>>, vector<256x256xbf16>
    %dot_general3A_120 = arith.constant dense<0.000000e+00> : vector<3200x256xf32>
    %dot_general3A_121 = tpu.matmul %convert_element_type3A_116, %get3A_119, %dot_general3A_120 {dimension_numbers = #tpu.dot_dimension_numbers<[1], [0], [0], [1], [0, 0, 1, 1], [], []>, transpose_lhs_hint = false} : vector<3200x256xbf16>, vector<256x256xbf16>, vector<3200x256xf32> -> vector<3200x256xf32>
    %mul3A_122 = arith.mulf %max3A_115, %dot_general3A_121 : vector<3200x256xf32>
    %convert_element_type3A_123 = arith.truncf %mul3A_122 : vector<3200x256xf32> to vector<3200x256xbf16>
    %get3A_124 = arith.constant 0 : index
    %get3A_125 = arith.constant 0 : index
    %get3A_126 = vector.load %arg11[%get3A_124, %get3A_125] : memref<256x128xbf16, #tpu.memory_space<vmem>>, vector<256x128xbf16>
    %dot_general3A_127 = arith.constant dense<0.000000e+00> : vector<3200x128xf32>
    %dot_general3A_128 = tpu.matmul %convert_element_type3A_123, %get3A_126, %dot_general3A_127 {dimension_numbers = #tpu.dot_dimension_numbers<[1], [0], [0], [1], [0, 0, 1, 1], [], []>, transpose_lhs_hint = false} : vector<3200x256xbf16>, vector<256x128xbf16>, vector<3200x128xf32> -> vector<3200x128xf32>
    %swap3A = arith.constant 0 : index
    %swap3A_129 = arith.constant 0 : index
    %swap3A_130 = vector.load %arg12[%swap3A, %swap3A_129] : memref<3200x128xf32, #tpu.memory_space<vmem>>, vector<3200x128xf32>
    tpu.vector_store %arg12[%swap3A, %swap3A_129], %dot_general3A_128 {strides = array<i32>} : memref<3200x128xf32, #tpu.memory_space<vmem>>, vector<3200x128xf32>,
    return
  }
  func.func @transform_0(%arg0: i32) -> (i32, i32) {
    %c0_i32 = arith.constant 0 : i32
    %c0_i32_0 = arith.constant 0 : i32
    return %arg0, %c0_i32 : i32, i32
  }
  func.func @transform_1(%arg0: i32) -> (i32, i32) {
    %c0_i32 = arith.constant 0 : i32
    %c0_i32_0 = arith.constant 0 : i32
    return %arg0, %c0_i32 : i32, i32
  }
  func.func @transform_2(%arg0: i32) -> (i32, i32) {
    %c0_i32 = arith.constant 0 : i32
    %c0_i32_0 = arith.constant 0 : i32
    return %c0_i32, %arg0 : i32, i32
  }
  func.func @transform_3(%arg0: i32) -> (i32, i32) {
    %c0_i32 = arith.constant 0 : i32
    %c0_i32_0 = arith.constant 0 : i32
    %c0_i32_1 = arith.constant 0 : i32
    return %c0_i32, %c0_i32_0 : i32, i32
  }
  func.func @transform_4(%arg0: i32) -> (i32, i32) {
    %c0_i32 = arith.constant 0 : i32
    %c0_i32_0 = arith.constant 0 : i32
    %c0_i32_1 = arith.constant 0 : i32
    return %c0_i32, %c0_i32_0 : i32, i32
  }
  func.func @transform_5(%arg0: i32) -> (i32, i32) {
    %c0_i32 = arith.constant 0 : i32
    %c0_i32_0 = arith.constant 0 : i32
    %c0_i32_1 = arith.constant 0 : i32
    return %c0_i32, %c0_i32_0 : i32, i32
  }
  func.func @transform_6(%arg0: i32) -> (i32, i32) {
    %c0_i32 = arith.constant 0 : i32
    %c0_i32_0 = arith.constant 0 : i32
    %c0_i32_1 = arith.constant 0 : i32
    return %c0_i32, %c0_i32_0 : i32, i32
  }
  func.func @transform_7(%arg0: i32) -> (i32, i32) {
    %c0_i32 = arith.constant 0 : i32
    %c0_i32_0 = arith.constant 0 : i32
    %c0_i32_1 = arith.constant 0 : i32
    return %c0_i32, %c0_i32_0 : i32, i32
  }
  func.func @transform_8(%arg0: i32) -> (i32, i32) {
    %c0_i32 = arith.constant 0 : i32
    %c0_i32_0 = arith.constant 0 : i32
    %c0_i32_1 = arith.constant 0 : i32
    return %c0_i32, %c0_i32_0 : i32, i32
  }
  func.func @transform_9(%arg0: i32) -> (i32, i32) {
    %c0_i32 = arith.constant 0 : i32
    %c0_i32_0 = arith.constant 0 : i32
    %c0_i32_1 = arith.constant 0 : i32
    return %c0_i32, %c0_i32_0 : i32, i32
  }
  func.func @transform_10(%arg0: i32) -> (i32, i32) {
    %c0_i32 = arith.constant 0 : i32
    %c0_i32_0 = arith.constant 0 : i32
    %c0_i32_1 = arith.constant 0 : i32
    return %c0_i32, %c0_i32_0 : i32, i32
  }
  func.func @transform_11(%arg0: i32) -> (i32, i32) {
    %c0_i32 = arith.constant 0 : i32
    %c0_i32_0 = arith.constant 0 : i32
    return %arg0, %c0_i32 : i32, i32
  }
}

module attributes {stable_mosaic.version = 14 : i64} {
  func.func @_finish_block(%arg0: i32, %arg1: memref<2000x128xf32, #tpu.memory_space<vmem>>, %arg2: memref<2000x128xf32, #tpu.memory_space<vmem>>, %arg3: memref<2000x128xf32, #tpu.memory_space<vmem>>, %arg4: memref<2000x128xf32, #tpu.memory_space<vmem>>, %arg5: memref<2000x128xf32, #tpu.memory_space<vmem>>, %arg6: memref<2000x128xf32, #tpu.memory_space<vmem>>, %arg7: memref<2000x128xf32, #tpu.memory_space<vmem>>, %arg8: memref<2000x128xf32, #tpu.memory_space<vmem>>, %arg9: memref<2000x1xf32, #tpu.memory_space<vmem>>, %arg10: memref<1x128xf32, #tpu.memory_space<vmem>>, %arg11: memref<1x128xf32, #tpu.memory_space<vmem>>, %arg12: memref<2000x128xf32, #tpu.memory_space<vmem>>) attributes {dimension_semantics = [#tpu.dimension_semantics<arbitrary>], iteration_bounds = array<i64: 5>, scalar_prefetch = 0 : i64, scratch_operands = 0 : i64, tpu.core_type = #tpu.core_type<tc>, window_params = [{transform_indices = @transform_0, window_bounds = array<i64: 2000, 128>}, {transform_indices = @transform_1, window_bounds = array<i64: 2000, 128>}, {transform_indices = @transform_2, window_bounds = array<i64: 2000, 128>}, {transform_indices = @transform_3, window_bounds = array<i64: 2000, 128>}, {transform_indices = @transform_4, window_bounds = array<i64: 2000, 128>}, {transform_indices = @transform_5, window_bounds = array<i64: 2000, 128>}, {transform_indices = @transform_6, window_bounds = array<i64: 2000, 128>}, {transform_indices = @transform_7, window_bounds = array<i64: 2000, 128>}, {transform_indices = @transform_8, window_bounds = array<i64: 2000, 1>}, {pipeline_mode = #tpu.pipeline_mode<synchronous>, transform_indices = @transform_9, window_bounds = array<i64: 1, 128>}, {pipeline_mode = #tpu.pipeline_mode<synchronous>, transform_indices = @transform_10, window_bounds = array<i64: 1, 128>}, {transform_indices = @transform_11, window_bounds = array<i64: 2000, 128>}]} {
    %get3A = arith.constant 0 : index
    %get3A_0 = arith.constant 0 : index
    %get3A_1 = vector.load %arg11[%get3A, %get3A_0] : memref<1x128xf32, #tpu.memory_space<vmem>>, vector<1x128xf32>
    %get3A_2 = arith.constant 0 : index
    %get3A_3 = arith.constant 0 : index
    %get3A_4 = vector.load %arg9[%get3A_2, %get3A_3] : memref<2000x1xf32, #tpu.memory_space<vmem>>, vector<2000x1xf32>
    %log3A = math.log %get3A_4 : vector<2000x1xf32>
    %mul3A = vector.broadcast %get3A_1 : vector<1x128xf32> to vector<2000x128xf32>
    %mul3A_5 = vector.broadcast %log3A : vector<2000x1xf32> to vector<2000x128xf32>
    %mul3A_6 = arith.mulf %mul3A, %mul3A_5 : vector<2000x128xf32>
    %exp3A = math.exp %mul3A_6 : vector<2000x128xf32>
    %get3A_7 = arith.constant 0 : index
    %get3A_8 = arith.constant 0 : index
    %get3A_9 = vector.load %arg1[%get3A_7, %get3A_8] : memref<2000x128xf32, #tpu.memory_space<vmem>>, vector<2000x128xf32>
    %get3A_10 = arith.constant 0 : index
    %get3A_11 = arith.constant 0 : index
    %get3A_12 = vector.load %arg2[%get3A_10, %get3A_11] : memref<2000x128xf32, #tpu.memory_space<vmem>>, vector<2000x128xf32>
    %add3A = arith.addf %get3A_9, %get3A_12 : vector<2000x128xf32>
    %get3A_13 = arith.constant 0 : index
    %get3A_14 = arith.constant 0 : index
    %get3A_15 = vector.load %arg3[%get3A_13, %get3A_14] : memref<2000x128xf32, #tpu.memory_space<vmem>>, vector<2000x128xf32>
    %add3A_16 = arith.addf %add3A, %get3A_15 : vector<2000x128xf32>
    %get3A_17 = arith.constant 0 : index
    %get3A_18 = arith.constant 0 : index
    %get3A_19 = vector.load %arg4[%get3A_17, %get3A_18] : memref<2000x128xf32, #tpu.memory_space<vmem>>, vector<2000x128xf32>
    %add3A_20 = arith.addf %add3A_16, %get3A_19 : vector<2000x128xf32>
    %get3A_21 = arith.constant 0 : index
    %get3A_22 = arith.constant 0 : index
    %get3A_23 = vector.load %arg5[%get3A_21, %get3A_22] : memref<2000x128xf32, #tpu.memory_space<vmem>>, vector<2000x128xf32>
    %add3A_24 = arith.addf %add3A_20, %get3A_23 : vector<2000x128xf32>
    %get3A_25 = arith.constant 0 : index
    %get3A_26 = arith.constant 0 : index
    %get3A_27 = vector.load %arg6[%get3A_25, %get3A_26] : memref<2000x128xf32, #tpu.memory_space<vmem>>, vector<2000x128xf32>
    %add3A_28 = arith.addf %add3A_24, %get3A_27 : vector<2000x128xf32>
    %get3A_29 = arith.constant 0 : index
    %get3A_30 = arith.constant 0 : index
    %get3A_31 = vector.load %arg7[%get3A_29, %get3A_30] : memref<2000x128xf32, #tpu.memory_space<vmem>>, vector<2000x128xf32>
    %add3A_32 = arith.addf %add3A_28, %get3A_31 : vector<2000x128xf32>
    %get3A_33 = arith.constant 0 : index
    %get3A_34 = arith.constant 0 : index
    %get3A_35 = vector.load %arg8[%get3A_33, %get3A_34] : memref<2000x128xf32, #tpu.memory_space<vmem>>, vector<2000x128xf32>
    %add3A_36 = arith.addf %add3A_32, %get3A_35 : vector<2000x128xf32>
    %get3A_37 = arith.constant 0 : index
    %get3A_38 = arith.constant 0 : index
    %get3A_39 = vector.load %arg10[%get3A_37, %get3A_38] : memref<1x128xf32, #tpu.memory_space<vmem>>, vector<1x128xf32>
    %add3A_40 = vector.broadcast %get3A_39 : vector<1x128xf32> to vector<2000x128xf32>
    %add3A_41 = arith.addf %add3A_36, %add3A_40 : vector<2000x128xf32>
    %mul3A_42 = arith.mulf %exp3A, %add3A_41 : vector<2000x128xf32>
    %swap3A = arith.constant 0 : index
    %swap3A_43 = arith.constant 0 : index
    %swap3A_44 = vector.load %arg12[%swap3A, %swap3A_43] : memref<2000x128xf32, #tpu.memory_space<vmem>>, vector<2000x128xf32>
    tpu.vector_store %arg12[%swap3A, %swap3A_43], %mul3A_42 {strides = array<i32>} : memref<2000x128xf32, #tpu.memory_space<vmem>>, vector<2000x128xf32>,
    return
  }
  func.func @transform_0(%arg0: i32) -> (i32, i32) {
    %c0_i32 = arith.constant 0 : i32
    %c0_i32_0 = arith.constant 0 : i32
    return %arg0, %c0_i32 : i32, i32
  }
  func.func @transform_1(%arg0: i32) -> (i32, i32) {
    %c0_i32 = arith.constant 0 : i32
    %c0_i32_0 = arith.constant 0 : i32
    return %arg0, %c0_i32 : i32, i32
  }
  func.func @transform_2(%arg0: i32) -> (i32, i32) {
    %c0_i32 = arith.constant 0 : i32
    %c0_i32_0 = arith.constant 0 : i32
    return %arg0, %c0_i32 : i32, i32
  }
  func.func @transform_3(%arg0: i32) -> (i32, i32) {
    %c0_i32 = arith.constant 0 : i32
    %c0_i32_0 = arith.constant 0 : i32
    return %arg0, %c0_i32 : i32, i32
  }
  func.func @transform_4(%arg0: i32) -> (i32, i32) {
    %c0_i32 = arith.constant 0 : i32
    %c0_i32_0 = arith.constant 0 : i32
    return %arg0, %c0_i32 : i32, i32
  }
  func.func @transform_5(%arg0: i32) -> (i32, i32) {
    %c0_i32 = arith.constant 0 : i32
    %c0_i32_0 = arith.constant 0 : i32
    return %arg0, %c0_i32 : i32, i32
  }
  func.func @transform_6(%arg0: i32) -> (i32, i32) {
    %c0_i32 = arith.constant 0 : i32
    %c0_i32_0 = arith.constant 0 : i32
    return %arg0, %c0_i32 : i32, i32
  }
  func.func @transform_7(%arg0: i32) -> (i32, i32) {
    %c0_i32 = arith.constant 0 : i32
    %c0_i32_0 = arith.constant 0 : i32
    return %arg0, %c0_i32 : i32, i32
  }
  func.func @transform_8(%arg0: i32) -> (i32, i32) {
    %c0_i32 = arith.constant 0 : i32
    %c0_i32_0 = arith.constant 0 : i32
    return %arg0, %c0_i32 : i32, i32
  }
  func.func @transform_9(%arg0: i32) -> (i32, i32) {
    %c0_i32 = arith.constant 0 : i32
    %c0_i32_0 = arith.constant 0 : i32
    %c0_i32_1 = arith.constant 0 : i32
    return %c0_i32, %c0_i32_0 : i32, i32
  }
  func.func @transform_10(%arg0: i32) -> (i32, i32) {
    %c0_i32 = arith.constant 0 : i32
    %c0_i32_0 = arith.constant 0 : i32
    %c0_i32_1 = arith.constant 0 : i32
    return %c0_i32, %c0_i32_0 : i32, i32
  }
  func.func @transform_11(%arg0: i32) -> (i32, i32) {
    %c0_i32 = arith.constant 0 : i32
    %c0_i32_0 = arith.constant 0 : i32
    return %arg0, %c0_i32 : i32, i32
  }
}

</mosaic_0001>

<sc_bundles>
// kernel: kernel.15.cloned.1.call-start
scs
__scs_entry_jumppad:
0x0: {  	(pc) =	sbr.rel $0x88, $3  }
0x1: {  	(tag) =	ssettag $0x0;
	lr =	simm.s32 $0x1  }
0x2: {  	[smem:$0x3F93] =	sst lr;
	_ =	strace $0xD0000000  }
0x3: {  	_ = 	snop  }
0x4: {  	_ = 	snop  }
0x5: {  	_ = 	snop  }
0x6: {  	_ = 	snop  }
0x7: {  	_ = 	snop  }
__scs_overlays_trampoline_lowered:
0x8: {  	[smem:$0x3FA2] =	sst s0  }
0x9: {  	[smem:$0x3FA3] =	sst s1  }
0xa: {  	[smem:$0x3FA4] =	sst s2  }
0xb: {  	[smem:$0x3FA5] =	sst s3  }
0xc: {  	[smem:$0x3FA6] =	sst s4  }
0xd: {  	[smem:$0x3FA7] =	sst s5  }
0xe: {  	[smem:$0x3FA8] =	sst s6  }
0xf: {  	[smem:$0x3FA9] =	sst s7  }
0x10: {  	[smem:$0x3FAA] =	sst s8  }
0x11: {  	[smem:$0x3FAB] =	sst s9;
	s0 =	simm.s32 @!p0 $0x0  }
0x12: {  	s1 =	sld [smem:$0x3F91];
	s0 =	simm.s32 @p0 $0x1  }
0x13: {  	[smem:$0x3FAC] =	sst s0;
	s0 =	simm.s32 @!p1 $0x0  }
0x14: {  	s2 =	sld [smem:$0x3F90];
	s0 =	simm.s32 @p1 $0x1  }
0x15: {  	[smem:$0x3FAD] =	sst s0;
	s0 =	simm.s32 @!p2 $0x0  }
0x16: {  	s3 =	sld [smem:$0x3FDB];
	s0 =	simm.s32 @p2 $0x1  }
0x17: {  	s4 =	simm.s32 $0x1BF5;
	[smem:$0x3FAF] =	sst s0  }
0x18: {  	s0 =	sld [smem:$0x3F92];
	_ =	swait.ge [sflag:s4], $0x0  }
0x19: {  	s7 =	sld [smem:$0x3F93]  }
0x1a: {  	s8 =	sadd.s32 $0xFFFFE003, lr  }
0x1b: {  	s9 =	sadd.s32 $0xFFFFFEF7, lr;
	s5 =	simm.s32 $0xFFFFFFFF;
	p2 =	slt.u32 s8, $0xFFFFF086  }
0x1c: {  	p1 =	slt.u32 s9, $0xF7A;
	s5 =	simm.s32 @!p2 $0x0  }
0x1d: {  	s5 =	simm.s32 @p1 $0x1;
	p0 =	seq.s32 s7, s2  }
0x1e: {  	s7 =	smul.u32 @!p0 $0xF7A, s2;
	p2 =	seq.s32 @!p0 s5, $0x0  }
0x1f: {  	s9 =	smul.u32 $0xF7A, s1;
	s8 =	simm.s32 @!p0 $0x1BF5;
	p2 =	por !p2, p0  }
0x20: {  	[sflag:s8] =	ssyncset.s32 @!p0 $0xFFFFF086;
	s6 =	sadd.s32 @!p0 s3, s7;
	s7 =	simm.s32 @!p0 $0x108  }
0x21: {  	s3 =	sadd.s32 s3, s9;
	s6 =	sadd.s32 @!p0 $0x88, s6;
	s7 =	simm.s32 @p2 $0x1082  }
0x22: {  	[simem:s7], [sflag:s8] =	dma.local @!p0 [hbm:s6], $0xF7A  }
0x23: {  	s9 =	sor.u32 $0xD0000000, s2;
	s6 =	simm.s32 $0x108;
	_ =	swait.ge @!p0 [sflag:s8], $0x0  }
0x24: {  	s3 =	sadd.s32 $0x88, s3;
	s6 =	simm.s32 @!p1 $0x1082;
	[sflag:s4] =	ssyncset.s32 $0xFFFFF086  }
0x25: {  	[simem:s6], [sflag:s4] =	dma.local [hbm:s3], $0xF7A  }
0x26: {  	[smem:$0x3F93] =	sst s1;
	(tag) =	ssettag s2;
	_ =	strace s9  }
0x27: {  	s1 =	sld [smem:$0x3FA3]  }
0x28: {  	s2 =	sld [smem:$0x3FA4]  }
0x29: {  	s4 =	sld [smem:$0x3FA6]  }
0x2a: {  	p0 =	seq.s32 s5, $0x0;
	s5 =	sld [smem:$0x3FA7]  }
0x2b: {  	s6 =	sld [smem:$0x3FA8]  }
0x2c: {  	s7 =	sld [smem:$0x3FA9]  }
0x2d: {  	s3 =	simm.s32 $0x108;
	s8 =	sld [smem:$0x3FAA]  }
0x2e: {  	s3 =	simm.s32 @!p0 $0x1082;
	s9 =	sld [smem:$0x3FAB]  }
0x2f: {  	lr =	sadd.s32 s0, s3;
	s0 =	sld [smem:$0x3FA2]  }
0x30: {  	s3 =	sld [smem:$0x3FA5]  }
0x31: {  	[smem:$0x3FAE] =	sst s10  }
0x32: {  	s10 =	sld [smem:$0x3FAC];
	_ =	sdelay $0x3  }
0x33: {  	p0 =	seq.s32 s10, $0x1;
	s10 =	sld [smem:$0x3FAE];
	_ =	sdelay $0x3  }
0x34: {  	[smem:$0x3FAE] =	sst s10  }
0x35: {  	s10 =	sld [smem:$0x3FAD];
	_ =	sdelay $0x3  }
0x36: {  	p1 =	seq.s32 s10, $0x1;
	s10 =	sld [smem:$0x3FAE];
	_ =	sdelay $0x3  }
0x37: {  	[smem:$0x3FAE] =	sst s10  }
0x38: {  	s10 =	sld [smem:$0x3FAF]  }
0x39: {  	_ = 	snop;
	(pc) =	sbr.ind lr, $3  }
0x3a: {  	_ = 	snop  }
0x3b: {  	_ = 	snop  }
0x3c: {  	p2 =	seq.s32 s10, $0x1;
	s10 =	sld [smem:$0x3FAE]  }
0x3d: {  	_ =	shalt  }
0x3e: {  	_ =	shalt  }
0x3f: {  	_ =	shalt  }
0x40: {  	_ =	shalt  }
0x41: {  	_ =	shalt  }
0x42: {  	_ =	shalt  }
0x43: {  	_ =	shalt  }
0x44: {  	_ =	shalt  }
0x45: {  	_ =	shalt  }
0x46: {  	_ =	shalt  }
0x47: {  	_ =	shalt  }
0x48: {  	_ =	shalt  }
0x49: {  	_ =	shalt  }
0x4a: {  	_ =	shalt  }
0x4b: {  	_ =	shalt  }
0x4c: {  	_ =	shalt  }
0x4d: {  	_ =	shalt  }
0x4e: {  	_ =	shalt  }
0x4f: {  	_ =	shalt  }
0x50: {  	_ =	shalt  }
0x51: {  	_ =	shalt  }
0x52: {  	_ =	shalt  }
0x53: {  	_ =	shalt  }
0x54: {  	_ =	shalt  }
0x55: {  	_ =	shalt  }
0x56: {  	_ =	shalt  }
0x57: {  	_ =	shalt  }
0x58: {  	_ =	shalt  }
0x59: {  	_ =	shalt  }
0x5a: {  	_ =	shalt  }
0x5b: {  	_ =	shalt  }
0x5c: {  	_ =	shalt  }
0x5d: {  	_ =	shalt  }
0x5e: {  	_ =	shalt  }
0x5f: {  	_ =	shalt  }
0x60: {  	_ =	shalt  }
0x61: {  	_ =	shalt  }
0x62: {  	_ =	shalt  }
0x63: {  	_ =	shalt  }
0x64: {  	_ =	shalt  }
0x65: {  	_ =	shalt  }
0x66: {  	_ =	shalt  }
0x67: {  	_ =	shalt  }
0x68: {  	_ =	shalt  }
0x69: {  	_ =	shalt  }
0x6a: {  	_ =	shalt  }
0x6b: {  	_ =	shalt  }
0x6c: {  	_ =	shalt  }
0x6d: {  	_ =	shalt  }
0x6e: {  	_ =	shalt  }
0x6f: {  	_ =	shalt  }
0x70: {  	_ =	shalt  }
0x71: {  	_ =	shalt  }
0x72: {  	_ =	shalt  }
0x73: {  	_ =	shalt  }
0x74: {  	_ =	shalt  }
0x75: {  	_ =	shalt  }
0x76: {  	_ =	shalt  }
0x77: {  	_ =	shalt  }
0x78: {  	_ =	shalt  }
0x79: {  	_ =	shalt  }
0x7a: {  	_ =	shalt  }
0x7b: {  	_ =	shalt  }
0x7c: {  	_ =	shalt  }
0x7d: {  	_ =	shalt  }
0x7e: {  	_ =	shalt  }
0x7f: {  	_ =	shalt  }
0x80: {  	_ =	shalt  }
0x81: {  	_ =	shalt  }
0x82: {  	_ =	shalt  }
0x83: {  	_ =	shalt  }
0x84: {  	_ =	shalt  }
0x85: {  	_ =	shalt  }
0x86: {  	_ =	shalt  }
0x87: {  	_ =	shalt  }
.Lfunc_end0:
.L_simem_size_0:
called_computation_lowered:
.L_overlay_start_0:
0x88: {  	s2 =	sld [smem:$0x3FD9]  }
0x89: {  	s3 =	sld [smem:$0x3FFE];
	_ =	sdelay $0x1  }
0x8a: {  	s1 =	srdreg.scid  }
0x8b: {  	s0 =	sand.u32 $0x1, s1  }
0x8c: {  	s17 =	sshll.u32 s0, $0xA;
	s2 =	sadd.s32 s3, s2  }
0x8d: {  	s2 =	sadd.s32 s2, s17  }
0x8e: {  	[smem:$0x3FBA] =	sst s2  }
0x8f: {  	_ = 	snop  }
0x90: {  	s18 =	sld [smem:$0x3FC9];
	(tm) =	ssettm $0x1  }
0x91: {  	s19 =	sld [smem:$0x3FFB];
	_ =	sdelay $0x3  }
0x92: {  	_ =	strace s19  }
0x93: {  	s2 =	sld [smem:$0x3FFC];
	_ =	sdelay $0x3  }
0x94: {  	_ =	strace s2  }
0x95: {  	s2 =	sld [smem:$0x3FFD];
	_ =	sdelay $0x3  }
0x96: {  	_ =	strace s2  }
0x97: {  	_ =	strace $0x8FFFFFFF  }
0x98: {  	s20 =	sld [smem:$0x3FDB];
	_ =	sdelay $0x1  }
0x99: {  	s4 =	simm.s32 $_scs_section_size  }
0x9a: {  	s5 =	simm.s32 $_size__tile_overlayer_lowered;
	s6 =	simm.s32 $_tile_overlayer_lowered  }
0x9b: {  	s7 =	simm.s32 $0x1BFF;
	s21 =	sshll.u32 s6, $0x1;
	s4 =	sadd.s32 s4, s20  }
0x9c: {  	s22 =	simm.s32 $0x0;
	s5 =	sshll.u32 s5, $0x1;
	s6 =	sadd.s32 s21, s4  }
0x9d: {  	[timem:s22], [sflag:s7] =	dma.local [hbm:s6], s5  }
0x9e: {  	_ =	swait.ge [sflag:s7], s5  }
0x9f: {  	s5 =	ssub.s32 $0x0, s5;
	[sflag:s7] =	ssyncset.done $0x0  }
0xa0: {  	[sflag:s7] =	ssyncadd.s32 s5;
	_ =	sdelay $0x1  }
0xa1: {  	s23 =	simm.s32 $0x1B8B  }
0xa2: {  	_ =	swait.ge [sflag:s23], $0x1  }
0xa3: {  	[sflag:s23] =	ssyncset.done $0x0  }
0xa4: {  	[sflag:s23] =	ssyncadd.s32 $0xFFFFFFFF  }
0xa5: {  	s5 =	sld [smem:$0x0]  }
0xa6: {  	s6 =	sand.u32 $0xFFFFFFFE, s1  }
0xa7: {  	p0 =	sne.s32 s1, s6  }
0xa8: {  	s6 =	sshll.u32 @p0 s6, $0xE  }
0xa9: {  	s6 =	sadd.s32 @p0 $0x11B8D, s6;
	s7 =	sshll.u32 @p0 s5, $0x11  }
0xaa: {  	s6 =	sor.u32 @p0 s7, s6  }
0xab: {  	[sflag:s6] =	ssyncadd.remote.s32 @p0 $0x1;
	_ =	sdelay $0x1  }
0xac: {  	s6 =	simm.s32 @p0 $0x1B8D  }
0xad: {  	_ =	swait.eq @p0 [sflag:s6], $0x1  }
0xae: {  	[sflag:s6] =	ssyncadd.s32 @p0 $0xFFFFFFFF  }
0xaf: {  	s7 =	sshll.u32 @!p0 s1, $0xE  }
0xb0: {  	s7 =	sor.u32 @!p0 $0x4000, s7;
	s6 =	simm.s32 @!p0 $0x1B8D  }
0xb1: {  	s5 =	sshll.u32 @!p0 s5, $0x11;
	s7 =	sadd.s32 @!p0 $0x11B8D, s7;
	_ =	swait.eq @!p0 [sflag:s6], $0x1  }
0xb2: {  	s5 =	sor.u32 @!p0 s5, s7;
	[sflag:s6] =	ssyncadd.s32 @!p0 $0xFFFFFFFF  }
0xb3: {  	s25 =	simm.s32 $0x1B8E;
	s24 =	sld [smem:$0x3FFE];
	[sflag:s5] =	ssyncadd.remote.s32 @!p0 $0x1  }
0xb4: {  	s26 =	simm.s32 $execute0_lowered;
	[smem:$0x3FD2] =	sst s25  }
0xb5: {  	s6 =	sshll.u32 s26, $0x1;
	_ =	strace $0x8000004F;
	[dreg:$0x1] =	wrdreg $0xFFFFFFFF  }
0xb6: {  	s28 =	simm.s32 $_size_execute0_lowered;
	s4 =	sadd.s32 s4, s6;
	[dreg:$0x0] =	wrdreg $0x0  }
0xb7: {  	s6 =	sshll.u32 s28, $0x1;
	[dreg:$0x2] =	wrdreg s4  }
0xb8: {  	[dreg:$0x3] =	wrdreg s6  }
0xb9: {  	[dreg:$0x4] =	wrdreg $0xC0  }
0xba: {  	_ =	task [dreg:s22], $0x5FFFF  }
0xbb: {  	[dreg:$0x1] =	wrdreg $0xFFFFFFFF  }
0xbc: {  	[dreg:$0x0] =	wrdreg $0x60  }
0xbd: {  	[dreg:$0x2] =	wrdreg s24  }
0xbe: {  	[dreg:$0x3] =	wrdreg s18  }
0xbf: {  	[dreg:$0x4] =	wrdreg $0x9  }
0xc0: {  	_ =	task.clear_ibuf [dreg:s22], $0x5FFFF;
	_ =	strace $0x9000004F  }
0xc1: {  	s29 =	simm.s32 $0x9;
	_ =	strace $0x80000051  }
0xc2: {  	_ =	swait.ge [sflag:s29], $0x1  }
0xc3: {  	[sflag:s29] =	ssyncadd.s32 $0xFFFFFFFF  }
0xc4: {  	_ =	strace $0x90000051  }
0xc5: {  	_ =	sfence  }
0xc6: {  	s30 =	sld [smem:$0x0];
	_ =	sdelay $0x2  }
0xc7: {  	s31 =	sshll.u32 s1, $0xD;
	s1 =	sshrl.u32 s1, $0x2  }
0xc8: {  	s4 =	sand.u32 $0x4000, s31;
	s1 =	sadd.s32 s1, s30  }
0xc9: {  	s0 =	sor.u32 s4, s0;
	s1 =	sshll.u32 s1, $0x11  }
0xca: {  	s0 =	sor.u32 s1, s0  }
0xcb: {  	s0 =	sadd.s32 $0x8F2B, s0  }
0xcc: {  	[sflag:s0] =	ssyncadd.remote.s32 $0x1  }
0xcd: {  	_ =	sfence.sel $0xFFFF  }
0xce: {  	[dreg:$0x0] =	wrdreg $0xFFFFFFFF;
	(pc) =	sbr.abs _section_cstart, $3  }
0xcf: {  	[dreg:$0x1] =	wrdreg $0xFFFFFFFF  }
0xd0: {  	_ =	task.clear_ibuf [dreg:s22], $0x2FFFF;
	_ =	strace $0x9FFFFFFF  }
0xd1: {  	(tm) =	ssettm $0x7FFFFFFF  }
tec
execute0_lowered:
.L_overlay_start_1:
0x0: {  	(tag) =	ssettag $0x1  }
0x1: {  	s4 =	rddreg [dreg:$0x0]  }
0x2: {  	s1 =	rddreg [dreg:$0x1]  }
0x3: {  	s0 =	rddreg [dreg:$0x2]  }
0x4: {  	s3 =	simm.s32 $0x0;
	s5 =	srdreg.scid;
	s2 =	stileid.u32  }
0x5: {  	[smem:$0x7FF] =	sst s3;
	s9 =	sand.u32 $0x1, s5;
	s28 =	sshll.u32 s2, $0x5  }
0x6: {  	s6 =	sshll.u32 s2, $0xC;
	s10 =	sshll.u32 s2, $0x1;
	_ =	strace $0x80000050  }
0x7: {  	s7 =	ssub.s32 $0x2, s9;
	s5 =	sadd.s32 s28, s4;
	s8 =	sadd.s32 s6, s4  }
0x8: {  	s30 =	sshll.u32 s9, $0x4;
	s31 =	sshll.u32 s9, $0xB;
	s9 =	sor.u32 s9, s10  }
0x9: {  	s29 =	sshrl.u32 s7, $0x1;
	s6 =	sadd.s32 s30, s5;
	s8 =	sadd.s32 s31, s8  }
0xa: {  	s4 =	ssub.s32 s7, s29;
	s5 =	sadd.s32 $0x76C800, s6;
	s6 =	sadd.s32 $0x76A000, s6  }
0xb: {  	s7 =	sadd.s32 $0x8A7800, s8;
	s8 =	sadd.s32 $0x76F000, s8;
	s4 =	smax.u32 s4, $0x1  }
.LBB2_1:
0xc: {  	p0 =	sgt.u32 s9, $0x270  }
0xd: {  	s10 =	sadd.s32 @!p0 $0x0, s6;
	s11 =	simm.s32 @!p0 $0x0;
	s14 =	simm.s32 @!p0 $0x4  }
0xe: {  	[tilespmem:s11], [sflag:$0x4] =	stream.linear.gather @!p0 [hbm4b:s10+s11], $0x80, $0x38;
	[tilespmem:$0x8100] =	vst v63  }
0xf: {  	_ =	swait.ge @!p0 [sflag:s14], $0x80;
	p0 =	por p0, p0  }
0x10: {  	[sflag:s14] =	ssyncset.done @!p0 $0x0  }
0x11: {  	s10 =	sadd.s32 @!p0 $0x0, s5;
	s12 =	simm.s32 @!p0 $0x80;
	[sflag:s14] =	ssyncadd.s32 @!p0 $0xFFFFFF80  }
0x12: {  	[tilespmem:s12], [sflag:$0x4] =	stream.linear.gather @!p0 [hbm4b:s10+s11], $0x80, $0x38;
	[tilespmem:$0x8100] =	vst v63  }
0x13: {  	_ =	swait.ge @!p0 [sflag:s14], $0x80  }
0x14: {  	[sflag:s14] =	ssyncset.done @!p0 $0x0  }
0x15: {  	s10 =	simm.s32 @!p0 $0x100;
	[sflag:s14] =	ssyncadd.s32 @!p0 $0xFFFFFF80  }
0x16: {  	[tilespmem:s10], [sflag:$0x1] =	stream.indirect.gather @!p0 [hbm4b:s1+s12], $0x80, s11, s12, $0xb8;
	[tilespmem:$0x8100] =	vst v63  }
0x17: {  	s15 =	simm.s32 @!p0 $0x4100;
	s13 =	simm.s32 @!p0 $0x1  }
0x18: {  	[tilespmem:s15], [sflag:$0x2] =	stream.indirect.gather @!p0 [hbm4b:s1+s12], $0x80, s12, s12, $0xb8;
	[tilespmem:$0x8100] =	vst v63  }
0x19: {  	_ =	swait.ge @!p0 [sflag:s13], $0x4000  }
0x1a: {  	[sflag:s13] =	ssyncset.done @!p0 $0x0  }
0x1b: {  	s12 =	simm.s32 @!p0 $0x2;
	[sflag:s13] =	ssyncadd.s32 @!p0 $0xFFFFC000  }
0x1c: {  	_ =	swait.ge @!p0 [sflag:s12], $0x4000  }
0x1d: {  	[sflag:s12] =	ssyncset.done @!p0 $0x0  }
0x1e: {  	[sflag:s12] =	ssyncadd.s32 @!p0 $0xFFFFC000  }
0x1f: {  	[hbm4b:s8+s11] =	stream.linear.scatter @!p0 [tilespmem:s10], [sflag:$0x4], $0x4000, $0x38;
	[tilespmem:$0x8100] =	vst v63  }
0x20: {  	_ =	swait.ge @!p0 [sflag:s14], $0x4000  }
0x21: {  	[sflag:s14] =	ssyncset.done @!p0 $0x0  }
0x22: {  	s13 =	simm.s32 $0x400;
	s12 =	simm.s32 $0x200;
	[sflag:s14] =	ssyncadd.s32 @!p0 $0xFFFFC000  }
0x23: {  	[hbm4b:s7+s11] =	stream.linear.scatter @!p0 [tilespmem:s15], [sflag:$0x3], $0x4000, $0x38;
	[tilespmem:$0x8100] =	vst v63  }
0x24: {  	s10 =	sadd.s32 $0x10000, s8;
	s14 =	sadd.s32 $0x20, s9;
	s15 =	simm.s32 @!p0 $0x3  }
0x25: {  	p2 =	sgt.u32 s14, $0x270;
	s11 =	sadd.s32 $0x10000, s7;
	_ =	swait.ge @!p0 [sflag:s15], $0x4000  }
.LBB2_2:
0x26: {  	s16 =	sadd.s32 @!p2 s12, s6  }
0x27: {  	s17 =	simm.s32 @!p2 $0x0;
	[sflag:s15] =	ssyncset.done @!p0 $0x0;
	s18 =	smov.u32 s13  }
0x28: {  	s13 =	sadd.s32 $0x200, s13;
	s19 =	simm.s32 @!p2 $0x4;
	[sflag:s15] =	ssyncadd.s32 @!p0 $0xFFFFC000  }
0x29: {  	[tilespmem:s17], [sflag:$0x4] =	stream.linear.gather @!p2 [hbm4b:s16+s17], $0x80, $0x38;
	[tilespmem:$0x8100] =	vst v63  }
0x2a: {  	p1 =	sne.s32 s13, $0x2800;
	p0 =	por p2, p2;
	_ =	swait.ge @!p2 [sflag:s19], $0x80  }
0x2b: {  	[sflag:s19] =	ssyncset.done @!p0 $0x0  }
0x2c: {  	s12 =	sadd.s32 @!p0 s12, s5;
	s15 =	simm.s32 @!p0 $0x80;
	[sflag:s19] =	ssyncadd.s32 @!p0 $0xFFFFFF80  }
0x2d: {  	[tilespmem:s15], [sflag:$0x4] =	stream.linear.gather @!p0 [hbm4b:s12+s17], $0x80, $0x38;
	[tilespmem:$0x8100] =	vst v63  }
0x2e: {  	s12 =	smov.u32 s18;
	_ =	swait.ge @!p0 [sflag:s19], $0x80  }
0x2f: {  	[sflag:s19] =	ssyncset.done @!p0 $0x0  }
0x30: {  	s16 =	simm.s32 @!p0 $0x100;
	[sflag:s19] =	ssyncadd.s32 @!p0 $0xFFFFFF80  }
0x31: {  	[tilespmem:s16], [sflag:$0x1] =	stream.indirect.gather @!p0 [hbm4b:s1+s15], $0x80, s17, s15, $0xb8;
	[tilespmem:$0x8100] =	vst v63  }
0x32: {  	s20 =	simm.s32 @!p0 $0x1;
	s18 =	simm.s32 @!p0 $0x4100  }
0x33: {  	[tilespmem:s18], [sflag:$0x2] =	stream.indirect.gather @!p0 [hbm4b:s1+s15], $0x80, s15, s15, $0xb8;
	[tilespmem:$0x8100] =	vst v63  }
0x34: {  	_ =	swait.ge @!p0 [sflag:s20], $0x4000  }
0x35: {  	[sflag:s20] =	ssyncset.done @!p0 $0x0  }
0x36: {  	s15 =	simm.s32 @!p0 $0x2;
	[sflag:s20] =	ssyncadd.s32 @!p0 $0xFFFFC000  }
0x37: {  	_ =	swait.ge @!p0 [sflag:s15], $0x4000  }
0x38: {  	[sflag:s15] =	ssyncset.done @!p0 $0x0  }
0x39: {  	[sflag:s15] =	ssyncadd.s32 @!p0 $0xFFFFC000  }
0x3a: {  	[hbm4b:s10+s17] =	stream.linear.scatter @!p0 [tilespmem:s16], [sflag:$0x4], $0x4000, $0x38;
	[tilespmem:$0x8100] =	vst v63  }
.Ltmp0:
0x3b: {  	_ =	swait.ge @!p0 [sflag:s19], $0x4000;
	(pc) =	sbr.rel @p1 .LBB2_2-.Ltmp0, $4  }
0x3c: {  	s10 =	sadd.s32 $0x10000, s10;
	[sflag:s19] =	ssyncset.done @!p0 $0x0  }
0x3d: {  	s14 =	sadd.s32 $0x20, s14;
	s15 =	simm.s32 @!p0 $0x3;
	[sflag:s19] =	ssyncadd.s32 @!p0 $0xFFFFC000  }
0x3e: {  	[hbm4b:s11+s17] =	stream.linear.scatter @!p0 [tilespmem:s18], [sflag:$0x3], $0x4000, $0x38;
	[tilespmem:$0x8100] =	vst v63  }
0x3f: {  	p2 =	sgt.u32 s14, $0x270;
	s11 =	sadd.s32 $0x10000, s11;
	_ =	swait.ge @!p0 [sflag:s15], $0x4000  }
0x40: {  	s13 =	sadd.s32 @!p2 s12, s6;
	[sflag:s15] =	ssyncset.done @!p0 $0x0  }
0x41: {  	s14 =	simm.s32 @!p2 $0x0;
	s16 =	simm.s32 @!p2 $0x4;
	[sflag:s15] =	ssyncadd.s32 @!p0 $0xFFFFC000  }
0x42: {  	[tilespmem:s14], [sflag:$0x4] =	stream.linear.gather @!p2 [hbm4b:s13+s14], $0x80, $0x38;
	[tilespmem:$0x8100] =	vst v63  }
0x43: {  	p0 =	por p2, p2;
	_ =	swait.ge @!p2 [sflag:s16], $0x80  }
0x44: {  	[sflag:s16] =	ssyncset.done @!p0 $0x0  }
0x45: {  	s12 =	sadd.s32 @!p0 s12, s5;
	s13 =	simm.s32 @!p0 $0x80;
	[sflag:s16] =	ssyncadd.s32 @!p0 $0xFFFFFF80  }
0x46: {  	[tilespmem:s13], [sflag:$0x4] =	stream.linear.gather @!p0 [hbm4b:s12+s14], $0x80, $0x38;
	[tilespmem:$0x8100] =	vst v63  }
0x47: {  	_ =	swait.ge @!p0 [sflag:s16], $0x80  }
0x48: {  	[sflag:s16] =	ssyncset.done @!p0 $0x0  }
0x49: {  	s12 =	simm.s32 @!p0 $0x100;
	[sflag:s16] =	ssyncadd.s32 @!p0 $0xFFFFFF80  }
0x4a: {  	[tilespmem:s12], [sflag:$0x1] =	stream.indirect.gather @!p0 [hbm4b:s1+s13], $0x80, s14, s13, $0xb8;
	[tilespmem:$0x8100] =	vst v63  }
0x4b: {  	s15 =	simm.s32 @!p0 $0x4100;
	s17 =	simm.s32 @!p0 $0x1  }
0x4c: {  	[tilespmem:s15], [sflag:$0x2] =	stream.indirect.gather @!p0 [hbm4b:s1+s13], $0x80, s13, s13, $0xb8;
	[tilespmem:$0x8100] =	vst v63  }
0x4d: {  	_ =	swait.ge @!p0 [sflag:s17], $0x4000  }
0x4e: {  	[sflag:s17] =	ssyncset.done @!p0 $0x0  }
0x4f: {  	s13 =	simm.s32 @!p0 $0x2;
	[sflag:s17] =	ssyncadd.s32 @!p0 $0xFFFFC000  }
0x50: {  	_ =	swait.ge @!p0 [sflag:s13], $0x4000  }
0x51: {  	[sflag:s13] =	ssyncset.done @!p0 $0x0  }
0x52: {  	[sflag:s13] =	ssyncadd.s32 @!p0 $0xFFFFC000  }
0x53: {  	[hbm4b:s10+s14] =	stream.linear.scatter @!p0 [tilespmem:s12], [sflag:$0x4], $0x4000, $0x38;
	[tilespmem:$0x8100] =	vst v63  }
0x54: {  	s3 =	sadd.s32 $0x1, s3;
	_ =	swait.ge @!p0 [sflag:s16], $0x4000  }
0x55: {  	p1 =	sne.s32 s3, s4;
	[sflag:s16] =	ssyncset.done @!p0 $0x0  }
.Ltmp1:
0x56: {  	s10 =	simm.s32 @!p0 $0x3;
	[sflag:s16] =	ssyncadd.s32 @!p0 $0xFFFFC000;
	(pc) =	sbr.rel @p1 .LBB2_1-.Ltmp1, $4  }
0x57: {  	[hbm4b:s11+s14] =	stream.linear.scatter @!p0 [tilespmem:s15], [sflag:$0x3], $0x4000, $0x38;
	[tilespmem:$0x8100] =	vst v63  }
0x58: {  	_ =	swait.ge @!p0 [sflag:s10], $0x4000  }
0x59: {  	[sflag:s10] =	ssyncset.done @!p0 $0x0  }
0x5a: {  	[sflag:s10] =	ssyncadd.s32 @!p0 $0xFFFFC000  }
0x5b: {  	_ =	sfence.sel $0x180000  }
0x5c: {  	[bflag:$0x0] =	sbarrier.arrive $0xFFFF  }
0x5d: {  	p0 =	sne.s32 s2, $0x0;
	_ =	strace $0x90000050  }
0x5e: {  	s0 =	sadd.s32 @!p0 $0x100000, s0;
	[bflag:$0x2] =	sbarrier.arrive $0xFFFF  }
0x5f: {  	[sflag:s0] =	ssyncadd.tile.s32 @!p0 $0x1;
	_ =	shalt  }
.Lfunc_end2:
_tile_overlayer_lowered:
.L_overlay_start_2:
0x60: {  	(tag) =	ssettag $0x2  }
0x61: {  	s0 =	rddreg [dreg:$0x0];
	s2 =	stileid.u32  }
0x62: {  	s1 =	rddreg [dreg:$0x1];
	p0 =	sne.s32 s2, $0x0  }
0x63: {  	s3 =	rddreg [dreg:$0x2];
	[bflag:$0x3] =	sbarrier.arrive $0xFFFF;
	s2 =	simm.s32 @!p0 $0x1C03  }
0x64: {  	[timem:s3], [sflag:s2] =	dma.local @!p0 [hbm:s0], s1  }
0x65: {  	s0 =	simm.s32 @!p0 $0x3  }
0x66: {  	_ =	swait.ge @!p0 [sflag:s0], s1  }
0x67: {  	s1 =	ssub.s32 @!p0 $0x0, s1;
	[sflag:s0] =	ssyncset.done @!p0 $0x0  }
0x68: {  	[sflag:s0] =	ssyncadd.s32 @!p0 s1  }
0x69: {  	[bflag:$0x3] =	sbarrier.arrive $0xFFFF  }
0x6a: {  	_ =	shalt  }

// kernel: kernel.18.cloned.1.call-start
scs
__scs_entry_jumppad:
0x0: {  	(pc) =	sbr.rel $0x88, $3  }
0x1: {  	(tag) =	ssettag $0x0;
	lr =	simm.s32 $0x1  }
0x2: {  	[smem:$0x3F93] =	sst lr;
	_ =	strace $0xD0000000  }
0x3: {  	_ = 	snop  }
0x4: {  	_ = 	snop  }
0x5: {  	_ = 	snop  }
0x6: {  	_ = 	snop  }
0x7: {  	_ = 	snop  }
__scs_overlays_trampoline_lowered:
0x8: {  	[smem:$0x3FA2] =	sst s0  }
0x9: {  	[smem:$0x3FA3] =	sst s1  }
0xa: {  	[smem:$0x3FA4] =	sst s2  }
0xb: {  	[smem:$0x3FA5] =	sst s3  }
0xc: {  	[smem:$0x3FA6] =	sst s4  }
0xd: {  	[smem:$0x3FA7] =	sst s5  }
0xe: {  	[smem:$0x3FA8] =	sst s6  }
0xf: {  	[smem:$0x3FA9] =	sst s7  }
0x10: {  	[smem:$0x3FAA] =	sst s8  }
0x11: {  	[smem:$0x3FAB] =	sst s9;
	s0 =	simm.s32 @!p0 $0x0  }
0x12: {  	s1 =	sld [smem:$0x3F91];
	s0 =	simm.s32 @p0 $0x1  }
0x13: {  	[smem:$0x3FAC] =	sst s0;
	s0 =	simm.s32 @!p1 $0x0  }
0x14: {  	s2 =	sld [smem:$0x3F90];
	s0 =	simm.s32 @p1 $0x1  }
0x15: {  	[smem:$0x3FAD] =	sst s0;
	s0 =	simm.s32 @!p2 $0x0  }
0x16: {  	s3 =	sld [smem:$0x3FDB];
	s0 =	simm.s32 @p2 $0x1  }
0x17: {  	s4 =	simm.s32 $0x1BF5;
	[smem:$0x3FAF] =	sst s0  }
0x18: {  	s0 =	sld [smem:$0x3F92];
	_ =	swait.ge [sflag:s4], $0x0  }
0x19: {  	s7 =	sld [smem:$0x3F93]  }
0x1a: {  	s8 =	sadd.s32 $0xFFFFE003, lr  }
0x1b: {  	s9 =	sadd.s32 $0xFFFFFEF7, lr;
	s5 =	simm.s32 $0xFFFFFFFF;
	p2 =	slt.u32 s8, $0xFFFFF086  }
0x1c: {  	p1 =	slt.u32 s9, $0xF7A;
	s5 =	simm.s32 @!p2 $0x0  }
0x1d: {  	s5 =	simm.s32 @p1 $0x1;
	p0 =	seq.s32 s7, s2  }
0x1e: {  	s7 =	smul.u32 @!p0 $0xF7A, s2;
	p2 =	seq.s32 @!p0 s5, $0x0  }
0x1f: {  	s9 =	smul.u32 $0xF7A, s1;
	s8 =	simm.s32 @!p0 $0x1BF5;
	p2 =	por !p2, p0  }
0x20: {  	[sflag:s8] =	ssyncset.s32 @!p0 $0xFFFFF086;
	s6 =	sadd.s32 @!p0 s3, s7;
	s7 =	simm.s32 @!p0 $0x108  }
0x21: {  	s3 =	sadd.s32 s3, s9;
	s6 =	sadd.s32 @!p0 $0x88, s6;
	s7 =	simm.s32 @p2 $0x1082  }
0x22: {  	[simem:s7], [sflag:s8] =	dma.local @!p0 [hbm:s6], $0xF7A  }
0x23: {  	s9 =	sor.u32 $0xD0000000, s2;
	s6 =	simm.s32 $0x108;
	_ =	swait.ge @!p0 [sflag:s8], $0x0  }
0x24: {  	s3 =	sadd.s32 $0x88, s3;
	s6 =	simm.s32 @!p1 $0x1082;
	[sflag:s4] =	ssyncset.s32 $0xFFFFF086  }
0x25: {  	[simem:s6], [sflag:s4] =	dma.local [hbm:s3], $0xF7A  }
0x26: {  	[smem:$0x3F93] =	sst s1;
	(tag) =	ssettag s2;
	_ =	strace s9  }
0x27: {  	s1 =	sld [smem:$0x3FA3]  }
0x28: {  	s2 =	sld [smem:$0x3FA4]  }
0x29: {  	s4 =	sld [smem:$0x3FA6]  }
0x2a: {  	p0 =	seq.s32 s5, $0x0;
	s5 =	sld [smem:$0x3FA7]  }
0x2b: {  	s6 =	sld [smem:$0x3FA8]  }
0x2c: {  	s7 =	sld [smem:$0x3FA9]  }
0x2d: {  	s3 =	simm.s32 $0x108;
	s8 =	sld [smem:$0x3FAA]  }
0x2e: {  	s3 =	simm.s32 @!p0 $0x1082;
	s9 =	sld [smem:$0x3FAB]  }
0x2f: {  	lr =	sadd.s32 s0, s3;
	s0 =	sld [smem:$0x3FA2]  }
0x30: {  	s3 =	sld [smem:$0x3FA5]  }
0x31: {  	[smem:$0x3FAE] =	sst s10  }
0x32: {  	s10 =	sld [smem:$0x3FAC];
	_ =	sdelay $0x3  }
0x33: {  	p0 =	seq.s32 s10, $0x1;
	s10 =	sld [smem:$0x3FAE];
	_ =	sdelay $0x3  }
0x34: {  	[smem:$0x3FAE] =	sst s10  }
0x35: {  	s10 =	sld [smem:$0x3FAD];
	_ =	sdelay $0x3  }
0x36: {  	p1 =	seq.s32 s10, $0x1;
	s10 =	sld [smem:$0x3FAE];
	_ =	sdelay $0x3  }
0x37: {  	[smem:$0x3FAE] =	sst s10  }
0x38: {  	s10 =	sld [smem:$0x3FAF]  }
0x39: {  	_ = 	snop;
	(pc) =	sbr.ind lr, $3  }
0x3a: {  	_ = 	snop  }
0x3b: {  	_ = 	snop  }
0x3c: {  	p2 =	seq.s32 s10, $0x1;
	s10 =	sld [smem:$0x3FAE]  }
0x3d: {  	_ =	shalt  }
0x3e: {  	_ =	shalt  }
0x3f: {  	_ =	shalt  }
0x40: {  	_ =	shalt  }
0x41: {  	_ =	shalt  }
0x42: {  	_ =	shalt  }
0x43: {  	_ =	shalt  }
0x44: {  	_ =	shalt  }
0x45: {  	_ =	shalt  }
0x46: {  	_ =	shalt  }
0x47: {  	_ =	shalt  }
0x48: {  	_ =	shalt  }
0x49: {  	_ =	shalt  }
0x4a: {  	_ =	shalt  }
0x4b: {  	_ =	shalt  }
0x4c: {  	_ =	shalt  }
0x4d: {  	_ =	shalt  }
0x4e: {  	_ =	shalt  }
0x4f: {  	_ =	shalt  }
0x50: {  	_ =	shalt  }
0x51: {  	_ =	shalt  }
0x52: {  	_ =	shalt  }
0x53: {  	_ =	shalt  }
0x54: {  	_ =	shalt  }
0x55: {  	_ =	shalt  }
0x56: {  	_ =	shalt  }
0x57: {  	_ =	shalt  }
0x58: {  	_ =	shalt  }
0x59: {  	_ =	shalt  }
0x5a: {  	_ =	shalt  }
0x5b: {  	_ =	shalt  }
0x5c: {  	_ =	shalt  }
0x5d: {  	_ =	shalt  }
0x5e: {  	_ =	shalt  }
0x5f: {  	_ =	shalt  }
0x60: {  	_ =	shalt  }
0x61: {  	_ =	shalt  }
0x62: {  	_ =	shalt  }
0x63: {  	_ =	shalt  }
0x64: {  	_ =	shalt  }
0x65: {  	_ =	shalt  }
0x66: {  	_ =	shalt  }
0x67: {  	_ =	shalt  }
0x68: {  	_ =	shalt  }
0x69: {  	_ =	shalt  }
0x6a: {  	_ =	shalt  }
0x6b: {  	_ =	shalt  }
0x6c: {  	_ =	shalt  }
0x6d: {  	_ =	shalt  }
0x6e: {  	_ =	shalt  }
0x6f: {  	_ =	shalt  }
0x70: {  	_ =	shalt  }
0x71: {  	_ =	shalt  }
0x72: {  	_ =	shalt  }
0x73: {  	_ =	shalt  }
0x74: {  	_ =	shalt  }
0x75: {  	_ =	shalt  }
0x76: {  	_ =	shalt  }
0x77: {  	_ =	shalt  }
0x78: {  	_ =	shalt  }
0x79: {  	_ =	shalt  }
0x7a: {  	_ =	shalt  }
0x7b: {  	_ =	shalt  }
0x7c: {  	_ =	shalt  }
0x7d: {  	_ =	shalt  }
0x7e: {  	_ =	shalt  }
0x7f: {  	_ =	shalt  }
0x80: {  	_ =	shalt  }
0x81: {  	_ =	shalt  }
0x82: {  	_ =	shalt  }
0x83: {  	_ =	shalt  }
0x84: {  	_ =	shalt  }
0x85: {  	_ =	shalt  }
0x86: {  	_ =	shalt  }
0x87: {  	_ =	shalt  }
.Lfunc_end0:
.L_simem_size_0:
called_computation.1_lowered:
.L_overlay_start_0:
0x88: {  	s2 =	sld [smem:$0x3FD9]  }
0x89: {  	s3 =	sld [smem:$0x3FFE];
	_ =	sdelay $0x1  }
0x8a: {  	s1 =	srdreg.scid  }
0x8b: {  	s0 =	sand.u32 $0x1, s1  }
0x8c: {  	s17 =	sshll.u32 s0, $0xA;
	s2 =	sadd.s32 s3, s2  }
0x8d: {  	s2 =	sadd.s32 s2, s17  }
0x8e: {  	[smem:$0x3FBA] =	sst s2  }
0x8f: {  	_ = 	snop  }
0x90: {  	s18 =	sld [smem:$0x3FD0];
	(tm) =	ssettm $0x1  }
0x91: {  	s19 =	sld [smem:$0x3FFB];
	_ =	sdelay $0x3  }
0x92: {  	_ =	strace s19  }
0x93: {  	s2 =	sld [smem:$0x3FFC];
	_ =	sdelay $0x3  }
0x94: {  	_ =	strace s2  }
0x95: {  	s2 =	sld [smem:$0x3FFD];
	_ =	sdelay $0x3  }
0x96: {  	_ =	strace s2  }
0x97: {  	_ =	strace $0x8FFFFFFF  }
0x98: {  	s20 =	sld [smem:$0x3FDB];
	_ =	sdelay $0x1  }
0x99: {  	s4 =	simm.s32 $_scs_section_size  }
0x9a: {  	s5 =	simm.s32 $_size__tile_overlayer_lowered;
	s6 =	simm.s32 $_tile_overlayer_lowered  }
0x9b: {  	s7 =	simm.s32 $0x1BFF;
	s21 =	sshll.u32 s6, $0x1;
	s4 =	sadd.s32 s4, s20  }
0x9c: {  	s22 =	simm.s32 $0x0;
	s5 =	sshll.u32 s5, $0x1;
	s6 =	sadd.s32 s21, s4  }
0x9d: {  	[timem:s22], [sflag:s7] =	dma.local [hbm:s6], s5  }
0x9e: {  	_ =	swait.ge [sflag:s7], s5  }
0x9f: {  	s5 =	ssub.s32 $0x0, s5;
	[sflag:s7] =	ssyncset.done $0x0  }
0xa0: {  	[sflag:s7] =	ssyncadd.s32 s5;
	_ =	sdelay $0x1  }
0xa1: {  	s23 =	simm.s32 $0x1B8B  }
0xa2: {  	_ =	swait.ge [sflag:s23], $0x1  }
0xa3: {  	[sflag:s23] =	ssyncset.done $0x0  }
0xa4: {  	[sflag:s23] =	ssyncadd.s32 $0xFFFFFFFF  }
0xa5: {  	s5 =	sld [smem:$0x0]  }
0xa6: {  	s6 =	sand.u32 $0xFFFFFFFE, s1  }
0xa7: {  	p0 =	sne.s32 s1, s6  }
0xa8: {  	s6 =	sshll.u32 @p0 s6, $0xE  }
0xa9: {  	s6 =	sadd.s32 @p0 $0x11B8D, s6;
	s7 =	sshll.u32 @p0 s5, $0x11  }
0xaa: {  	s6 =	sor.u32 @p0 s7, s6  }
0xab: {  	[sflag:s6] =	ssyncadd.remote.s32 @p0 $0x1;
	_ =	sdelay $0x1  }
0xac: {  	s6 =	simm.s32 @p0 $0x1B8D  }
0xad: {  	_ =	swait.eq @p0 [sflag:s6], $0x1  }
0xae: {  	[sflag:s6] =	ssyncadd.s32 @p0 $0xFFFFFFFF  }
0xaf: {  	s7 =	sshll.u32 @!p0 s1, $0xE  }
0xb0: {  	s7 =	sor.u32 @!p0 $0x4000, s7;
	s6 =	simm.s32 @!p0 $0x1B8D  }
0xb1: {  	s5 =	sshll.u32 @!p0 s5, $0x11;
	s7 =	sadd.s32 @!p0 $0x11B8D, s7;
	_ =	swait.eq @!p0 [sflag:s6], $0x1  }
0xb2: {  	s5 =	sor.u32 @!p0 s5, s7;
	[sflag:s6] =	ssyncadd.s32 @!p0 $0xFFFFFFFF  }
0xb3: {  	s25 =	simm.s32 $0x1B8E;
	s24 =	sld [smem:$0x3FFE];
	[sflag:s5] =	ssyncadd.remote.s32 @!p0 $0x1  }
0xb4: {  	s26 =	simm.s32 $execute0_lowered;
	[smem:$0x3FD2] =	sst s25  }
0xb5: {  	s6 =	sshll.u32 s26, $0x1;
	_ =	strace $0x8000005B;
	[dreg:$0x1] =	wrdreg $0xFFFFFFFF  }
0xb6: {  	s28 =	simm.s32 $_size_execute0_lowered;
	s4 =	sadd.s32 s4, s6;
	[dreg:$0x0] =	wrdreg $0x0  }
0xb7: {  	s6 =	sshll.u32 s28, $0x1;
	[dreg:$0x2] =	wrdreg s4  }
0xb8: {  	[dreg:$0x3] =	wrdreg s6  }
0xb9: {  	[dreg:$0x4] =	wrdreg $0xC0  }
0xba: {  	_ =	task [dreg:s22], $0x5FFFF  }
0xbb: {  	[dreg:$0x1] =	wrdreg $0xFFFFFFFF  }
0xbc: {  	[dreg:$0x0] =	wrdreg $0x60  }
0xbd: {  	[dreg:$0x2] =	wrdreg s24  }
0xbe: {  	[dreg:$0x3] =	wrdreg s18  }
0xbf: {  	[dreg:$0x4] =	wrdreg $0x0  }
0xc0: {  	[dreg:$0x5] =	wrdreg $0x9  }
0xc1: {  	_ =	task.clear_ibuf [dreg:s22], $0x6FFFF;
	_ =	strace $0x9000005B  }
0xc2: {  	s29 =	simm.s32 $0x9;
	_ =	strace $0x8000005D  }
0xc3: {  	_ =	swait.ge [sflag:s29], $0x1  }
0xc4: {  	[sflag:s29] =	ssyncadd.s32 $0xFFFFFFFF  }
0xc5: {  	_ =	strace $0x9000005D  }
0xc6: {  	_ =	sfence  }
0xc7: {  	s30 =	sld [smem:$0x0];
	_ =	sdelay $0x2  }
0xc8: {  	s31 =	sshll.u32 s1, $0xD;
	s1 =	sshrl.u32 s1, $0x2  }
0xc9: {  	s4 =	sand.u32 $0x4000, s31;
	s1 =	sadd.s32 s1, s30  }
0xca: {  	s0 =	sor.u32 s4, s0;
	s1 =	sshll.u32 s1, $0x11  }
0xcb: {  	s0 =	sor.u32 s1, s0  }
0xcc: {  	s0 =	sadd.s32 $0x8F2B, s0  }
0xcd: {  	[sflag:s0] =	ssyncadd.remote.s32 $0x1  }
0xce: {  	_ =	sfence.sel $0xFFFF  }
0xcf: {  	[dreg:$0x0] =	wrdreg $0xFFFFFFFF;
	(pc) =	sbr.abs _section_cstart, $3  }
0xd0: {  	[dreg:$0x1] =	wrdreg $0xFFFFFFFF  }
0xd1: {  	_ =	task.clear_ibuf [dreg:s22], $0x2FFFF;
	_ =	strace $0x9FFFFFFF  }
0xd2: {  	(tm) =	ssettm $0x7FFFFFFF  }
0xd3: {  	_ =	shalt  }
tec
execute0_lowered:
.L_overlay_start_1:
0x0: {  	(tag) =	ssettag $0x1  }
0x1: {  	s4 =	rddreg [dreg:$0x0]  }
0x2: {  	s5 =	rddreg [dreg:$0x1]  }
0x3: {  	s2 =	rddreg [dreg:$0x2]  }
0x4: {  	s0 =	rddreg [dreg:$0x3]  }
0x5: {  	s1 =	stileid.u32;
	s6 =	srdreg.scid  }
0x6: {  	s3 =	simm.s32 $0x0;
	s10 =	sand.u32 $0x1, s6;
	s25 =	smul.u32 $0x2800, s1  }
0x7: {  	[smem:$0x7FF] =	sst s3;
	s7 =	sshll.u32 s1, $0x5;
	s9 =	sshll.u32 s1, $0xC  }
0x8: {  	s12 =	smul.u32 $0x50000, s1;
	s13 =	sshll.u32 s1, $0x1;
	s30 =	sshll.u32 s1, $0x6  }
0x9: {  	s8 =	smul.u32 $0x28000, s10;
	_ =	strace $0x8000005C;
	s7 =	sadd.s32 s7, s4  }
0xa: {  	s11 =	ssub.s32 $0x2, s10;
	s9 =	sadd.s32 s9, s4;
	s29 =	sshll.u32 s10, $0x4  }
0xb: {  	s31 =	sshll.u32 s10, $0xB;
	s10 =	sor.u32 s10, s13;
	s26 =	sshrl.u32 s11, $0x1  }
0xc: {  	s28 =	sshrl.u32 s12, $0x2;
	s14 =	sadd.s32 s29, s7;
	s9 =	sadd.s32 s31, s9  }
0xd: {  	s8 =	sadd.s32 s25, s8;
	s11 =	ssub.s32 s11, s26;
	s12 =	sadd.s32 s28, s2  }
0xe: {  	s9 =	sadd.s32 $0x378000, s9;
	s8 =	sadd.s32 s8, s4;
	s4 =	sadd.s32 s5, s25  }
0xf: {  	s5 =	sor.u32 $0x1C01, s30;
	s7 =	smax.u32 s11, $0x1;
	s11 =	sshrl.u32 s12, $0x3  }
0x10: {  	s12 =	simm.s32 $0x1;
	s6 =	sadd.s32 $0x76F000, s8;
	s8 =	sadd.s32 $0x76C800, s14  }
.LBB2_1:
0x11: {  	[spmem:s11], [sflag:s5] =	dma.local [hbm:s4], $0x2800  }
0x12: {  	s13 =	sadd.s32 $0x0, s10;
	_ =	swait.ge [sflag:s12], $0x2800  }
0x13: {  	p0 =	sgt.u32 s13, $0x270;
	[sflag:s12] =	ssyncset.done $0x0  }
0x14: {  	s13 =	simm.s32 @!p0 $0x0;
	[sflag:s12] =	ssyncadd.s32 $0xFFFFD800  }
0x15: {  	s15 =	simm.s32 @!p0 $0x14000;
	s16 =	simm.s32 @!p0 $0x2;
	[bflag:$0x0] =	sbarrier.arrive $0xFFFF  }
0x16: {  	[tilespmem:s15], [sflag:$0x2] =	stream.linear.gather @!p0 [hbm4b:s8+s13], $0x80, $0x38;
	[tilespmem:$0x18080] =	vst v63  }
0x17: {  	_ =	swait.ge @!p0 [sflag:s16], $0x80;
	p0 =	por p0, p0  }
0x18: {  	[sflag:s16] =	ssyncset.done @!p0 $0x0  }
0x19: {  	s17 =	simm.s32 @!p0 $0x14080;
	[sflag:s16] =	ssyncadd.s32 @!p0 $0xFFFFFF80  }
0x1a: {  	[tilespmem:s17], [sflag:$0x2] =	stream.linear.gather @!p0 [hbm4b:s9+s13], $0x4000, $0x38;
	[tilespmem:$0x18080] =	vst v63  }
0x1b: {  	s31 =	sadd.s32 $0x20, s10;
	_ =	swait.ge @!p0 [sflag:s16], $0x4000  }
0x1c: {  	s14 =	simm.s32 $0x40;
	p1 =	sgt.u32 s31, $0x270;
	[sflag:s16] =	ssyncset.done @!p0 $0x0  }
0x1d: {  	s13 =	simm.s32 @!p0 $0x80;
	[sflag:s16] =	ssyncadd.s32 @!p0 $0xFFFFC000;
	s16 =	simm.s32 @!p0 $0x1  }
0x1e: {  	[spmem:s2] =	stream.indirect.scatter.add.f32 @!p0 [tilespmem:s17], [sflag:$0x1], $0x80, s15, s13, $0xb8;
	[tilespmem:$0x18080] =	vst v63  }
0x1f: {  	s13 =	sadd.s32 $0x10000, s9;
	s15 =	sadd.s32 $0x200, s8;
	_ =	swait.ge @!p0 [sflag:s16], $0x4000  }
.LBB2_2:
0x20: {  	s17 =	simm.s32 @!p1 $0x0  }
0x21: {  	s18 =	simm.s32 @!p1 $0x14000;
	[sflag:s16] =	ssyncset.done @!p0 $0x0;
	s19 =	smov.u32 s14  }
0x22: {  	s14 =	sadd.s32 $0x20, s14;
	s20 =	simm.s32 @!p1 $0x2;
	[sflag:s16] =	ssyncadd.s32 @!p0 $0xFFFFC000  }
0x23: {  	[tilespmem:s18], [sflag:$0x2] =	stream.linear.gather @!p1 [hbm4b:s15+s17], $0x80, $0x38;
	[tilespmem:$0x18080] =	vst v63  }
0x24: {  	p2 =	sne.s32 s14, $0x280;
	p0 =	por p1, p1;
	_ =	swait.ge @!p1 [sflag:s20], $0x80  }
0x25: {  	[sflag:s20] =	ssyncset.done @!p0 $0x0  }
0x26: {  	s21 =	simm.s32 @!p0 $0x14080;
	[sflag:s20] =	ssyncadd.s32 @!p0 $0xFFFFFF80  }
0x27: {  	[tilespmem:s21], [sflag:$0x2] =	stream.linear.gather @!p0 [hbm4b:s13+s17], $0x4000, $0x38;
	[tilespmem:$0x18080] =	vst v63  }
.Ltmp0:
0x28: {  	_ =	swait.ge @!p0 [sflag:s20], $0x4000;
	(pc) =	sbr.rel @p2 .LBB2_2-.Ltmp0, $4  }
0x29: {  	s16 =	simm.s32 @!p0 $0x1;
	s13 =	sadd.s32 $0x10000, s13;
	[sflag:s20] =	ssyncset.done @!p0 $0x0  }
0x2a: {  	s17 =	sadd.s32 s19, s10;
	s19 =	simm.s32 @!p0 $0x80;
	[sflag:s20] =	ssyncadd.s32 @!p0 $0xFFFFC000  }
0x2b: {  	[spmem:s2] =	stream.indirect.scatter.add.f32 @!p0 [tilespmem:s21], [sflag:$0x1], $0x80, s18, s19, $0xb8;
	[tilespmem:$0x18080] =	vst v63  }
0x2c: {  	s15 =	sadd.s32 $0x200, s15;
	p1 =	sgt.u32 s17, $0x270;
	_ =	swait.ge @!p0 [sflag:s16], $0x4000  }
0x2d: {  	s14 =	simm.s32 @!p1 $0x0;
	[sflag:s16] =	ssyncset.done @!p0 $0x0  }
0x2e: {  	s17 =	simm.s32 @!p1 $0x14000;
	s18 =	simm.s32 @!p1 $0x2;
	[sflag:s16] =	ssyncadd.s32 @!p0 $0xFFFFC000  }
0x2f: {  	[tilespmem:s17], [sflag:$0x2] =	stream.linear.gather @!p1 [hbm4b:s15+s14], $0x80, $0x38;
	[tilespmem:$0x18080] =	vst v63  }
0x30: {  	p0 =	por p1, p1;
	_ =	swait.ge @!p1 [sflag:s18], $0x80  }
0x31: {  	[sflag:s18] =	ssyncset.done @!p0 $0x0  }
0x32: {  	s15 =	simm.s32 @!p0 $0x14080;
	[sflag:s18] =	ssyncadd.s32 @!p0 $0xFFFFFF80  }
0x33: {  	[tilespmem:s15], [sflag:$0x2] =	stream.linear.gather @!p0 [hbm4b:s13+s14], $0x4000, $0x38;
	[tilespmem:$0x18080] =	vst v63  }
0x34: {  	_ =	swait.ge @!p0 [sflag:s18], $0x4000  }
0x35: {  	[sflag:s18] =	ssyncset.done @!p0 $0x0  }
0x36: {  	s13 =	simm.s32 @!p0 $0x1;
	s14 =	simm.s32 @!p0 $0x80;
	[sflag:s18] =	ssyncadd.s32 @!p0 $0xFFFFC000  }
0x37: {  	[spmem:s2] =	stream.indirect.scatter.add.f32 @!p0 [tilespmem:s15], [sflag:$0x1], $0x80, s17, s14, $0xb8;
	[tilespmem:$0x18080] =	vst v63  }
0x38: {  	_ =	swait.ge @!p0 [sflag:s13], $0x4000  }
0x39: {  	s3 =	sadd.s32 $0x1, s3;
	[sflag:s13] =	ssyncset.done @!p0 $0x0  }
0x3a: {  	[sflag:s13] =	ssyncadd.s32 @!p0 $0xFFFFC000;
	p0 =	sne.s32 s3, s7  }
.Ltmp1:
0x3b: {  	[bflag:$0x0] =	sbarrier.arrive $0xFFFF;
	(pc) =	sbr.rel @p0 .LBB2_1-.Ltmp1, $4  }
0x3c: {  	[hbm:s6], [sflag:s5] =	dma.local [spmem:s11], $0x2800  }
0x3d: {  	_ =	swait.ge [sflag:s12], $0x2800  }
0x3e: {  	[sflag:s12] =	ssyncset.done $0x0  }
0x3f: {  	[sflag:s12] =	ssyncadd.s32 $0xFFFFD800  }
0x40: {  	_ =	sfence.sel $0x180000  }
0x41: {  	[bflag:$0x0] =	sbarrier.arrive $0xFFFF  }
0x42: {  	p0 =	sne.s32 s1, $0x0;
	_ =	strace $0x9000005C  }
0x43: {  	s0 =	sadd.s32 @!p0 $0x100000, s0;
	[bflag:$0x2] =	sbarrier.arrive $0xFFFF  }
0x44: {  	[sflag:s0] =	ssyncadd.tile.s32 @!p0 $0x1;
	_ =	shalt  }
.Lfunc_end2:
_tile_overlayer_lowered:
.L_overlay_start_2:
0x45: {  	(tag) =	ssettag $0x2  }
0x46: {  	s0 =	rddreg [dreg:$0x0];
	s2 =	stileid.u32  }
0x47: {  	s1 =	rddreg [dreg:$0x1];
	p0 =	sne.s32 s2, $0x0  }
0x48: {  	s3 =	rddreg [dreg:$0x2];
	[bflag:$0x3] =	sbarrier.arrive $0xFFFF;
	s2 =	simm.s32 @!p0 $0x1C01  }
0x49: {  	[timem:s3], [sflag:s2] =	dma.local @!p0 [hbm:s0], s1  }
0x4a: {  	s0 =	simm.s32 @!p0 $0x1  }
0x4b: {  	_ =	swait.ge @!p0 [sflag:s0], s1  }
0x4c: {  	s1 =	ssub.s32 @!p0 $0x0, s1;
	[sflag:s0] =	ssyncset.done @!p0 $0x0  }
0x4d: {  	[sflag:s0] =	ssyncadd.s32 @!p0 s1  }
0x4e: {  	[bflag:$0x3] =	sbarrier.arrive $0xFFFF  }
0x4f: {  	_ =	shalt  }

// kernel: kernel.21.cloned.1.call-start
scs
__scs_entry_jumppad:
0x0: {  	(pc) =	sbr.rel $0x88, $3  }
0x1: {  	(tag) =	ssettag $0x0;
	lr =	simm.s32 $0x1  }
0x2: {  	[smem:$0x3F93] =	sst lr;
	_ =	strace $0xD0000000  }
0x3: {  	_ = 	snop  }
0x4: {  	_ = 	snop  }
0x5: {  	_ = 	snop  }
0x6: {  	_ = 	snop  }
0x7: {  	_ = 	snop  }
__scs_overlays_trampoline_lowered:
0x8: {  	[smem:$0x3FA2] =	sst s0  }
0x9: {  	[smem:$0x3FA3] =	sst s1  }
0xa: {  	[smem:$0x3FA4] =	sst s2  }
0xb: {  	[smem:$0x3FA5] =	sst s3  }
0xc: {  	[smem:$0x3FA6] =	sst s4  }
0xd: {  	[smem:$0x3FA7] =	sst s5  }
0xe: {  	[smem:$0x3FA8] =	sst s6  }
0xf: {  	[smem:$0x3FA9] =	sst s7  }
0x10: {  	[smem:$0x3FAA] =	sst s8  }
0x11: {  	[smem:$0x3FAB] =	sst s9;
	s0 =	simm.s32 @!p0 $0x0  }
0x12: {  	s1 =	sld [smem:$0x3F91];
	s0 =	simm.s32 @p0 $0x1  }
0x13: {  	[smem:$0x3FAC] =	sst s0;
	s0 =	simm.s32 @!p1 $0x0  }
0x14: {  	s2 =	sld [smem:$0x3F90];
	s0 =	simm.s32 @p1 $0x1  }
0x15: {  	[smem:$0x3FAD] =	sst s0;
	s0 =	simm.s32 @!p2 $0x0  }
0x16: {  	s3 =	sld [smem:$0x3FDB];
	s0 =	simm.s32 @p2 $0x1  }
0x17: {  	s4 =	simm.s32 $0x1BF5;
	[smem:$0x3FAF] =	sst s0  }
0x18: {  	s0 =	sld [smem:$0x3F92];
	_ =	swait.ge [sflag:s4], $0x0  }
0x19: {  	s7 =	sld [smem:$0x3F93]  }
0x1a: {  	s8 =	sadd.s32 $0xFFFFE003, lr  }
0x1b: {  	s9 =	sadd.s32 $0xFFFFFEF7, lr;
	s5 =	simm.s32 $0xFFFFFFFF;
	p2 =	slt.u32 s8, $0xFFFFF086  }
0x1c: {  	p1 =	slt.u32 s9, $0xF7A;
	s5 =	simm.s32 @!p2 $0x0  }
0x1d: {  	s5 =	simm.s32 @p1 $0x1;
	p0 =	seq.s32 s7, s2  }
0x1e: {  	s7 =	smul.u32 @!p0 $0xF7A, s2;
	p2 =	seq.s32 @!p0 s5, $0x0  }
0x1f: {  	s9 =	smul.u32 $0xF7A, s1;
	s8 =	simm.s32 @!p0 $0x1BF5;
	p2 =	por !p2, p0  }
0x20: {  	[sflag:s8] =	ssyncset.s32 @!p0 $0xFFFFF086;
	s6 =	sadd.s32 @!p0 s3, s7;
	s7 =	simm.s32 @!p0 $0x108  }
0x21: {  	s3 =	sadd.s32 s3, s9;
	s6 =	sadd.s32 @!p0 $0x88, s6;
	s7 =	simm.s32 @p2 $0x1082  }
0x22: {  	[simem:s7], [sflag:s8] =	dma.local @!p0 [hbm:s6], $0xF7A  }
0x23: {  	s9 =	sor.u32 $0xD0000000, s2;
	s6 =	simm.s32 $0x108;
	_ =	swait.ge @!p0 [sflag:s8], $0x0  }
0x24: {  	s3 =	sadd.s32 $0x88, s3;
	s6 =	simm.s32 @!p1 $0x1082;
	[sflag:s4] =	ssyncset.s32 $0xFFFFF086  }
0x25: {  	[simem:s6], [sflag:s4] =	dma.local [hbm:s3], $0xF7A  }
0x26: {  	[smem:$0x3F93] =	sst s1;
	(tag) =	ssettag s2;
	_ =	strace s9  }
0x27: {  	s1 =	sld [smem:$0x3FA3]  }
0x28: {  	s2 =	sld [smem:$0x3FA4]  }
0x29: {  	s4 =	sld [smem:$0x3FA6]  }
0x2a: {  	p0 =	seq.s32 s5, $0x0;
	s5 =	sld [smem:$0x3FA7]  }
0x2b: {  	s6 =	sld [smem:$0x3FA8]  }
0x2c: {  	s7 =	sld [smem:$0x3FA9]  }
0x2d: {  	s3 =	simm.s32 $0x108;
	s8 =	sld [smem:$0x3FAA]  }
0x2e: {  	s3 =	simm.s32 @!p0 $0x1082;
	s9 =	sld [smem:$0x3FAB]  }
0x2f: {  	lr =	sadd.s32 s0, s3;
	s0 =	sld [smem:$0x3FA2]  }
0x30: {  	s3 =	sld [smem:$0x3FA5]  }
0x31: {  	[smem:$0x3FAE] =	sst s10  }
0x32: {  	s10 =	sld [smem:$0x3FAC];
	_ =	sdelay $0x3  }
0x33: {  	p0 =	seq.s32 s10, $0x1;
	s10 =	sld [smem:$0x3FAE];
	_ =	sdelay $0x3  }
0x34: {  	[smem:$0x3FAE] =	sst s10  }
0x35: {  	s10 =	sld [smem:$0x3FAD];
	_ =	sdelay $0x3  }
0x36: {  	p1 =	seq.s32 s10, $0x1;
	s10 =	sld [smem:$0x3FAE];
	_ =	sdelay $0x3  }
0x37: {  	[smem:$0x3FAE] =	sst s10  }
0x38: {  	s10 =	sld [smem:$0x3FAF]  }
0x39: {  	_ = 	snop;
	(pc) =	sbr.ind lr, $3  }
0x3a: {  	_ = 	snop  }
0x3b: {  	_ = 	snop  }
0x3c: {  	p2 =	seq.s32 s10, $0x1;
	s10 =	sld [smem:$0x3FAE]  }
0x3d: {  	_ =	shalt  }
0x3e: {  	_ =	shalt  }
0x3f: {  	_ =	shalt  }
0x40: {  	_ =	shalt  }
0x41: {  	_ =	shalt  }
0x42: {  	_ =	shalt  }
0x43: {  	_ =	shalt  }
0x44: {  	_ =	shalt  }
0x45: {  	_ =	shalt  }
0x46: {  	_ =	shalt  }
0x47: {  	_ =	shalt  }
0x48: {  	_ =	shalt  }
0x49: {  	_ =	shalt  }
0x4a: {  	_ =	shalt  }
0x4b: {  	_ =	shalt  }
0x4c: {  	_ =	shalt  }
0x4d: {  	_ =	shalt  }
0x4e: {  	_ =	shalt  }
0x4f: {  	_ =	shalt  }
0x50: {  	_ =	shalt  }
0x51: {  	_ =	shalt  }
0x52: {  	_ =	shalt  }
0x53: {  	_ =	shalt  }
0x54: {  	_ =	shalt  }
0x55: {  	_ =	shalt  }
0x56: {  	_ =	shalt  }
0x57: {  	_ =	shalt  }
0x58: {  	_ =	shalt  }
0x59: {  	_ =	shalt  }
0x5a: {  	_ =	shalt  }
0x5b: {  	_ =	shalt  }
0x5c: {  	_ =	shalt  }
0x5d: {  	_ =	shalt  }
0x5e: {  	_ =	shalt  }
0x5f: {  	_ =	shalt  }
0x60: {  	_ =	shalt  }
0x61: {  	_ =	shalt  }
0x62: {  	_ =	shalt  }
0x63: {  	_ =	shalt  }
0x64: {  	_ =	shalt  }
0x65: {  	_ =	shalt  }
0x66: {  	_ =	shalt  }
0x67: {  	_ =	shalt  }
0x68: {  	_ =	shalt  }
0x69: {  	_ =	shalt  }
0x6a: {  	_ =	shalt  }
0x6b: {  	_ =	shalt  }
0x6c: {  	_ =	shalt  }
0x6d: {  	_ =	shalt  }
0x6e: {  	_ =	shalt  }
0x6f: {  	_ =	shalt  }
0x70: {  	_ =	shalt  }
0x71: {  	_ =	shalt  }
0x72: {  	_ =	shalt  }
0x73: {  	_ =	shalt  }
0x74: {  	_ =	shalt  }
0x75: {  	_ =	shalt  }
0x76: {  	_ =	shalt  }
0x77: {  	_ =	shalt  }
0x78: {  	_ =	shalt  }
0x79: {  	_ =	shalt  }
0x7a: {  	_ =	shalt  }
0x7b: {  	_ =	shalt  }
0x7c: {  	_ =	shalt  }
0x7d: {  	_ =	shalt  }
0x7e: {  	_ =	shalt  }
0x7f: {  	_ =	shalt  }
0x80: {  	_ =	shalt  }
0x81: {  	_ =	shalt  }
0x82: {  	_ =	shalt  }
0x83: {  	_ =	shalt  }
0x84: {  	_ =	shalt  }
0x85: {  	_ =	shalt  }
0x86: {  	_ =	shalt  }
0x87: {  	_ =	shalt  }
.Lfunc_end0:
.L_simem_size_0:
called_computation.2_lowered:
.L_overlay_start_0:
0x88: {  	s2 =	sld [smem:$0x3FD9]  }
0x89: {  	s3 =	sld [smem:$0x3FFE];
	_ =	sdelay $0x1  }
0x8a: {  	s1 =	srdreg.scid  }
0x8b: {  	s0 =	sand.u32 $0x1, s1  }
0x8c: {  	s17 =	sshll.u32 s0, $0xA;
	s2 =	sadd.s32 s3, s2  }
0x8d: {  	s2 =	sadd.s32 s2, s17  }
0x8e: {  	[smem:$0x3FBA] =	sst s2  }
0x8f: {  	_ = 	snop  }
0x90: {  	s18 =	sld [smem:$0x3FC9];
	(tm) =	ssettm $0x1  }
0x91: {  	s19 =	sld [smem:$0x3FFB];
	_ =	sdelay $0x3  }
0x92: {  	_ =	strace s19  }
0x93: {  	s2 =	sld [smem:$0x3FFC];
	_ =	sdelay $0x3  }
0x94: {  	_ =	strace s2  }
0x95: {  	s2 =	sld [smem:$0x3FFD];
	_ =	sdelay $0x3  }
0x96: {  	_ =	strace s2  }
0x97: {  	_ =	strace $0x8FFFFFFF  }
0x98: {  	s20 =	sld [smem:$0x3FDB];
	_ =	sdelay $0x1  }
0x99: {  	s4 =	simm.s32 $_scs_section_size  }
0x9a: {  	s5 =	simm.s32 $_size__tile_overlayer_lowered;
	s6 =	simm.s32 $_tile_overlayer_lowered  }
0x9b: {  	s7 =	simm.s32 $0x1BFF;
	s21 =	sshll.u32 s6, $0x1;
	s4 =	sadd.s32 s4, s20  }
0x9c: {  	s22 =	simm.s32 $0x0;
	s5 =	sshll.u32 s5, $0x1;
	s6 =	sadd.s32 s21, s4  }
0x9d: {  	[timem:s22], [sflag:s7] =	dma.local [hbm:s6], s5  }
0x9e: {  	_ =	swait.ge [sflag:s7], s5  }
0x9f: {  	s5 =	ssub.s32 $0x0, s5;
	[sflag:s7] =	ssyncset.done $0x0  }
0xa0: {  	[sflag:s7] =	ssyncadd.s32 s5;
	_ =	sdelay $0x1  }
0xa1: {  	s23 =	simm.s32 $0x1B8B  }
0xa2: {  	_ =	swait.ge [sflag:s23], $0x1  }
0xa3: {  	[sflag:s23] =	ssyncset.done $0x0  }
0xa4: {  	[sflag:s23] =	ssyncadd.s32 $0xFFFFFFFF  }
0xa5: {  	s5 =	sld [smem:$0x0]  }
0xa6: {  	s6 =	sand.u32 $0xFFFFFFFE, s1  }
0xa7: {  	p0 =	sne.s32 s1, s6  }
0xa8: {  	s6 =	sshll.u32 @p0 s6, $0xE  }
0xa9: {  	s6 =	sadd.s32 @p0 $0x11B8D, s6;
	s7 =	sshll.u32 @p0 s5, $0x11  }
0xaa: {  	s6 =	sor.u32 @p0 s7, s6  }
0xab: {  	[sflag:s6] =	ssyncadd.remote.s32 @p0 $0x1;
	_ =	sdelay $0x1  }
0xac: {  	s6 =	simm.s32 @p0 $0x1B8D  }
0xad: {  	_ =	swait.eq @p0 [sflag:s6], $0x1  }
0xae: {  	[sflag:s6] =	ssyncadd.s32 @p0 $0xFFFFFFFF  }
0xaf: {  	s7 =	sshll.u32 @!p0 s1, $0xE  }
0xb0: {  	s7 =	sor.u32 @!p0 $0x4000, s7;
	s6 =	simm.s32 @!p0 $0x1B8D  }
0xb1: {  	s5 =	sshll.u32 @!p0 s5, $0x11;
	s7 =	sadd.s32 @!p0 $0x11B8D, s7;
	_ =	swait.eq @!p0 [sflag:s6], $0x1  }
0xb2: {  	s5 =	sor.u32 @!p0 s5, s7;
	[sflag:s6] =	ssyncadd.s32 @!p0 $0xFFFFFFFF  }
0xb3: {  	s25 =	simm.s32 $0x1B8E;
	s24 =	sld [smem:$0x3FFE];
	[sflag:s5] =	ssyncadd.remote.s32 @!p0 $0x1  }
0xb4: {  	s26 =	simm.s32 $execute0_lowered;
	[smem:$0x3FD2] =	sst s25  }
0xb5: {  	s6 =	sshll.u32 s26, $0x1;
	_ =	strace $0x8000004C;
	[dreg:$0x1] =	wrdreg $0xFFFFFFFF  }
0xb6: {  	s28 =	simm.s32 $_size_execute0_lowered;
	s4 =	sadd.s32 s4, s6;
	[dreg:$0x0] =	wrdreg $0x0  }
0xb7: {  	s6 =	sshll.u32 s28, $0x1;
	[dreg:$0x2] =	wrdreg s4  }
0xb8: {  	[dreg:$0x3] =	wrdreg s6  }
0xb9: {  	[dreg:$0x4] =	wrdreg $0xC0  }
0xba: {  	_ =	task [dreg:s22], $0x5FFFF  }
0xbb: {  	[dreg:$0x1] =	wrdreg $0xFFFFFFFF  }
0xbc: {  	[dreg:$0x0] =	wrdreg $0x60  }
0xbd: {  	[dreg:$0x2] =	wrdreg s24  }
0xbe: {  	[dreg:$0x3] =	wrdreg s18  }
0xbf: {  	[dreg:$0x4] =	wrdreg $0xB  }
0xc0: {  	_ =	task.clear_ibuf [dreg:s22], $0x5FFFF;
	_ =	strace $0x9000004C  }
0xc1: {  	s29 =	simm.s32 $0xB;
	_ =	strace $0x8000004E  }
0xc2: {  	_ =	swait.ge [sflag:s29], $0x1  }
0xc3: {  	[sflag:s29] =	ssyncadd.s32 $0xFFFFFFFF  }
0xc4: {  	_ =	strace $0x9000004E  }
0xc5: {  	_ =	sfence  }
0xc6: {  	s30 =	sld [smem:$0x0];
	_ =	sdelay $0x2  }
0xc7: {  	s31 =	sshll.u32 s1, $0xD;
	s1 =	sshrl.u32 s1, $0x2  }
0xc8: {  	s4 =	sand.u32 $0x4000, s31;
	s1 =	sadd.s32 s1, s30  }
0xc9: {  	s0 =	sor.u32 s4, s0;
	s1 =	sshll.u32 s1, $0x11  }
0xca: {  	s0 =	sor.u32 s1, s0  }
0xcb: {  	s0 =	sadd.s32 $0x8F2B, s0  }
0xcc: {  	[sflag:s0] =	ssyncadd.remote.s32 $0x1  }
0xcd: {  	_ =	sfence.sel $0xFFFF  }
0xce: {  	[dreg:$0x0] =	wrdreg $0xFFFFFFFF;
	(pc) =	sbr.abs _section_cstart, $3  }
0xcf: {  	[dreg:$0x1] =	wrdreg $0xFFFFFFFF  }
0xd0: {  	_ =	task.clear_ibuf [dreg:s22], $0x2FFFF;
	_ =	strace $0x9FFFFFFF  }
0xd1: {  	(tm) =	ssettm $0x7FFFFFFF  }
tec
execute0_lowered:
.L_overlay_start_1:
0x0: {  	(tag) =	ssettag $0x1  }
0x1: {  	s4 =	rddreg [dreg:$0x0]  }
0x2: {  	s1 =	rddreg [dreg:$0x1]  }
0x3: {  	s0 =	rddreg [dreg:$0x2]  }
0x4: {  	s3 =	simm.s32 $0x0;
	s5 =	srdreg.scid;
	s2 =	stileid.u32  }
0x5: {  	[smem:$0x7FF] =	sst s3;
	s9 =	sand.u32 $0x1, s5;
	s28 =	sshll.u32 s2, $0x5  }
0x6: {  	s6 =	sshll.u32 s2, $0xC;
	s10 =	sshll.u32 s2, $0x1;
	_ =	strace $0x8000004D  }
0x7: {  	s7 =	ssub.s32 $0x2, s9;
	s5 =	sadd.s32 s28, s4;
	s8 =	sadd.s32 s6, s4  }
0x8: {  	s30 =	sshll.u32 s9, $0x4;
	s31 =	sshll.u32 s9, $0xB;
	s9 =	sor.u32 s9, s10  }
0x9: {  	s29 =	sshrl.u32 s7, $0x1;
	s6 =	sadd.s32 s30, s5;
	s8 =	sadd.s32 s31, s8  }
0xa: {  	s4 =	ssub.s32 s7, s29;
	s5 =	sadd.s32 $0x14800, s6;
	s6 =	sadd.s32 $0xD000, s6  }
0xb: {  	s7 =	sadd.s32 $0x631800, s8;
	s8 =	sadd.s32 $0x4F9000, s8;
	s4 =	smax.u32 s4, $0x1  }
.LBB2_1:
0xc: {  	p0 =	sgt.u32 s9, $0x270  }
0xd: {  	s10 =	sadd.s32 @!p0 $0x0, s6;
	s11 =	simm.s32 @!p0 $0x0;
	s14 =	simm.s32 @!p0 $0x4  }
0xe: {  	[tilespmem:s11], [sflag:$0x4] =	stream.linear.gather @!p0 [hbm4b:s10+s11], $0x80, $0x38;
	[tilespmem:$0x8100] =	vst v63  }
0xf: {  	_ =	swait.ge @!p0 [sflag:s14], $0x80;
	p0 =	por p0, p0  }
0x10: {  	[sflag:s14] =	ssyncset.done @!p0 $0x0  }
0x11: {  	s10 =	sadd.s32 @!p0 $0x0, s5;
	s12 =	simm.s32 @!p0 $0x80;
	[sflag:s14] =	ssyncadd.s32 @!p0 $0xFFFFFF80  }
0x12: {  	[tilespmem:s12], [sflag:$0x4] =	stream.linear.gather @!p0 [hbm4b:s10+s11], $0x80, $0x38;
	[tilespmem:$0x8100] =	vst v63  }
0x13: {  	_ =	swait.ge @!p0 [sflag:s14], $0x80  }
0x14: {  	[sflag:s14] =	ssyncset.done @!p0 $0x0  }
0x15: {  	s10 =	simm.s32 @!p0 $0x100;
	[sflag:s14] =	ssyncadd.s32 @!p0 $0xFFFFFF80  }
0x16: {  	[tilespmem:s10], [sflag:$0x1] =	stream.indirect.gather @!p0 [hbm4b:s1+s12], $0x80, s11, s12, $0xb8;
	[tilespmem:$0x8100] =	vst v63  }
0x17: {  	s15 =	simm.s32 @!p0 $0x4100;
	s13 =	simm.s32 @!p0 $0x1  }
0x18: {  	[tilespmem:s15], [sflag:$0x2] =	stream.indirect.gather @!p0 [hbm4b:s1+s12], $0x80, s12, s12, $0xb8;
	[tilespmem:$0x8100] =	vst v63  }
0x19: {  	_ =	swait.ge @!p0 [sflag:s13], $0x4000  }
0x1a: {  	[sflag:s13] =	ssyncset.done @!p0 $0x0  }
0x1b: {  	s12 =	simm.s32 @!p0 $0x2;
	[sflag:s13] =	ssyncadd.s32 @!p0 $0xFFFFC000  }
0x1c: {  	_ =	swait.ge @!p0 [sflag:s12], $0x4000  }
0x1d: {  	[sflag:s12] =	ssyncset.done @!p0 $0x0  }
0x1e: {  	[sflag:s12] =	ssyncadd.s32 @!p0 $0xFFFFC000  }
0x1f: {  	[hbm4b:s8+s11] =	stream.linear.scatter @!p0 [tilespmem:s10], [sflag:$0x4], $0x4000, $0x38;
	[tilespmem:$0x8100] =	vst v63  }
0x20: {  	_ =	swait.ge @!p0 [sflag:s14], $0x4000  }
0x21: {  	[sflag:s14] =	ssyncset.done @!p0 $0x0  }
0x22: {  	s13 =	simm.s32 $0x400;
	s12 =	simm.s32 $0x200;
	[sflag:s14] =	ssyncadd.s32 @!p0 $0xFFFFC000  }
0x23: {  	[hbm4b:s7+s11] =	stream.linear.scatter @!p0 [tilespmem:s15], [sflag:$0x3], $0x4000, $0x38;
	[tilespmem:$0x8100] =	vst v63  }
0x24: {  	s10 =	sadd.s32 $0x10000, s8;
	s14 =	sadd.s32 $0x20, s9;
	s15 =	simm.s32 @!p0 $0x3  }
0x25: {  	p2 =	sgt.u32 s14, $0x270;
	s11 =	sadd.s32 $0x10000, s7;
	_ =	swait.ge @!p0 [sflag:s15], $0x4000  }
.LBB2_2:
0x26: {  	s16 =	sadd.s32 @!p2 s12, s6  }
0x27: {  	s17 =	simm.s32 @!p2 $0x0;
	[sflag:s15] =	ssyncset.done @!p0 $0x0;
	s18 =	smov.u32 s13  }
0x28: {  	s13 =	sadd.s32 $0x200, s13;
	s19 =	simm.s32 @!p2 $0x4;
	[sflag:s15] =	ssyncadd.s32 @!p0 $0xFFFFC000  }
0x29: {  	[tilespmem:s17], [sflag:$0x4] =	stream.linear.gather @!p2 [hbm4b:s16+s17], $0x80, $0x38;
	[tilespmem:$0x8100] =	vst v63  }
0x2a: {  	p1 =	sne.s32 s13, $0x2800;
	p0 =	por p2, p2;
	_ =	swait.ge @!p2 [sflag:s19], $0x80  }
0x2b: {  	[sflag:s19] =	ssyncset.done @!p0 $0x0  }
0x2c: {  	s12 =	sadd.s32 @!p0 s12, s5;
	s15 =	simm.s32 @!p0 $0x80;
	[sflag:s19] =	ssyncadd.s32 @!p0 $0xFFFFFF80  }
0x2d: {  	[tilespmem:s15], [sflag:$0x4] =	stream.linear.gather @!p0 [hbm4b:s12+s17], $0x80, $0x38;
	[tilespmem:$0x8100] =	vst v63  }
0x2e: {  	s12 =	smov.u32 s18;
	_ =	swait.ge @!p0 [sflag:s19], $0x80  }
0x2f: {  	[sflag:s19] =	ssyncset.done @!p0 $0x0  }
0x30: {  	s16 =	simm.s32 @!p0 $0x100;
	[sflag:s19] =	ssyncadd.s32 @!p0 $0xFFFFFF80  }
0x31: {  	[tilespmem:s16], [sflag:$0x1] =	stream.indirect.gather @!p0 [hbm4b:s1+s15], $0x80, s17, s15, $0xb8;
	[tilespmem:$0x8100] =	vst v63  }
0x32: {  	s20 =	simm.s32 @!p0 $0x1;
	s18 =	simm.s32 @!p0 $0x4100  }
0x33: {  	[tilespmem:s18], [sflag:$0x2] =	stream.indirect.gather @!p0 [hbm4b:s1+s15], $0x80, s15, s15, $0xb8;
	[tilespmem:$0x8100] =	vst v63  }
0x34: {  	_ =	swait.ge @!p0 [sflag:s20], $0x4000  }
0x35: {  	[sflag:s20] =	ssyncset.done @!p0 $0x0  }
0x36: {  	s15 =	simm.s32 @!p0 $0x2;
	[sflag:s20] =	ssyncadd.s32 @!p0 $0xFFFFC000  }
0x37: {  	_ =	swait.ge @!p0 [sflag:s15], $0x4000  }
0x38: {  	[sflag:s15] =	ssyncset.done @!p0 $0x0  }
0x39: {  	[sflag:s15] =	ssyncadd.s32 @!p0 $0xFFFFC000  }
0x3a: {  	[hbm4b:s10+s17] =	stream.linear.scatter @!p0 [tilespmem:s16], [sflag:$0x4], $0x4000, $0x38;
	[tilespmem:$0x8100] =	vst v63  }
.Ltmp0:
0x3b: {  	_ =	swait.ge @!p0 [sflag:s19], $0x4000;
	(pc) =	sbr.rel @p1 .LBB2_2-.Ltmp0, $4  }
0x3c: {  	s10 =	sadd.s32 $0x10000, s10;
	[sflag:s19] =	ssyncset.done @!p0 $0x0  }
0x3d: {  	s14 =	sadd.s32 $0x20, s14;
	s15 =	simm.s32 @!p0 $0x3;
	[sflag:s19] =	ssyncadd.s32 @!p0 $0xFFFFC000  }
0x3e: {  	[hbm4b:s11+s17] =	stream.linear.scatter @!p0 [tilespmem:s18], [sflag:$0x3], $0x4000, $0x38;
	[tilespmem:$0x8100] =	vst v63  }
0x3f: {  	p2 =	sgt.u32 s14, $0x270;
	s11 =	sadd.s32 $0x10000, s11;
	_ =	swait.ge @!p0 [sflag:s15], $0x4000  }
0x40: {  	s13 =	sadd.s32 @!p2 s12, s6;
	[sflag:s15] =	ssyncset.done @!p0 $0x0  }
0x41: {  	s14 =	simm.s32 @!p2 $0x0;
	s16 =	simm.s32 @!p2 $0x4;
	[sflag:s15] =	ssyncadd.s32 @!p0 $0xFFFFC000  }
0x42: {  	[tilespmem:s14], [sflag:$0x4] =	stream.linear.gather @!p2 [hbm4b:s13+s14], $0x80, $0x38;
	[tilespmem:$0x8100] =	vst v63  }
0x43: {  	p0 =	por p2, p2;
	_ =	swait.ge @!p2 [sflag:s16], $0x80  }
0x44: {  	[sflag:s16] =	ssyncset.done @!p0 $0x0  }
0x45: {  	s12 =	sadd.s32 @!p0 s12, s5;
	s13 =	simm.s32 @!p0 $0x80;
	[sflag:s16] =	ssyncadd.s32 @!p0 $0xFFFFFF80  }
0x46: {  	[tilespmem:s13], [sflag:$0x4] =	stream.linear.gather @!p0 [hbm4b:s12+s14], $0x80, $0x38;
	[tilespmem:$0x8100] =	vst v63  }
0x47: {  	_ =	swait.ge @!p0 [sflag:s16], $0x80  }
0x48: {  	[sflag:s16] =	ssyncset.done @!p0 $0x0  }
0x49: {  	s12 =	simm.s32 @!p0 $0x100;
	[sflag:s16] =	ssyncadd.s32 @!p0 $0xFFFFFF80  }
0x4a: {  	[tilespmem:s12], [sflag:$0x1] =	stream.indirect.gather @!p0 [hbm4b:s1+s13], $0x80, s14, s13, $0xb8;
	[tilespmem:$0x8100] =	vst v63  }
0x4b: {  	s15 =	simm.s32 @!p0 $0x4100;
	s17 =	simm.s32 @!p0 $0x1  }
0x4c: {  	[tilespmem:s15], [sflag:$0x2] =	stream.indirect.gather @!p0 [hbm4b:s1+s13], $0x80, s13, s13, $0xb8;
	[tilespmem:$0x8100] =	vst v63  }
0x4d: {  	_ =	swait.ge @!p0 [sflag:s17], $0x4000  }
0x4e: {  	[sflag:s17] =	ssyncset.done @!p0 $0x0  }
0x4f: {  	s13 =	simm.s32 @!p0 $0x2;
	[sflag:s17] =	ssyncadd.s32 @!p0 $0xFFFFC000  }
0x50: {  	_ =	swait.ge @!p0 [sflag:s13], $0x4000  }
0x51: {  	[sflag:s13] =	ssyncset.done @!p0 $0x0  }
0x52: {  	[sflag:s13] =	ssyncadd.s32 @!p0 $0xFFFFC000  }
0x53: {  	[hbm4b:s10+s14] =	stream.linear.scatter @!p0 [tilespmem:s12], [sflag:$0x4], $0x4000, $0x38;
	[tilespmem:$0x8100] =	vst v63  }
0x54: {  	s3 =	sadd.s32 $0x1, s3;
	_ =	swait.ge @!p0 [sflag:s16], $0x4000  }
0x55: {  	p1 =	sne.s32 s3, s4;
	[sflag:s16] =	ssyncset.done @!p0 $0x0  }
.Ltmp1:
0x56: {  	s10 =	simm.s32 @!p0 $0x3;
	[sflag:s16] =	ssyncadd.s32 @!p0 $0xFFFFC000;
	(pc) =	sbr.rel @p1 .LBB2_1-.Ltmp1, $4  }
0x57: {  	[hbm4b:s11+s14] =	stream.linear.scatter @!p0 [tilespmem:s15], [sflag:$0x3], $0x4000, $0x38;
	[tilespmem:$0x8100] =	vst v63  }
0x58: {  	_ =	swait.ge @!p0 [sflag:s10], $0x4000  }
0x59: {  	[sflag:s10] =	ssyncset.done @!p0 $0x0  }
0x5a: {  	[sflag:s10] =	ssyncadd.s32 @!p0 $0xFFFFC000  }
0x5b: {  	_ =	sfence.sel $0x180000  }
0x5c: {  	[bflag:$0x0] =	sbarrier.arrive $0xFFFF  }
0x5d: {  	p0 =	sne.s32 s2, $0x0;
	_ =	strace $0x9000004D  }
0x5e: {  	s0 =	sadd.s32 @!p0 $0x100000, s0;
	[bflag:$0x2] =	sbarrier.arrive $0xFFFF  }
0x5f: {  	[sflag:s0] =	ssyncadd.tile.s32 @!p0 $0x1;
	_ =	shalt  }
.Lfunc_end2:
_tile_overlayer_lowered:
.L_overlay_start_2:
0x60: {  	(tag) =	ssettag $0x2  }
0x61: {  	s0 =	rddreg [dreg:$0x0];
	s2 =	stileid.u32  }
0x62: {  	s1 =	rddreg [dreg:$0x1];
	p0 =	sne.s32 s2, $0x0  }
0x63: {  	s3 =	rddreg [dreg:$0x2];
	[bflag:$0x3] =	sbarrier.arrive $0xFFFF;
	s2 =	simm.s32 @!p0 $0x1C03  }
0x64: {  	[timem:s3], [sflag:s2] =	dma.local @!p0 [hbm:s0], s1  }
0x65: {  	s0 =	simm.s32 @!p0 $0x3  }
0x66: {  	_ =	swait.ge @!p0 [sflag:s0], s1  }
0x67: {  	s1 =	ssub.s32 @!p0 $0x0, s1;
	[sflag:s0] =	ssyncset.done @!p0 $0x0  }
0x68: {  	[sflag:s0] =	ssyncadd.s32 @!p0 s1  }
0x69: {  	[bflag:$0x3] =	sbarrier.arrive $0xFFFF  }
0x6a: {  	_ =	shalt  }

// kernel: kernel.24.cloned.1.call-start
scs
__scs_entry_jumppad:
0x0: {  	(pc) =	sbr.rel $0x88, $3  }
0x1: {  	(tag) =	ssettag $0x0;
	lr =	simm.s32 $0x1  }
0x2: {  	[smem:$0x3F93] =	sst lr;
	_ =	strace $0xD0000000  }
0x3: {  	_ = 	snop  }
0x4: {  	_ = 	snop  }
0x5: {  	_ = 	snop  }
0x6: {  	_ = 	snop  }
0x7: {  	_ = 	snop  }
__scs_overlays_trampoline_lowered:
0x8: {  	[smem:$0x3FA2] =	sst s0  }
0x9: {  	[smem:$0x3FA3] =	sst s1  }
0xa: {  	[smem:$0x3FA4] =	sst s2  }
0xb: {  	[smem:$0x3FA5] =	sst s3  }
0xc: {  	[smem:$0x3FA6] =	sst s4  }
0xd: {  	[smem:$0x3FA7] =	sst s5  }
0xe: {  	[smem:$0x3FA8] =	sst s6  }
0xf: {  	[smem:$0x3FA9] =	sst s7  }
0x10: {  	[smem:$0x3FAA] =	sst s8  }
0x11: {  	[smem:$0x3FAB] =	sst s9;
	s0 =	simm.s32 @!p0 $0x0  }
0x12: {  	s1 =	sld [smem:$0x3F91];
	s0 =	simm.s32 @p0 $0x1  }
0x13: {  	[smem:$0x3FAC] =	sst s0;
	s0 =	simm.s32 @!p1 $0x0  }
0x14: {  	s2 =	sld [smem:$0x3F90];
	s0 =	simm.s32 @p1 $0x1  }
0x15: {  	[smem:$0x3FAD] =	sst s0;
	s0 =	simm.s32 @!p2 $0x0  }
0x16: {  	s3 =	sld [smem:$0x3FDB];
	s0 =	simm.s32 @p2 $0x1  }
0x17: {  	s4 =	simm.s32 $0x1BF5;
	[smem:$0x3FAF] =	sst s0  }
0x18: {  	s0 =	sld [smem:$0x3F92];
	_ =	swait.ge [sflag:s4], $0x0  }
0x19: {  	s7 =	sld [smem:$0x3F93]  }
0x1a: {  	s8 =	sadd.s32 $0xFFFFE003, lr  }
0x1b: {  	s9 =	sadd.s32 $0xFFFFFEF7, lr;
	s5 =	simm.s32 $0xFFFFFFFF;
	p2 =	slt.u32 s8, $0xFFFFF086  }
0x1c: {  	p1 =	slt.u32 s9, $0xF7A;
	s5 =	simm.s32 @!p2 $0x0  }
0x1d: {  	s5 =	simm.s32 @p1 $0x1;
	p0 =	seq.s32 s7, s2  }
0x1e: {  	s7 =	smul.u32 @!p0 $0xF7A, s2;
	p2 =	seq.s32 @!p0 s5, $0x0  }
0x1f: {  	s9 =	smul.u32 $0xF7A, s1;
	s8 =	simm.s32 @!p0 $0x1BF5;
	p2 =	por !p2, p0  }
0x20: {  	[sflag:s8] =	ssyncset.s32 @!p0 $0xFFFFF086;
	s6 =	sadd.s32 @!p0 s3, s7;
	s7 =	simm.s32 @!p0 $0x108  }
0x21: {  	s3 =	sadd.s32 s3, s9;
	s6 =	sadd.s32 @!p0 $0x88, s6;
	s7 =	simm.s32 @p2 $0x1082  }
0x22: {  	[simem:s7], [sflag:s8] =	dma.local @!p0 [hbm:s6], $0xF7A  }
0x23: {  	s9 =	sor.u32 $0xD0000000, s2;
	s6 =	simm.s32 $0x108;
	_ =	swait.ge @!p0 [sflag:s8], $0x0  }
0x24: {  	s3 =	sadd.s32 $0x88, s3;
	s6 =	simm.s32 @!p1 $0x1082;
	[sflag:s4] =	ssyncset.s32 $0xFFFFF086  }
0x25: {  	[simem:s6], [sflag:s4] =	dma.local [hbm:s3], $0xF7A  }
0x26: {  	[smem:$0x3F93] =	sst s1;
	(tag) =	ssettag s2;
	_ =	strace s9  }
0x27: {  	s1 =	sld [smem:$0x3FA3]  }
0x28: {  	s2 =	sld [smem:$0x3FA4]  }
0x29: {  	s4 =	sld [smem:$0x3FA6]  }
0x2a: {  	p0 =	seq.s32 s5, $0x0;
	s5 =	sld [smem:$0x3FA7]  }
0x2b: {  	s6 =	sld [smem:$0x3FA8]  }
0x2c: {  	s7 =	sld [smem:$0x3FA9]  }
0x2d: {  	s3 =	simm.s32 $0x108;
	s8 =	sld [smem:$0x3FAA]  }
0x2e: {  	s3 =	simm.s32 @!p0 $0x1082;
	s9 =	sld [smem:$0x3FAB]  }
0x2f: {  	lr =	sadd.s32 s0, s3;
	s0 =	sld [smem:$0x3FA2]  }
0x30: {  	s3 =	sld [smem:$0x3FA5]  }
0x31: {  	[smem:$0x3FAE] =	sst s10  }
0x32: {  	s10 =	sld [smem:$0x3FAC];
	_ =	sdelay $0x3  }
0x33: {  	p0 =	seq.s32 s10, $0x1;
	s10 =	sld [smem:$0x3FAE];
	_ =	sdelay $0x3  }
0x34: {  	[smem:$0x3FAE] =	sst s10  }
0x35: {  	s10 =	sld [smem:$0x3FAD];
	_ =	sdelay $0x3  }
0x36: {  	p1 =	seq.s32 s10, $0x1;
	s10 =	sld [smem:$0x3FAE];
	_ =	sdelay $0x3  }
0x37: {  	[smem:$0x3FAE] =	sst s10  }
0x38: {  	s10 =	sld [smem:$0x3FAF]  }
0x39: {  	_ = 	snop;
	(pc) =	sbr.ind lr, $3  }
0x3a: {  	_ = 	snop  }
0x3b: {  	_ = 	snop  }
0x3c: {  	p2 =	seq.s32 s10, $0x1;
	s10 =	sld [smem:$0x3FAE]  }
0x3d: {  	_ =	shalt  }
0x3e: {  	_ =	shalt  }
0x3f: {  	_ =	shalt  }
0x40: {  	_ =	shalt  }
0x41: {  	_ =	shalt  }
0x42: {  	_ =	shalt  }
0x43: {  	_ =	shalt  }
0x44: {  	_ =	shalt  }
0x45: {  	_ =	shalt  }
0x46: {  	_ =	shalt  }
0x47: {  	_ =	shalt  }
0x48: {  	_ =	shalt  }
0x49: {  	_ =	shalt  }
0x4a: {  	_ =	shalt  }
0x4b: {  	_ =	shalt  }
0x4c: {  	_ =	shalt  }
0x4d: {  	_ =	shalt  }
0x4e: {  	_ =	shalt  }
0x4f: {  	_ =	shalt  }
0x50: {  	_ =	shalt  }
0x51: {  	_ =	shalt  }
0x52: {  	_ =	shalt  }
0x53: {  	_ =	shalt  }
0x54: {  	_ =	shalt  }
0x55: {  	_ =	shalt  }
0x56: {  	_ =	shalt  }
0x57: {  	_ =	shalt  }
0x58: {  	_ =	shalt  }
0x59: {  	_ =	shalt  }
0x5a: {  	_ =	shalt  }
0x5b: {  	_ =	shalt  }
0x5c: {  	_ =	shalt  }
0x5d: {  	_ =	shalt  }
0x5e: {  	_ =	shalt  }
0x5f: {  	_ =	shalt  }
0x60: {  	_ =	shalt  }
0x61: {  	_ =	shalt  }
0x62: {  	_ =	shalt  }
0x63: {  	_ =	shalt  }
0x64: {  	_ =	shalt  }
0x65: {  	_ =	shalt  }
0x66: {  	_ =	shalt  }
0x67: {  	_ =	shalt  }
0x68: {  	_ =	shalt  }
0x69: {  	_ =	shalt  }
0x6a: {  	_ =	shalt  }
0x6b: {  	_ =	shalt  }
0x6c: {  	_ =	shalt  }
0x6d: {  	_ =	shalt  }
0x6e: {  	_ =	shalt  }
0x6f: {  	_ =	shalt  }
0x70: {  	_ =	shalt  }
0x71: {  	_ =	shalt  }
0x72: {  	_ =	shalt  }
0x73: {  	_ =	shalt  }
0x74: {  	_ =	shalt  }
0x75: {  	_ =	shalt  }
0x76: {  	_ =	shalt  }
0x77: {  	_ =	shalt  }
0x78: {  	_ =	shalt  }
0x79: {  	_ =	shalt  }
0x7a: {  	_ =	shalt  }
0x7b: {  	_ =	shalt  }
0x7c: {  	_ =	shalt  }
0x7d: {  	_ =	shalt  }
0x7e: {  	_ =	shalt  }
0x7f: {  	_ =	shalt  }
0x80: {  	_ =	shalt  }
0x81: {  	_ =	shalt  }
0x82: {  	_ =	shalt  }
0x83: {  	_ =	shalt  }
0x84: {  	_ =	shalt  }
0x85: {  	_ =	shalt  }
0x86: {  	_ =	shalt  }
0x87: {  	_ =	shalt  }
.Lfunc_end0:
.L_simem_size_0:
called_computation.3_lowered:
.L_overlay_start_0:
0x88: {  	s2 =	sld [smem:$0x3FD9]  }
0x89: {  	s3 =	sld [smem:$0x3FFE];
	_ =	sdelay $0x1  }
0x8a: {  	s1 =	srdreg.scid  }
0x8b: {  	s0 =	sand.u32 $0x1, s1  }
0x8c: {  	s17 =	sshll.u32 s0, $0xA;
	s2 =	sadd.s32 s3, s2  }
0x8d: {  	s2 =	sadd.s32 s2, s17  }
0x8e: {  	[smem:$0x3FBA] =	sst s2  }
0x8f: {  	_ = 	snop  }
0x90: {  	s18 =	sld [smem:$0x3FD0];
	(tm) =	ssettm $0x1  }
0x91: {  	s19 =	sld [smem:$0x3FFB];
	_ =	sdelay $0x3  }
0x92: {  	_ =	strace s19  }
0x93: {  	s2 =	sld [smem:$0x3FFC];
	_ =	sdelay $0x3  }
0x94: {  	_ =	strace s2  }
0x95: {  	s2 =	sld [smem:$0x3FFD];
	_ =	sdelay $0x3  }
0x96: {  	_ =	strace s2  }
0x97: {  	_ =	strace $0x8FFFFFFF  }
0x98: {  	s20 =	sld [smem:$0x3FDB];
	_ =	sdelay $0x1  }
0x99: {  	s4 =	simm.s32 $_scs_section_size  }
0x9a: {  	s5 =	simm.s32 $_size__tile_overlayer_lowered;
	s6 =	simm.s32 $_tile_overlayer_lowered  }
0x9b: {  	s7 =	simm.s32 $0x1BFF;
	s21 =	sshll.u32 s6, $0x1;
	s4 =	sadd.s32 s4, s20  }
0x9c: {  	s22 =	simm.s32 $0x0;
	s5 =	sshll.u32 s5, $0x1;
	s6 =	sadd.s32 s21, s4  }
0x9d: {  	[timem:s22], [sflag:s7] =	dma.local [hbm:s6], s5  }
0x9e: {  	_ =	swait.ge [sflag:s7], s5  }
0x9f: {  	s5 =	ssub.s32 $0x0, s5;
	[sflag:s7] =	ssyncset.done $0x0  }
0xa0: {  	[sflag:s7] =	ssyncadd.s32 s5;
	_ =	sdelay $0x1  }
0xa1: {  	s23 =	simm.s32 $0x1B8B  }
0xa2: {  	_ =	swait.ge [sflag:s23], $0x1  }
0xa3: {  	[sflag:s23] =	ssyncset.done $0x0  }
0xa4: {  	[sflag:s23] =	ssyncadd.s32 $0xFFFFFFFF  }
0xa5: {  	s5 =	sld [smem:$0x0]  }
0xa6: {  	s6 =	sand.u32 $0xFFFFFFFE, s1  }
0xa7: {  	p0 =	sne.s32 s1, s6  }
0xa8: {  	s6 =	sshll.u32 @p0 s6, $0xE  }
0xa9: {  	s6 =	sadd.s32 @p0 $0x11B8D, s6;
	s7 =	sshll.u32 @p0 s5, $0x11  }
0xaa: {  	s6 =	sor.u32 @p0 s7, s6  }
0xab: {  	[sflag:s6] =	ssyncadd.remote.s32 @p0 $0x1;
	_ =	sdelay $0x1  }
0xac: {  	s6 =	simm.s32 @p0 $0x1B8D  }
0xad: {  	_ =	swait.eq @p0 [sflag:s6], $0x1  }
0xae: {  	[sflag:s6] =	ssyncadd.s32 @p0 $0xFFFFFFFF  }
0xaf: {  	s7 =	sshll.u32 @!p0 s1, $0xE  }
0xb0: {  	s7 =	sor.u32 @!p0 $0x4000, s7;
	s6 =	simm.s32 @!p0 $0x1B8D  }
0xb1: {  	s5 =	sshll.u32 @!p0 s5, $0x11;
	s7 =	sadd.s32 @!p0 $0x11B8D, s7;
	_ =	swait.eq @!p0 [sflag:s6], $0x1  }
0xb2: {  	s5 =	sor.u32 @!p0 s5, s7;
	[sflag:s6] =	ssyncadd.s32 @!p0 $0xFFFFFFFF  }
0xb3: {  	s25 =	simm.s32 $0x1B8E;
	s24 =	sld [smem:$0x3FFE];
	[sflag:s5] =	ssyncadd.remote.s32 @!p0 $0x1  }
0xb4: {  	s26 =	simm.s32 $execute0_lowered;
	[smem:$0x3FD2] =	sst s25  }
0xb5: {  	s6 =	sshll.u32 s26, $0x1;
	_ =	strace $0x80000058;
	[dreg:$0x1] =	wrdreg $0xFFFFFFFF  }
0xb6: {  	s28 =	simm.s32 $_size_execute0_lowered;
	s4 =	sadd.s32 s4, s6;
	[dreg:$0x0] =	wrdreg $0x0  }
0xb7: {  	s6 =	sshll.u32 s28, $0x1;
	[dreg:$0x2] =	wrdreg s4  }
0xb8: {  	[dreg:$0x3] =	wrdreg s6  }
0xb9: {  	[dreg:$0x4] =	wrdreg $0xC0  }
0xba: {  	_ =	task [dreg:s22], $0x5FFFF  }
0xbb: {  	[dreg:$0x1] =	wrdreg $0xFFFFFFFF  }
0xbc: {  	[dreg:$0x0] =	wrdreg $0x60  }
0xbd: {  	[dreg:$0x2] =	wrdreg s24  }
0xbe: {  	[dreg:$0x3] =	wrdreg s18  }
0xbf: {  	[dreg:$0x4] =	wrdreg $0x0  }
0xc0: {  	[dreg:$0x5] =	wrdreg $0xB  }
0xc1: {  	_ =	task.clear_ibuf [dreg:s22], $0x6FFFF;
	_ =	strace $0x90000058  }
0xc2: {  	s29 =	simm.s32 $0xB;
	_ =	strace $0x8000005A  }
0xc3: {  	_ =	swait.ge [sflag:s29], $0x1  }
0xc4: {  	[sflag:s29] =	ssyncadd.s32 $0xFFFFFFFF  }
0xc5: {  	_ =	strace $0x9000005A  }
0xc6: {  	_ =	sfence  }
0xc7: {  	s30 =	sld [smem:$0x0];
	_ =	sdelay $0x2  }
0xc8: {  	s31 =	sshll.u32 s1, $0xD;
	s1 =	sshrl.u32 s1, $0x2  }
0xc9: {  	s4 =	sand.u32 $0x4000, s31;
	s1 =	sadd.s32 s1, s30  }
0xca: {  	s0 =	sor.u32 s4, s0;
	s1 =	sshll.u32 s1, $0x11  }
0xcb: {  	s0 =	sor.u32 s1, s0  }
0xcc: {  	s0 =	sadd.s32 $0x8F2B, s0  }
0xcd: {  	[sflag:s0] =	ssyncadd.remote.s32 $0x1  }
0xce: {  	_ =	sfence.sel $0xFFFF  }
0xcf: {  	[dreg:$0x0] =	wrdreg $0xFFFFFFFF;
	(pc) =	sbr.abs _section_cstart, $3  }
0xd0: {  	[dreg:$0x1] =	wrdreg $0xFFFFFFFF  }
0xd1: {  	_ =	task.clear_ibuf [dreg:s22], $0x2FFFF;
	_ =	strace $0x9FFFFFFF  }
0xd2: {  	(tm) =	ssettm $0x7FFFFFFF  }
0xd3: {  	_ =	shalt  }
tec
execute0_lowered:
.L_overlay_start_1:
0x0: {  	(tag) =	ssettag $0x1  }
0x1: {  	s4 =	rddreg [dreg:$0x0]  }
0x2: {  	s5 =	rddreg [dreg:$0x1]  }
0x3: {  	s2 =	rddreg [dreg:$0x2]  }
0x4: {  	s0 =	rddreg [dreg:$0x3]  }
0x5: {  	s1 =	stileid.u32;
	s6 =	srdreg.scid  }
0x6: {  	s3 =	simm.s32 $0x0;
	s10 =	sand.u32 $0x1, s6;
	s25 =	smul.u32 $0x2800, s1  }
0x7: {  	[smem:$0x7FF] =	sst s3;
	s7 =	sshll.u32 s1, $0x5;
	s9 =	sshll.u32 s1, $0xC  }
0x8: {  	s12 =	smul.u32 $0x50000, s1;
	s13 =	sshll.u32 s1, $0x1;
	s30 =	sshll.u32 s1, $0x6  }
0x9: {  	s8 =	smul.u32 $0x28000, s10;
	_ =	strace $0x80000059;
	s7 =	sadd.s32 s7, s4  }
0xa: {  	s11 =	ssub.s32 $0x2, s10;
	s9 =	sadd.s32 s9, s4;
	s29 =	sshll.u32 s10, $0x4  }
0xb: {  	s31 =	sshll.u32 s10, $0xB;
	s10 =	sor.u32 s10, s13;
	s26 =	sshrl.u32 s11, $0x1  }
0xc: {  	s28 =	sshrl.u32 s12, $0x2;
	s14 =	sadd.s32 s29, s7;
	s9 =	sadd.s32 s31, s9  }
0xd: {  	s8 =	sadd.s32 s25, s8;
	s11 =	ssub.s32 s11, s26;
	s12 =	sadd.s32 s28, s2  }
0xe: {  	s9 =	sadd.s32 $0x1EF800, s9;
	s8 =	sadd.s32 s8, s4;
	s4 =	sadd.s32 s5, s25  }
0xf: {  	s5 =	sor.u32 $0x1C01, s30;
	s7 =	smax.u32 s11, $0x1;
	s11 =	sshrl.u32 s12, $0x3  }
0x10: {  	s12 =	simm.s32 $0x1;
	s6 =	sadd.s32 $0x328000, s8;
	s8 =	sadd.s32 $0x14800, s14  }
.LBB2_1:
0x11: {  	[spmem:s11], [sflag:s5] =	dma.local [hbm:s4], $0x2800  }
0x12: {  	s13 =	sadd.s32 $0x0, s10;
	_ =	swait.ge [sflag:s12], $0x2800  }
0x13: {  	p0 =	sgt.u32 s13, $0x270;
	[sflag:s12] =	ssyncset.done $0x0  }
0x14: {  	s13 =	simm.s32 @!p0 $0x0;
	[sflag:s12] =	ssyncadd.s32 $0xFFFFD800  }
0x15: {  	s15 =	simm.s32 @!p0 $0x14000;
	s16 =	simm.s32 @!p0 $0x2;
	[bflag:$0x0] =	sbarrier.arrive $0xFFFF  }
0x16: {  	[tilespmem:s15], [sflag:$0x2] =	stream.linear.gather @!p0 [hbm4b:s8+s13], $0x80, $0x38;
	[tilespmem:$0x18080] =	vst v63  }
0x17: {  	_ =	swait.ge @!p0 [sflag:s16], $0x80;
	p0 =	por p0, p0  }
0x18: {  	[sflag:s16] =	ssyncset.done @!p0 $0x0  }
0x19: {  	s17 =	simm.s32 @!p0 $0x14080;
	[sflag:s16] =	ssyncadd.s32 @!p0 $0xFFFFFF80  }
0x1a: {  	[tilespmem:s17], [sflag:$0x2] =	stream.linear.gather @!p0 [hbm4b:s9+s13], $0x4000, $0x38;
	[tilespmem:$0x18080] =	vst v63  }
0x1b: {  	s31 =	sadd.s32 $0x20, s10;
	_ =	swait.ge @!p0 [sflag:s16], $0x4000  }
0x1c: {  	s14 =	simm.s32 $0x40;
	p1 =	sgt.u32 s31, $0x270;
	[sflag:s16] =	ssyncset.done @!p0 $0x0  }
0x1d: {  	s13 =	simm.s32 @!p0 $0x80;
	[sflag:s16] =	ssyncadd.s32 @!p0 $0xFFFFC000;
	s16 =	simm.s32 @!p0 $0x1  }
0x1e: {  	[spmem:s2] =	stream.indirect.scatter.add.f32 @!p0 [tilespmem:s17], [sflag:$0x1], $0x80, s15, s13, $0xb8;
	[tilespmem:$0x18080] =	vst v63  }
0x1f: {  	s13 =	sadd.s32 $0x10000, s9;
	s15 =	sadd.s32 $0x200, s8;
	_ =	swait.ge @!p0 [sflag:s16], $0x4000  }
.LBB2_2:
0x20: {  	s17 =	simm.s32 @!p1 $0x0  }
0x21: {  	s18 =	simm.s32 @!p1 $0x14000;
	[sflag:s16] =	ssyncset.done @!p0 $0x0;
	s19 =	smov.u32 s14  }
0x22: {  	s14 =	sadd.s32 $0x20, s14;
	s20 =	simm.s32 @!p1 $0x2;
	[sflag:s16] =	ssyncadd.s32 @!p0 $0xFFFFC000  }
0x23: {  	[tilespmem:s18], [sflag:$0x2] =	stream.linear.gather @!p1 [hbm4b:s15+s17], $0x80, $0x38;
	[tilespmem:$0x18080] =	vst v63  }
0x24: {  	p2 =	sne.s32 s14, $0x280;
	p0 =	por p1, p1;
	_ =	swait.ge @!p1 [sflag:s20], $0x80  }
0x25: {  	[sflag:s20] =	ssyncset.done @!p0 $0x0  }
0x26: {  	s21 =	simm.s32 @!p0 $0x14080;
	[sflag:s20] =	ssyncadd.s32 @!p0 $0xFFFFFF80  }
0x27: {  	[tilespmem:s21], [sflag:$0x2] =	stream.linear.gather @!p0 [hbm4b:s13+s17], $0x4000, $0x38;
	[tilespmem:$0x18080] =	vst v63  }
.Ltmp0:
0x28: {  	_ =	swait.ge @!p0 [sflag:s20], $0x4000;
	(pc) =	sbr.rel @p2 .LBB2_2-.Ltmp0, $4  }
0x29: {  	s16 =	simm.s32 @!p0 $0x1;
	s13 =	sadd.s32 $0x10000, s13;
	[sflag:s20] =	ssyncset.done @!p0 $0x0  }
0x2a: {  	s17 =	sadd.s32 s19, s10;
	s19 =	simm.s32 @!p0 $0x80;
	[sflag:s20] =	ssyncadd.s32 @!p0 $0xFFFFC000  }
0x2b: {  	[spmem:s2] =	stream.indirect.scatter.add.f32 @!p0 [tilespmem:s21], [sflag:$0x1], $0x80, s18, s19, $0xb8;
	[tilespmem:$0x18080] =	vst v63  }
0x2c: {  	s15 =	sadd.s32 $0x200, s15;
	p1 =	sgt.u32 s17, $0x270;
	_ =	swait.ge @!p0 [sflag:s16], $0x4000  }
0x2d: {  	s14 =	simm.s32 @!p1 $0x0;
	[sflag:s16] =	ssyncset.done @!p0 $0x0  }
0x2e: {  	s17 =	simm.s32 @!p1 $0x14000;
	s18 =	simm.s32 @!p1 $0x2;
	[sflag:s16] =	ssyncadd.s32 @!p0 $0xFFFFC000  }
0x2f: {  	[tilespmem:s17], [sflag:$0x2] =	stream.linear.gather @!p1 [hbm4b:s15+s14], $0x80, $0x38;
	[tilespmem:$0x18080] =	vst v63  }
0x30: {  	p0 =	por p1, p1;
	_ =	swait.ge @!p1 [sflag:s18], $0x80  }
0x31: {  	[sflag:s18] =	ssyncset.done @!p0 $0x0  }
0x32: {  	s15 =	simm.s32 @!p0 $0x14080;
	[sflag:s18] =	ssyncadd.s32 @!p0 $0xFFFFFF80  }
0x33: {  	[tilespmem:s15], [sflag:$0x2] =	stream.linear.gather @!p0 [hbm4b:s13+s14], $0x4000, $0x38;
	[tilespmem:$0x18080] =	vst v63  }
0x34: {  	_ =	swait.ge @!p0 [sflag:s18], $0x4000  }
0x35: {  	[sflag:s18] =	ssyncset.done @!p0 $0x0  }
0x36: {  	s13 =	simm.s32 @!p0 $0x1;
	s14 =	simm.s32 @!p0 $0x80;
	[sflag:s18] =	ssyncadd.s32 @!p0 $0xFFFFC000  }
0x37: {  	[spmem:s2] =	stream.indirect.scatter.add.f32 @!p0 [tilespmem:s15], [sflag:$0x1], $0x80, s17, s14, $0xb8;
	[tilespmem:$0x18080] =	vst v63  }
0x38: {  	_ =	swait.ge @!p0 [sflag:s13], $0x4000  }
0x39: {  	s3 =	sadd.s32 $0x1, s3;
	[sflag:s13] =	ssyncset.done @!p0 $0x0  }
0x3a: {  	[sflag:s13] =	ssyncadd.s32 @!p0 $0xFFFFC000;
	p0 =	sne.s32 s3, s7  }
.Ltmp1:
0x3b: {  	[bflag:$0x0] =	sbarrier.arrive $0xFFFF;
	(pc) =	sbr.rel @p0 .LBB2_1-.Ltmp1, $4  }
0x3c: {  	[hbm:s6], [sflag:s5] =	dma.local [spmem:s11], $0x2800  }
0x3d: {  	_ =	swait.ge [sflag:s12], $0x2800  }
0x3e: {  	[sflag:s12] =	ssyncset.done $0x0  }
0x3f: {  	[sflag:s12] =	ssyncadd.s32 $0xFFFFD800  }
0x40: {  	_ =	sfence.sel $0x180000  }
0x41: {  	[bflag:$0x0] =	sbarrier.arrive $0xFFFF  }
0x42: {  	p0 =	sne.s32 s1, $0x0;
	_ =	strace $0x90000059  }
0x43: {  	s0 =	sadd.s32 @!p0 $0x100000, s0;
	[bflag:$0x2] =	sbarrier.arrive $0xFFFF  }
0x44: {  	[sflag:s0] =	ssyncadd.tile.s32 @!p0 $0x1;
	_ =	shalt  }
.Lfunc_end2:
_tile_overlayer_lowered:
.L_overlay_start_2:
0x45: {  	(tag) =	ssettag $0x2  }
0x46: {  	s0 =	rddreg [dreg:$0x0];
	s2 =	stileid.u32  }
0x47: {  	s1 =	rddreg [dreg:$0x1];
	p0 =	sne.s32 s2, $0x0  }
0x48: {  	s3 =	rddreg [dreg:$0x2];
	[bflag:$0x3] =	sbarrier.arrive $0xFFFF;
	s2 =	simm.s32 @!p0 $0x1C01  }
0x49: {  	[timem:s3], [sflag:s2] =	dma.local @!p0 [hbm:s0], s1  }
0x4a: {  	s0 =	simm.s32 @!p0 $0x1  }
0x4b: {  	_ =	swait.ge @!p0 [sflag:s0], s1  }
0x4c: {  	s1 =	ssub.s32 @!p0 $0x0, s1;
	[sflag:s0] =	ssyncset.done @!p0 $0x0  }
0x4d: {  	[sflag:s0] =	ssyncadd.s32 @!p0 s1  }
0x4e: {  	[bflag:$0x3] =	sbarrier.arrive $0xFFFF  }
0x4f: {  	_ =	shalt  }

// kernel: kernel.27.cloned.1.call-start
scs
__scs_entry_jumppad:
0x0: {  	(pc) =	sbr.rel $0x88, $3  }
0x1: {  	(tag) =	ssettag $0x0;
	lr =	simm.s32 $0x1  }
0x2: {  	[smem:$0x3F93] =	sst lr;
	_ =	strace $0xD0000000  }
0x3: {  	_ = 	snop  }
0x4: {  	_ = 	snop  }
0x5: {  	_ = 	snop  }
0x6: {  	_ = 	snop  }
0x7: {  	_ = 	snop  }
__scs_overlays_trampoline_lowered:
0x8: {  	[smem:$0x3FA2] =	sst s0  }
0x9: {  	[smem:$0x3FA3] =	sst s1  }
0xa: {  	[smem:$0x3FA4] =	sst s2  }
0xb: {  	[smem:$0x3FA5] =	sst s3  }
0xc: {  	[smem:$0x3FA6] =	sst s4  }
0xd: {  	[smem:$0x3FA7] =	sst s5  }
0xe: {  	[smem:$0x3FA8] =	sst s6  }
0xf: {  	[smem:$0x3FA9] =	sst s7  }
0x10: {  	[smem:$0x3FAA] =	sst s8  }
0x11: {  	[smem:$0x3FAB] =	sst s9;
	s0 =	simm.s32 @!p0 $0x0  }
0x12: {  	s1 =	sld [smem:$0x3F91];
	s0 =	simm.s32 @p0 $0x1  }
0x13: {  	[smem:$0x3FAC] =	sst s0;
	s0 =	simm.s32 @!p1 $0x0  }
0x14: {  	s2 =	sld [smem:$0x3F90];
	s0 =	simm.s32 @p1 $0x1  }
0x15: {  	[smem:$0x3FAD] =	sst s0;
	s0 =	simm.s32 @!p2 $0x0  }
0x16: {  	s3 =	sld [smem:$0x3FDB];
	s0 =	simm.s32 @p2 $0x1  }
0x17: {  	s4 =	simm.s32 $0x1BF5;
	[smem:$0x3FAF] =	sst s0  }
0x18: {  	s0 =	sld [smem:$0x3F92];
	_ =	swait.ge [sflag:s4], $0x0  }
0x19: {  	s7 =	sld [smem:$0x3F93]  }
0x1a: {  	s8 =	sadd.s32 $0xFFFFE003, lr  }
0x1b: {  	s9 =	sadd.s32 $0xFFFFFEF7, lr;
	s5 =	simm.s32 $0xFFFFFFFF;
	p2 =	slt.u32 s8, $0xFFFFF086  }
0x1c: {  	p1 =	slt.u32 s9, $0xF7A;
	s5 =	simm.s32 @!p2 $0x0  }
0x1d: {  	s5 =	simm.s32 @p1 $0x1;
	p0 =	seq.s32 s7, s2  }
0x1e: {  	s7 =	smul.u32 @!p0 $0xF7A, s2;
	p2 =	seq.s32 @!p0 s5, $0x0  }
0x1f: {  	s9 =	smul.u32 $0xF7A, s1;
	s8 =	simm.s32 @!p0 $0x1BF5;
	p2 =	por !p2, p0  }
0x20: {  	[sflag:s8] =	ssyncset.s32 @!p0 $0xFFFFF086;
	s6 =	sadd.s32 @!p0 s3, s7;
	s7 =	simm.s32 @!p0 $0x108  }
0x21: {  	s3 =	sadd.s32 s3, s9;
	s6 =	sadd.s32 @!p0 $0x88, s6;
	s7 =	simm.s32 @p2 $0x1082  }
0x22: {  	[simem:s7], [sflag:s8] =	dma.local @!p0 [hbm:s6], $0xF7A  }
0x23: {  	s9 =	sor.u32 $0xD0000000, s2;
	s6 =	simm.s32 $0x108;
	_ =	swait.ge @!p0 [sflag:s8], $0x0  }
0x24: {  	s3 =	sadd.s32 $0x88, s3;
	s6 =	simm.s32 @!p1 $0x1082;
	[sflag:s4] =	ssyncset.s32 $0xFFFFF086  }
0x25: {  	[simem:s6], [sflag:s4] =	dma.local [hbm:s3], $0xF7A  }
0x26: {  	[smem:$0x3F93] =	sst s1;
	(tag) =	ssettag s2;
	_ =	strace s9  }
0x27: {  	s1 =	sld [smem:$0x3FA3]  }
0x28: {  	s2 =	sld [smem:$0x3FA4]  }
0x29: {  	s4 =	sld [smem:$0x3FA6]  }
0x2a: {  	p0 =	seq.s32 s5, $0x0;
	s5 =	sld [smem:$0x3FA7]  }
0x2b: {  	s6 =	sld [smem:$0x3FA8]  }
0x2c: {  	s7 =	sld [smem:$0x3FA9]  }
0x2d: {  	s3 =	simm.s32 $0x108;
	s8 =	sld [smem:$0x3FAA]  }
0x2e: {  	s3 =	simm.s32 @!p0 $0x1082;
	s9 =	sld [smem:$0x3FAB]  }
0x2f: {  	lr =	sadd.s32 s0, s3;
	s0 =	sld [smem:$0x3FA2]  }
0x30: {  	s3 =	sld [smem:$0x3FA5]  }
0x31: {  	[smem:$0x3FAE] =	sst s10  }
0x32: {  	s10 =	sld [smem:$0x3FAC];
	_ =	sdelay $0x3  }
0x33: {  	p0 =	seq.s32 s10, $0x1;
	s10 =	sld [smem:$0x3FAE];
	_ =	sdelay $0x3  }
0x34: {  	[smem:$0x3FAE] =	sst s10  }
0x35: {  	s10 =	sld [smem:$0x3FAD];
	_ =	sdelay $0x3  }
0x36: {  	p1 =	seq.s32 s10, $0x1;
	s10 =	sld [smem:$0x3FAE];
	_ =	sdelay $0x3  }
0x37: {  	[smem:$0x3FAE] =	sst s10  }
0x38: {  	s10 =	sld [smem:$0x3FAF]  }
0x39: {  	_ = 	snop;
	(pc) =	sbr.ind lr, $3  }
0x3a: {  	_ = 	snop  }
0x3b: {  	_ = 	snop  }
0x3c: {  	p2 =	seq.s32 s10, $0x1;
	s10 =	sld [smem:$0x3FAE]  }
0x3d: {  	_ =	shalt  }
0x3e: {  	_ =	shalt  }
0x3f: {  	_ =	shalt  }
0x40: {  	_ =	shalt  }
0x41: {  	_ =	shalt  }
0x42: {  	_ =	shalt  }
0x43: {  	_ =	shalt  }
0x44: {  	_ =	shalt  }
0x45: {  	_ =	shalt  }
0x46: {  	_ =	shalt  }
0x47: {  	_ =	shalt  }
0x48: {  	_ =	shalt  }
0x49: {  	_ =	shalt  }
0x4a: {  	_ =	shalt  }
0x4b: {  	_ =	shalt  }
0x4c: {  	_ =	shalt  }
0x4d: {  	_ =	shalt  }
0x4e: {  	_ =	shalt  }
0x4f: {  	_ =	shalt  }
0x50: {  	_ =	shalt  }
0x51: {  	_ =	shalt  }
0x52: {  	_ =	shalt  }
0x53: {  	_ =	shalt  }
0x54: {  	_ =	shalt  }
0x55: {  	_ =	shalt  }
0x56: {  	_ =	shalt  }
0x57: {  	_ =	shalt  }
0x58: {  	_ =	shalt  }
0x59: {  	_ =	shalt  }
0x5a: {  	_ =	shalt  }
0x5b: {  	_ =	shalt  }
0x5c: {  	_ =	shalt  }
0x5d: {  	_ =	shalt  }
0x5e: {  	_ =	shalt  }
0x5f: {  	_ =	shalt  }
0x60: {  	_ =	shalt  }
0x61: {  	_ =	shalt  }
0x62: {  	_ =	shalt  }
0x63: {  	_ =	shalt  }
0x64: {  	_ =	shalt  }
0x65: {  	_ =	shalt  }
0x66: {  	_ =	shalt  }
0x67: {  	_ =	shalt  }
0x68: {  	_ =	shalt  }
0x69: {  	_ =	shalt  }
0x6a: {  	_ =	shalt  }
0x6b: {  	_ =	shalt  }
0x6c: {  	_ =	shalt  }
0x6d: {  	_ =	shalt  }
0x6e: {  	_ =	shalt  }
0x6f: {  	_ =	shalt  }
0x70: {  	_ =	shalt  }
0x71: {  	_ =	shalt  }
0x72: {  	_ =	shalt  }
0x73: {  	_ =	shalt  }
0x74: {  	_ =	shalt  }
0x75: {  	_ =	shalt  }
0x76: {  	_ =	shalt  }
0x77: {  	_ =	shalt  }
0x78: {  	_ =	shalt  }
0x79: {  	_ =	shalt  }
0x7a: {  	_ =	shalt  }
0x7b: {  	_ =	shalt  }
0x7c: {  	_ =	shalt  }
0x7d: {  	_ =	shalt  }
0x7e: {  	_ =	shalt  }
0x7f: {  	_ =	shalt  }
0x80: {  	_ =	shalt  }
0x81: {  	_ =	shalt  }
0x82: {  	_ =	shalt  }
0x83: {  	_ =	shalt  }
0x84: {  	_ =	shalt  }
0x85: {  	_ =	shalt  }
0x86: {  	_ =	shalt  }
0x87: {  	_ =	shalt  }
.Lfunc_end0:
.L_simem_size_0:
called_computation.4_lowered:
.L_overlay_start_0:
0x88: {  	s2 =	sld [smem:$0x3FD9]  }
0x89: {  	s3 =	sld [smem:$0x3FFE];
	_ =	sdelay $0x1  }
0x8a: {  	s1 =	srdreg.scid  }
0x8b: {  	s0 =	sand.u32 $0x1, s1  }
0x8c: {  	s17 =	sshll.u32 s0, $0xA;
	s2 =	sadd.s32 s3, s2  }
0x8d: {  	s2 =	sadd.s32 s2, s17  }
0x8e: {  	[smem:$0x3FBA] =	sst s2  }
0x8f: {  	_ = 	snop  }
0x90: {  	s18 =	sld [smem:$0x3FC9];
	(tm) =	ssettm $0x1  }
0x91: {  	s19 =	sld [smem:$0x3FFB];
	_ =	sdelay $0x3  }
0x92: {  	_ =	strace s19  }
0x93: {  	s2 =	sld [smem:$0x3FFC];
	_ =	sdelay $0x3  }
0x94: {  	_ =	strace s2  }
0x95: {  	s2 =	sld [smem:$0x3FFD];
	_ =	sdelay $0x3  }
0x96: {  	_ =	strace s2  }
0x97: {  	_ =	strace $0x8FFFFFFF  }
0x98: {  	s20 =	sld [smem:$0x3FDB];
	_ =	sdelay $0x1  }
0x99: {  	s4 =	simm.s32 $_scs_section_size  }
0x9a: {  	s5 =	simm.s32 $_size__tile_overlayer_lowered;
	s6 =	simm.s32 $_tile_overlayer_lowered  }
0x9b: {  	s7 =	simm.s32 $0x1BFF;
	s21 =	sshll.u32 s6, $0x1;
	s4 =	sadd.s32 s4, s20  }
0x9c: {  	s22 =	simm.s32 $0x0;
	s5 =	sshll.u32 s5, $0x1;
	s6 =	sadd.s32 s21, s4  }
0x9d: {  	[timem:s22], [sflag:s7] =	dma.local [hbm:s6], s5  }
0x9e: {  	_ =	swait.ge [sflag:s7], s5  }
0x9f: {  	s5 =	ssub.s32 $0x0, s5;
	[sflag:s7] =	ssyncset.done $0x0  }
0xa0: {  	[sflag:s7] =	ssyncadd.s32 s5;
	_ =	sdelay $0x1  }
0xa1: {  	s23 =	simm.s32 $0x1B8B  }
0xa2: {  	_ =	swait.ge [sflag:s23], $0x1  }
0xa3: {  	[sflag:s23] =	ssyncset.done $0x0  }
0xa4: {  	[sflag:s23] =	ssyncadd.s32 $0xFFFFFFFF  }
0xa5: {  	s5 =	sld [smem:$0x0]  }
0xa6: {  	s6 =	sand.u32 $0xFFFFFFFE, s1  }
0xa7: {  	p0 =	sne.s32 s1, s6  }
0xa8: {  	s6 =	sshll.u32 @p0 s6, $0xE  }
0xa9: {  	s6 =	sadd.s32 @p0 $0x11B8D, s6;
	s7 =	sshll.u32 @p0 s5, $0x11  }
0xaa: {  	s6 =	sor.u32 @p0 s7, s6  }
0xab: {  	[sflag:s6] =	ssyncadd.remote.s32 @p0 $0x1;
	_ =	sdelay $0x1  }
0xac: {  	s6 =	simm.s32 @p0 $0x1B8D  }
0xad: {  	_ =	swait.eq @p0 [sflag:s6], $0x1  }
0xae: {  	[sflag:s6] =	ssyncadd.s32 @p0 $0xFFFFFFFF  }
0xaf: {  	s7 =	sshll.u32 @!p0 s1, $0xE  }
0xb0: {  	s7 =	sor.u32 @!p0 $0x4000, s7;
	s6 =	simm.s32 @!p0 $0x1B8D  }
0xb1: {  	s5 =	sshll.u32 @!p0 s5, $0x11;
	s7 =	sadd.s32 @!p0 $0x11B8D, s7;
	_ =	swait.eq @!p0 [sflag:s6], $0x1  }
0xb2: {  	s5 =	sor.u32 @!p0 s5, s7;
	[sflag:s6] =	ssyncadd.s32 @!p0 $0xFFFFFFFF  }
0xb3: {  	s25 =	simm.s32 $0x1B8E;
	s24 =	sld [smem:$0x3FFE];
	[sflag:s5] =	ssyncadd.remote.s32 @!p0 $0x1  }
0xb4: {  	s26 =	simm.s32 $execute0_lowered;
	[smem:$0x3FD2] =	sst s25  }
0xb5: {  	s6 =	sshll.u32 s26, $0x1;
	_ =	strace $0x80000049;
	[dreg:$0x1] =	wrdreg $0xFFFFFFFF  }
0xb6: {  	s28 =	simm.s32 $_size_execute0_lowered;
	s4 =	sadd.s32 s4, s6;
	[dreg:$0x0] =	wrdreg $0x0  }
0xb7: {  	s6 =	sshll.u32 s28, $0x1;
	[dreg:$0x2] =	wrdreg s4  }
0xb8: {  	[dreg:$0x3] =	wrdreg s6  }
0xb9: {  	[dreg:$0x4] =	wrdreg $0xC0  }
0xba: {  	_ =	task [dreg:s22], $0x5FFFF  }
0xbb: {  	[dreg:$0x1] =	wrdreg $0xFFFFFFFF  }
0xbc: {  	[dreg:$0x0] =	wrdreg $0x60  }
0xbd: {  	[dreg:$0x2] =	wrdreg s24  }
0xbe: {  	[dreg:$0x3] =	wrdreg s18  }
0xbf: {  	[dreg:$0x4] =	wrdreg $0xC  }
0xc0: {  	_ =	task.clear_ibuf [dreg:s22], $0x5FFFF;
	_ =	strace $0x90000049  }
0xc1: {  	s29 =	simm.s32 $0xC;
	_ =	strace $0x8000004B  }
0xc2: {  	_ =	swait.ge [sflag:s29], $0x1  }
0xc3: {  	[sflag:s29] =	ssyncadd.s32 $0xFFFFFFFF  }
0xc4: {  	_ =	strace $0x9000004B  }
0xc5: {  	_ =	sfence  }
0xc6: {  	s30 =	sld [smem:$0x0];
	_ =	sdelay $0x2  }
0xc7: {  	s31 =	sshll.u32 s1, $0xD;
	s1 =	sshrl.u32 s1, $0x2  }
0xc8: {  	s4 =	sand.u32 $0x4000, s31;
	s1 =	sadd.s32 s1, s30  }
0xc9: {  	s0 =	sor.u32 s4, s0;
	s1 =	sshll.u32 s1, $0x11  }
0xca: {  	s0 =	sor.u32 s1, s0  }
0xcb: {  	s0 =	sadd.s32 $0x8F2B, s0  }
0xcc: {  	[sflag:s0] =	ssyncadd.remote.s32 $0x1  }
0xcd: {  	_ =	sfence.sel $0xFFFF  }
0xce: {  	[dreg:$0x0] =	wrdreg $0xFFFFFFFF;
	(pc) =	sbr.abs _section_cstart, $3  }
0xcf: {  	[dreg:$0x1] =	wrdreg $0xFFFFFFFF  }
0xd0: {  	_ =	task.clear_ibuf [dreg:s22], $0x2FFFF;
	_ =	strace $0x9FFFFFFF  }
0xd1: {  	(tm) =	ssettm $0x7FFFFFFF  }
tec
execute0_lowered:
.L_overlay_start_1:
0x0: {  	(tag) =	ssettag $0x1  }
0x1: {  	s4 =	rddreg [dreg:$0x0]  }
0x2: {  	s1 =	rddreg [dreg:$0x1]  }
0x3: {  	s0 =	rddreg [dreg:$0x2]  }
0x4: {  	s3 =	simm.s32 $0x0;
	s5 =	srdreg.scid;
	s2 =	stileid.u32  }
0x5: {  	[smem:$0x7FF] =	sst s3;
	s9 =	sand.u32 $0x1, s5;
	s28 =	sshll.u32 s2, $0x5  }
0x6: {  	s6 =	sshll.u32 s2, $0xC;
	s10 =	sshll.u32 s2, $0x1;
	_ =	strace $0x8000004A  }
0x7: {  	s7 =	ssub.s32 $0x2, s9;
	s5 =	sadd.s32 s28, s4;
	s8 =	sadd.s32 s6, s4  }
0x8: {  	s30 =	sshll.u32 s9, $0x4;
	s31 =	sshll.u32 s9, $0xB;
	s9 =	sor.u32 s9, s10  }
0x9: {  	s29 =	sshrl.u32 s7, $0x1;
	s6 =	sadd.s32 s30, s5;
	s8 =	sadd.s32 s31, s8  }
0xa: {  	s4 =	ssub.s32 s7, s29;
	s5 =	sadd.s32 $0x12000, s6;
	s6 =	sadd.s32 $0xA800, s6  }
0xb: {  	s7 =	sadd.s32 $0x3C0800, s8;
	s8 =	sadd.s32 $0x288000, s8;
	s4 =	smax.u32 s4, $0x1  }
.LBB2_1:
0xc: {  	p0 =	sgt.u32 s9, $0x270  }
0xd: {  	s10 =	sadd.s32 @!p0 $0x0, s6;
	s11 =	simm.s32 @!p0 $0x0;
	s14 =	simm.s32 @!p0 $0x4  }
0xe: {  	[tilespmem:s11], [sflag:$0x4] =	stream.linear.gather @!p0 [hbm4b:s10+s11], $0x80, $0x38;
	[tilespmem:$0x8100] =	vst v63  }
0xf: {  	_ =	swait.ge @!p0 [sflag:s14], $0x80;
	p0 =	por p0, p0  }
0x10: {  	[sflag:s14] =	ssyncset.done @!p0 $0x0  }
0x11: {  	s10 =	sadd.s32 @!p0 $0x0, s5;
	s12 =	simm.s32 @!p0 $0x80;
	[sflag:s14] =	ssyncadd.s32 @!p0 $0xFFFFFF80  }
0x12: {  	[tilespmem:s12], [sflag:$0x4] =	stream.linear.gather @!p0 [hbm4b:s10+s11], $0x80, $0x38;
	[tilespmem:$0x8100] =	vst v63  }
0x13: {  	_ =	swait.ge @!p0 [sflag:s14], $0x80  }
0x14: {  	[sflag:s14] =	ssyncset.done @!p0 $0x0  }
0x15: {  	s10 =	simm.s32 @!p0 $0x100;
	[sflag:s14] =	ssyncadd.s32 @!p0 $0xFFFFFF80  }
0x16: {  	[tilespmem:s10], [sflag:$0x1] =	stream.indirect.gather @!p0 [hbm4b:s1+s12], $0x80, s11, s12, $0xb8;
	[tilespmem:$0x8100] =	vst v63  }
0x17: {  	s15 =	simm.s32 @!p0 $0x4100;
	s13 =	simm.s32 @!p0 $0x1  }
0x18: {  	[tilespmem:s15], [sflag:$0x2] =	stream.indirect.gather @!p0 [hbm4b:s1+s12], $0x80, s12, s12, $0xb8;
	[tilespmem:$0x8100] =	vst v63  }
0x19: {  	_ =	swait.ge @!p0 [sflag:s13], $0x4000  }
0x1a: {  	[sflag:s13] =	ssyncset.done @!p0 $0x0  }
0x1b: {  	s12 =	simm.s32 @!p0 $0x2;
	[sflag:s13] =	ssyncadd.s32 @!p0 $0xFFFFC000  }
0x1c: {  	_ =	swait.ge @!p0 [sflag:s12], $0x4000  }
0x1d: {  	[sflag:s12] =	ssyncset.done @!p0 $0x0  }
0x1e: {  	[sflag:s12] =	ssyncadd.s32 @!p0 $0xFFFFC000  }
0x1f: {  	[hbm4b:s8+s11] =	stream.linear.scatter @!p0 [tilespmem:s10], [sflag:$0x4], $0x4000, $0x38;
	[tilespmem:$0x8100] =	vst v63  }
0x20: {  	_ =	swait.ge @!p0 [sflag:s14], $0x4000  }
0x21: {  	[sflag:s14] =	ssyncset.done @!p0 $0x0  }
0x22: {  	s13 =	simm.s32 $0x400;
	s12 =	simm.s32 $0x200;
	[sflag:s14] =	ssyncadd.s32 @!p0 $0xFFFFC000  }
0x23: {  	[hbm4b:s7+s11] =	stream.linear.scatter @!p0 [tilespmem:s15], [sflag:$0x3], $0x4000, $0x38;
	[tilespmem:$0x8100] =	vst v63  }
0x24: {  	s10 =	sadd.s32 $0x10000, s8;
	s14 =	sadd.s32 $0x20, s9;
	s15 =	simm.s32 @!p0 $0x3  }
0x25: {  	p2 =	sgt.u32 s14, $0x270;
	s11 =	sadd.s32 $0x10000, s7;
	_ =	swait.ge @!p0 [sflag:s15], $0x4000  }
.LBB2_2:
0x26: {  	s16 =	sadd.s32 @!p2 s12, s6  }
0x27: {  	s17 =	simm.s32 @!p2 $0x0;
	[sflag:s15] =	ssyncset.done @!p0 $0x0;
	s18 =	smov.u32 s13  }
0x28: {  	s13 =	sadd.s32 $0x200, s13;
	s19 =	simm.s32 @!p2 $0x4;
	[sflag:s15] =	ssyncadd.s32 @!p0 $0xFFFFC000  }
0x29: {  	[tilespmem:s17], [sflag:$0x4] =	stream.linear.gather @!p2 [hbm4b:s16+s17], $0x80, $0x38;
	[tilespmem:$0x8100] =	vst v63  }
0x2a: {  	p1 =	sne.s32 s13, $0x2800;
	p0 =	por p2, p2;
	_ =	swait.ge @!p2 [sflag:s19], $0x80  }
0x2b: {  	[sflag:s19] =	ssyncset.done @!p0 $0x0  }
0x2c: {  	s12 =	sadd.s32 @!p0 s12, s5;
	s15 =	simm.s32 @!p0 $0x80;
	[sflag:s19] =	ssyncadd.s32 @!p0 $0xFFFFFF80  }
0x2d: {  	[tilespmem:s15], [sflag:$0x4] =	stream.linear.gather @!p0 [hbm4b:s12+s17], $0x80, $0x38;
	[tilespmem:$0x8100] =	vst v63  }
0x2e: {  	s12 =	smov.u32 s18;
	_ =	swait.ge @!p0 [sflag:s19], $0x80  }
0x2f: {  	[sflag:s19] =	ssyncset.done @!p0 $0x0  }
0x30: {  	s16 =	simm.s32 @!p0 $0x100;
	[sflag:s19] =	ssyncadd.s32 @!p0 $0xFFFFFF80  }
0x31: {  	[tilespmem:s16], [sflag:$0x1] =	stream.indirect.gather @!p0 [hbm4b:s1+s15], $0x80, s17, s15, $0xb8;
	[tilespmem:$0x8100] =	vst v63  }
0x32: {  	s20 =	simm.s32 @!p0 $0x1;
	s18 =	simm.s32 @!p0 $0x4100  }
0x33: {  	[tilespmem:s18], [sflag:$0x2] =	stream.indirect.gather @!p0 [hbm4b:s1+s15], $0x80, s15, s15, $0xb8;
	[tilespmem:$0x8100] =	vst v63  }
0x34: {  	_ =	swait.ge @!p0 [sflag:s20], $0x4000  }
0x35: {  	[sflag:s20] =	ssyncset.done @!p0 $0x0  }
0x36: {  	s15 =	simm.s32 @!p0 $0x2;
	[sflag:s20] =	ssyncadd.s32 @!p0 $0xFFFFC000  }
0x37: {  	_ =	swait.ge @!p0 [sflag:s15], $0x4000  }
0x38: {  	[sflag:s15] =	ssyncset.done @!p0 $0x0  }
0x39: {  	[sflag:s15] =	ssyncadd.s32 @!p0 $0xFFFFC000  }
0x3a: {  	[hbm4b:s10+s17] =	stream.linear.scatter @!p0 [tilespmem:s16], [sflag:$0x4], $0x4000, $0x38;
	[tilespmem:$0x8100] =	vst v63  }
.Ltmp0:
0x3b: {  	_ =	swait.ge @!p0 [sflag:s19], $0x4000;
	(pc) =	sbr.rel @p1 .LBB2_2-.Ltmp0, $4  }
0x3c: {  	s10 =	sadd.s32 $0x10000, s10;
	[sflag:s19] =	ssyncset.done @!p0 $0x0  }
0x3d: {  	s14 =	sadd.s32 $0x20, s14;
	s15 =	simm.s32 @!p0 $0x3;
	[sflag:s19] =	ssyncadd.s32 @!p0 $0xFFFFC000  }
0x3e: {  	[hbm4b:s11+s17] =	stream.linear.scatter @!p0 [tilespmem:s18], [sflag:$0x3], $0x4000, $0x38;
	[tilespmem:$0x8100] =	vst v63  }
0x3f: {  	p2 =	sgt.u32 s14, $0x270;
	s11 =	sadd.s32 $0x10000, s11;
	_ =	swait.ge @!p0 [sflag:s15], $0x4000  }
0x40: {  	s13 =	sadd.s32 @!p2 s12, s6;
	[sflag:s15] =	ssyncset.done @!p0 $0x0  }
0x41: {  	s14 =	simm.s32 @!p2 $0x0;
	s16 =	simm.s32 @!p2 $0x4;
	[sflag:s15] =	ssyncadd.s32 @!p0 $0xFFFFC000  }
0x42: {  	[tilespmem:s14], [sflag:$0x4] =	stream.linear.gather @!p2 [hbm4b:s13+s14], $0x80, $0x38;
	[tilespmem:$0x8100] =	vst v63  }
0x43: {  	p0 =	por p2, p2;
	_ =	swait.ge @!p2 [sflag:s16], $0x80  }
0x44: {  	[sflag:s16] =	ssyncset.done @!p0 $0x0  }
0x45: {  	s12 =	sadd.s32 @!p0 s12, s5;
	s13 =	simm.s32 @!p0 $0x80;
	[sflag:s16] =	ssyncadd.s32 @!p0 $0xFFFFFF80  }
0x46: {  	[tilespmem:s13], [sflag:$0x4] =	stream.linear.gather @!p0 [hbm4b:s12+s14], $0x80, $0x38;
	[tilespmem:$0x8100] =	vst v63  }
0x47: {  	_ =	swait.ge @!p0 [sflag:s16], $0x80  }
0x48: {  	[sflag:s16] =	ssyncset.done @!p0 $0x0  }
0x49: {  	s12 =	simm.s32 @!p0 $0x100;
	[sflag:s16] =	ssyncadd.s32 @!p0 $0xFFFFFF80  }
0x4a: {  	[tilespmem:s12], [sflag:$0x1] =	stream.indirect.gather @!p0 [hbm4b:s1+s13], $0x80, s14, s13, $0xb8;
	[tilespmem:$0x8100] =	vst v63  }
0x4b: {  	s15 =	simm.s32 @!p0 $0x4100;
	s17 =	simm.s32 @!p0 $0x1  }
0x4c: {  	[tilespmem:s15], [sflag:$0x2] =	stream.indirect.gather @!p0 [hbm4b:s1+s13], $0x80, s13, s13, $0xb8;
	[tilespmem:$0x8100] =	vst v63  }
0x4d: {  	_ =	swait.ge @!p0 [sflag:s17], $0x4000  }
0x4e: {  	[sflag:s17] =	ssyncset.done @!p0 $0x0  }
0x4f: {  	s13 =	simm.s32 @!p0 $0x2;
	[sflag:s17] =	ssyncadd.s32 @!p0 $0xFFFFC000  }
0x50: {  	_ =	swait.ge @!p0 [sflag:s13], $0x4000  }
0x51: {  	[sflag:s13] =	ssyncset.done @!p0 $0x0  }
0x52: {  	[sflag:s13] =	ssyncadd.s32 @!p0 $0xFFFFC000  }
0x53: {  	[hbm4b:s10+s14] =	stream.linear.scatter @!p0 [tilespmem:s12], [sflag:$0x4], $0x4000, $0x38;
	[tilespmem:$0x8100] =	vst v63  }
0x54: {  	s3 =	sadd.s32 $0x1, s3;
	_ =	swait.ge @!p0 [sflag:s16], $0x4000  }
0x55: {  	p1 =	sne.s32 s3, s4;
	[sflag:s16] =	ssyncset.done @!p0 $0x0  }
.Ltmp1:
0x56: {  	s10 =	simm.s32 @!p0 $0x3;
	[sflag:s16] =	ssyncadd.s32 @!p0 $0xFFFFC000;
	(pc) =	sbr.rel @p1 .LBB2_1-.Ltmp1, $4  }
0x57: {  	[hbm4b:s11+s14] =	stream.linear.scatter @!p0 [tilespmem:s15], [sflag:$0x3], $0x4000, $0x38;
	[tilespmem:$0x8100] =	vst v63  }
0x58: {  	_ =	swait.ge @!p0 [sflag:s10], $0x4000  }
0x59: {  	[sflag:s10] =	ssyncset.done @!p0 $0x0  }
0x5a: {  	[sflag:s10] =	ssyncadd.s32 @!p0 $0xFFFFC000  }
0x5b: {  	_ =	sfence.sel $0x180000  }
0x5c: {  	[bflag:$0x0] =	sbarrier.arrive $0xFFFF  }
0x5d: {  	p0 =	sne.s32 s2, $0x0;
	_ =	strace $0x9000004A  }
0x5e: {  	s0 =	sadd.s32 @!p0 $0x100000, s0;
	[bflag:$0x2] =	sbarrier.arrive $0xFFFF  }
0x5f: {  	[sflag:s0] =	ssyncadd.tile.s32 @!p0 $0x1;
	_ =	shalt  }
.Lfunc_end2:
_tile_overlayer_lowered:
.L_overlay_start_2:
0x60: {  	(tag) =	ssettag $0x2  }
0x61: {  	s0 =	rddreg [dreg:$0x0];
	s2 =	stileid.u32  }
0x62: {  	s1 =	rddreg [dreg:$0x1];
	p0 =	sne.s32 s2, $0x0  }
0x63: {  	s3 =	rddreg [dreg:$0x2];
	[bflag:$0x3] =	sbarrier.arrive $0xFFFF;
	s2 =	simm.s32 @!p0 $0x1C03  }
0x64: {  	[timem:s3], [sflag:s2] =	dma.local @!p0 [hbm:s0], s1  }
0x65: {  	s0 =	simm.s32 @!p0 $0x3  }
0x66: {  	_ =	swait.ge @!p0 [sflag:s0], s1  }
0x67: {  	s1 =	ssub.s32 @!p0 $0x0, s1;
	[sflag:s0] =	ssyncset.done @!p0 $0x0  }
0x68: {  	[sflag:s0] =	ssyncadd.s32 @!p0 s1  }
0x69: {  	[bflag:$0x3] =	sbarrier.arrive $0xFFFF  }
0x6a: {  	_ =	shalt  }

// kernel: kernel.30.cloned.1.call-start
scs
__scs_entry_jumppad:
0x0: {  	(pc) =	sbr.rel $0x88, $3  }
0x1: {  	(tag) =	ssettag $0x0;
	lr =	simm.s32 $0x1  }
0x2: {  	[smem:$0x3F93] =	sst lr;
	_ =	strace $0xD0000000  }
0x3: {  	_ = 	snop  }
0x4: {  	_ = 	snop  }
0x5: {  	_ = 	snop  }
0x6: {  	_ = 	snop  }
0x7: {  	_ = 	snop  }
__scs_overlays_trampoline_lowered:
0x8: {  	[smem:$0x3FA2] =	sst s0  }
0x9: {  	[smem:$0x3FA3] =	sst s1  }
0xa: {  	[smem:$0x3FA4] =	sst s2  }
0xb: {  	[smem:$0x3FA5] =	sst s3  }
0xc: {  	[smem:$0x3FA6] =	sst s4  }
0xd: {  	[smem:$0x3FA7] =	sst s5  }
0xe: {  	[smem:$0x3FA8] =	sst s6  }
0xf: {  	[smem:$0x3FA9] =	sst s7  }
0x10: {  	[smem:$0x3FAA] =	sst s8  }
0x11: {  	[smem:$0x3FAB] =	sst s9;
	s0 =	simm.s32 @!p0 $0x0  }
0x12: {  	s1 =	sld [smem:$0x3F91];
	s0 =	simm.s32 @p0 $0x1  }
0x13: {  	[smem:$0x3FAC] =	sst s0;
	s0 =	simm.s32 @!p1 $0x0  }
0x14: {  	s2 =	sld [smem:$0x3F90];
	s0 =	simm.s32 @p1 $0x1  }
0x15: {  	[smem:$0x3FAD] =	sst s0;
	s0 =	simm.s32 @!p2 $0x0  }
0x16: {  	s3 =	sld [smem:$0x3FDB];
	s0 =	simm.s32 @p2 $0x1  }
0x17: {  	s4 =	simm.s32 $0x1BF5;
	[smem:$0x3FAF] =	sst s0  }
0x18: {  	s0 =	sld [smem:$0x3F92];
	_ =	swait.ge [sflag:s4], $0x0  }
0x19: {  	s7 =	sld [smem:$0x3F93]  }
0x1a: {  	s8 =	sadd.s32 $0xFFFFE003, lr  }
0x1b: {  	s9 =	sadd.s32 $0xFFFFFEF7, lr;
	s5 =	simm.s32 $0xFFFFFFFF;
	p2 =	slt.u32 s8, $0xFFFFF086  }
0x1c: {  	p1 =	slt.u32 s9, $0xF7A;
	s5 =	simm.s32 @!p2 $0x0  }
0x1d: {  	s5 =	simm.s32 @p1 $0x1;
	p0 =	seq.s32 s7, s2  }
0x1e: {  	s7 =	smul.u32 @!p0 $0xF7A, s2;
	p2 =	seq.s32 @!p0 s5, $0x0  }
0x1f: {  	s9 =	smul.u32 $0xF7A, s1;
	s8 =	simm.s32 @!p0 $0x1BF5;
	p2 =	por !p2, p0  }
0x20: {  	[sflag:s8] =	ssyncset.s32 @!p0 $0xFFFFF086;
	s6 =	sadd.s32 @!p0 s3, s7;
	s7 =	simm.s32 @!p0 $0x108  }
0x21: {  	s3 =	sadd.s32 s3, s9;
	s6 =	sadd.s32 @!p0 $0x88, s6;
	s7 =	simm.s32 @p2 $0x1082  }
0x22: {  	[simem:s7], [sflag:s8] =	dma.local @!p0 [hbm:s6], $0xF7A  }
0x23: {  	s9 =	sor.u32 $0xD0000000, s2;
	s6 =	simm.s32 $0x108;
	_ =	swait.ge @!p0 [sflag:s8], $0x0  }
0x24: {  	s3 =	sadd.s32 $0x88, s3;
	s6 =	simm.s32 @!p1 $0x1082;
	[sflag:s4] =	ssyncset.s32 $0xFFFFF086  }
0x25: {  	[simem:s6], [sflag:s4] =	dma.local [hbm:s3], $0xF7A  }
0x26: {  	[smem:$0x3F93] =	sst s1;
	(tag) =	ssettag s2;
	_ =	strace s9  }
0x27: {  	s1 =	sld [smem:$0x3FA3]  }
0x28: {  	s2 =	sld [smem:$0x3FA4]  }
0x29: {  	s4 =	sld [smem:$0x3FA6]  }
0x2a: {  	p0 =	seq.s32 s5, $0x0;
	s5 =	sld [smem:$0x3FA7]  }
0x2b: {  	s6 =	sld [smem:$0x3FA8]  }
0x2c: {  	s7 =	sld [smem:$0x3FA9]  }
0x2d: {  	s3 =	simm.s32 $0x108;
	s8 =	sld [smem:$0x3FAA]  }
0x2e: {  	s3 =	simm.s32 @!p0 $0x1082;
	s9 =	sld [smem:$0x3FAB]  }
0x2f: {  	lr =	sadd.s32 s0, s3;
	s0 =	sld [smem:$0x3FA2]  }
0x30: {  	s3 =	sld [smem:$0x3FA5]  }
0x31: {  	[smem:$0x3FAE] =	sst s10  }
0x32: {  	s10 =	sld [smem:$0x3FAC];
	_ =	sdelay $0x3  }
0x33: {  	p0 =	seq.s32 s10, $0x1;
	s10 =	sld [smem:$0x3FAE];
	_ =	sdelay $0x3  }
0x34: {  	[smem:$0x3FAE] =	sst s10  }
0x35: {  	s10 =	sld [smem:$0x3FAD];
	_ =	sdelay $0x3  }
0x36: {  	p1 =	seq.s32 s10, $0x1;
	s10 =	sld [smem:$0x3FAE];
	_ =	sdelay $0x3  }
0x37: {  	[smem:$0x3FAE] =	sst s10  }
0x38: {  	s10 =	sld [smem:$0x3FAF]  }
0x39: {  	_ = 	snop;
	(pc) =	sbr.ind lr, $3  }
0x3a: {  	_ = 	snop  }
0x3b: {  	_ = 	snop  }
0x3c: {  	p2 =	seq.s32 s10, $0x1;
	s10 =	sld [smem:$0x3FAE]  }
0x3d: {  	_ =	shalt  }
0x3e: {  	_ =	shalt  }
0x3f: {  	_ =	shalt  }
0x40: {  	_ =	shalt  }
0x41: {  	_ =	shalt  }
0x42: {  	_ =	shalt  }
0x43: {  	_ =	shalt  }
0x44: {  	_ =	shalt  }
0x45: {  	_ =	shalt  }
0x46: {  	_ =	shalt  }
0x47: {  	_ =	shalt  }
0x48: {  	_ =	shalt  }
0x49: {  	_ =	shalt  }
0x4a: {  	_ =	shalt  }
0x4b: {  	_ =	shalt  }
0x4c: {  	_ =	shalt  }
0x4d: {  	_ =	shalt  }
0x4e: {  	_ =	shalt  }
0x4f: {  	_ =	shalt  }
0x50: {  	_ =	shalt  }
0x51: {  	_ =	shalt  }
0x52: {  	_ =	shalt  }
0x53: {  	_ =	shalt  }
0x54: {  	_ =	shalt  }
0x55: {  	_ =	shalt  }
0x56: {  	_ =	shalt  }
0x57: {  	_ =	shalt  }
0x58: {  	_ =	shalt  }
0x59: {  	_ =	shalt  }
0x5a: {  	_ =	shalt  }
0x5b: {  	_ =	shalt  }
0x5c: {  	_ =	shalt  }
0x5d: {  	_ =	shalt  }
0x5e: {  	_ =	shalt  }
0x5f: {  	_ =	shalt  }
0x60: {  	_ =	shalt  }
0x61: {  	_ =	shalt  }
0x62: {  	_ =	shalt  }
0x63: {  	_ =	shalt  }
0x64: {  	_ =	shalt  }
0x65: {  	_ =	shalt  }
0x66: {  	_ =	shalt  }
0x67: {  	_ =	shalt  }
0x68: {  	_ =	shalt  }
0x69: {  	_ =	shalt  }
0x6a: {  	_ =	shalt  }
0x6b: {  	_ =	shalt  }
0x6c: {  	_ =	shalt  }
0x6d: {  	_ =	shalt  }
0x6e: {  	_ =	shalt  }
0x6f: {  	_ =	shalt  }
0x70: {  	_ =	shalt  }
0x71: {  	_ =	shalt  }
0x72: {  	_ =	shalt  }
0x73: {  	_ =	shalt  }
0x74: {  	_ =	shalt  }
0x75: {  	_ =	shalt  }
0x76: {  	_ =	shalt  }
0x77: {  	_ =	shalt  }
0x78: {  	_ =	shalt  }
0x79: {  	_ =	shalt  }
0x7a: {  	_ =	shalt  }
0x7b: {  	_ =	shalt  }
0x7c: {  	_ =	shalt  }
0x7d: {  	_ =	shalt  }
0x7e: {  	_ =	shalt  }
0x7f: {  	_ =	shalt  }
0x80: {  	_ =	shalt  }
0x81: {  	_ =	shalt  }
0x82: {  	_ =	shalt  }
0x83: {  	_ =	shalt  }
0x84: {  	_ =	shalt  }
0x85: {  	_ =	shalt  }
0x86: {  	_ =	shalt  }
0x87: {  	_ =	shalt  }
.Lfunc_end0:
.L_simem_size_0:
called_computation.5_lowered:
.L_overlay_start_0:
0x88: {  	s2 =	sld [smem:$0x3FD9]  }
0x89: {  	s3 =	sld [smem:$0x3FFE];
	_ =	sdelay $0x1  }
0x8a: {  	s1 =	srdreg.scid  }
0x8b: {  	s0 =	sand.u32 $0x1, s1  }
0x8c: {  	s17 =	sshll.u32 s0, $0xA;
	s2 =	sadd.s32 s3, s2  }
0x8d: {  	s2 =	sadd.s32 s2, s17  }
0x8e: {  	[smem:$0x3FBA] =	sst s2  }
0x8f: {  	_ = 	snop  }
0x90: {  	s18 =	sld [smem:$0x3FD0];
	(tm) =	ssettm $0x1  }
0x91: {  	s19 =	sld [smem:$0x3FFB];
	_ =	sdelay $0x3  }
0x92: {  	_ =	strace s19  }
0x93: {  	s2 =	sld [smem:$0x3FFC];
	_ =	sdelay $0x3  }
0x94: {  	_ =	strace s2  }
0x95: {  	s2 =	sld [smem:$0x3FFD];
	_ =	sdelay $0x3  }
0x96: {  	_ =	strace s2  }
0x97: {  	_ =	strace $0x8FFFFFFF  }
0x98: {  	s20 =	sld [smem:$0x3FDB];
	_ =	sdelay $0x1  }
0x99: {  	s4 =	simm.s32 $_scs_section_size  }
0x9a: {  	s5 =	simm.s32 $_size__tile_overlayer_lowered;
	s6 =	simm.s32 $_tile_overlayer_lowered  }
0x9b: {  	s7 =	simm.s32 $0x1BFF;
	s21 =	sshll.u32 s6, $0x1;
	s4 =	sadd.s32 s4, s20  }
0x9c: {  	s22 =	simm.s32 $0x0;
	s5 =	sshll.u32 s5, $0x1;
	s6 =	sadd.s32 s21, s4  }
0x9d: {  	[timem:s22], [sflag:s7] =	dma.local [hbm:s6], s5  }
0x9e: {  	_ =	swait.ge [sflag:s7], s5  }
0x9f: {  	s5 =	ssub.s32 $0x0, s5;
	[sflag:s7] =	ssyncset.done $0x0  }
0xa0: {  	[sflag:s7] =	ssyncadd.s32 s5;
	_ =	sdelay $0x1  }
0xa1: {  	s23 =	simm.s32 $0x1B8B  }
0xa2: {  	_ =	swait.ge [sflag:s23], $0x1  }
0xa3: {  	[sflag:s23] =	ssyncset.done $0x0  }
0xa4: {  	[sflag:s23] =	ssyncadd.s32 $0xFFFFFFFF  }
0xa5: {  	s5 =	sld [smem:$0x0]  }
0xa6: {  	s6 =	sand.u32 $0xFFFFFFFE, s1  }
0xa7: {  	p0 =	sne.s32 s1, s6  }
0xa8: {  	s6 =	sshll.u32 @p0 s6, $0xE  }
0xa9: {  	s6 =	sadd.s32 @p0 $0x11B8D, s6;
	s7 =	sshll.u32 @p0 s5, $0x11  }
0xaa: {  	s6 =	sor.u32 @p0 s7, s6  }
0xab: {  	[sflag:s6] =	ssyncadd.remote.s32 @p0 $0x1;
	_ =	sdelay $0x1  }
0xac: {  	s6 =	simm.s32 @p0 $0x1B8D  }
0xad: {  	_ =	swait.eq @p0 [sflag:s6], $0x1  }
0xae: {  	[sflag:s6] =	ssyncadd.s32 @p0 $0xFFFFFFFF  }
0xaf: {  	s7 =	sshll.u32 @!p0 s1, $0xE  }
0xb0: {  	s7 =	sor.u32 @!p0 $0x4000, s7;
	s6 =	simm.s32 @!p0 $0x1B8D  }
0xb1: {  	s5 =	sshll.u32 @!p0 s5, $0x11;
	s7 =	sadd.s32 @!p0 $0x11B8D, s7;
	_ =	swait.eq @!p0 [sflag:s6], $0x1  }
0xb2: {  	s5 =	sor.u32 @!p0 s5, s7;
	[sflag:s6] =	ssyncadd.s32 @!p0 $0xFFFFFFFF  }
0xb3: {  	s25 =	simm.s32 $0x1B8E;
	s24 =	sld [smem:$0x3FFE];
	[sflag:s5] =	ssyncadd.remote.s32 @!p0 $0x1  }
0xb4: {  	s26 =	simm.s32 $execute0_lowered;
	[smem:$0x3FD2] =	sst s25  }
0xb5: {  	s6 =	sshll.u32 s26, $0x1;
	_ =	strace $0x80000055;
	[dreg:$0x1] =	wrdreg $0xFFFFFFFF  }
0xb6: {  	s28 =	simm.s32 $_size_execute0_lowered;
	s4 =	sadd.s32 s4, s6;
	[dreg:$0x0] =	wrdreg $0x0  }
0xb7: {  	s6 =	sshll.u32 s28, $0x1;
	[dreg:$0x2] =	wrdreg s4  }
0xb8: {  	[dreg:$0x3] =	wrdreg s6  }
0xb9: {  	[dreg:$0x4] =	wrdreg $0xC0  }
0xba: {  	_ =	task [dreg:s22], $0x5FFFF  }
0xbb: {  	[dreg:$0x1] =	wrdreg $0xFFFFFFFF  }
0xbc: {  	[dreg:$0x0] =	wrdreg $0x60  }
0xbd: {  	[dreg:$0x2] =	wrdreg s24  }
0xbe: {  	[dreg:$0x3] =	wrdreg s18  }
0xbf: {  	[dreg:$0x4] =	wrdreg $0x0  }
0xc0: {  	[dreg:$0x5] =	wrdreg $0xC  }
0xc1: {  	_ =	task.clear_ibuf [dreg:s22], $0x6FFFF;
	_ =	strace $0x90000055  }
0xc2: {  	s29 =	simm.s32 $0xC;
	_ =	strace $0x80000057  }
0xc3: {  	_ =	swait.ge [sflag:s29], $0x1  }
0xc4: {  	[sflag:s29] =	ssyncadd.s32 $0xFFFFFFFF  }
0xc5: {  	_ =	strace $0x90000057  }
0xc6: {  	_ =	sfence  }
0xc7: {  	s30 =	sld [smem:$0x0];
	_ =	sdelay $0x2  }
0xc8: {  	s31 =	sshll.u32 s1, $0xD;
	s1 =	sshrl.u32 s1, $0x2  }
0xc9: {  	s4 =	sand.u32 $0x4000, s31;
	s1 =	sadd.s32 s1, s30  }
0xca: {  	s0 =	sor.u32 s4, s0;
	s1 =	sshll.u32 s1, $0x11  }
0xcb: {  	s0 =	sor.u32 s1, s0  }
0xcc: {  	s0 =	sadd.s32 $0x8F2B, s0  }
0xcd: {  	[sflag:s0] =	ssyncadd.remote.s32 $0x1  }
0xce: {  	_ =	sfence.sel $0xFFFF  }
0xcf: {  	[dreg:$0x0] =	wrdreg $0xFFFFFFFF;
	(pc) =	sbr.abs _section_cstart, $3  }
0xd0: {  	[dreg:$0x1] =	wrdreg $0xFFFFFFFF  }
0xd1: {  	_ =	task.clear_ibuf [dreg:s22], $0x2FFFF;
	_ =	strace $0x9FFFFFFF  }
0xd2: {  	(tm) =	ssettm $0x7FFFFFFF  }
0xd3: {  	_ =	shalt  }
tec
execute0_lowered:
.L_overlay_start_1:
0x0: {  	(tag) =	ssettag $0x1  }
0x1: {  	s4 =	rddreg [dreg:$0x0]  }
0x2: {  	s5 =	rddreg [dreg:$0x1]  }
0x3: {  	s2 =	rddreg [dreg:$0x2]  }
0x4: {  	s0 =	rddreg [dreg:$0x3]  }
0x5: {  	s1 =	stileid.u32;
	s6 =	srdreg.scid  }
0x6: {  	s3 =	simm.s32 $0x0;
	s10 =	sand.u32 $0x1, s6;
	s25 =	smul.u32 $0x2800, s1  }
0x7: {  	[smem:$0x7FF] =	sst s3;
	s7 =	sshll.u32 s1, $0x5;
	s9 =	sshll.u32 s1, $0xC  }
0x8: {  	s12 =	smul.u32 $0x50000, s1;
	s13 =	sshll.u32 s1, $0x1;
	s30 =	sshll.u32 s1, $0x6  }
0x9: {  	s8 =	smul.u32 $0x28000, s10;
	_ =	strace $0x80000056;
	s7 =	sadd.s32 s7, s4  }
0xa: {  	s11 =	ssub.s32 $0x2, s10;
	s9 =	sadd.s32 s9, s4;
	s29 =	sshll.u32 s10, $0x4  }
0xb: {  	s31 =	sshll.u32 s10, $0xB;
	s10 =	sor.u32 s10, s13;
	s26 =	sshrl.u32 s11, $0x1  }
0xc: {  	s28 =	sshrl.u32 s12, $0x2;
	s14 =	sadd.s32 s29, s7;
	s9 =	sadd.s32 s31, s9  }
0xd: {  	s8 =	sadd.s32 s25, s8;
	s11 =	ssub.s32 s11, s26;
	s12 =	sadd.s32 s28, s2  }
0xe: {  	s9 =	sadd.s32 $0x67000, s9;
	s8 =	sadd.s32 s8, s4;
	s4 =	sadd.s32 s5, s25  }
0xf: {  	s5 =	sor.u32 $0x1C01, s30;
	s7 =	smax.u32 s11, $0x1;
	s11 =	sshrl.u32 s12, $0x3  }
0x10: {  	s12 =	simm.s32 $0x1;
	s6 =	sadd.s32 $0x19F800, s8;
	s8 =	sadd.s32 $0x12000, s14  }
.LBB2_1:
0x11: {  	[spmem:s11], [sflag:s5] =	dma.local [hbm:s4], $0x2800  }
0x12: {  	s13 =	sadd.s32 $0x0, s10;
	_ =	swait.ge [sflag:s12], $0x2800  }
0x13: {  	p0 =	sgt.u32 s13, $0x270;
	[sflag:s12] =	ssyncset.done $0x0  }
0x14: {  	s13 =	simm.s32 @!p0 $0x0;
	[sflag:s12] =	ssyncadd.s32 $0xFFFFD800  }
0x15: {  	s15 =	simm.s32 @!p0 $0x14000;
	s16 =	simm.s32 @!p0 $0x2;
	[bflag:$0x0] =	sbarrier.arrive $0xFFFF  }
0x16: {  	[tilespmem:s15], [sflag:$0x2] =	stream.linear.gather @!p0 [hbm4b:s8+s13], $0x80, $0x38;
	[tilespmem:$0x18080] =	vst v63  }
0x17: {  	_ =	swait.ge @!p0 [sflag:s16], $0x80;
	p0 =	por p0, p0  }
0x18: {  	[sflag:s16] =	ssyncset.done @!p0 $0x0  }
0x19: {  	s17 =	simm.s32 @!p0 $0x14080;
	[sflag:s16] =	ssyncadd.s32 @!p0 $0xFFFFFF80  }
0x1a: {  	[tilespmem:s17], [sflag:$0x2] =	stream.linear.gather @!p0 [hbm4b:s9+s13], $0x4000, $0x38;
	[tilespmem:$0x18080] =	vst v63  }
0x1b: {  	s31 =	sadd.s32 $0x20, s10;
	_ =	swait.ge @!p0 [sflag:s16], $0x4000  }
0x1c: {  	s14 =	simm.s32 $0x40;
	p1 =	sgt.u32 s31, $0x270;
	[sflag:s16] =	ssyncset.done @!p0 $0x0  }
0x1d: {  	s13 =	simm.s32 @!p0 $0x80;
	[sflag:s16] =	ssyncadd.s32 @!p0 $0xFFFFC000;
	s16 =	simm.s32 @!p0 $0x1  }
0x1e: {  	[spmem:s2] =	stream.indirect.scatter.add.f32 @!p0 [tilespmem:s17], [sflag:$0x1], $0x80, s15, s13, $0xb8;
	[tilespmem:$0x18080] =	vst v63  }
0x1f: {  	s13 =	sadd.s32 $0x10000, s9;
	s15 =	sadd.s32 $0x200, s8;
	_ =	swait.ge @!p0 [sflag:s16], $0x4000  }
.LBB2_2:
0x20: {  	s17 =	simm.s32 @!p1 $0x0  }
0x21: {  	s18 =	simm.s32 @!p1 $0x14000;
	[sflag:s16] =	ssyncset.done @!p0 $0x0;
	s19 =	smov.u32 s14  }
0x22: {  	s14 =	sadd.s32 $0x20, s14;
	s20 =	simm.s32 @!p1 $0x2;
	[sflag:s16] =	ssyncadd.s32 @!p0 $0xFFFFC000  }
0x23: {  	[tilespmem:s18], [sflag:$0x2] =	stream.linear.gather @!p1 [hbm4b:s15+s17], $0x80, $0x38;
	[tilespmem:$0x18080] =	vst v63  }
0x24: {  	p2 =	sne.s32 s14, $0x280;
	p0 =	por p1, p1;
	_ =	swait.ge @!p1 [sflag:s20], $0x80  }
0x25: {  	[sflag:s20] =	ssyncset.done @!p0 $0x0  }
0x26: {  	s21 =	simm.s32 @!p0 $0x14080;
	[sflag:s20] =	ssyncadd.s32 @!p0 $0xFFFFFF80  }
0x27: {  	[tilespmem:s21], [sflag:$0x2] =	stream.linear.gather @!p0 [hbm4b:s13+s17], $0x4000, $0x38;
	[tilespmem:$0x18080] =	vst v63  }
.Ltmp0:
0x28: {  	_ =	swait.ge @!p0 [sflag:s20], $0x4000;
	(pc) =	sbr.rel @p2 .LBB2_2-.Ltmp0, $4  }
0x29: {  	s16 =	simm.s32 @!p0 $0x1;
	s13 =	sadd.s32 $0x10000, s13;
	[sflag:s20] =	ssyncset.done @!p0 $0x0  }
0x2a: {  	s17 =	sadd.s32 s19, s10;
	s19 =	simm.s32 @!p0 $0x80;
	[sflag:s20] =	ssyncadd.s32 @!p0 $0xFFFFC000  }
0x2b: {  	[spmem:s2] =	stream.indirect.scatter.add.f32 @!p0 [tilespmem:s21], [sflag:$0x1], $0x80, s18, s19, $0xb8;
	[tilespmem:$0x18080] =	vst v63  }
0x2c: {  	s15 =	sadd.s32 $0x200, s15;
	p1 =	sgt.u32 s17, $0x270;
	_ =	swait.ge @!p0 [sflag:s16], $0x4000  }
0x2d: {  	s14 =	simm.s32 @!p1 $0x0;
	[sflag:s16] =	ssyncset.done @!p0 $0x0  }
0x2e: {  	s17 =	simm.s32 @!p1 $0x14000;
	s18 =	simm.s32 @!p1 $0x2;
	[sflag:s16] =	ssyncadd.s32 @!p0 $0xFFFFC000  }
0x2f: {  	[tilespmem:s17], [sflag:$0x2] =	stream.linear.gather @!p1 [hbm4b:s15+s14], $0x80, $0x38;
	[tilespmem:$0x18080] =	vst v63  }
0x30: {  	p0 =	por p1, p1;
	_ =	swait.ge @!p1 [sflag:s18], $0x80  }
0x31: {  	[sflag:s18] =	ssyncset.done @!p0 $0x0  }
0x32: {  	s15 =	simm.s32 @!p0 $0x14080;
	[sflag:s18] =	ssyncadd.s32 @!p0 $0xFFFFFF80  }
0x33: {  	[tilespmem:s15], [sflag:$0x2] =	stream.linear.gather @!p0 [hbm4b:s13+s14], $0x4000, $0x38;
	[tilespmem:$0x18080] =	vst v63  }
0x34: {  	_ =	swait.ge @!p0 [sflag:s18], $0x4000  }
0x35: {  	[sflag:s18] =	ssyncset.done @!p0 $0x0  }
0x36: {  	s13 =	simm.s32 @!p0 $0x1;
	s14 =	simm.s32 @!p0 $0x80;
	[sflag:s18] =	ssyncadd.s32 @!p0 $0xFFFFC000  }
0x37: {  	[spmem:s2] =	stream.indirect.scatter.add.f32 @!p0 [tilespmem:s15], [sflag:$0x1], $0x80, s17, s14, $0xb8;
	[tilespmem:$0x18080] =	vst v63  }
0x38: {  	_ =	swait.ge @!p0 [sflag:s13], $0x4000  }
0x39: {  	s3 =	sadd.s32 $0x1, s3;
	[sflag:s13] =	ssyncset.done @!p0 $0x0  }
0x3a: {  	[sflag:s13] =	ssyncadd.s32 @!p0 $0xFFFFC000;
	p0 =	sne.s32 s3, s7  }
.Ltmp1:
0x3b: {  	[bflag:$0x0] =	sbarrier.arrive $0xFFFF;
	(pc) =	sbr.rel @p0 .LBB2_1-.Ltmp1, $4  }
0x3c: {  	[hbm:s6], [sflag:s5] =	dma.local [spmem:s11], $0x2800  }
0x3d: {  	_ =	swait.ge [sflag:s12], $0x2800  }
0x3e: {  	[sflag:s12] =	ssyncset.done $0x0  }
0x3f: {  	[sflag:s12] =	ssyncadd.s32 $0xFFFFD800  }
0x40: {  	_ =	sfence.sel $0x180000  }
0x41: {  	[bflag:$0x0] =	sbarrier.arrive $0xFFFF  }
0x42: {  	p0 =	sne.s32 s1, $0x0;
	_ =	strace $0x90000056  }
0x43: {  	s0 =	sadd.s32 @!p0 $0x100000, s0;
	[bflag:$0x2] =	sbarrier.arrive $0xFFFF  }
0x44: {  	[sflag:s0] =	ssyncadd.tile.s32 @!p0 $0x1;
	_ =	shalt  }
.Lfunc_end2:
_tile_overlayer_lowered:
.L_overlay_start_2:
0x45: {  	(tag) =	ssettag $0x2  }
0x46: {  	s0 =	rddreg [dreg:$0x0];
	s2 =	stileid.u32  }
0x47: {  	s1 =	rddreg [dreg:$0x1];
	p0 =	sne.s32 s2, $0x0  }
0x48: {  	s3 =	rddreg [dreg:$0x2];
	[bflag:$0x3] =	sbarrier.arrive $0xFFFF;
	s2 =	simm.s32 @!p0 $0x1C01  }
0x49: {  	[timem:s3], [sflag:s2] =	dma.local @!p0 [hbm:s0], s1  }
0x4a: {  	s0 =	simm.s32 @!p0 $0x1  }
0x4b: {  	_ =	swait.ge @!p0 [sflag:s0], s1  }
0x4c: {  	s1 =	ssub.s32 @!p0 $0x0, s1;
	[sflag:s0] =	ssyncset.done @!p0 $0x0  }
0x4d: {  	[sflag:s0] =	ssyncadd.s32 @!p0 s1  }
0x4e: {  	[bflag:$0x3] =	sbarrier.arrive $0xFFFF  }
0x4f: {  	_ =	shalt  }

// kernel: kernel.33.cloned.1.call-start
scs
__scs_entry_jumppad:
0x0: {  	(pc) =	sbr.rel $0x88, $3  }
0x1: {  	(tag) =	ssettag $0x0;
	lr =	simm.s32 $0x1  }
0x2: {  	[smem:$0x3F93] =	sst lr;
	_ =	strace $0xD0000000  }
0x3: {  	_ = 	snop  }
0x4: {  	_ = 	snop  }
0x5: {  	_ = 	snop  }
0x6: {  	_ = 	snop  }
0x7: {  	_ = 	snop  }
__scs_overlays_trampoline_lowered:
0x8: {  	[smem:$0x3FA2] =	sst s0  }
0x9: {  	[smem:$0x3FA3] =	sst s1  }
0xa: {  	[smem:$0x3FA4] =	sst s2  }
0xb: {  	[smem:$0x3FA5] =	sst s3  }
0xc: {  	[smem:$0x3FA6] =	sst s4  }
0xd: {  	[smem:$0x3FA7] =	sst s5  }
0xe: {  	[smem:$0x3FA8] =	sst s6  }
0xf: {  	[smem:$0x3FA9] =	sst s7  }
0x10: {  	[smem:$0x3FAA] =	sst s8  }
0x11: {  	[smem:$0x3FAB] =	sst s9;
	s0 =	simm.s32 @!p0 $0x0  }
0x12: {  	s1 =	sld [smem:$0x3F91];
	s0 =	simm.s32 @p0 $0x1  }
0x13: {  	[smem:$0x3FAC] =	sst s0;
	s0 =	simm.s32 @!p1 $0x0  }
0x14: {  	s2 =	sld [smem:$0x3F90];
	s0 =	simm.s32 @p1 $0x1  }
0x15: {  	[smem:$0x3FAD] =	sst s0;
	s0 =	simm.s32 @!p2 $0x0  }
0x16: {  	s3 =	sld [smem:$0x3FDB];
	s0 =	simm.s32 @p2 $0x1  }
0x17: {  	s4 =	simm.s32 $0x1BF5;
	[smem:$0x3FAF] =	sst s0  }
0x18: {  	s0 =	sld [smem:$0x3F92];
	_ =	swait.ge [sflag:s4], $0x0  }
0x19: {  	s7 =	sld [smem:$0x3F93]  }
0x1a: {  	s8 =	sadd.s32 $0xFFFFE003, lr  }
0x1b: {  	s9 =	sadd.s32 $0xFFFFFEF7, lr;
	s5 =	simm.s32 $0xFFFFFFFF;
	p2 =	slt.u32 s8, $0xFFFFF086  }
0x1c: {  	p1 =	slt.u32 s9, $0xF7A;
	s5 =	simm.s32 @!p2 $0x0  }
0x1d: {  	s5 =	simm.s32 @p1 $0x1;
	p0 =	seq.s32 s7, s2  }
0x1e: {  	s7 =	smul.u32 @!p0 $0xF7A, s2;
	p2 =	seq.s32 @!p0 s5, $0x0  }
0x1f: {  	s9 =	smul.u32 $0xF7A, s1;
	s8 =	simm.s32 @!p0 $0x1BF5;
	p2 =	por !p2, p0  }
0x20: {  	[sflag:s8] =	ssyncset.s32 @!p0 $0xFFFFF086;
	s6 =	sadd.s32 @!p0 s3, s7;
	s7 =	simm.s32 @!p0 $0x108  }
0x21: {  	s3 =	sadd.s32 s3, s9;
	s6 =	sadd.s32 @!p0 $0x88, s6;
	s7 =	simm.s32 @p2 $0x1082  }
0x22: {  	[simem:s7], [sflag:s8] =	dma.local @!p0 [hbm:s6], $0xF7A  }
0x23: {  	s9 =	sor.u32 $0xD0000000, s2;
	s6 =	simm.s32 $0x108;
	_ =	swait.ge @!p0 [sflag:s8], $0x0  }
0x24: {  	s3 =	sadd.s32 $0x88, s3;
	s6 =	simm.s32 @!p1 $0x1082;
	[sflag:s4] =	ssyncset.s32 $0xFFFFF086  }
0x25: {  	[simem:s6], [sflag:s4] =	dma.local [hbm:s3], $0xF7A  }
0x26: {  	[smem:$0x3F93] =	sst s1;
	(tag) =	ssettag s2;
	_ =	strace s9  }
0x27: {  	s1 =	sld [smem:$0x3FA3]  }
0x28: {  	s2 =	sld [smem:$0x3FA4]  }
0x29: {  	s4 =	sld [smem:$0x3FA6]  }
0x2a: {  	p0 =	seq.s32 s5, $0x0;
	s5 =	sld [smem:$0x3FA7]  }
0x2b: {  	s6 =	sld [smem:$0x3FA8]  }
0x2c: {  	s7 =	sld [smem:$0x3FA9]  }
0x2d: {  	s3 =	simm.s32 $0x108;
	s8 =	sld [smem:$0x3FAA]  }
0x2e: {  	s3 =	simm.s32 @!p0 $0x1082;
	s9 =	sld [smem:$0x3FAB]  }
0x2f: {  	lr =	sadd.s32 s0, s3;
	s0 =	sld [smem:$0x3FA2]  }
0x30: {  	s3 =	sld [smem:$0x3FA5]  }
0x31: {  	[smem:$0x3FAE] =	sst s10  }
0x32: {  	s10 =	sld [smem:$0x3FAC];
	_ =	sdelay $0x3  }
0x33: {  	p0 =	seq.s32 s10, $0x1;
	s10 =	sld [smem:$0x3FAE];
	_ =	sdelay $0x3  }
0x34: {  	[smem:$0x3FAE] =	sst s10  }
0x35: {  	s10 =	sld [smem:$0x3FAD];
	_ =	sdelay $0x3  }
0x36: {  	p1 =	seq.s32 s10, $0x1;
	s10 =	sld [smem:$0x3FAE];
	_ =	sdelay $0x3  }
0x37: {  	[smem:$0x3FAE] =	sst s10  }
0x38: {  	s10 =	sld [smem:$0x3FAF]  }
0x39: {  	_ = 	snop;
	(pc) =	sbr.ind lr, $3  }
0x3a: {  	_ = 	snop  }
0x3b: {  	_ = 	snop  }
0x3c: {  	p2 =	seq.s32 s10, $0x1;
	s10 =	sld [smem:$0x3FAE]  }
0x3d: {  	_ =	shalt  }
0x3e: {  	_ =	shalt  }
0x3f: {  	_ =	shalt  }
0x40: {  	_ =	shalt  }
0x41: {  	_ =	shalt  }
0x42: {  	_ =	shalt  }
0x43: {  	_ =	shalt  }
0x44: {  	_ =	shalt  }
0x45: {  	_ =	shalt  }
0x46: {  	_ =	shalt  }
0x47: {  	_ =	shalt  }
0x48: {  	_ =	shalt  }
0x49: {  	_ =	shalt  }
0x4a: {  	_ =	shalt  }
0x4b: {  	_ =	shalt  }
0x4c: {  	_ =	shalt  }
0x4d: {  	_ =	shalt  }
0x4e: {  	_ =	shalt  }
0x4f: {  	_ =	shalt  }
0x50: {  	_ =	shalt  }
0x51: {  	_ =	shalt  }
0x52: {  	_ =	shalt  }
0x53: {  	_ =	shalt  }
0x54: {  	_ =	shalt  }
0x55: {  	_ =	shalt  }
0x56: {  	_ =	shalt  }
0x57: {  	_ =	shalt  }
0x58: {  	_ =	shalt  }
0x59: {  	_ =	shalt  }
0x5a: {  	_ =	shalt  }
0x5b: {  	_ =	shalt  }
0x5c: {  	_ =	shalt  }
0x5d: {  	_ =	shalt  }
0x5e: {  	_ =	shalt  }
0x5f: {  	_ =	shalt  }
0x60: {  	_ =	shalt  }
0x61: {  	_ =	shalt  }
0x62: {  	_ =	shalt  }
0x63: {  	_ =	shalt  }
0x64: {  	_ =	shalt  }
0x65: {  	_ =	shalt  }
0x66: {  	_ =	shalt  }
0x67: {  	_ =	shalt  }
0x68: {  	_ =	shalt  }
0x69: {  	_ =	shalt  }
0x6a: {  	_ =	shalt  }
0x6b: {  	_ =	shalt  }
0x6c: {  	_ =	shalt  }
0x6d: {  	_ =	shalt  }
0x6e: {  	_ =	shalt  }
0x6f: {  	_ =	shalt  }
0x70: {  	_ =	shalt  }
0x71: {  	_ =	shalt  }
0x72: {  	_ =	shalt  }
0x73: {  	_ =	shalt  }
0x74: {  	_ =	shalt  }
0x75: {  	_ =	shalt  }
0x76: {  	_ =	shalt  }
0x77: {  	_ =	shalt  }
0x78: {  	_ =	shalt  }
0x79: {  	_ =	shalt  }
0x7a: {  	_ =	shalt  }
0x7b: {  	_ =	shalt  }
0x7c: {  	_ =	shalt  }
0x7d: {  	_ =	shalt  }
0x7e: {  	_ =	shalt  }
0x7f: {  	_ =	shalt  }
0x80: {  	_ =	shalt  }
0x81: {  	_ =	shalt  }
0x82: {  	_ =	shalt  }
0x83: {  	_ =	shalt  }
0x84: {  	_ =	shalt  }
0x85: {  	_ =	shalt  }
0x86: {  	_ =	shalt  }
0x87: {  	_ =	shalt  }
.Lfunc_end0:
.L_simem_size_0:
called_computation.6_lowered:
.L_overlay_start_0:
0x88: {  	s2 =	sld [smem:$0x3FD9]  }
0x89: {  	s3 =	sld [smem:$0x3FFE];
	_ =	sdelay $0x1  }
0x8a: {  	s1 =	srdreg.scid  }
0x8b: {  	s0 =	sand.u32 $0x1, s1  }
0x8c: {  	s17 =	sshll.u32 s0, $0xA;
	s2 =	sadd.s32 s3, s2  }
0x8d: {  	s2 =	sadd.s32 s2, s17  }
0x8e: {  	[smem:$0x3FBA] =	sst s2  }
0x8f: {  	_ = 	snop  }
0x90: {  	s2 =	sld [smem:$0x3FC9]  }
0x91: {  	s18 =	sld [smem:$0x3FD0];
	(tm) =	ssettm $0x1  }
0x92: {  	s4 =	sld [smem:$0x3FFB];
	_ =	sdelay $0x3  }
0x93: {  	_ =	strace s4  }
0x94: {  	s4 =	sld [smem:$0x3FFC];
	_ =	sdelay $0x3  }
0x95: {  	_ =	strace s4  }
0x96: {  	s4 =	sld [smem:$0x3FFD];
	_ =	sdelay $0x3  }
0x97: {  	_ =	strace s4  }
0x98: {  	_ =	strace $0x8FFFFFFF  }
0x99: {  	s19 =	sld [smem:$0x3FDB];
	_ =	sdelay $0x1  }
0x9a: {  	s5 =	simm.s32 $_scs_section_size  }
0x9b: {  	s6 =	simm.s32 $_size__tile_overlayer_lowered;
	s7 =	simm.s32 $_tile_overlayer_lowered  }
0x9c: {  	s22 =	simm.s32 $0x1BFF;
	s21 =	sshll.u32 s7, $0x1;
	s4 =	sadd.s32 s5, s19  }
0x9d: {  	s8 =	simm.s32 $0x0;
	s20 =	sshll.u32 s6, $0x1;
	s6 =	sadd.s32 s21, s4  }
0x9e: {  	[timem:s8], [sflag:s22] =	dma.local [hbm:s6], s20  }
0x9f: {  	_ =	swait.ge [sflag:s22], s20  }
0xa0: {  	s5 =	ssub.s32 $0x0, s20;
	[sflag:s22] =	ssyncset.done $0x0  }
0xa1: {  	[sflag:s22] =	ssyncadd.s32 s5;
	_ =	sdelay $0x1  }
0xa2: {  	s23 =	simm.s32 $0x1B8B  }
0xa3: {  	_ =	swait.ge [sflag:s23], $0x1  }
0xa4: {  	[sflag:s23] =	ssyncset.done $0x0  }
0xa5: {  	s25 =	simm.s32 $0x1B8E;
	s24 =	sld [smem:$0x3FFE];
	[sflag:s23] =	ssyncadd.s32 $0xFFFFFFFF  }
0xa6: {  	s26 =	simm.s32 $execute0_lowered;
	[smem:$0x3FD2] =	sst s25  }
0xa7: {  	s6 =	sshll.u32 s26, $0x1;
	_ =	strace $0x80000046;
	[dreg:$0x1] =	wrdreg $0xFFFFFFFF  }
0xa8: {  	s28 =	simm.s32 $_size_execute0_lowered;
	s4 =	sadd.s32 s4, s6;
	[dreg:$0x0] =	wrdreg $0x0  }
0xa9: {  	s6 =	sshll.u32 s28, $0x1;
	[dreg:$0x2] =	wrdreg s4  }
0xaa: {  	[dreg:$0x3] =	wrdreg s6  }
0xab: {  	[dreg:$0x4] =	wrdreg $0xC0  }
0xac: {  	_ =	task [dreg:s8], $0x5FFFF  }
0xad: {  	[dreg:$0x1] =	wrdreg $0xFFFFFFFF  }
0xae: {  	[dreg:$0x0] =	wrdreg $0x60  }
0xaf: {  	[dreg:$0x2] =	wrdreg s18  }
0xb0: {  	[dreg:$0x3] =	wrdreg s24  }
0xb1: {  	[dreg:$0x4] =	wrdreg s2  }
0xb2: {  	[dreg:$0x5] =	wrdreg $0xA  }
0xb3: {  	_ =	task.clear_ibuf [dreg:s8], $0x6FFFF;
	_ =	strace $0x90000046  }
0xb4: {  	s29 =	simm.s32 $0xA;
	_ =	strace $0x80000048  }
0xb5: {  	_ =	swait.ge [sflag:s29], $0x1  }
0xb6: {  	[sflag:s29] =	ssyncadd.s32 $0xFFFFFFFF  }
0xb7: {  	_ =	strace $0x90000048  }
0xb8: {  	_ =	sfence  }
0xb9: {  	s30 =	sld [smem:$0x0];
	_ =	sdelay $0x2  }
0xba: {  	s31 =	sshll.u32 s1, $0xD;
	s1 =	sshrl.u32 s1, $0x2  }
0xbb: {  	s3 =	sand.u32 $0x4000, s31;
	s1 =	sadd.s32 s1, s30  }
0xbc: {  	s0 =	sor.u32 s3, s0;
	s1 =	sshll.u32 s1, $0x11  }
0xbd: {  	s0 =	sor.u32 s1, s0  }
0xbe: {  	s0 =	sadd.s32 $0x8F2B, s0  }
0xbf: {  	[sflag:s0] =	ssyncadd.remote.s32 $0x1  }
0xc0: {  	_ =	sfence.sel $0xFFFF  }
0xc1: {  	[dreg:$0x0] =	wrdreg $0xFFFFFFFF;
	(pc) =	sbr.abs _section_cstart, $3  }
0xc2: {  	[dreg:$0x1] =	wrdreg $0xFFFFFFFF  }
0xc3: {  	_ =	task.clear_ibuf [dreg:s8], $0x2FFFF;
	_ =	strace $0x9FFFFFFF  }
0xc4: {  	(tm) =	ssettm $0x7FFFFFFF  }
0xc5: {  	_ =	shalt  }
tec
execute0_lowered:
.L_overlay_start_1:
0x0: {  	(tag) =	ssettag $0x1  }
0x1: {  	s5 =	rddreg [dreg:$0x0]  }
0x2: {  	s4 =	rddreg [dreg:$0x1]  }
0x3: {  	s1 =	rddreg [dreg:$0x2]  }
0x4: {  	s0 =	rddreg [dreg:$0x3];
	s2 =	simm.s32 $0x0;
	s3 =	srdreg.scid  }
0x5: {  	[smem:$0x7FF] =	sst s2;
	s9 =	sand.u32 $0x1, s3  }
0x6: {  	s3 =	stileid.u32;
	_ =	strace $0x80000047;
	s6 =	ssub.s32 $0x2, s9  }
0x7: {  	s7 =	sshll.u32 s3, $0x5;
	s8 =	sshll.u32 s3, $0xC;
	s30 =	sshll.u32 s3, $0x1  }
0x8: {  	s31 =	sshll.u32 s9, $0x4;
	s12 =	sshll.u32 s9, $0xB;
	s10 =	sshrl.u32 s6, $0x1  }
0x9: {  	s11 =	sadd.s32 s7, s4;
	s8 =	sadd.s32 s8, s4;
	s7 =	sadd.s32 s7, s5  }
0xa: {  	s9 =	sor.u32 s9, s30;
	s29 =	ssub.s32 s6, s10;
	s11 =	sadd.s32 s31, s11  }
0xb: {  	s6 =	sadd.s32 s31, s7;
	s8 =	sadd.s32 s12, s8;
	s4 =	smax.u32 s29, $0x1  }
0xc: {  	s5 =	sadd.s32 $0xF800, s11;
	s7 =	sadd.s32 $0x14F800, s8;
	s8 =	sadd.s32 $0x17000, s8  }
.LBB2_1:
0xd: {  	p0 =	sgt.u32 s9, $0x270  }
0xe: {  	s10 =	sadd.s32 @!p0 $0x0, s6;
	s11 =	simm.s32 @!p0 $0x0;
	s14 =	simm.s32 @!p0 $0x4  }
0xf: {  	[tilespmem:s11], [sflag:$0x4] =	stream.linear.gather @!p0 [hbm4b:s10+s11], $0x80, $0x38;
	[tilespmem:$0x8100] =	vst v63  }
0x10: {  	_ =	swait.ge @!p0 [sflag:s14], $0x80;
	p0 =	por p0, p0  }
0x11: {  	[sflag:s14] =	ssyncset.done @!p0 $0x0  }
0x12: {  	s10 =	sadd.s32 @!p0 $0x0, s5;
	s12 =	simm.s32 @!p0 $0x80;
	[sflag:s14] =	ssyncadd.s32 @!p0 $0xFFFFFF80  }
0x13: {  	[tilespmem:s12], [sflag:$0x4] =	stream.linear.gather @!p0 [hbm4b:s10+s11], $0x80, $0x38;
	[tilespmem:$0x8100] =	vst v63  }
0x14: {  	_ =	swait.ge @!p0 [sflag:s14], $0x80  }
0x15: {  	[sflag:s14] =	ssyncset.done @!p0 $0x0  }
0x16: {  	s10 =	simm.s32 @!p0 $0x100;
	[sflag:s14] =	ssyncadd.s32 @!p0 $0xFFFFFF80  }
0x17: {  	[tilespmem:s10], [sflag:$0x1] =	stream.indirect.gather @!p0 [hbm4b:s1+s12], $0x80, s11, s12, $0xb8;
	[tilespmem:$0x8100] =	vst v63  }
0x18: {  	s15 =	simm.s32 @!p0 $0x4100;
	s13 =	simm.s32 @!p0 $0x1  }
0x19: {  	[tilespmem:s15], [sflag:$0x2] =	stream.indirect.gather @!p0 [hbm4b:s1+s12], $0x80, s12, s12, $0xb8;
	[tilespmem:$0x8100] =	vst v63  }
0x1a: {  	_ =	swait.ge @!p0 [sflag:s13], $0x4000  }
0x1b: {  	[sflag:s13] =	ssyncset.done @!p0 $0x0  }
0x1c: {  	s12 =	simm.s32 @!p0 $0x2;
	[sflag:s13] =	ssyncadd.s32 @!p0 $0xFFFFC000  }
0x1d: {  	_ =	swait.ge @!p0 [sflag:s12], $0x4000  }
0x1e: {  	[sflag:s12] =	ssyncset.done @!p0 $0x0  }
0x1f: {  	[sflag:s12] =	ssyncadd.s32 @!p0 $0xFFFFC000  }
0x20: {  	[hbm4b:s8+s11] =	stream.linear.scatter @!p0 [tilespmem:s10], [sflag:$0x4], $0x4000, $0x38;
	[tilespmem:$0x8100] =	vst v63  }
0x21: {  	_ =	swait.ge @!p0 [sflag:s14], $0x4000  }
0x22: {  	[sflag:s14] =	ssyncset.done @!p0 $0x0  }
0x23: {  	s13 =	simm.s32 $0x400;
	s12 =	simm.s32 $0x200;
	[sflag:s14] =	ssyncadd.s32 @!p0 $0xFFFFC000  }
0x24: {  	[hbm4b:s7+s11] =	stream.linear.scatter @!p0 [tilespmem:s15], [sflag:$0x3], $0x4000, $0x38;
	[tilespmem:$0x8100] =	vst v63  }
0x25: {  	s10 =	sadd.s32 $0x10000, s8;
	s14 =	sadd.s32 $0x20, s9;
	s15 =	simm.s32 @!p0 $0x3  }
0x26: {  	p2 =	sgt.u32 s14, $0x270;
	s11 =	sadd.s32 $0x10000, s7;
	_ =	swait.ge @!p0 [sflag:s15], $0x4000  }
.LBB2_2:
0x27: {  	s16 =	sadd.s32 @!p2 s12, s6  }
0x28: {  	s17 =	simm.s32 @!p2 $0x0;
	[sflag:s15] =	ssyncset.done @!p0 $0x0;
	s18 =	smov.u32 s13  }
0x29: {  	s13 =	sadd.s32 $0x200, s13;
	s19 =	simm.s32 @!p2 $0x4;
	[sflag:s15] =	ssyncadd.s32 @!p0 $0xFFFFC000  }
0x2a: {  	[tilespmem:s17], [sflag:$0x4] =	stream.linear.gather @!p2 [hbm4b:s16+s17], $0x80, $0x38;
	[tilespmem:$0x8100] =	vst v63  }
0x2b: {  	p1 =	sne.s32 s13, $0x2800;
	p0 =	por p2, p2;
	_ =	swait.ge @!p2 [sflag:s19], $0x80  }
0x2c: {  	[sflag:s19] =	ssyncset.done @!p0 $0x0  }
0x2d: {  	s12 =	sadd.s32 @!p0 s12, s5;
	s15 =	simm.s32 @!p0 $0x80;
	[sflag:s19] =	ssyncadd.s32 @!p0 $0xFFFFFF80  }
0x2e: {  	[tilespmem:s15], [sflag:$0x4] =	stream.linear.gather @!p0 [hbm4b:s12+s17], $0x80, $0x38;
	[tilespmem:$0x8100] =	vst v63  }
0x2f: {  	s12 =	smov.u32 s18;
	_ =	swait.ge @!p0 [sflag:s19], $0x80  }
0x30: {  	[sflag:s19] =	ssyncset.done @!p0 $0x0  }
0x31: {  	s16 =	simm.s32 @!p0 $0x100;
	[sflag:s19] =	ssyncadd.s32 @!p0 $0xFFFFFF80  }
0x32: {  	[tilespmem:s16], [sflag:$0x1] =	stream.indirect.gather @!p0 [hbm4b:s1+s15], $0x80, s17, s15, $0xb8;
	[tilespmem:$0x8100] =	vst v63  }
0x33: {  	s20 =	simm.s32 @!p0 $0x1;
	s18 =	simm.s32 @!p0 $0x4100  }
0x34: {  	[tilespmem:s18], [sflag:$0x2] =	stream.indirect.gather @!p0 [hbm4b:s1+s15], $0x80, s15, s15, $0xb8;
	[tilespmem:$0x8100] =	vst v63  }
0x35: {  	_ =	swait.ge @!p0 [sflag:s20], $0x4000  }
0x36: {  	[sflag:s20] =	ssyncset.done @!p0 $0x0  }
0x37: {  	s15 =	simm.s32 @!p0 $0x2;
	[sflag:s20] =	ssyncadd.s32 @!p0 $0xFFFFC000  }
0x38: {  	_ =	swait.ge @!p0 [sflag:s15], $0x4000  }
0x39: {  	[sflag:s15] =	ssyncset.done @!p0 $0x0  }
0x3a: {  	[sflag:s15] =	ssyncadd.s32 @!p0 $0xFFFFC000  }
0x3b: {  	[hbm4b:s10+s17] =	stream.linear.scatter @!p0 [tilespmem:s16], [sflag:$0x4], $0x4000, $0x38;
	[tilespmem:$0x8100] =	vst v63  }
.Ltmp0:
0x3c: {  	_ =	swait.ge @!p0 [sflag:s19], $0x4000;
	(pc) =	sbr.rel @p1 .LBB2_2-.Ltmp0, $4  }
0x3d: {  	s10 =	sadd.s32 $0x10000, s10;
	[sflag:s19] =	ssyncset.done @!p0 $0x0  }
0x3e: {  	s14 =	sadd.s32 $0x20, s14;
	s15 =	simm.s32 @!p0 $0x3;
	[sflag:s19] =	ssyncadd.s32 @!p0 $0xFFFFC000  }
0x3f: {  	[hbm4b:s11+s17] =	stream.linear.scatter @!p0 [tilespmem:s18], [sflag:$0x3], $0x4000, $0x38;
	[tilespmem:$0x8100] =	vst v63  }
0x40: {  	p2 =	sgt.u32 s14, $0x270;
	s11 =	sadd.s32 $0x10000, s11;
	_ =	swait.ge @!p0 [sflag:s15], $0x4000  }
0x41: {  	s13 =	sadd.s32 @!p2 s12, s6;
	[sflag:s15] =	ssyncset.done @!p0 $0x0  }
0x42: {  	s14 =	simm.s32 @!p2 $0x0;
	s16 =	simm.s32 @!p2 $0x4;
	[sflag:s15] =	ssyncadd.s32 @!p0 $0xFFFFC000  }
0x43: {  	[tilespmem:s14], [sflag:$0x4] =	stream.linear.gather @!p2 [hbm4b:s13+s14], $0x80, $0x38;
	[tilespmem:$0x8100] =	vst v63  }
0x44: {  	p0 =	por p2, p2;
	_ =	swait.ge @!p2 [sflag:s16], $0x80  }
0x45: {  	[sflag:s16] =	ssyncset.done @!p0 $0x0  }
0x46: {  	s12 =	sadd.s32 @!p0 s12, s5;
	s13 =	simm.s32 @!p0 $0x80;
	[sflag:s16] =	ssyncadd.s32 @!p0 $0xFFFFFF80  }
0x47: {  	[tilespmem:s13], [sflag:$0x4] =	stream.linear.gather @!p0 [hbm4b:s12+s14], $0x80, $0x38;
	[tilespmem:$0x8100] =	vst v63  }
0x48: {  	_ =	swait.ge @!p0 [sflag:s16], $0x80  }
0x49: {  	[sflag:s16] =	ssyncset.done @!p0 $0x0  }
0x4a: {  	s12 =	simm.s32 @!p0 $0x100;
	[sflag:s16] =	ssyncadd.s32 @!p0 $0xFFFFFF80  }
0x4b: {  	[tilespmem:s12], [sflag:$0x1] =	stream.indirect.gather @!p0 [hbm4b:s1+s13], $0x80, s14, s13, $0xb8;
	[tilespmem:$0x8100] =	vst v63  }
0x4c: {  	s15 =	simm.s32 @!p0 $0x4100;
	s17 =	simm.s32 @!p0 $0x1  }
0x4d: {  	[tilespmem:s15], [sflag:$0x2] =	stream.indirect.gather @!p0 [hbm4b:s1+s13], $0x80, s13, s13, $0xb8;
	[tilespmem:$0x8100] =	vst v63  }
0x4e: {  	_ =	swait.ge @!p0 [sflag:s17], $0x4000  }
0x4f: {  	[sflag:s17] =	ssyncset.done @!p0 $0x0  }
0x50: {  	s13 =	simm.s32 @!p0 $0x2;
	[sflag:s17] =	ssyncadd.s32 @!p0 $0xFFFFC000  }
0x51: {  	_ =	swait.ge @!p0 [sflag:s13], $0x4000  }
0x52: {  	[sflag:s13] =	ssyncset.done @!p0 $0x0  }
0x53: {  	[sflag:s13] =	ssyncadd.s32 @!p0 $0xFFFFC000  }
0x54: {  	[hbm4b:s10+s14] =	stream.linear.scatter @!p0 [tilespmem:s12], [sflag:$0x4], $0x4000, $0x38;
	[tilespmem:$0x8100] =	vst v63  }
0x55: {  	s2 =	sadd.s32 $0x1, s2;
	_ =	swait.ge @!p0 [sflag:s16], $0x4000  }
0x56: {  	p1 =	sne.s32 s2, s4;
	[sflag:s16] =	ssyncset.done @!p0 $0x0  }
.Ltmp1:
0x57: {  	s10 =	simm.s32 @!p0 $0x3;
	[sflag:s16] =	ssyncadd.s32 @!p0 $0xFFFFC000;
	(pc) =	sbr.rel @p1 .LBB2_1-.Ltmp1, $4  }
0x58: {  	[hbm4b:s11+s14] =	stream.linear.scatter @!p0 [tilespmem:s15], [sflag:$0x3], $0x4000, $0x38;
	[tilespmem:$0x8100] =	vst v63  }
0x59: {  	_ =	swait.ge @!p0 [sflag:s10], $0x4000  }
0x5a: {  	[sflag:s10] =	ssyncset.done @!p0 $0x0  }
0x5b: {  	[sflag:s10] =	ssyncadd.s32 @!p0 $0xFFFFC000  }
0x5c: {  	_ =	sfence.sel $0x180000  }
0x5d: {  	[bflag:$0x0] =	sbarrier.arrive $0xFFFF  }
0x5e: {  	p0 =	sne.s32 s3, $0x0;
	_ =	strace $0x90000047  }
0x5f: {  	s0 =	sadd.s32 @!p0 $0x100000, s0;
	[bflag:$0x2] =	sbarrier.arrive $0xFFFF  }
0x60: {  	[sflag:s0] =	ssyncadd.tile.s32 @!p0 $0x1;
	_ =	shalt  }
.Lfunc_end2:
_tile_overlayer_lowered:
.L_overlay_start_2:
0x61: {  	(tag) =	ssettag $0x2  }
0x62: {  	s0 =	rddreg [dreg:$0x0];
	s2 =	stileid.u32  }
0x63: {  	s1 =	rddreg [dreg:$0x1];
	p0 =	sne.s32 s2, $0x0  }
0x64: {  	s3 =	rddreg [dreg:$0x2];
	[bflag:$0x3] =	sbarrier.arrive $0xFFFF;
	s2 =	simm.s32 @!p0 $0x1C03  }
0x65: {  	[timem:s3], [sflag:s2] =	dma.local @!p0 [hbm:s0], s1  }
0x66: {  	s0 =	simm.s32 @!p0 $0x3  }
0x67: {  	_ =	swait.ge @!p0 [sflag:s0], s1  }
0x68: {  	s1 =	ssub.s32 @!p0 $0x0, s1;
	[sflag:s0] =	ssyncset.done @!p0 $0x0  }
0x69: {  	[sflag:s0] =	ssyncadd.s32 @!p0 s1  }
0x6a: {  	[bflag:$0x3] =	sbarrier.arrive $0xFFFF  }
0x6b: {  	_ =	shalt  }

// kernel: kernel.36.cloned.1.call-start
scs
__scs_entry_jumppad:
0x0: {  	(pc) =	sbr.rel $0x88, $3  }
0x1: {  	(tag) =	ssettag $0x0;
	lr =	simm.s32 $0x1  }
0x2: {  	[smem:$0x3F93] =	sst lr;
	_ =	strace $0xD0000000  }
0x3: {  	_ = 	snop  }
0x4: {  	_ = 	snop  }
0x5: {  	_ = 	snop  }
0x6: {  	_ = 	snop  }
0x7: {  	_ = 	snop  }
__scs_overlays_trampoline_lowered:
0x8: {  	[smem:$0x3FA2] =	sst s0  }
0x9: {  	[smem:$0x3FA3] =	sst s1  }
0xa: {  	[smem:$0x3FA4] =	sst s2  }
0xb: {  	[smem:$0x3FA5] =	sst s3  }
0xc: {  	[smem:$0x3FA6] =	sst s4  }
0xd: {  	[smem:$0x3FA7] =	sst s5  }
0xe: {  	[smem:$0x3FA8] =	sst s6  }
0xf: {  	[smem:$0x3FA9] =	sst s7  }
0x10: {  	[smem:$0x3FAA] =	sst s8  }
0x11: {  	[smem:$0x3FAB] =	sst s9;
	s0 =	simm.s32 @!p0 $0x0  }
0x12: {  	s1 =	sld [smem:$0x3F91];
	s0 =	simm.s32 @p0 $0x1  }
0x13: {  	[smem:$0x3FAC] =	sst s0;
	s0 =	simm.s32 @!p1 $0x0  }
0x14: {  	s2 =	sld [smem:$0x3F90];
	s0 =	simm.s32 @p1 $0x1  }
0x15: {  	[smem:$0x3FAD] =	sst s0;
	s0 =	simm.s32 @!p2 $0x0  }
0x16: {  	s3 =	sld [smem:$0x3FDB];
	s0 =	simm.s32 @p2 $0x1  }
0x17: {  	s4 =	simm.s32 $0x1BF5;
	[smem:$0x3FAF] =	sst s0  }
0x18: {  	s0 =	sld [smem:$0x3F92];
	_ =	swait.ge [sflag:s4], $0x0  }
0x19: {  	s7 =	sld [smem:$0x3F93]  }
0x1a: {  	s8 =	sadd.s32 $0xFFFFE003, lr  }
0x1b: {  	s9 =	sadd.s32 $0xFFFFFEF7, lr;
	s5 =	simm.s32 $0xFFFFFFFF;
	p2 =	slt.u32 s8, $0xFFFFF086  }
0x1c: {  	p1 =	slt.u32 s9, $0xF7A;
	s5 =	simm.s32 @!p2 $0x0  }
0x1d: {  	s5 =	simm.s32 @p1 $0x1;
	p0 =	seq.s32 s7, s2  }
0x1e: {  	s7 =	smul.u32 @!p0 $0xF7A, s2;
	p2 =	seq.s32 @!p0 s5, $0x0  }
0x1f: {  	s9 =	smul.u32 $0xF7A, s1;
	s8 =	simm.s32 @!p0 $0x1BF5;
	p2 =	por !p2, p0  }
0x20: {  	[sflag:s8] =	ssyncset.s32 @!p0 $0xFFFFF086;
	s6 =	sadd.s32 @!p0 s3, s7;
	s7 =	simm.s32 @!p0 $0x108  }
0x21: {  	s3 =	sadd.s32 s3, s9;
	s6 =	sadd.s32 @!p0 $0x88, s6;
	s7 =	simm.s32 @p2 $0x1082  }
0x22: {  	[simem:s7], [sflag:s8] =	dma.local @!p0 [hbm:s6], $0xF7A  }
0x23: {  	s9 =	sor.u32 $0xD0000000, s2;
	s6 =	simm.s32 $0x108;
	_ =	swait.ge @!p0 [sflag:s8], $0x0  }
0x24: {  	s3 =	sadd.s32 $0x88, s3;
	s6 =	simm.s32 @!p1 $0x1082;
	[sflag:s4] =	ssyncset.s32 $0xFFFFF086  }
0x25: {  	[simem:s6], [sflag:s4] =	dma.local [hbm:s3], $0xF7A  }
0x26: {  	[smem:$0x3F93] =	sst s1;
	(tag) =	ssettag s2;
	_ =	strace s9  }
0x27: {  	s1 =	sld [smem:$0x3FA3]  }
0x28: {  	s2 =	sld [smem:$0x3FA4]  }
0x29: {  	s4 =	sld [smem:$0x3FA6]  }
0x2a: {  	p0 =	seq.s32 s5, $0x0;
	s5 =	sld [smem:$0x3FA7]  }
0x2b: {  	s6 =	sld [smem:$0x3FA8]  }
0x2c: {  	s7 =	sld [smem:$0x3FA9]  }
0x2d: {  	s3 =	simm.s32 $0x108;
	s8 =	sld [smem:$0x3FAA]  }
0x2e: {  	s3 =	simm.s32 @!p0 $0x1082;
	s9 =	sld [smem:$0x3FAB]  }
0x2f: {  	lr =	sadd.s32 s0, s3;
	s0 =	sld [smem:$0x3FA2]  }
0x30: {  	s3 =	sld [smem:$0x3FA5]  }
0x31: {  	[smem:$0x3FAE] =	sst s10  }
0x32: {  	s10 =	sld [smem:$0x3FAC];
	_ =	sdelay $0x3  }
0x33: {  	p0 =	seq.s32 s10, $0x1;
	s10 =	sld [smem:$0x3FAE];
	_ =	sdelay $0x3  }
0x34: {  	[smem:$0x3FAE] =	sst s10  }
0x35: {  	s10 =	sld [smem:$0x3FAD];
	_ =	sdelay $0x3  }
0x36: {  	p1 =	seq.s32 s10, $0x1;
	s10 =	sld [smem:$0x3FAE];
	_ =	sdelay $0x3  }
0x37: {  	[smem:$0x3FAE] =	sst s10  }
0x38: {  	s10 =	sld [smem:$0x3FAF]  }
0x39: {  	_ = 	snop;
	(pc) =	sbr.ind lr, $3  }
0x3a: {  	_ = 	snop  }
0x3b: {  	_ = 	snop  }
0x3c: {  	p2 =	seq.s32 s10, $0x1;
	s10 =	sld [smem:$0x3FAE]  }
0x3d: {  	_ =	shalt  }
0x3e: {  	_ =	shalt  }
0x3f: {  	_ =	shalt  }
0x40: {  	_ =	shalt  }
0x41: {  	_ =	shalt  }
0x42: {  	_ =	shalt  }
0x43: {  	_ =	shalt  }
0x44: {  	_ =	shalt  }
0x45: {  	_ =	shalt  }
0x46: {  	_ =	shalt  }
0x47: {  	_ =	shalt  }
0x48: {  	_ =	shalt  }
0x49: {  	_ =	shalt  }
0x4a: {  	_ =	shalt  }
0x4b: {  	_ =	shalt  }
0x4c: {  	_ =	shalt  }
0x4d: {  	_ =	shalt  }
0x4e: {  	_ =	shalt  }
0x4f: {  	_ =	shalt  }
0x50: {  	_ =	shalt  }
0x51: {  	_ =	shalt  }
0x52: {  	_ =	shalt  }
0x53: {  	_ =	shalt  }
0x54: {  	_ =	shalt  }
0x55: {  	_ =	shalt  }
0x56: {  	_ =	shalt  }
0x57: {  	_ =	shalt  }
0x58: {  	_ =	shalt  }
0x59: {  	_ =	shalt  }
0x5a: {  	_ =	shalt  }
0x5b: {  	_ =	shalt  }
0x5c: {  	_ =	shalt  }
0x5d: {  	_ =	shalt  }
0x5e: {  	_ =	shalt  }
0x5f: {  	_ =	shalt  }
0x60: {  	_ =	shalt  }
0x61: {  	_ =	shalt  }
0x62: {  	_ =	shalt  }
0x63: {  	_ =	shalt  }
0x64: {  	_ =	shalt  }
0x65: {  	_ =	shalt  }
0x66: {  	_ =	shalt  }
0x67: {  	_ =	shalt  }
0x68: {  	_ =	shalt  }
0x69: {  	_ =	shalt  }
0x6a: {  	_ =	shalt  }
0x6b: {  	_ =	shalt  }
0x6c: {  	_ =	shalt  }
0x6d: {  	_ =	shalt  }
0x6e: {  	_ =	shalt  }
0x6f: {  	_ =	shalt  }
0x70: {  	_ =	shalt  }
0x71: {  	_ =	shalt  }
0x72: {  	_ =	shalt  }
0x73: {  	_ =	shalt  }
0x74: {  	_ =	shalt  }
0x75: {  	_ =	shalt  }
0x76: {  	_ =	shalt  }
0x77: {  	_ =	shalt  }
0x78: {  	_ =	shalt  }
0x79: {  	_ =	shalt  }
0x7a: {  	_ =	shalt  }
0x7b: {  	_ =	shalt  }
0x7c: {  	_ =	shalt  }
0x7d: {  	_ =	shalt  }
0x7e: {  	_ =	shalt  }
0x7f: {  	_ =	shalt  }
0x80: {  	_ =	shalt  }
0x81: {  	_ =	shalt  }
0x82: {  	_ =	shalt  }
0x83: {  	_ =	shalt  }
0x84: {  	_ =	shalt  }
0x85: {  	_ =	shalt  }
0x86: {  	_ =	shalt  }
0x87: {  	_ =	shalt  }
.Lfunc_end0:
.L_simem_size_0:
called_computation.7_lowered:
.L_overlay_start_0:
0x88: {  	s2 =	sld [smem:$0x3FD9]  }
0x89: {  	s3 =	sld [smem:$0x3FFE];
	_ =	sdelay $0x1  }
0x8a: {  	s1 =	srdreg.scid  }
0x8b: {  	s0 =	sand.u32 $0x1, s1  }
0x8c: {  	s17 =	sshll.u32 s0, $0xA;
	s2 =	sadd.s32 s3, s2  }
0x8d: {  	s2 =	sadd.s32 s2, s17  }
0x8e: {  	[smem:$0x3FBA] =	sst s2  }
0x8f: {  	_ = 	snop  }
0x90: {  	s18 =	sld [smem:$0x3FD0];
	(tm) =	ssettm $0x1  }
0x91: {  	s19 =	sld [smem:$0x3FFB];
	_ =	sdelay $0x3  }
0x92: {  	_ =	strace s19  }
0x93: {  	s2 =	sld [smem:$0x3FFC];
	_ =	sdelay $0x3  }
0x94: {  	_ =	strace s2  }
0x95: {  	s2 =	sld [smem:$0x3FFD];
	_ =	sdelay $0x3  }
0x96: {  	_ =	strace s2  }
0x97: {  	_ =	strace $0x8FFFFFFF  }
0x98: {  	s20 =	sld [smem:$0x3FDB];
	_ =	sdelay $0x1  }
0x99: {  	s4 =	simm.s32 $_scs_section_size  }
0x9a: {  	s5 =	simm.s32 $_size__tile_overlayer_lowered;
	s6 =	simm.s32 $_tile_overlayer_lowered  }
0x9b: {  	s7 =	simm.s32 $0x1BFF;
	s21 =	sshll.u32 s6, $0x1;
	s4 =	sadd.s32 s4, s20  }
0x9c: {  	s22 =	simm.s32 $0x0;
	s5 =	sshll.u32 s5, $0x1;
	s6 =	sadd.s32 s21, s4  }
0x9d: {  	[timem:s22], [sflag:s7] =	dma.local [hbm:s6], s5  }
0x9e: {  	_ =	swait.ge [sflag:s7], s5  }
0x9f: {  	s5 =	ssub.s32 $0x0, s5;
	[sflag:s7] =	ssyncset.done $0x0  }
0xa0: {  	[sflag:s7] =	ssyncadd.s32 s5;
	_ =	sdelay $0x1  }
0xa1: {  	s23 =	simm.s32 $0x1B8B  }
0xa2: {  	_ =	swait.ge [sflag:s23], $0x1  }
0xa3: {  	[sflag:s23] =	ssyncset.done $0x0  }
0xa4: {  	[sflag:s23] =	ssyncadd.s32 $0xFFFFFFFF  }
0xa5: {  	s5 =	sld [smem:$0x0]  }
0xa6: {  	s6 =	sand.u32 $0xFFFFFFFE, s1  }
0xa7: {  	p0 =	sne.s32 s1, s6  }
0xa8: {  	s6 =	sshll.u32 @p0 s6, $0xE  }
0xa9: {  	s6 =	sadd.s32 @p0 $0x11B8D, s6;
	s7 =	sshll.u32 @p0 s5, $0x11  }
0xaa: {  	s6 =	sor.u32 @p0 s7, s6  }
0xab: {  	[sflag:s6] =	ssyncadd.remote.s32 @p0 $0x1;
	_ =	sdelay $0x1  }
0xac: {  	s6 =	simm.s32 @p0 $0x1B8D  }
0xad: {  	_ =	swait.eq @p0 [sflag:s6], $0x1  }
0xae: {  	[sflag:s6] =	ssyncadd.s32 @p0 $0xFFFFFFFF  }
0xaf: {  	s7 =	sshll.u32 @!p0 s1, $0xE  }
0xb0: {  	s7 =	sor.u32 @!p0 $0x4000, s7;
	s6 =	simm.s32 @!p0 $0x1B8D  }
0xb1: {  	s5 =	sshll.u32 @!p0 s5, $0x11;
	s7 =	sadd.s32 @!p0 $0x11B8D, s7;
	_ =	swait.eq @!p0 [sflag:s6], $0x1  }
0xb2: {  	s5 =	sor.u32 @!p0 s5, s7;
	[sflag:s6] =	ssyncadd.s32 @!p0 $0xFFFFFFFF  }
0xb3: {  	s25 =	simm.s32 $0x1B8E;
	s24 =	sld [smem:$0x3FFE];
	[sflag:s5] =	ssyncadd.remote.s32 @!p0 $0x1  }
0xb4: {  	s26 =	simm.s32 $execute0_lowered;
	[smem:$0x3FD2] =	sst s25  }
0xb5: {  	s6 =	sshll.u32 s26, $0x1;
	_ =	strace $0x80000052;
	[dreg:$0x1] =	wrdreg $0xFFFFFFFF  }
0xb6: {  	s28 =	simm.s32 $_size_execute0_lowered;
	s4 =	sadd.s32 s4, s6;
	[dreg:$0x0] =	wrdreg $0x0  }
0xb7: {  	s6 =	sshll.u32 s28, $0x1;
	[dreg:$0x2] =	wrdreg s4  }
0xb8: {  	[dreg:$0x3] =	wrdreg s6  }
0xb9: {  	[dreg:$0x4] =	wrdreg $0xC0  }
0xba: {  	_ =	task [dreg:s22], $0x5FFFF  }
0xbb: {  	[dreg:$0x1] =	wrdreg $0xFFFFFFFF  }
0xbc: {  	[dreg:$0x0] =	wrdreg $0x60  }
0xbd: {  	[dreg:$0x2] =	wrdreg s24  }
0xbe: {  	[dreg:$0x3] =	wrdreg s18  }
0xbf: {  	[dreg:$0x4] =	wrdreg $0x0  }
0xc0: {  	[dreg:$0x5] =	wrdreg $0xA  }
0xc1: {  	_ =	task.clear_ibuf [dreg:s22], $0x6FFFF;
	_ =	strace $0x90000052  }
0xc2: {  	s29 =	simm.s32 $0xA;
	_ =	strace $0x80000054  }
0xc3: {  	_ =	swait.ge [sflag:s29], $0x1  }
0xc4: {  	[sflag:s29] =	ssyncadd.s32 $0xFFFFFFFF  }
0xc5: {  	_ =	strace $0x90000054  }
0xc6: {  	_ =	sfence  }
0xc7: {  	s30 =	sld [smem:$0x0];
	_ =	sdelay $0x2  }
0xc8: {  	s31 =	sshll.u32 s1, $0xD;
	s1 =	sshrl.u32 s1, $0x2  }
0xc9: {  	s4 =	sand.u32 $0x4000, s31;
	s1 =	sadd.s32 s1, s30  }
0xca: {  	s0 =	sor.u32 s4, s0;
	s1 =	sshll.u32 s1, $0x11  }
0xcb: {  	s0 =	sor.u32 s1, s0  }
0xcc: {  	s0 =	sadd.s32 $0x8F2B, s0  }
0xcd: {  	[sflag:s0] =	ssyncadd.remote.s32 $0x1  }
0xce: {  	_ =	sfence.sel $0xFFFF  }
0xcf: {  	[dreg:$0x0] =	wrdreg $0xFFFFFFFF;
	(pc) =	sbr.abs _section_cstart, $3  }
0xd0: {  	[dreg:$0x1] =	wrdreg $0xFFFFFFFF  }
0xd1: {  	_ =	task.clear_ibuf [dreg:s22], $0x2FFFF;
	_ =	strace $0x9FFFFFFF  }
0xd2: {  	(tm) =	ssettm $0x7FFFFFFF  }
0xd3: {  	_ =	shalt  }
tec
execute0_lowered:
.L_overlay_start_1:
0x0: {  	(tag) =	ssettag $0x1  }
0x1: {  	s4 =	rddreg [dreg:$0x0]  }
0x2: {  	s5 =	rddreg [dreg:$0x1]  }
0x3: {  	s2 =	rddreg [dreg:$0x2]  }
0x4: {  	s0 =	rddreg [dreg:$0x3]  }
0x5: {  	s1 =	stileid.u32;
	s6 =	srdreg.scid  }
0x6: {  	s3 =	simm.s32 $0x0;
	s10 =	sand.u32 $0x1, s6;
	s25 =	smul.u32 $0x2800, s1  }
0x7: {  	[smem:$0x7FF] =	sst s3;
	s7 =	sshll.u32 s1, $0x5;
	s9 =	sshll.u32 s1, $0xC  }
0x8: {  	s12 =	smul.u32 $0x50000, s1;
	s13 =	sshll.u32 s1, $0x1;
	s30 =	sshll.u32 s1, $0x6  }
0x9: {  	s8 =	smul.u32 $0x28000, s10;
	_ =	strace $0x80000053;
	s7 =	sadd.s32 s7, s4  }
0xa: {  	s11 =	ssub.s32 $0x2, s10;
	s9 =	sadd.s32 s9, s4;
	s29 =	sshll.u32 s10, $0x4  }
0xb: {  	s31 =	sshll.u32 s10, $0xB;
	s10 =	sor.u32 s10, s13;
	s26 =	sshrl.u32 s11, $0x1  }
0xc: {  	s28 =	sshrl.u32 s12, $0x2;
	s14 =	sadd.s32 s29, s7;
	s9 =	sadd.s32 s31, s9  }
0xd: {  	s8 =	sadd.s32 s25, s8;
	s11 =	ssub.s32 s11, s26;
	s12 =	sadd.s32 s28, s2  }
0xe: {  	s9 =	sadd.s32 $0x9F3C00, s9;
	s8 =	sadd.s32 s8, s4;
	s4 =	sadd.s32 s5, s25  }
0xf: {  	s5 =	sor.u32 $0x1C01, s30;
	s7 =	smax.u32 s11, $0x1;
	s11 =	sshrl.u32 s12, $0x3  }
0x10: {  	s12 =	simm.s32 $0x1;
	s6 =	sadd.s32 $0x17000, s8;
	s8 =	sadd.s32 $0xF800, s14  }
.LBB2_1:
0x11: {  	[spmem:s11], [sflag:s5] =	dma.local [hbm:s4], $0x2800  }
0x12: {  	s13 =	sadd.s32 $0x0, s10;
	_ =	swait.ge [sflag:s12], $0x2800  }
0x13: {  	p0 =	sgt.u32 s13, $0x270;
	[sflag:s12] =	ssyncset.done $0x0  }
0x14: {  	s13 =	simm.s32 @!p0 $0x0;
	[sflag:s12] =	ssyncadd.s32 $0xFFFFD800  }
0x15: {  	s15 =	simm.s32 @!p0 $0x14000;
	s16 =	simm.s32 @!p0 $0x2;
	[bflag:$0x0] =	sbarrier.arrive $0xFFFF  }
0x16: {  	[tilespmem:s15], [sflag:$0x2] =	stream.linear.gather @!p0 [hbm4b:s8+s13], $0x80, $0x38;
	[tilespmem:$0x18080] =	vst v63  }
0x17: {  	_ =	swait.ge @!p0 [sflag:s16], $0x80;
	p0 =	por p0, p0  }
0x18: {  	[sflag:s16] =	ssyncset.done @!p0 $0x0  }
0x19: {  	s17 =	simm.s32 @!p0 $0x14080;
	[sflag:s16] =	ssyncadd.s32 @!p0 $0xFFFFFF80  }
0x1a: {  	[tilespmem:s17], [sflag:$0x2] =	stream.linear.gather @!p0 [hbm4b:s9+s13], $0x4000, $0x38;
	[tilespmem:$0x18080] =	vst v63  }
0x1b: {  	s31 =	sadd.s32 $0x20, s10;
	_ =	swait.ge @!p0 [sflag:s16], $0x4000  }
0x1c: {  	s14 =	simm.s32 $0x40;
	p1 =	sgt.u32 s31, $0x270;
	[sflag:s16] =	ssyncset.done @!p0 $0x0  }
0x1d: {  	s13 =	simm.s32 @!p0 $0x80;
	[sflag:s16] =	ssyncadd.s32 @!p0 $0xFFFFC000;
	s16 =	simm.s32 @!p0 $0x1  }
0x1e: {  	[spmem:s2] =	stream.indirect.scatter.add.f32 @!p0 [tilespmem:s17], [sflag:$0x1], $0x80, s15, s13, $0xb8;
	[tilespmem:$0x18080] =	vst v63  }
0x1f: {  	s13 =	sadd.s32 $0x10000, s9;
	s15 =	sadd.s32 $0x200, s8;
	_ =	swait.ge @!p0 [sflag:s16], $0x4000  }
.LBB2_2:
0x20: {  	s17 =	simm.s32 @!p1 $0x0  }
0x21: {  	s18 =	simm.s32 @!p1 $0x14000;
	[sflag:s16] =	ssyncset.done @!p0 $0x0;
	s19 =	smov.u32 s14  }
0x22: {  	s14 =	sadd.s32 $0x20, s14;
	s20 =	simm.s32 @!p1 $0x2;
	[sflag:s16] =	ssyncadd.s32 @!p0 $0xFFFFC000  }
0x23: {  	[tilespmem:s18], [sflag:$0x2] =	stream.linear.gather @!p1 [hbm4b:s15+s17], $0x80, $0x38;
	[tilespmem:$0x18080] =	vst v63  }
0x24: {  	p2 =	sne.s32 s14, $0x280;
	p0 =	por p1, p1;
	_ =	swait.ge @!p1 [sflag:s20], $0x80  }
0x25: {  	[sflag:s20] =	ssyncset.done @!p0 $0x0  }
0x26: {  	s21 =	simm.s32 @!p0 $0x14080;
	[sflag:s20] =	ssyncadd.s32 @!p0 $0xFFFFFF80  }
0x27: {  	[tilespmem:s21], [sflag:$0x2] =	stream.linear.gather @!p0 [hbm4b:s13+s17], $0x4000, $0x38;
	[tilespmem:$0x18080] =	vst v63  }
.Ltmp0:
0x28: {  	_ =	swait.ge @!p0 [sflag:s20], $0x4000;
	(pc) =	sbr.rel @p2 .LBB2_2-.Ltmp0, $4  }
0x29: {  	s16 =	simm.s32 @!p0 $0x1;
	s13 =	sadd.s32 $0x10000, s13;
	[sflag:s20] =	ssyncset.done @!p0 $0x0  }
0x2a: {  	s17 =	sadd.s32 s19, s10;
	s19 =	simm.s32 @!p0 $0x80;
	[sflag:s20] =	ssyncadd.s32 @!p0 $0xFFFFC000  }
0x2b: {  	[spmem:s2] =	stream.indirect.scatter.add.f32 @!p0 [tilespmem:s21], [sflag:$0x1], $0x80, s18, s19, $0xb8;
	[tilespmem:$0x18080] =	vst v63  }
0x2c: {  	s15 =	sadd.s32 $0x200, s15;
	p1 =	sgt.u32 s17, $0x270;
	_ =	swait.ge @!p0 [sflag:s16], $0x4000  }
0x2d: {  	s14 =	simm.s32 @!p1 $0x0;
	[sflag:s16] =	ssyncset.done @!p0 $0x0  }
0x2e: {  	s17 =	simm.s32 @!p1 $0x14000;
	s18 =	simm.s32 @!p1 $0x2;
	[sflag:s16] =	ssyncadd.s32 @!p0 $0xFFFFC000  }
0x2f: {  	[tilespmem:s17], [sflag:$0x2] =	stream.linear.gather @!p1 [hbm4b:s15+s14], $0x80, $0x38;
	[tilespmem:$0x18080] =	vst v63  }
0x30: {  	p0 =	por p1, p1;
	_ =	swait.ge @!p1 [sflag:s18], $0x80  }
0x31: {  	[sflag:s18] =	ssyncset.done @!p0 $0x0  }
0x32: {  	s15 =	simm.s32 @!p0 $0x14080;
	[sflag:s18] =	ssyncadd.s32 @!p0 $0xFFFFFF80  }
0x33: {  	[tilespmem:s15], [sflag:$0x2] =	stream.linear.gather @!p0 [hbm4b:s13+s14], $0x4000, $0x38;
	[tilespmem:$0x18080] =	vst v63  }
0x34: {  	_ =	swait.ge @!p0 [sflag:s18], $0x4000  }
0x35: {  	[sflag:s18] =	ssyncset.done @!p0 $0x0  }
0x36: {  	s13 =	simm.s32 @!p0 $0x1;
	s14 =	simm.s32 @!p0 $0x80;
	[sflag:s18] =	ssyncadd.s32 @!p0 $0xFFFFC000  }
0x37: {  	[spmem:s2] =	stream.indirect.scatter.add.f32 @!p0 [tilespmem:s15], [sflag:$0x1], $0x80, s17, s14, $0xb8;
	[tilespmem:$0x18080] =	vst v63  }
0x38: {  	_ =	swait.ge @!p0 [sflag:s13], $0x4000  }
0x39: {  	s3 =	sadd.s32 $0x1, s3;
	[sflag:s13] =	ssyncset.done @!p0 $0x0  }
0x3a: {  	[sflag:s13] =	ssyncadd.s32 @!p0 $0xFFFFC000;
	p0 =	sne.s32 s3, s7  }
.Ltmp1:
0x3b: {  	[bflag:$0x0] =	sbarrier.arrive $0xFFFF;
	(pc) =	sbr.rel @p0 .LBB2_1-.Ltmp1, $4  }
0x3c: {  	[hbm:s6], [sflag:s5] =	dma.local [spmem:s11], $0x2800  }
0x3d: {  	_ =	swait.ge [sflag:s12], $0x2800  }
0x3e: {  	[sflag:s12] =	ssyncset.done $0x0  }
0x3f: {  	[sflag:s12] =	ssyncadd.s32 $0xFFFFD800  }
0x40: {  	_ =	sfence.sel $0x180000  }
0x41: {  	[bflag:$0x0] =	sbarrier.arrive $0xFFFF  }
0x42: {  	p0 =	sne.s32 s1, $0x0;
	_ =	strace $0x90000053  }
0x43: {  	s0 =	sadd.s32 @!p0 $0x100000, s0;
	[bflag:$0x2] =	sbarrier.arrive $0xFFFF  }
0x44: {  	[sflag:s0] =	ssyncadd.tile.s32 @!p0 $0x1;
	_ =	shalt  }
.Lfunc_end2:
_tile_overlayer_lowered:
.L_overlay_start_2:
0x45: {  	(tag) =	ssettag $0x2  }
0x46: {  	s0 =	rddreg [dreg:$0x0];
	s2 =	stileid.u32  }
0x47: {  	s1 =	rddreg [dreg:$0x1];
	p0 =	sne.s32 s2, $0x0  }
0x48: {  	s3 =	rddreg [dreg:$0x2];
	[bflag:$0x3] =	sbarrier.arrive $0xFFFF;
	s2 =	simm.s32 @!p0 $0x1C01  }
0x49: {  	[timem:s3], [sflag:s2] =	dma.local @!p0 [hbm:s0], s1  }
0x4a: {  	s0 =	simm.s32 @!p0 $0x1  }
0x4b: {  	_ =	swait.ge @!p0 [sflag:s0], s1  }
0x4c: {  	s1 =	ssub.s32 @!p0 $0x0, s1;
	[sflag:s0] =	ssyncset.done @!p0 $0x0  }
0x4d: {  	[sflag:s0] =	ssyncadd.s32 @!p0 s1  }
0x4e: {  	[bflag:$0x3] =	sbarrier.arrive $0xFFFF  }
0x4f: {  	_ =	shalt  }

</sc_bundles>
